<compile_context>
chip_gen: v7x
topology: tpu7x:2x2x1
jax: 0.10.2.dev20260603
libtpu: 0.0.44.dev20260713+nightly
codegen_flags: <defaults>
</compile_context>

<pallas_src>
import functools

import jax
import jax.numpy as jnp
from jax import lax
from jax.experimental import pallas as pl
from jax.experimental.pallas import tpu as pltpu
from jax.experimental.pallas import tpu_sc as plsc

N = 10000
E = 160000
IN_DIM = 256
HID = 512
OUT_DIM = 256

NC, NS = 2, 16
NW = NC * NS
EPW = E // NW
K = 100
NB = EPW // K
NP = 10240
RPT = NP // NS
ZR = 64
BN = 1000
GRID = N // BN

_MESH = plsc.VectorSubcoreMesh(
    core_axis_name="c", subcore_axis_name="s", num_cores=NC, num_subcores=NS)



def _make_prop(n_chunks, gather):

    def body(g_hbm, src_hbm, dst_hbm, zeros_hbm, out_hbm,
             src_v, dst_v, rows_v, zeros_v, acc, sem0, sem1):
        c = lax.axis_index("c")
        s = lax.axis_index("s")
        w = c * NS + s
        pltpu.sync_copy(zeros_hbm, zeros_v)
        if gather:
            pltpu.sync_copy(src_hbm.at[w], src_v)
        else:
            pltpu.sync_copy(g_hbm, rows_v.at[0])
        pltpu.sync_copy(dst_hbm.at[w], dst_v)
        sems = (sem0, sem1)

        for ch in range(n_chunks):
            for z in range(RPT // ZR):
                pltpu.sync_copy(zeros_v, acc.at[pl.ds(s * RPT + z * ZR, ZR)])
            plsc.subcore_barrier()

            if gather:
                gch = g_hbm.at[ch]
                pltpu.async_copy(gch.at[src_v.at[0]], rows_v.at[0], sems[0])
                pltpu.async_copy(gch.at[src_v.at[1]], rows_v.at[1], sems[1])

                def bb(i, carry):
                    for buf in range(2):
                        b = i * 2 + buf
                        pltpu.make_async_copy(
                            gch.at[src_v.at[b]], rows_v.at[buf],
                            sems[buf]).wait()
                        pltpu.sync_copy(rows_v.at[buf],
                                        acc.at[dst_v.at[b]], add=True)

                        @pl.when(b + 2 < NB)
                        def _():
                            pltpu.async_copy(gch.at[src_v.at[b + 2]],
                                             rows_v.at[buf], sems[buf])
                    return carry

                lax.fori_loop(0, NB // 2, bb, 0)
            else:
                def bb(i, carry):
                    pltpu.sync_copy(rows_v.at[0], acc.at[dst_v.at[i]],
                                    add=True)
                    return carry

                lax.fori_loop(0, NB, bb, 0)
            plsc.subcore_barrier()
            pltpu.sync_copy(acc.at[pl.ds(s * RPT, RPT)],
                            out_hbm.at[ch, c, pl.ds(s * RPT, RPT)])
            if ch + 1 < n_chunks:
                plsc.subcore_barrier()

    return pl.kernel(
        body,
        out_type=jax.ShapeDtypeStruct((n_chunks, NC, NP, 128), jnp.float32),
        mesh=_MESH,
        name="sc_propagate" if gather else "sc_degree",
        scratch_types=[
            pltpu.VMEM((NB, K), jnp.int32),
            pltpu.VMEM((NB, K), jnp.int32),
            pltpu.VMEM((2, K, 128), jnp.float32),
            pltpu.VMEM((ZR, 128), jnp.float32),
            pltpu.VMEM_SHARED((NP, 128), jnp.float32),
            pltpu.SemaphoreType.DMA,
            pltpu.SemaphoreType.DMA,
        ],
    )


_deg_kernel = _make_prop(1, gather=False)
_prop2 = _make_prop(2, gather=True)
_prop4 = _make_prop(4, gather=True)



def _t1_body(cnt_ref, x_ref, dinv_ref, g0_ref):
    cnt = cnt_ref[...]
    deg = 1.0 + cnt[0, 0, :, 0] + cnt[0, 1, :, 0]
    dinv = lax.rsqrt(deg)[:, None]
    dinv_ref[...] = dinv
    g = dinv * x_ref[...]
    g0_ref[0] = g[:, :128]
    g0_ref[1] = g[:, 128:]


def _t2_body(p_ref, g0_ref, dinv_ref, w1_ref, b1_ref, g1_ref):
    dinv = dinv_ref[...]
    qa = dinv * (p_ref[0, 0] + p_ref[0, 1] + g0_ref[0])
    qb = dinv * (p_ref[1, 0] + p_ref[1, 1] + g0_ref[1])
    q = jnp.concatenate([qa, qb], axis=1)
    h = jnp.dot(q, w1_ref[...], preferred_element_type=jnp.float32)
    h = jnp.maximum(h + b1_ref[...], 0.0)
    g = dinv * h
    for c in range(4):
        g1_ref[c] = g[:, 128 * c:128 * (c + 1)]


def _t3_body(p_ref, g1_ref, dinv_ref, w2_ref, b2_ref, w3_ref, g2_ref):
    dinv = dinv_ref[...]
    cols = [dinv * (p_ref[c, 0] + p_ref[c, 1] + g1_ref[c]) for c in range(4)]
    q = jnp.concatenate(cols, axis=1)
    h = jnp.dot(q, w2_ref[...], preferred_element_type=jnp.float32)
    h = jnp.maximum(h + b2_ref[...], 0.0)
    y = jnp.dot(h, w3_ref[...], preferred_element_type=jnp.float32)
    g = dinv * y
    g2_ref[0] = g[:, :128]
    g2_ref[1] = g[:, 128:]


def _t4_body(p_ref, g2_ref, dinv_ref, b3_ref, out_ref):
    dinv = dinv_ref[...]
    qa = dinv * (p_ref[0, 0] + p_ref[0, 1] + g2_ref[0])
    qb = dinv * (p_ref[1, 0] + p_ref[1, 1] + g2_ref[1])
    out_ref[...] = jnp.concatenate([qa, qb], axis=1) + b3_ref[...]


def _spec(shape):
    nd = len(shape)
    if shape[nd - 2] in (N, NP):
        blk = shape[:nd - 2] + (BN, shape[nd - 1])
        idx = (lambda i: (0,) * (nd - 2) + (i, 0))
        return pl.BlockSpec(blk, idx)
    return pl.BlockSpec(shape, lambda i: (0,) * nd)


def _tc_call(body, in_arrays, out_shapes):
    outs = pl.pallas_call(
        body,
        grid=(GRID,),
        in_specs=[_spec(a.shape) for a in in_arrays],
        out_specs=[_spec(s.shape) for s in out_shapes],
        out_shape=out_shapes,
    )(*in_arrays)
    return outs


def kernel(x, edge_index, W1, b1, W2, b2, W3, b3):
    src = edge_index[0].astype(jnp.int32)
    dst = edge_index[1].astype(jnp.int32)
    src3 = src.reshape(NW, NB, K)
    dst3 = dst.reshape(NW, NB, K)
    ones = jnp.ones((K, 128), jnp.float32)
    zeros = jnp.zeros((ZR, 128), jnp.float32)
    f32 = jnp.float32

    cnt = _deg_kernel(ones, src3, dst3, zeros)

    dinv, g0 = _tc_call(
        _t1_body, [cnt, x],
        [jax.ShapeDtypeStruct((N, 1), f32),
         jax.ShapeDtypeStruct((2, N, 128), f32)])

    p1 = _prop2(g0, src3, dst3, zeros)
    g1, = _tc_call(
        _t2_body, [p1, g0, dinv, W1, b1.reshape(1, HID)],
        [jax.ShapeDtypeStruct((4, N, 128), f32)])

    p2 = _prop4(g1, src3, dst3, zeros)
    g2, = _tc_call(
        _t3_body, [p2, g1, dinv, W2, b2.reshape(1, HID), W3],
        [jax.ShapeDtypeStruct((2, N, 128), f32)])

    p3 = _prop2(g2, src3, dst3, zeros)
    out, = _tc_call(
        _t4_body, [p3, g2, dinv, b3.reshape(1, OUT_DIM)],
        [jax.ShapeDtypeStruct((N, OUT_DIM), f32)])
    return out

# --- scband reference (transcript-rebuilt; emitter-appended) ---
"""Pipeline reference for scband-log-graph-ssl-79757542686959 (READ-ONLY COPY).

The authoritative reference and input builder live on the scoring server;
editing this copy changes nothing except your own understanding.
"""

import jax, jax.numpy as jnp
import numpy as np

N_NODES = 10000
N_EDGES = 160000
IN_DIM = 256
HID1 = 512
HID2 = 512
OUT_DIM = 256


def _xavier(key, shape):
    fan_in, fan_out = shape[0], shape[1]
    a = jnp.sqrt(6.0 / (fan_in + fan_out))
    return jax.random.uniform(key, shape, jnp.float32, -a, a)


def setup_inputs(seed: int = 0) -> dict:
    key = jax.random.key(seed)
    ks = jax.random.split(key, 8)
    x = jax.random.normal(ks[0], (N_NODES, IN_DIM), dtype=jnp.float32)
    edge_index = jax.random.randint(ks[1], (2, N_EDGES), 0, N_NODES, dtype=jnp.int64)
    W1 = _xavier(ks[2], (IN_DIM, HID1)); b1 = jnp.zeros((HID1,), jnp.float32)
    W2 = _xavier(ks[3], (HID1, HID2)); b2 = jnp.zeros((HID2,), jnp.float32)
    W3 = _xavier(ks[4], (HID2, OUT_DIM)); b3 = jnp.zeros((OUT_DIM,), jnp.float32)
    return {"x": x, "edge_index": edge_index, "W1": W1, "b1": b1, "W2": W2, "b2": b2, "W3": W3, "b3": b3}


def _gcn_conv(x, src, dst, norm, W, b, n_nodes):
    # PyG GCNConv: D^-1/2 (A+I) D^-1/2 X W + b (self-loops already in src/dst)
    h = x @ W
    msgs = h[src] * norm[:, None]
    out = jax.ops.segment_sum(msgs, dst, num_segments=n_nodes)
    return out + b


def reference(x, edge_index, W1, b1, W2, b2, W3, b3):
    n = x.shape[0]
    loops = jnp.arange(n, dtype=edge_index.dtype)
    src = jnp.concatenate([edge_index[0], loops])
    dst = jnp.concatenate([edge_index[1], loops])
    deg = jax.ops.segment_sum(jnp.ones_like(dst, dtype=jnp.float32), dst, num_segments=n)
    deg_inv_sqrt = jnp.where(deg > 0, jax.lax.rsqrt(deg), 0.0)
    norm = deg_inv_sqrt[src] * deg_inv_sqrt[dst]
    h = _gcn_conv(x, src, dst, norm, W1, b1, n)
    h = jax.nn.relu(h)
    h = _gcn_conv(h, src, dst, norm, W2, b2, n)
    h = jax.nn.relu(h)
    h = _gcn_conv(h, src, dst, norm, W3, b3, n)
    return h

if __name__ == "__main__":
    import jax
    _d = setup_inputs()
    print(jax.jit(kernel)(*tuple(_d.values())))

</pallas_src>

<mosaic_0001>
#map = affine_map<(d0, d1) -> (0, 0, 0)>
#map1 = affine_map<(d0, d1) -> (0, 0)>
#map2 = affine_map<(d0, d1) -> (0, 0, 0, 0)>
module attributes {stable_mosaic.version = 14 : i64} {
  func.func @sc_propagate(%arg0: i32, %arg1: i32, %arg2: memref<4x10000x128xf32, #tpu.memory_space<hbm>>, %arg3: memref<32x50x100xi32, #tpu.memory_space<hbm>>, %arg4: memref<32x50x100xi32, #tpu.memory_space<hbm>>, %arg5: memref<64x128xf32, #tpu.memory_space<hbm>>, %arg6: memref<4x2x10240x128xf32, #tpu.memory_space<hbm>>, %arg7: memref<50x100xi32, #tpu.memory_space<vmem>>, %arg8: memref<50x100xi32, #tpu.memory_space<vmem>>, %arg9: memref<2x100x128xf32, #tpu.memory_space<vmem>>, %arg10: memref<64x128xf32, #tpu.memory_space<vmem>>, %arg11: memref<10240x128xf32, #tpu.memory_space<vmem_shared>>, %arg12: memref<!tpu.dma_semaphore, #tpu.memory_space<semaphore_mem>>, %arg13: memref<!tpu.dma_semaphore, #tpu.memory_space<semaphore_mem>>) attributes {dimension_semantics = [#tpu.dimension_semantics<core_parallel>, #tpu.dimension_semantics<subcore_parallel>], iteration_bounds = array<i64: 2, 16>, scalar_prefetch = 0 : i64, scratch_operands = 7 : i64, tpu.core_type = #tpu.core_type<sc_vector_subcore>, window_params = [{transform_indices = #map}, {transform_indices = #map}, {transform_indices = #map}, {transform_indices = #map1}, {transform_indices = #map2}]} {
    %mul3A = arith.constant 16 : i32
    %mul3A_0 = arith.muli %arg0, %mul3A : i32
    %add3A = arith.addi %mul3A_0, %arg1 : i32
    "tpu.region"() ({
      %run_scoped3A_352 = tpu.sem_alloc : memref<!tpu.dma_semaphore, #tpu.memory_space<semaphore_mem>>
      tpu.enqueue_dma source(%arg5 : memref<64x128xf32, #tpu.memory_space<hbm>>) target(%arg10 : memref<64x128xf32, #tpu.memory_space<vmem>>) target_semaphore(%run_scoped3A_352 : memref<!tpu.dma_semaphore, #tpu.memory_space<semaphore_mem>>)
      tpu.wait_dma2 semaphore(%run_scoped3A_352 : memref<!tpu.dma_semaphore, #tpu.memory_space<semaphore_mem>>) src(%arg5 : memref<64x128xf32, #tpu.memory_space<hbm>>) dst(%arg10 : memref<64x128xf32, #tpu.memory_space<vmem>>)
      tpu.yield
    }) : () -> ()
    "tpu.region"() ({
      %run_scoped3A_352 = tpu.sem_alloc : memref<!tpu.dma_semaphore, #tpu.memory_space<semaphore_mem>>
      %dma_start3A_353 = arith.constant 0 : i32
      %dma_start3A_354 = arith.constant 0 : i32
      %dma_start3A_355 = tpu.memref_slice %arg3[%add3A, %dma_start3A_353, %dma_start3A_354] : memref<32x50x100xi32, #tpu.memory_space<hbm>> -> memref<1x50x100xi32, #tpu.memory_space<hbm>>
      %dma_start3A_356 = tpu.memref_squeeze %dma_start3A_355 : memref<1x50x100xi32, #tpu.memory_space<hbm>> -> memref<50x100xi32, #tpu.memory_space<hbm>>
      %dma_start3A_357 = arith.constant 0 : i32
      %dma_start3A_358 = arith.constant 0 : i32
      %dma_start3A_359 = tpu.memref_slice %arg3[%add3A, %dma_start3A_357, %dma_start3A_358] : memref<32x50x100xi32, #tpu.memory_space<hbm>> -> memref<1x50x100xi32, #tpu.memory_space<hbm>>
      %dma_start3A_360 = tpu.memref_squeeze %dma_start3A_359 : memref<1x50x100xi32, #tpu.memory_space<hbm>> -> memref<50x100xi32, #tpu.memory_space<hbm>>
      tpu.enqueue_dma source(%dma_start3A_360 : memref<50x100xi32, #tpu.memory_space<hbm>>) target(%arg7 : memref<50x100xi32, #tpu.memory_space<vmem>>) target_semaphore(%run_scoped3A_352 : memref<!tpu.dma_semaphore, #tpu.memory_space<semaphore_mem>>)
      %dma_wait3A = arith.constant 0 : i32
      %dma_wait3A_361 = arith.constant 0 : i32
      %dma_wait3A_362 = tpu.memref_slice %arg3[%add3A, %dma_wait3A, %dma_wait3A_361] : memref<32x50x100xi32, #tpu.memory_space<hbm>> -> memref<1x50x100xi32, #tpu.memory_space<hbm>>
      %dma_wait3A_363 = tpu.memref_squeeze %dma_wait3A_362 : memref<1x50x100xi32, #tpu.memory_space<hbm>> -> memref<50x100xi32, #tpu.memory_space<hbm>>
      %dma_wait3A_364 = arith.constant 0 : i32
      %dma_wait3A_365 = arith.constant 0 : i32
      %dma_wait3A_366 = tpu.memref_slice %arg3[%add3A, %dma_wait3A_364, %dma_wait3A_365] : memref<32x50x100xi32, #tpu.memory_space<hbm>> -> memref<1x50x100xi32, #tpu.memory_space<hbm>>
      %dma_wait3A_367 = tpu.memref_squeeze %dma_wait3A_366 : memref<1x50x100xi32, #tpu.memory_space<hbm>> -> memref<50x100xi32, #tpu.memory_space<hbm>>
      tpu.wait_dma2 semaphore(%run_scoped3A_352 : memref<!tpu.dma_semaphore, #tpu.memory_space<semaphore_mem>>) src(%dma_wait3A_367 : memref<50x100xi32, #tpu.memory_space<hbm>>) dst(%arg7 : memref<50x100xi32, #tpu.memory_space<vmem>>)
      tpu.yield
    }) : () -> ()
    "tpu.region"() ({
      %run_scoped3A_352 = tpu.sem_alloc : memref<!tpu.dma_semaphore, #tpu.memory_space<semaphore_mem>>
      %dma_start3A_353 = arith.constant 0 : i32
      %dma_start3A_354 = arith.constant 0 : i32
      %dma_start3A_355 = tpu.memref_slice %arg4[%add3A, %dma_start3A_353, %dma_start3A_354] : memref<32x50x100xi32, #tpu.memory_space<hbm>> -> memref<1x50x100xi32, #tpu.memory_space<hbm>>
      %dma_start3A_356 = tpu.memref_squeeze %dma_start3A_355 : memref<1x50x100xi32, #tpu.memory_space<hbm>> -> memref<50x100xi32, #tpu.memory_space<hbm>>
      %dma_start3A_357 = arith.constant 0 : i32
      %dma_start3A_358 = arith.constant 0 : i32
      %dma_start3A_359 = tpu.memref_slice %arg4[%add3A, %dma_start3A_357, %dma_start3A_358] : memref<32x50x100xi32, #tpu.memory_space<hbm>> -> memref<1x50x100xi32, #tpu.memory_space<hbm>>
      %dma_start3A_360 = tpu.memref_squeeze %dma_start3A_359 : memref<1x50x100xi32, #tpu.memory_space<hbm>> -> memref<50x100xi32, #tpu.memory_space<hbm>>
      tpu.enqueue_dma source(%dma_start3A_360 : memref<50x100xi32, #tpu.memory_space<hbm>>) target(%arg8 : memref<50x100xi32, #tpu.memory_space<vmem>>) target_semaphore(%run_scoped3A_352 : memref<!tpu.dma_semaphore, #tpu.memory_space<semaphore_mem>>)
      %dma_wait3A = arith.constant 0 : i32
      %dma_wait3A_361 = arith.constant 0 : i32
      %dma_wait3A_362 = tpu.memref_slice %arg4[%add3A, %dma_wait3A, %dma_wait3A_361] : memref<32x50x100xi32, #tpu.memory_space<hbm>> -> memref<1x50x100xi32, #tpu.memory_space<hbm>>
      %dma_wait3A_363 = tpu.memref_squeeze %dma_wait3A_362 : memref<1x50x100xi32, #tpu.memory_space<hbm>> -> memref<50x100xi32, #tpu.memory_space<hbm>>
      %dma_wait3A_364 = arith.constant 0 : i32
      %dma_wait3A_365 = arith.constant 0 : i32
      %dma_wait3A_366 = tpu.memref_slice %arg4[%add3A, %dma_wait3A_364, %dma_wait3A_365] : memref<32x50x100xi32, #tpu.memory_space<hbm>> -> memref<1x50x100xi32, #tpu.memory_space<hbm>>
      %dma_wait3A_367 = tpu.memref_squeeze %dma_wait3A_366 : memref<1x50x100xi32, #tpu.memory_space<hbm>> -> memref<50x100xi32, #tpu.memory_space<hbm>>
      tpu.wait_dma2 semaphore(%run_scoped3A_352 : memref<!tpu.dma_semaphore, #tpu.memory_space<semaphore_mem>>) src(%dma_wait3A_367 : memref<50x100xi32, #tpu.memory_space<hbm>>) dst(%arg8 : memref<50x100xi32, #tpu.memory_space<vmem>>)
      tpu.yield
    }) : () -> ()
    %mul3A_1 = arith.constant 640 : i32
    %mul3A_2 = arith.muli %arg1, %mul3A_1 : i32
    %add3A_3 = arith.constant 0 : i32
    %add3A_4 = arith.addi %mul3A_2, %add3A_3 : i32
    "tpu.region"() ({
      %run_scoped3A_352 = tpu.sem_alloc : memref<!tpu.dma_semaphore, #tpu.memory_space<semaphore_mem>>
      %dma_start3A_353 = arith.constant 0 : i32
      %dma_start3A_354 = tpu.memref_slice %arg11[%add3A_4, %dma_start3A_353] : memref<10240x128xf32, #tpu.memory_space<vmem_shared>> -> memref<64x128xf32, #tpu.memory_space<vmem_shared>>
      %dma_start3A_355 = arith.constant 0 : i32
      %dma_start3A_356 = tpu.memref_slice %arg11[%add3A_4, %dma_start3A_355] : memref<10240x128xf32, #tpu.memory_space<vmem_shared>> -> memref<64x128xf32, #tpu.memory_space<vmem_shared>>
      tpu.enqueue_dma source(%arg10 : memref<64x128xf32, #tpu.memory_space<vmem>>) target(%dma_start3A_356 : memref<64x128xf32, #tpu.memory_space<vmem_shared>>) target_semaphore(%run_scoped3A_352 : memref<!tpu.dma_semaphore, #tpu.memory_space<semaphore_mem>>)
      %dma_wait3A = arith.constant 0 : i32
      %dma_wait3A_357 = tpu.memref_slice %arg11[%add3A_4, %dma_wait3A] : memref<10240x128xf32, #tpu.memory_space<vmem_shared>> -> memref<64x128xf32, #tpu.memory_space<vmem_shared>>
      %dma_wait3A_358 = arith.constant 0 : i32
      %dma_wait3A_359 = tpu.memref_slice %arg11[%add3A_4, %dma_wait3A_358] : memref<10240x128xf32, #tpu.memory_space<vmem_shared>> -> memref<64x128xf32, #tpu.memory_space<vmem_shared>>
      tpu.wait_dma2 semaphore(%run_scoped3A_352 : memref<!tpu.dma_semaphore, #tpu.memory_space<semaphore_mem>>) src(%arg10 : memref<64x128xf32, #tpu.memory_space<vmem>>) dst(%dma_wait3A_359 : memref<64x128xf32, #tpu.memory_space<vmem_shared>>)
      tpu.yield
    }) : () -> ()
    %mul3A_5 = arith.constant 640 : i32
    %mul3A_6 = arith.muli %arg1, %mul3A_5 : i32
    %add3A_7 = arith.constant 64 : i32
    %add3A_8 = arith.addi %mul3A_6, %add3A_7 : i32
    "tpu.region"() ({
      %run_scoped3A_352 = tpu.sem_alloc : memref<!tpu.dma_semaphore, #tpu.memory_space<semaphore_mem>>
      %dma_start3A_353 = arith.constant 0 : i32
      %dma_start3A_354 = tpu.memref_slice %arg11[%add3A_8, %dma_start3A_353] : memref<10240x128xf32, #tpu.memory_space<vmem_shared>> -> memref<64x128xf32, #tpu.memory_space<vmem_shared>>
      %dma_start3A_355 = arith.constant 0 : i32
      %dma_start3A_356 = tpu.memref_slice %arg11[%add3A_8, %dma_start3A_355] : memref<10240x128xf32, #tpu.memory_space<vmem_shared>> -> memref<64x128xf32, #tpu.memory_space<vmem_shared>>
      tpu.enqueue_dma source(%arg10 : memref<64x128xf32, #tpu.memory_space<vmem>>) target(%dma_start3A_356 : memref<64x128xf32, #tpu.memory_space<vmem_shared>>) target_semaphore(%run_scoped3A_352 : memref<!tpu.dma_semaphore, #tpu.memory_space<semaphore_mem>>)
      %dma_wait3A = arith.constant 0 : i32
      %dma_wait3A_357 = tpu.memref_slice %arg11[%add3A_8, %dma_wait3A] : memref<10240x128xf32, #tpu.memory_space<vmem_shared>> -> memref<64x128xf32, #tpu.memory_space<vmem_shared>>
      %dma_wait3A_358 = arith.constant 0 : i32
      %dma_wait3A_359 = tpu.memref_slice %arg11[%add3A_8, %dma_wait3A_358] : memref<10240x128xf32, #tpu.memory_space<vmem_shared>> -> memref<64x128xf32, #tpu.memory_space<vmem_shared>>
      tpu.wait_dma2 semaphore(%run_scoped3A_352 : memref<!tpu.dma_semaphore, #tpu.memory_space<semaphore_mem>>) src(%arg10 : memref<64x128xf32, #tpu.memory_space<vmem>>) dst(%dma_wait3A_359 : memref<64x128xf32, #tpu.memory_space<vmem_shared>>)
      tpu.yield
    }) : () -> ()
    %mul3A_9 = arith.constant 640 : i32
    %mul3A_10 = arith.muli %arg1, %mul3A_9 : i32
    %add3A_11 = arith.constant 128 : i32
    %add3A_12 = arith.addi %mul3A_10, %add3A_11 : i32
    "tpu.region"() ({
      %run_scoped3A_352 = tpu.sem_alloc : memref<!tpu.dma_semaphore, #tpu.memory_space<semaphore_mem>>
      %dma_start3A_353 = arith.constant 0 : i32
      %dma_start3A_354 = tpu.memref_slice %arg11[%add3A_12, %dma_start3A_353] : memref<10240x128xf32, #tpu.memory_space<vmem_shared>> -> memref<64x128xf32, #tpu.memory_space<vmem_shared>>
      %dma_start3A_355 = arith.constant 0 : i32
      %dma_start3A_356 = tpu.memref_slice %arg11[%add3A_12, %dma_start3A_355] : memref<10240x128xf32, #tpu.memory_space<vmem_shared>> -> memref<64x128xf32, #tpu.memory_space<vmem_shared>>
      tpu.enqueue_dma source(%arg10 : memref<64x128xf32, #tpu.memory_space<vmem>>) target(%dma_start3A_356 : memref<64x128xf32, #tpu.memory_space<vmem_shared>>) target_semaphore(%run_scoped3A_352 : memref<!tpu.dma_semaphore, #tpu.memory_space<semaphore_mem>>)
      %dma_wait3A = arith.constant 0 : i32
      %dma_wait3A_357 = tpu.memref_slice %arg11[%add3A_12, %dma_wait3A] : memref<10240x128xf32, #tpu.memory_space<vmem_shared>> -> memref<64x128xf32, #tpu.memory_space<vmem_shared>>
      %dma_wait3A_358 = arith.constant 0 : i32
      %dma_wait3A_359 = tpu.memref_slice %arg11[%add3A_12, %dma_wait3A_358] : memref<10240x128xf32, #tpu.memory_space<vmem_shared>> -> memref<64x128xf32, #tpu.memory_space<vmem_shared>>
      tpu.wait_dma2 semaphore(%run_scoped3A_352 : memref<!tpu.dma_semaphore, #tpu.memory_space<semaphore_mem>>) src(%arg10 : memref<64x128xf32, #tpu.memory_space<vmem>>) dst(%dma_wait3A_359 : memref<64x128xf32, #tpu.memory_space<vmem_shared>>)
      tpu.yield
    }) : () -> ()
    %mul3A_13 = arith.constant 640 : i32
    %mul3A_14 = arith.muli %arg1, %mul3A_13 : i32
    %add3A_15 = arith.constant 192 : i32
    %add3A_16 = arith.addi %mul3A_14, %add3A_15 : i32
    "tpu.region"() ({
      %run_scoped3A_352 = tpu.sem_alloc : memref<!tpu.dma_semaphore, #tpu.memory_space<semaphore_mem>>
      %dma_start3A_353 = arith.constant 0 : i32
      %dma_start3A_354 = tpu.memref_slice %arg11[%add3A_16, %dma_start3A_353] : memref<10240x128xf32, #tpu.memory_space<vmem_shared>> -> memref<64x128xf32, #tpu.memory_space<vmem_shared>>
      %dma_start3A_355 = arith.constant 0 : i32
      %dma_start3A_356 = tpu.memref_slice %arg11[%add3A_16, %dma_start3A_355] : memref<10240x128xf32, #tpu.memory_space<vmem_shared>> -> memref<64x128xf32, #tpu.memory_space<vmem_shared>>
      tpu.enqueue_dma source(%arg10 : memref<64x128xf32, #tpu.memory_space<vmem>>) target(%dma_start3A_356 : memref<64x128xf32, #tpu.memory_space<vmem_shared>>) target_semaphore(%run_scoped3A_352 : memref<!tpu.dma_semaphore, #tpu.memory_space<semaphore_mem>>)
      %dma_wait3A = arith.constant 0 : i32
      %dma_wait3A_357 = tpu.memref_slice %arg11[%add3A_16, %dma_wait3A] : memref<10240x128xf32, #tpu.memory_space<vmem_shared>> -> memref<64x128xf32, #tpu.memory_space<vmem_shared>>
      %dma_wait3A_358 = arith.constant 0 : i32
      %dma_wait3A_359 = tpu.memref_slice %arg11[%add3A_16, %dma_wait3A_358] : memref<10240x128xf32, #tpu.memory_space<vmem_shared>> -> memref<64x128xf32, #tpu.memory_space<vmem_shared>>
      tpu.wait_dma2 semaphore(%run_scoped3A_352 : memref<!tpu.dma_semaphore, #tpu.memory_space<semaphore_mem>>) src(%arg10 : memref<64x128xf32, #tpu.memory_space<vmem>>) dst(%dma_wait3A_359 : memref<64x128xf32, #tpu.memory_space<vmem_shared>>)
      tpu.yield
    }) : () -> ()
    %mul3A_17 = arith.constant 640 : i32
    %mul3A_18 = arith.muli %arg1, %mul3A_17 : i32
    %add3A_19 = arith.constant 256 : i32
    %add3A_20 = arith.addi %mul3A_18, %add3A_19 : i32
    "tpu.region"() ({
      %run_scoped3A_352 = tpu.sem_alloc : memref<!tpu.dma_semaphore, #tpu.memory_space<semaphore_mem>>
      %dma_start3A_353 = arith.constant 0 : i32
      %dma_start3A_354 = tpu.memref_slice %arg11[%add3A_20, %dma_start3A_353] : memref<10240x128xf32, #tpu.memory_space<vmem_shared>> -> memref<64x128xf32, #tpu.memory_space<vmem_shared>>
      %dma_start3A_355 = arith.constant 0 : i32
      %dma_start3A_356 = tpu.memref_slice %arg11[%add3A_20, %dma_start3A_355] : memref<10240x128xf32, #tpu.memory_space<vmem_shared>> -> memref<64x128xf32, #tpu.memory_space<vmem_shared>>
      tpu.enqueue_dma source(%arg10 : memref<64x128xf32, #tpu.memory_space<vmem>>) target(%dma_start3A_356 : memref<64x128xf32, #tpu.memory_space<vmem_shared>>) target_semaphore(%run_scoped3A_352 : memref<!tpu.dma_semaphore, #tpu.memory_space<semaphore_mem>>)
      %dma_wait3A = arith.constant 0 : i32
      %dma_wait3A_357 = tpu.memref_slice %arg11[%add3A_20, %dma_wait3A] : memref<10240x128xf32, #tpu.memory_space<vmem_shared>> -> memref<64x128xf32, #tpu.memory_space<vmem_shared>>
      %dma_wait3A_358 = arith.constant 0 : i32
      %dma_wait3A_359 = tpu.memref_slice %arg11[%add3A_20, %dma_wait3A_358] : memref<10240x128xf32, #tpu.memory_space<vmem_shared>> -> memref<64x128xf32, #tpu.memory_space<vmem_shared>>
      tpu.wait_dma2 semaphore(%run_scoped3A_352 : memref<!tpu.dma_semaphore, #tpu.memory_space<semaphore_mem>>) src(%arg10 : memref<64x128xf32, #tpu.memory_space<vmem>>) dst(%dma_wait3A_359 : memref<64x128xf32, #tpu.memory_space<vmem_shared>>)
      tpu.yield
    }) : () -> ()
    %mul3A_21 = arith.constant 640 : i32
    %mul3A_22 = arith.muli %arg1, %mul3A_21 : i32
    %add3A_23 = arith.constant 320 : i32
    %add3A_24 = arith.addi %mul3A_22, %add3A_23 : i32
    "tpu.region"() ({
      %run_scoped3A_352 = tpu.sem_alloc : memref<!tpu.dma_semaphore, #tpu.memory_space<semaphore_mem>>
      %dma_start3A_353 = arith.constant 0 : i32
      %dma_start3A_354 = tpu.memref_slice %arg11[%add3A_24, %dma_start3A_353] : memref<10240x128xf32, #tpu.memory_space<vmem_shared>> -> memref<64x128xf32, #tpu.memory_space<vmem_shared>>
      %dma_start3A_355 = arith.constant 0 : i32
      %dma_start3A_356 = tpu.memref_slice %arg11[%add3A_24, %dma_start3A_355] : memref<10240x128xf32, #tpu.memory_space<vmem_shared>> -> memref<64x128xf32, #tpu.memory_space<vmem_shared>>
      tpu.enqueue_dma source(%arg10 : memref<64x128xf32, #tpu.memory_space<vmem>>) target(%dma_start3A_356 : memref<64x128xf32, #tpu.memory_space<vmem_shared>>) target_semaphore(%run_scoped3A_352 : memref<!tpu.dma_semaphore, #tpu.memory_space<semaphore_mem>>)
      %dma_wait3A = arith.constant 0 : i32
      %dma_wait3A_357 = tpu.memref_slice %arg11[%add3A_24, %dma_wait3A] : memref<10240x128xf32, #tpu.memory_space<vmem_shared>> -> memref<64x128xf32, #tpu.memory_space<vmem_shared>>
      %dma_wait3A_358 = arith.constant 0 : i32
      %dma_wait3A_359 = tpu.memref_slice %arg11[%add3A_24, %dma_wait3A_358] : memref<10240x128xf32, #tpu.memory_space<vmem_shared>> -> memref<64x128xf32, #tpu.memory_space<vmem_shared>>
      tpu.wait_dma2 semaphore(%run_scoped3A_352 : memref<!tpu.dma_semaphore, #tpu.memory_space<semaphore_mem>>) src(%arg10 : memref<64x128xf32, #tpu.memory_space<vmem>>) dst(%dma_wait3A_359 : memref<64x128xf32, #tpu.memory_space<vmem_shared>>)
      tpu.yield
    }) : () -> ()
    %mul3A_25 = arith.constant 640 : i32
    %mul3A_26 = arith.muli %arg1, %mul3A_25 : i32
    %add3A_27 = arith.constant 384 : i32
    %add3A_28 = arith.addi %mul3A_26, %add3A_27 : i32
    "tpu.region"() ({
      %run_scoped3A_352 = tpu.sem_alloc : memref<!tpu.dma_semaphore, #tpu.memory_space<semaphore_mem>>
      %dma_start3A_353 = arith.constant 0 : i32
      %dma_start3A_354 = tpu.memref_slice %arg11[%add3A_28, %dma_start3A_353] : memref<10240x128xf32, #tpu.memory_space<vmem_shared>> -> memref<64x128xf32, #tpu.memory_space<vmem_shared>>
      %dma_start3A_355 = arith.constant 0 : i32
      %dma_start3A_356 = tpu.memref_slice %arg11[%add3A_28, %dma_start3A_355] : memref<10240x128xf32, #tpu.memory_space<vmem_shared>> -> memref<64x128xf32, #tpu.memory_space<vmem_shared>>
      tpu.enqueue_dma source(%arg10 : memref<64x128xf32, #tpu.memory_space<vmem>>) target(%dma_start3A_356 : memref<64x128xf32, #tpu.memory_space<vmem_shared>>) target_semaphore(%run_scoped3A_352 : memref<!tpu.dma_semaphore, #tpu.memory_space<semaphore_mem>>)
      %dma_wait3A = arith.constant 0 : i32
      %dma_wait3A_357 = tpu.memref_slice %arg11[%add3A_28, %dma_wait3A] : memref<10240x128xf32, #tpu.memory_space<vmem_shared>> -> memref<64x128xf32, #tpu.memory_space<vmem_shared>>
      %dma_wait3A_358 = arith.constant 0 : i32
      %dma_wait3A_359 = tpu.memref_slice %arg11[%add3A_28, %dma_wait3A_358] : memref<10240x128xf32, #tpu.memory_space<vmem_shared>> -> memref<64x128xf32, #tpu.memory_space<vmem_shared>>
      tpu.wait_dma2 semaphore(%run_scoped3A_352 : memref<!tpu.dma_semaphore, #tpu.memory_space<semaphore_mem>>) src(%arg10 : memref<64x128xf32, #tpu.memory_space<vmem>>) dst(%dma_wait3A_359 : memref<64x128xf32, #tpu.memory_space<vmem_shared>>)
      tpu.yield
    }) : () -> ()
    %mul3A_29 = arith.constant 640 : i32
    %mul3A_30 = arith.muli %arg1, %mul3A_29 : i32
    %add3A_31 = arith.constant 448 : i32
    %add3A_32 = arith.addi %mul3A_30, %add3A_31 : i32
    "tpu.region"() ({
      %run_scoped3A_352 = tpu.sem_alloc : memref<!tpu.dma_semaphore, #tpu.memory_space<semaphore_mem>>
      %dma_start3A_353 = arith.constant 0 : i32
      %dma_start3A_354 = tpu.memref_slice %arg11[%add3A_32, %dma_start3A_353] : memref<10240x128xf32, #tpu.memory_space<vmem_shared>> -> memref<64x128xf32, #tpu.memory_space<vmem_shared>>
      %dma_start3A_355 = arith.constant 0 : i32
      %dma_start3A_356 = tpu.memref_slice %arg11[%add3A_32, %dma_start3A_355] : memref<10240x128xf32, #tpu.memory_space<vmem_shared>> -> memref<64x128xf32, #tpu.memory_space<vmem_shared>>
      tpu.enqueue_dma source(%arg10 : memref<64x128xf32, #tpu.memory_space<vmem>>) target(%dma_start3A_356 : memref<64x128xf32, #tpu.memory_space<vmem_shared>>) target_semaphore(%run_scoped3A_352 : memref<!tpu.dma_semaphore, #tpu.memory_space<semaphore_mem>>)
      %dma_wait3A = arith.constant 0 : i32
      %dma_wait3A_357 = tpu.memref_slice %arg11[%add3A_32, %dma_wait3A] : memref<10240x128xf32, #tpu.memory_space<vmem_shared>> -> memref<64x128xf32, #tpu.memory_space<vmem_shared>>
      %dma_wait3A_358 = arith.constant 0 : i32
      %dma_wait3A_359 = tpu.memref_slice %arg11[%add3A_32, %dma_wait3A_358] : memref<10240x128xf32, #tpu.memory_space<vmem_shared>> -> memref<64x128xf32, #tpu.memory_space<vmem_shared>>
      tpu.wait_dma2 semaphore(%run_scoped3A_352 : memref<!tpu.dma_semaphore, #tpu.memory_space<semaphore_mem>>) src(%arg10 : memref<64x128xf32, #tpu.memory_space<vmem>>) dst(%dma_wait3A_359 : memref<64x128xf32, #tpu.memory_space<vmem_shared>>)
      tpu.yield
    }) : () -> ()
    %mul3A_33 = arith.constant 640 : i32
    %mul3A_34 = arith.muli %arg1, %mul3A_33 : i32
    %add3A_35 = arith.constant 512 : i32
    %add3A_36 = arith.addi %mul3A_34, %add3A_35 : i32
    "tpu.region"() ({
      %run_scoped3A_352 = tpu.sem_alloc : memref<!tpu.dma_semaphore, #tpu.memory_space<semaphore_mem>>
      %dma_start3A_353 = arith.constant 0 : i32
      %dma_start3A_354 = tpu.memref_slice %arg11[%add3A_36, %dma_start3A_353] : memref<10240x128xf32, #tpu.memory_space<vmem_shared>> -> memref<64x128xf32, #tpu.memory_space<vmem_shared>>
      %dma_start3A_355 = arith.constant 0 : i32
      %dma_start3A_356 = tpu.memref_slice %arg11[%add3A_36, %dma_start3A_355] : memref<10240x128xf32, #tpu.memory_space<vmem_shared>> -> memref<64x128xf32, #tpu.memory_space<vmem_shared>>
      tpu.enqueue_dma source(%arg10 : memref<64x128xf32, #tpu.memory_space<vmem>>) target(%dma_start3A_356 : memref<64x128xf32, #tpu.memory_space<vmem_shared>>) target_semaphore(%run_scoped3A_352 : memref<!tpu.dma_semaphore, #tpu.memory_space<semaphore_mem>>)
      %dma_wait3A = arith.constant 0 : i32
      %dma_wait3A_357 = tpu.memref_slice %arg11[%add3A_36, %dma_wait3A] : memref<10240x128xf32, #tpu.memory_space<vmem_shared>> -> memref<64x128xf32, #tpu.memory_space<vmem_shared>>
      %dma_wait3A_358 = arith.constant 0 : i32
      %dma_wait3A_359 = tpu.memref_slice %arg11[%add3A_36, %dma_wait3A_358] : memref<10240x128xf32, #tpu.memory_space<vmem_shared>> -> memref<64x128xf32, #tpu.memory_space<vmem_shared>>
      tpu.wait_dma2 semaphore(%run_scoped3A_352 : memref<!tpu.dma_semaphore, #tpu.memory_space<semaphore_mem>>) src(%arg10 : memref<64x128xf32, #tpu.memory_space<vmem>>) dst(%dma_wait3A_359 : memref<64x128xf32, #tpu.memory_space<vmem_shared>>)
      tpu.yield
    }) : () -> ()
    %mul3A_37 = arith.constant 640 : i32
    %mul3A_38 = arith.muli %arg1, %mul3A_37 : i32
    %add3A_39 = arith.constant 576 : i32
    %add3A_40 = arith.addi %mul3A_38, %add3A_39 : i32
    "tpu.region"() ({
      %run_scoped3A_352 = tpu.sem_alloc : memref<!tpu.dma_semaphore, #tpu.memory_space<semaphore_mem>>
      %dma_start3A_353 = arith.constant 0 : i32
      %dma_start3A_354 = tpu.memref_slice %arg11[%add3A_40, %dma_start3A_353] : memref<10240x128xf32, #tpu.memory_space<vmem_shared>> -> memref<64x128xf32, #tpu.memory_space<vmem_shared>>
      %dma_start3A_355 = arith.constant 0 : i32
      %dma_start3A_356 = tpu.memref_slice %arg11[%add3A_40, %dma_start3A_355] : memref<10240x128xf32, #tpu.memory_space<vmem_shared>> -> memref<64x128xf32, #tpu.memory_space<vmem_shared>>
      tpu.enqueue_dma source(%arg10 : memref<64x128xf32, #tpu.memory_space<vmem>>) target(%dma_start3A_356 : memref<64x128xf32, #tpu.memory_space<vmem_shared>>) target_semaphore(%run_scoped3A_352 : memref<!tpu.dma_semaphore, #tpu.memory_space<semaphore_mem>>)
      %dma_wait3A = arith.constant 0 : i32
      %dma_wait3A_357 = tpu.memref_slice %arg11[%add3A_40, %dma_wait3A] : memref<10240x128xf32, #tpu.memory_space<vmem_shared>> -> memref<64x128xf32, #tpu.memory_space<vmem_shared>>
      %dma_wait3A_358 = arith.constant 0 : i32
      %dma_wait3A_359 = tpu.memref_slice %arg11[%add3A_40, %dma_wait3A_358] : memref<10240x128xf32, #tpu.memory_space<vmem_shared>> -> memref<64x128xf32, #tpu.memory_space<vmem_shared>>
      tpu.wait_dma2 semaphore(%run_scoped3A_352 : memref<!tpu.dma_semaphore, #tpu.memory_space<semaphore_mem>>) src(%arg10 : memref<64x128xf32, #tpu.memory_space<vmem>>) dst(%dma_wait3A_359 : memref<64x128xf32, #tpu.memory_space<vmem_shared>>)
      tpu.yield
    }) : () -> ()
    %barrier3A = arith.constant 0 : index
    tpu.barrier barrier_id(%barrier3A)
    %dma_start3A = arith.constant 0 : i32
    %dma_start3A_41 = arith.constant 0 : i32
    %dma_start3A_42 = arith.constant 0 : i32
    %dma_start3A_43 = arith.constant 0 : i32
    %dma_start3A_44 = arith.constant 0 : i32
    %dma_start3A_45 = tpu.memref_slice %arg9[%dma_start3A_42, %dma_start3A_43, %dma_start3A_44] : memref<2x100x128xf32, #tpu.memory_space<vmem>> -> memref<1x100x128xf32, #tpu.memory_space<vmem>>
    %dma_start3A_46 = tpu.memref_squeeze %dma_start3A_45 : memref<1x100x128xf32, #tpu.memory_space<vmem>> -> memref<100x128xf32, #tpu.memory_space<vmem>>
    %dma_start3A_47 = arith.constant 0 : i32
    %dma_start3A_48 = tpu.memref_slice %arg7[%dma_start3A_41, %dma_start3A_47] : memref<50x100xi32, #tpu.memory_space<vmem>> -> memref<1x100xi32, #tpu.memory_space<vmem>>
    %dma_start3A_49 = tpu.memref_squeeze %dma_start3A_48 : memref<1x100xi32, #tpu.memory_space<vmem>> -> memref<100xi32, #tpu.memory_space<vmem>>
    %dma_start3A_50 = arith.constant 0 : i32
    %dma_start3A_51 = arith.constant 0 : i32
    %dma_start3A_52 = tpu.memref_slice %arg2[%dma_start3A, %dma_start3A_50, %dma_start3A_51] : memref<4x10000x128xf32, #tpu.memory_space<hbm>> -> memref<1x10000x128xf32, #tpu.memory_space<hbm>>
    %dma_start3A_53 = tpu.memref_squeeze %dma_start3A_52 : memref<1x10000x128xf32, #tpu.memory_space<hbm>> -> memref<10000x128xf32, #tpu.memory_space<hbm>>
    %dma_start3A_54 = arith.constant 0 : i32
    %dma_start3A_55 = arith.constant 0 : i32
    %dma_start3A_56 = tpu.memref_slice %dma_start3A_53[%dma_start3A_54, %dma_start3A_55] : memref<10000x128xf32, #tpu.memory_space<hbm>> -> memref<10000x128xf32, #tpu.memory_space<hbm>>
    tpu.enqueue_indirect_dma source(%dma_start3A_56 : memref<10000x128xf32, #tpu.memory_space<hbm>>) target(%dma_start3A_46 : memref<100x128xf32, #tpu.memory_space<vmem>>) offsets(%dma_start3A_49 : memref<100xi32, #tpu.memory_space<vmem>>) semaphore(%arg12 : memref<!tpu.dma_semaphore, #tpu.memory_space<semaphore_mem>>)
    %dma_start3A_57 = arith.constant 0 : i32
    %dma_start3A_58 = arith.constant 1 : i32
    %dma_start3A_59 = arith.constant 1 : i32
    %dma_start3A_60 = arith.constant 0 : i32
    %dma_start3A_61 = arith.constant 0 : i32
    %dma_start3A_62 = tpu.memref_slice %arg9[%dma_start3A_59, %dma_start3A_60, %dma_start3A_61] : memref<2x100x128xf32, #tpu.memory_space<vmem>> -> memref<1x100x128xf32, #tpu.memory_space<vmem>>
    %dma_start3A_63 = tpu.memref_squeeze %dma_start3A_62 : memref<1x100x128xf32, #tpu.memory_space<vmem>> -> memref<100x128xf32, #tpu.memory_space<vmem>>
    %dma_start3A_64 = arith.constant 0 : i32
    %dma_start3A_65 = tpu.memref_slice %arg7[%dma_start3A_58, %dma_start3A_64] : memref<50x100xi32, #tpu.memory_space<vmem>> -> memref<1x100xi32, #tpu.memory_space<vmem>>
    %dma_start3A_66 = tpu.memref_squeeze %dma_start3A_65 : memref<1x100xi32, #tpu.memory_space<vmem>> -> memref<100xi32, #tpu.memory_space<vmem>>
    %dma_start3A_67 = arith.constant 0 : i32
    %dma_start3A_68 = arith.constant 0 : i32
    %dma_start3A_69 = tpu.memref_slice %arg2[%dma_start3A_57, %dma_start3A_67, %dma_start3A_68] : memref<4x10000x128xf32, #tpu.memory_space<hbm>> -> memref<1x10000x128xf32, #tpu.memory_space<hbm>>
    %dma_start3A_70 = tpu.memref_squeeze %dma_start3A_69 : memref<1x10000x128xf32, #tpu.memory_space<hbm>> -> memref<10000x128xf32, #tpu.memory_space<hbm>>
    %dma_start3A_71 = arith.constant 0 : i32
    %dma_start3A_72 = arith.constant 0 : i32
    %dma_start3A_73 = tpu.memref_slice %dma_start3A_70[%dma_start3A_71, %dma_start3A_72] : memref<10000x128xf32, #tpu.memory_space<hbm>> -> memref<10000x128xf32, #tpu.memory_space<hbm>>
    tpu.enqueue_indirect_dma source(%dma_start3A_73 : memref<10000x128xf32, #tpu.memory_space<hbm>>) target(%dma_start3A_63 : memref<100x128xf32, #tpu.memory_space<vmem>>) offsets(%dma_start3A_66 : memref<100xi32, #tpu.memory_space<vmem>>) semaphore(%arg13 : memref<!tpu.dma_semaphore, #tpu.memory_space<semaphore_mem>>)
    %scan3A = arith.constant 0 : i32
    %scan3A_74 = arith.constant 0 : i32
    %scan3A_75 = arith.constant 0 : i32
    %scan3A_76 = arith.constant 25 : i32
    %scan3A_77 = arith.addi %scan3A_75, %scan3A_76 : i32
    %scan3A_78 = arith.constant 1 : i32
    scf.for %scan3A_352 = %scan3A_75 to %scan3A_77 step %scan3A_78  : i32 {
      %mul3A_353 = arith.constant 2 : i32
      %mul3A_354 = arith.muli %scan3A_352, %mul3A_353 : i32
      %add3A_355 = arith.constant 0 : i32
      %add3A_356 = arith.addi %mul3A_354, %add3A_355 : i32
      %dma_wait3A = arith.constant 0 : i32
      %dma_wait3A_357 = arith.constant 0 : i32
      %dma_wait3A_358 = arith.constant 0 : i32
      %dma_wait3A_359 = tpu.memref_slice %arg9[%dma_wait3A, %dma_wait3A_357, %dma_wait3A_358] : memref<2x100x128xf32, #tpu.memory_space<vmem>> -> memref<1x100x128xf32, #tpu.memory_space<vmem>>
      %dma_wait3A_360 = tpu.memref_squeeze %dma_wait3A_359 : memref<1x100x128xf32, #tpu.memory_space<vmem>> -> memref<100x128xf32, #tpu.memory_space<vmem>>
      %dma_wait3A_361 = arith.constant 0 : i32
      %dma_wait3A_362 = tpu.memref_slice %arg7[%add3A_356, %dma_wait3A_361] : memref<50x100xi32, #tpu.memory_space<vmem>> -> memref<1x100xi32, #tpu.memory_space<vmem>>
      %dma_wait3A_363 = tpu.memref_squeeze %dma_wait3A_362 : memref<1x100xi32, #tpu.memory_space<vmem>> -> memref<100xi32, #tpu.memory_space<vmem>>
      %dma_wait3A_364 = arith.constant 0 : i32
      %dma_wait3A_365 = arith.constant 0 : i32
      %dma_wait3A_366 = tpu.memref_slice %arg2[%scan3A_74, %dma_wait3A_364, %dma_wait3A_365] : memref<4x10000x128xf32, #tpu.memory_space<hbm>> -> memref<1x10000x128xf32, #tpu.memory_space<hbm>>
      %dma_wait3A_367 = tpu.memref_squeeze %dma_wait3A_366 : memref<1x10000x128xf32, #tpu.memory_space<hbm>> -> memref<10000x128xf32, #tpu.memory_space<hbm>>
      %dma_wait3A_368 = arith.constant 0 : i32
      %dma_wait3A_369 = arith.constant 0 : i32
      %dma_wait3A_370 = tpu.memref_slice %dma_wait3A_367[%dma_wait3A_368, %dma_wait3A_369] : memref<10000x128xf32, #tpu.memory_space<hbm>> -> memref<10000x128xf32, #tpu.memory_space<hbm>>
      tpu.wait_indirect_dma semaphore(%arg12 : memref<!tpu.dma_semaphore, #tpu.memory_space<semaphore_mem>>) src(%dma_wait3A_370 : memref<10000x128xf32, #tpu.memory_space<hbm>>) dst(%dma_wait3A_360 : memref<100x128xf32, #tpu.memory_space<vmem>>)
      %run_scoped3A_371 = arith.constant 0 : i32
      "tpu.region"() ({
        %run_scoped3A_403 = tpu.sem_alloc : memref<!tpu.dma_semaphore, #tpu.memory_space<semaphore_mem>>
        %dma_start3A_404 = arith.constant 0 : i32
        %dma_start3A_405 = arith.constant 0 : i32
        %dma_start3A_406 = tpu.memref_slice %arg9[%run_scoped3A_371, %dma_start3A_404, %dma_start3A_405] : memref<2x100x128xf32, #tpu.memory_space<vmem>> -> memref<1x100x128xf32, #tpu.memory_space<vmem>>
        %dma_start3A_407 = tpu.memref_squeeze %dma_start3A_406 : memref<1x100x128xf32, #tpu.memory_space<vmem>> -> memref<100x128xf32, #tpu.memory_space<vmem>>
        %dma_start3A_408 = arith.constant 0 : i32
        %dma_start3A_409 = tpu.memref_slice %arg8[%add3A_356, %dma_start3A_408] : memref<50x100xi32, #tpu.memory_space<vmem>> -> memref<1x100xi32, #tpu.memory_space<vmem>>
        %dma_start3A_410 = tpu.memref_squeeze %dma_start3A_409 : memref<1x100xi32, #tpu.memory_space<vmem>> -> memref<100xi32, #tpu.memory_space<vmem>>
        %dma_start3A_411 = arith.constant 0 : i32
        %dma_start3A_412 = arith.constant 0 : i32
        %dma_start3A_413 = tpu.memref_slice %arg11[%dma_start3A_411, %dma_start3A_412] : memref<10240x128xf32, #tpu.memory_space<vmem_shared>> -> memref<10240x128xf32, #tpu.memory_space<vmem_shared>>
        tpu.enqueue_indirect_dma source(%dma_start3A_407 : memref<100x128xf32, #tpu.memory_space<vmem>>) target(%dma_start3A_413 : memref<10240x128xf32, #tpu.memory_space<vmem_shared>>) offsets(%dma_start3A_410 : memref<100xi32, #tpu.memory_space<vmem>>) semaphore(%run_scoped3A_403 : memref<!tpu.dma_semaphore, #tpu.memory_space<semaphore_mem>>) {add = true}
        %dma_wait3A_414 = arith.constant 0 : i32
        %dma_wait3A_415 = arith.constant 0 : i32
        %dma_wait3A_416 = tpu.memref_slice %arg9[%run_scoped3A_371, %dma_wait3A_414, %dma_wait3A_415] : memref<2x100x128xf32, #tpu.memory_space<vmem>> -> memref<1x100x128xf32, #tpu.memory_space<vmem>>
        %dma_wait3A_417 = tpu.memref_squeeze %dma_wait3A_416 : memref<1x100x128xf32, #tpu.memory_space<vmem>> -> memref<100x128xf32, #tpu.memory_space<vmem>>
        %dma_wait3A_418 = arith.constant 0 : i32
        %dma_wait3A_419 = tpu.memref_slice %arg8[%add3A_356, %dma_wait3A_418] : memref<50x100xi32, #tpu.memory_space<vmem>> -> memref<1x100xi32, #tpu.memory_space<vmem>>
        %dma_wait3A_420 = tpu.memref_squeeze %dma_wait3A_419 : memref<1x100xi32, #tpu.memory_space<vmem>> -> memref<100xi32, #tpu.memory_space<vmem>>
        %dma_wait3A_421 = arith.constant 0 : i32
        %dma_wait3A_422 = arith.constant 0 : i32
        %dma_wait3A_423 = tpu.memref_slice %arg11[%dma_wait3A_421, %dma_wait3A_422] : memref<10240x128xf32, #tpu.memory_space<vmem_shared>> -> memref<10240x128xf32, #tpu.memory_space<vmem_shared>>
        tpu.wait_indirect_dma semaphore(%run_scoped3A_403 : memref<!tpu.dma_semaphore, #tpu.memory_space<semaphore_mem>>) src(%dma_wait3A_417 : memref<100x128xf32, #tpu.memory_space<vmem>>) dst(%dma_wait3A_423 : memref<10240x128xf32, #tpu.memory_space<vmem_shared>>)
        tpu.yield
      }) : () -> ()
      %add3A_372 = arith.constant 2 : i32
      %add3A_373 = arith.addi %add3A_356, %add3A_372 : i32
      %lt3A = arith.constant 50 : i32
      %lt3A_374 = arith.cmpi slt, %add3A_373, %lt3A : i32
      %convert_element_type3A = arith.extui %lt3A_374 : i1 to i32
      %cond3A = arith.constant 0 : i32
      %cond3A_375 = arith.cmpi ne, %convert_element_type3A, %cond3A : i32
      scf.if %cond3A_375 {
        %add3A_403 = arith.constant 2 : i32
        %add3A_404 = arith.addi %add3A_356, %add3A_403 : i32
        %dma_start3A_405 = arith.constant 0 : i32
        %dma_start3A_406 = arith.constant 0 : i32
        %dma_start3A_407 = arith.constant 0 : i32
        %dma_start3A_408 = tpu.memref_slice %arg9[%dma_start3A_405, %dma_start3A_406, %dma_start3A_407] : memref<2x100x128xf32, #tpu.memory_space<vmem>> -> memref<1x100x128xf32, #tpu.memory_space<vmem>>
        %dma_start3A_409 = tpu.memref_squeeze %dma_start3A_408 : memref<1x100x128xf32, #tpu.memory_space<vmem>> -> memref<100x128xf32, #tpu.memory_space<vmem>>
        %dma_start3A_410 = arith.constant 0 : i32
        %dma_start3A_411 = tpu.memref_slice %arg7[%add3A_404, %dma_start3A_410] : memref<50x100xi32, #tpu.memory_space<vmem>> -> memref<1x100xi32, #tpu.memory_space<vmem>>
        %dma_start3A_412 = tpu.memref_squeeze %dma_start3A_411 : memref<1x100xi32, #tpu.memory_space<vmem>> -> memref<100xi32, #tpu.memory_space<vmem>>
        %dma_start3A_413 = arith.constant 0 : i32
        %dma_start3A_414 = arith.constant 0 : i32
        %dma_start3A_415 = tpu.memref_slice %arg2[%scan3A_74, %dma_start3A_413, %dma_start3A_414] : memref<4x10000x128xf32, #tpu.memory_space<hbm>> -> memref<1x10000x128xf32, #tpu.memory_space<hbm>>
        %dma_start3A_416 = tpu.memref_squeeze %dma_start3A_415 : memref<1x10000x128xf32, #tpu.memory_space<hbm>> -> memref<10000x128xf32, #tpu.memory_space<hbm>>
        %dma_start3A_417 = arith.constant 0 : i32
        %dma_start3A_418 = arith.constant 0 : i32
        %dma_start3A_419 = tpu.memref_slice %dma_start3A_416[%dma_start3A_417, %dma_start3A_418] : memref<10000x128xf32, #tpu.memory_space<hbm>> -> memref<10000x128xf32, #tpu.memory_space<hbm>>
        tpu.enqueue_indirect_dma source(%dma_start3A_419 : memref<10000x128xf32, #tpu.memory_space<hbm>>) target(%dma_start3A_409 : memref<100x128xf32, #tpu.memory_space<vmem>>) offsets(%dma_start3A_412 : memref<100xi32, #tpu.memory_space<vmem>>) semaphore(%arg12 : memref<!tpu.dma_semaphore, #tpu.memory_space<semaphore_mem>>)
      } else {
      }
      %mul3A_376 = arith.constant 2 : i32
      %mul3A_377 = arith.muli %scan3A_352, %mul3A_376 : i32
      %add3A_378 = arith.constant 1 : i32
      %add3A_379 = arith.addi %mul3A_377, %add3A_378 : i32
      %dma_wait3A_380 = arith.constant 1 : i32
      %dma_wait3A_381 = arith.constant 0 : i32
      %dma_wait3A_382 = arith.constant 0 : i32
      %dma_wait3A_383 = tpu.memref_slice %arg9[%dma_wait3A_380, %dma_wait3A_381, %dma_wait3A_382] : memref<2x100x128xf32, #tpu.memory_space<vmem>> -> memref<1x100x128xf32, #tpu.memory_space<vmem>>
      %dma_wait3A_384 = tpu.memref_squeeze %dma_wait3A_383 : memref<1x100x128xf32, #tpu.memory_space<vmem>> -> memref<100x128xf32, #tpu.memory_space<vmem>>
      %dma_wait3A_385 = arith.constant 0 : i32
      %dma_wait3A_386 = tpu.memref_slice %arg7[%add3A_379, %dma_wait3A_385] : memref<50x100xi32, #tpu.memory_space<vmem>> -> memref<1x100xi32, #tpu.memory_space<vmem>>
      %dma_wait3A_387 = tpu.memref_squeeze %dma_wait3A_386 : memref<1x100xi32, #tpu.memory_space<vmem>> -> memref<100xi32, #tpu.memory_space<vmem>>
      %dma_wait3A_388 = arith.constant 0 : i32
      %dma_wait3A_389 = arith.constant 0 : i32
      %dma_wait3A_390 = tpu.memref_slice %arg2[%scan3A_74, %dma_wait3A_388, %dma_wait3A_389] : memref<4x10000x128xf32, #tpu.memory_space<hbm>> -> memref<1x10000x128xf32, #tpu.memory_space<hbm>>
      %dma_wait3A_391 = tpu.memref_squeeze %dma_wait3A_390 : memref<1x10000x128xf32, #tpu.memory_space<hbm>> -> memref<10000x128xf32, #tpu.memory_space<hbm>>
      %dma_wait3A_392 = arith.constant 0 : i32
      %dma_wait3A_393 = arith.constant 0 : i32
      %dma_wait3A_394 = tpu.memref_slice %dma_wait3A_391[%dma_wait3A_392, %dma_wait3A_393] : memref<10000x128xf32, #tpu.memory_space<hbm>> -> memref<10000x128xf32, #tpu.memory_space<hbm>>
      tpu.wait_indirect_dma semaphore(%arg13 : memref<!tpu.dma_semaphore, #tpu.memory_space<semaphore_mem>>) src(%dma_wait3A_394 : memref<10000x128xf32, #tpu.memory_space<hbm>>) dst(%dma_wait3A_384 : memref<100x128xf32, #tpu.memory_space<vmem>>)
      %run_scoped3A_395 = arith.constant 1 : i32
      "tpu.region"() ({
        %run_scoped3A_403 = tpu.sem_alloc : memref<!tpu.dma_semaphore, #tpu.memory_space<semaphore_mem>>
        %dma_start3A_404 = arith.constant 0 : i32
        %dma_start3A_405 = arith.constant 0 : i32
        %dma_start3A_406 = tpu.memref_slice %arg9[%run_scoped3A_395, %dma_start3A_404, %dma_start3A_405] : memref<2x100x128xf32, #tpu.memory_space<vmem>> -> memref<1x100x128xf32, #tpu.memory_space<vmem>>
        %dma_start3A_407 = tpu.memref_squeeze %dma_start3A_406 : memref<1x100x128xf32, #tpu.memory_space<vmem>> -> memref<100x128xf32, #tpu.memory_space<vmem>>
        %dma_start3A_408 = arith.constant 0 : i32
        %dma_start3A_409 = tpu.memref_slice %arg8[%add3A_379, %dma_start3A_408] : memref<50x100xi32, #tpu.memory_space<vmem>> -> memref<1x100xi32, #tpu.memory_space<vmem>>
        %dma_start3A_410 = tpu.memref_squeeze %dma_start3A_409 : memref<1x100xi32, #tpu.memory_space<vmem>> -> memref<100xi32, #tpu.memory_space<vmem>>
        %dma_start3A_411 = arith.constant 0 : i32
        %dma_start3A_412 = arith.constant 0 : i32
        %dma_start3A_413 = tpu.memref_slice %arg11[%dma_start3A_411, %dma_start3A_412] : memref<10240x128xf32, #tpu.memory_space<vmem_shared>> -> memref<10240x128xf32, #tpu.memory_space<vmem_shared>>
        tpu.enqueue_indirect_dma source(%dma_start3A_407 : memref<100x128xf32, #tpu.memory_space<vmem>>) target(%dma_start3A_413 : memref<10240x128xf32, #tpu.memory_space<vmem_shared>>) offsets(%dma_start3A_410 : memref<100xi32, #tpu.memory_space<vmem>>) semaphore(%run_scoped3A_403 : memref<!tpu.dma_semaphore, #tpu.memory_space<semaphore_mem>>) {add = true}
        %dma_wait3A_414 = arith.constant 0 : i32
        %dma_wait3A_415 = arith.constant 0 : i32
        %dma_wait3A_416 = tpu.memref_slice %arg9[%run_scoped3A_395, %dma_wait3A_414, %dma_wait3A_415] : memref<2x100x128xf32, #tpu.memory_space<vmem>> -> memref<1x100x128xf32, #tpu.memory_space<vmem>>
        %dma_wait3A_417 = tpu.memref_squeeze %dma_wait3A_416 : memref<1x100x128xf32, #tpu.memory_space<vmem>> -> memref<100x128xf32, #tpu.memory_space<vmem>>
        %dma_wait3A_418 = arith.constant 0 : i32
        %dma_wait3A_419 = tpu.memref_slice %arg8[%add3A_379, %dma_wait3A_418] : memref<50x100xi32, #tpu.memory_space<vmem>> -> memref<1x100xi32, #tpu.memory_space<vmem>>
        %dma_wait3A_420 = tpu.memref_squeeze %dma_wait3A_419 : memref<1x100xi32, #tpu.memory_space<vmem>> -> memref<100xi32, #tpu.memory_space<vmem>>
        %dma_wait3A_421 = arith.constant 0 : i32
        %dma_wait3A_422 = arith.constant 0 : i32
        %dma_wait3A_423 = tpu.memref_slice %arg11[%dma_wait3A_421, %dma_wait3A_422] : memref<10240x128xf32, #tpu.memory_space<vmem_shared>> -> memref<10240x128xf32, #tpu.memory_space<vmem_shared>>
        tpu.wait_indirect_dma semaphore(%run_scoped3A_403 : memref<!tpu.dma_semaphore, #tpu.memory_space<semaphore_mem>>) src(%dma_wait3A_417 : memref<100x128xf32, #tpu.memory_space<vmem>>) dst(%dma_wait3A_423 : memref<10240x128xf32, #tpu.memory_space<vmem_shared>>)
        tpu.yield
      }) : () -> ()
      %add3A_396 = arith.constant 2 : i32
      %add3A_397 = arith.addi %add3A_379, %add3A_396 : i32
      %lt3A_398 = arith.constant 50 : i32
      %lt3A_399 = arith.cmpi slt, %add3A_397, %lt3A_398 : i32
      %convert_element_type3A_400 = arith.extui %lt3A_399 : i1 to i32
      %cond3A_401 = arith.constant 0 : i32
      %cond3A_402 = arith.cmpi ne, %convert_element_type3A_400, %cond3A_401 : i32
      scf.if %cond3A_402 {
        %add3A_403 = arith.constant 2 : i32
        %add3A_404 = arith.addi %add3A_379, %add3A_403 : i32
        %dma_start3A_405 = arith.constant 1 : i32
        %dma_start3A_406 = arith.constant 0 : i32
        %dma_start3A_407 = arith.constant 0 : i32
        %dma_start3A_408 = tpu.memref_slice %arg9[%dma_start3A_405, %dma_start3A_406, %dma_start3A_407] : memref<2x100x128xf32, #tpu.memory_space<vmem>> -> memref<1x100x128xf32, #tpu.memory_space<vmem>>
        %dma_start3A_409 = tpu.memref_squeeze %dma_start3A_408 : memref<1x100x128xf32, #tpu.memory_space<vmem>> -> memref<100x128xf32, #tpu.memory_space<vmem>>
        %dma_start3A_410 = arith.constant 0 : i32
        %dma_start3A_411 = tpu.memref_slice %arg7[%add3A_404, %dma_start3A_410] : memref<50x100xi32, #tpu.memory_space<vmem>> -> memref<1x100xi32, #tpu.memory_space<vmem>>
        %dma_start3A_412 = tpu.memref_squeeze %dma_start3A_411 : memref<1x100xi32, #tpu.memory_space<vmem>> -> memref<100xi32, #tpu.memory_space<vmem>>
        %dma_start3A_413 = arith.constant 0 : i32
        %dma_start3A_414 = arith.constant 0 : i32
        %dma_start3A_415 = tpu.memref_slice %arg2[%scan3A_74, %dma_start3A_413, %dma_start3A_414] : memref<4x10000x128xf32, #tpu.memory_space<hbm>> -> memref<1x10000x128xf32, #tpu.memory_space<hbm>>
        %dma_start3A_416 = tpu.memref_squeeze %dma_start3A_415 : memref<1x10000x128xf32, #tpu.memory_space<hbm>> -> memref<10000x128xf32, #tpu.memory_space<hbm>>
        %dma_start3A_417 = arith.constant 0 : i32
        %dma_start3A_418 = arith.constant 0 : i32
        %dma_start3A_419 = tpu.memref_slice %dma_start3A_416[%dma_start3A_417, %dma_start3A_418] : memref<10000x128xf32, #tpu.memory_space<hbm>> -> memref<10000x128xf32, #tpu.memory_space<hbm>>
        tpu.enqueue_indirect_dma source(%dma_start3A_419 : memref<10000x128xf32, #tpu.memory_space<hbm>>) target(%dma_start3A_409 : memref<100x128xf32, #tpu.memory_space<vmem>>) offsets(%dma_start3A_412 : memref<100xi32, #tpu.memory_space<vmem>>) semaphore(%arg13 : memref<!tpu.dma_semaphore, #tpu.memory_space<semaphore_mem>>)
      } else {
      }
    }
    %scan3A_79 = arith.constant 25 : i32
    %barrier3A_80 = arith.constant 0 : index
    tpu.barrier barrier_id(%barrier3A_80)
    %mul3A_81 = arith.constant 640 : i32
    %mul3A_82 = arith.muli %arg1, %mul3A_81 : i32
    %mul3A_83 = arith.constant 640 : i32
    %mul3A_84 = arith.muli %arg1, %mul3A_83 : i32
    %run_scoped3A = arith.constant 0 : i32
    "tpu.region"() ({
      %run_scoped3A_352 = tpu.sem_alloc : memref<!tpu.dma_semaphore, #tpu.memory_space<semaphore_mem>>
      %dma_start3A_353 = arith.constant 0 : i32
      %dma_start3A_354 = tpu.memref_slice %arg6[%run_scoped3A, %arg0, %mul3A_84, %dma_start3A_353] : memref<4x2x10240x128xf32, #tpu.memory_space<hbm>> -> memref<1x1x640x128xf32, #tpu.memory_space<hbm>>
      %dma_start3A_355 = tpu.memref_squeeze %dma_start3A_354 : memref<1x1x640x128xf32, #tpu.memory_space<hbm>> -> memref<640x128xf32, #tpu.memory_space<hbm>>
      %dma_start3A_356 = arith.constant 0 : i32
      %dma_start3A_357 = tpu.memref_slice %arg11[%mul3A_82, %dma_start3A_356] : memref<10240x128xf32, #tpu.memory_space<vmem_shared>> -> memref<640x128xf32, #tpu.memory_space<vmem_shared>>
      tpu.enqueue_dma source(%dma_start3A_357 : memref<640x128xf32, #tpu.memory_space<vmem_shared>>) target(%dma_start3A_355 : memref<640x128xf32, #tpu.memory_space<hbm>>) target_semaphore(%run_scoped3A_352 : memref<!tpu.dma_semaphore, #tpu.memory_space<semaphore_mem>>)
      %dma_wait3A = arith.constant 0 : i32
      %dma_wait3A_358 = tpu.memref_slice %arg6[%run_scoped3A, %arg0, %mul3A_84, %dma_wait3A] : memref<4x2x10240x128xf32, #tpu.memory_space<hbm>> -> memref<1x1x640x128xf32, #tpu.memory_space<hbm>>
      %dma_wait3A_359 = tpu.memref_squeeze %dma_wait3A_358 : memref<1x1x640x128xf32, #tpu.memory_space<hbm>> -> memref<640x128xf32, #tpu.memory_space<hbm>>
      %dma_wait3A_360 = arith.constant 0 : i32
      %dma_wait3A_361 = tpu.memref_slice %arg11[%mul3A_82, %dma_wait3A_360] : memref<10240x128xf32, #tpu.memory_space<vmem_shared>> -> memref<640x128xf32, #tpu.memory_space<vmem_shared>>
      tpu.wait_dma2 semaphore(%run_scoped3A_352 : memref<!tpu.dma_semaphore, #tpu.memory_space<semaphore_mem>>) src(%dma_wait3A_361 : memref<640x128xf32, #tpu.memory_space<vmem_shared>>) dst(%dma_wait3A_359 : memref<640x128xf32, #tpu.memory_space<hbm>>)
      tpu.yield
    }) : () -> ()
    %barrier3A_85 = arith.constant 0 : index
    tpu.barrier barrier_id(%barrier3A_85)
    %mul3A_86 = arith.constant 640 : i32
    %mul3A_87 = arith.muli %arg1, %mul3A_86 : i32
    %add3A_88 = arith.constant 0 : i32
    %add3A_89 = arith.addi %mul3A_87, %add3A_88 : i32
    "tpu.region"() ({
      %run_scoped3A_352 = tpu.sem_alloc : memref<!tpu.dma_semaphore, #tpu.memory_space<semaphore_mem>>
      %dma_start3A_353 = arith.constant 0 : i32
      %dma_start3A_354 = tpu.memref_slice %arg11[%add3A_89, %dma_start3A_353] : memref<10240x128xf32, #tpu.memory_space<vmem_shared>> -> memref<64x128xf32, #tpu.memory_space<vmem_shared>>
      %dma_start3A_355 = arith.constant 0 : i32
      %dma_start3A_356 = tpu.memref_slice %arg11[%add3A_89, %dma_start3A_355] : memref<10240x128xf32, #tpu.memory_space<vmem_shared>> -> memref<64x128xf32, #tpu.memory_space<vmem_shared>>
      tpu.enqueue_dma source(%arg10 : memref<64x128xf32, #tpu.memory_space<vmem>>) target(%dma_start3A_356 : memref<64x128xf32, #tpu.memory_space<vmem_shared>>) target_semaphore(%run_scoped3A_352 : memref<!tpu.dma_semaphore, #tpu.memory_space<semaphore_mem>>)
      %dma_wait3A = arith.constant 0 : i32
      %dma_wait3A_357 = tpu.memref_slice %arg11[%add3A_89, %dma_wait3A] : memref<10240x128xf32, #tpu.memory_space<vmem_shared>> -> memref<64x128xf32, #tpu.memory_space<vmem_shared>>
      %dma_wait3A_358 = arith.constant 0 : i32
      %dma_wait3A_359 = tpu.memref_slice %arg11[%add3A_89, %dma_wait3A_358] : memref<10240x128xf32, #tpu.memory_space<vmem_shared>> -> memref<64x128xf32, #tpu.memory_space<vmem_shared>>
      tpu.wait_dma2 semaphore(%run_scoped3A_352 : memref<!tpu.dma_semaphore, #tpu.memory_space<semaphore_mem>>) src(%arg10 : memref<64x128xf32, #tpu.memory_space<vmem>>) dst(%dma_wait3A_359 : memref<64x128xf32, #tpu.memory_space<vmem_shared>>)
      tpu.yield
    }) : () -> ()
    %mul3A_90 = arith.constant 640 : i32
    %mul3A_91 = arith.muli %arg1, %mul3A_90 : i32
    %add3A_92 = arith.constant 64 : i32
    %add3A_93 = arith.addi %mul3A_91, %add3A_92 : i32
    "tpu.region"() ({
      %run_scoped3A_352 = tpu.sem_alloc : memref<!tpu.dma_semaphore, #tpu.memory_space<semaphore_mem>>
      %dma_start3A_353 = arith.constant 0 : i32
      %dma_start3A_354 = tpu.memref_slice %arg11[%add3A_93, %dma_start3A_353] : memref<10240x128xf32, #tpu.memory_space<vmem_shared>> -> memref<64x128xf32, #tpu.memory_space<vmem_shared>>
      %dma_start3A_355 = arith.constant 0 : i32
      %dma_start3A_356 = tpu.memref_slice %arg11[%add3A_93, %dma_start3A_355] : memref<10240x128xf32, #tpu.memory_space<vmem_shared>> -> memref<64x128xf32, #tpu.memory_space<vmem_shared>>
      tpu.enqueue_dma source(%arg10 : memref<64x128xf32, #tpu.memory_space<vmem>>) target(%dma_start3A_356 : memref<64x128xf32, #tpu.memory_space<vmem_shared>>) target_semaphore(%run_scoped3A_352 : memref<!tpu.dma_semaphore, #tpu.memory_space<semaphore_mem>>)
      %dma_wait3A = arith.constant 0 : i32
      %dma_wait3A_357 = tpu.memref_slice %arg11[%add3A_93, %dma_wait3A] : memref<10240x128xf32, #tpu.memory_space<vmem_shared>> -> memref<64x128xf32, #tpu.memory_space<vmem_shared>>
      %dma_wait3A_358 = arith.constant 0 : i32
      %dma_wait3A_359 = tpu.memref_slice %arg11[%add3A_93, %dma_wait3A_358] : memref<10240x128xf32, #tpu.memory_space<vmem_shared>> -> memref<64x128xf32, #tpu.memory_space<vmem_shared>>
      tpu.wait_dma2 semaphore(%run_scoped3A_352 : memref<!tpu.dma_semaphore, #tpu.memory_space<semaphore_mem>>) src(%arg10 : memref<64x128xf32, #tpu.memory_space<vmem>>) dst(%dma_wait3A_359 : memref<64x128xf32, #tpu.memory_space<vmem_shared>>)
      tpu.yield
    }) : () -> ()
    %mul3A_94 = arith.constant 640 : i32
    %mul3A_95 = arith.muli %arg1, %mul3A_94 : i32
    %add3A_96 = arith.constant 128 : i32
    %add3A_97 = arith.addi %mul3A_95, %add3A_96 : i32
    "tpu.region"() ({
      %run_scoped3A_352 = tpu.sem_alloc : memref<!tpu.dma_semaphore, #tpu.memory_space<semaphore_mem>>
      %dma_start3A_353 = arith.constant 0 : i32
      %dma_start3A_354 = tpu.memref_slice %arg11[%add3A_97, %dma_start3A_353] : memref<10240x128xf32, #tpu.memory_space<vmem_shared>> -> memref<64x128xf32, #tpu.memory_space<vmem_shared>>
      %dma_start3A_355 = arith.constant 0 : i32
      %dma_start3A_356 = tpu.memref_slice %arg11[%add3A_97, %dma_start3A_355] : memref<10240x128xf32, #tpu.memory_space<vmem_shared>> -> memref<64x128xf32, #tpu.memory_space<vmem_shared>>
      tpu.enqueue_dma source(%arg10 : memref<64x128xf32, #tpu.memory_space<vmem>>) target(%dma_start3A_356 : memref<64x128xf32, #tpu.memory_space<vmem_shared>>) target_semaphore(%run_scoped3A_352 : memref<!tpu.dma_semaphore, #tpu.memory_space<semaphore_mem>>)
      %dma_wait3A = arith.constant 0 : i32
      %dma_wait3A_357 = tpu.memref_slice %arg11[%add3A_97, %dma_wait3A] : memref<10240x128xf32, #tpu.memory_space<vmem_shared>> -> memref<64x128xf32, #tpu.memory_space<vmem_shared>>
      %dma_wait3A_358 = arith.constant 0 : i32
      %dma_wait3A_359 = tpu.memref_slice %arg11[%add3A_97, %dma_wait3A_358] : memref<10240x128xf32, #tpu.memory_space<vmem_shared>> -> memref<64x128xf32, #tpu.memory_space<vmem_shared>>
      tpu.wait_dma2 semaphore(%run_scoped3A_352 : memref<!tpu.dma_semaphore, #tpu.memory_space<semaphore_mem>>) src(%arg10 : memref<64x128xf32, #tpu.memory_space<vmem>>) dst(%dma_wait3A_359 : memref<64x128xf32, #tpu.memory_space<vmem_shared>>)
      tpu.yield
    }) : () -> ()
    %mul3A_98 = arith.constant 640 : i32
    %mul3A_99 = arith.muli %arg1, %mul3A_98 : i32
    %add3A_100 = arith.constant 192 : i32
    %add3A_101 = arith.addi %mul3A_99, %add3A_100 : i32
    "tpu.region"() ({
      %run_scoped3A_352 = tpu.sem_alloc : memref<!tpu.dma_semaphore, #tpu.memory_space<semaphore_mem>>
      %dma_start3A_353 = arith.constant 0 : i32
      %dma_start3A_354 = tpu.memref_slice %arg11[%add3A_101, %dma_start3A_353] : memref<10240x128xf32, #tpu.memory_space<vmem_shared>> -> memref<64x128xf32, #tpu.memory_space<vmem_shared>>
      %dma_start3A_355 = arith.constant 0 : i32
      %dma_start3A_356 = tpu.memref_slice %arg11[%add3A_101, %dma_start3A_355] : memref<10240x128xf32, #tpu.memory_space<vmem_shared>> -> memref<64x128xf32, #tpu.memory_space<vmem_shared>>
      tpu.enqueue_dma source(%arg10 : memref<64x128xf32, #tpu.memory_space<vmem>>) target(%dma_start3A_356 : memref<64x128xf32, #tpu.memory_space<vmem_shared>>) target_semaphore(%run_scoped3A_352 : memref<!tpu.dma_semaphore, #tpu.memory_space<semaphore_mem>>)
      %dma_wait3A = arith.constant 0 : i32
      %dma_wait3A_357 = tpu.memref_slice %arg11[%add3A_101, %dma_wait3A] : memref<10240x128xf32, #tpu.memory_space<vmem_shared>> -> memref<64x128xf32, #tpu.memory_space<vmem_shared>>
      %dma_wait3A_358 = arith.constant 0 : i32
      %dma_wait3A_359 = tpu.memref_slice %arg11[%add3A_101, %dma_wait3A_358] : memref<10240x128xf32, #tpu.memory_space<vmem_shared>> -> memref<64x128xf32, #tpu.memory_space<vmem_shared>>
      tpu.wait_dma2 semaphore(%run_scoped3A_352 : memref<!tpu.dma_semaphore, #tpu.memory_space<semaphore_mem>>) src(%arg10 : memref<64x128xf32, #tpu.memory_space<vmem>>) dst(%dma_wait3A_359 : memref<64x128xf32, #tpu.memory_space<vmem_shared>>)
      tpu.yield
    }) : () -> ()
    %mul3A_102 = arith.constant 640 : i32
    %mul3A_103 = arith.muli %arg1, %mul3A_102 : i32
    %add3A_104 = arith.constant 256 : i32
    %add3A_105 = arith.addi %mul3A_103, %add3A_104 : i32
    "tpu.region"() ({
      %run_scoped3A_352 = tpu.sem_alloc : memref<!tpu.dma_semaphore, #tpu.memory_space<semaphore_mem>>
      %dma_start3A_353 = arith.constant 0 : i32
      %dma_start3A_354 = tpu.memref_slice %arg11[%add3A_105, %dma_start3A_353] : memref<10240x128xf32, #tpu.memory_space<vmem_shared>> -> memref<64x128xf32, #tpu.memory_space<vmem_shared>>
      %dma_start3A_355 = arith.constant 0 : i32
      %dma_start3A_356 = tpu.memref_slice %arg11[%add3A_105, %dma_start3A_355] : memref<10240x128xf32, #tpu.memory_space<vmem_shared>> -> memref<64x128xf32, #tpu.memory_space<vmem_shared>>
      tpu.enqueue_dma source(%arg10 : memref<64x128xf32, #tpu.memory_space<vmem>>) target(%dma_start3A_356 : memref<64x128xf32, #tpu.memory_space<vmem_shared>>) target_semaphore(%run_scoped3A_352 : memref<!tpu.dma_semaphore, #tpu.memory_space<semaphore_mem>>)
      %dma_wait3A = arith.constant 0 : i32
      %dma_wait3A_357 = tpu.memref_slice %arg11[%add3A_105, %dma_wait3A] : memref<10240x128xf32, #tpu.memory_space<vmem_shared>> -> memref<64x128xf32, #tpu.memory_space<vmem_shared>>
      %dma_wait3A_358 = arith.constant 0 : i32
      %dma_wait3A_359 = tpu.memref_slice %arg11[%add3A_105, %dma_wait3A_358] : memref<10240x128xf32, #tpu.memory_space<vmem_shared>> -> memref<64x128xf32, #tpu.memory_space<vmem_shared>>
      tpu.wait_dma2 semaphore(%run_scoped3A_352 : memref<!tpu.dma_semaphore, #tpu.memory_space<semaphore_mem>>) src(%arg10 : memref<64x128xf32, #tpu.memory_space<vmem>>) dst(%dma_wait3A_359 : memref<64x128xf32, #tpu.memory_space<vmem_shared>>)
      tpu.yield
    }) : () -> ()
    %mul3A_106 = arith.constant 640 : i32
    %mul3A_107 = arith.muli %arg1, %mul3A_106 : i32
    %add3A_108 = arith.constant 320 : i32
    %add3A_109 = arith.addi %mul3A_107, %add3A_108 : i32
    "tpu.region"() ({
      %run_scoped3A_352 = tpu.sem_alloc : memref<!tpu.dma_semaphore, #tpu.memory_space<semaphore_mem>>
      %dma_start3A_353 = arith.constant 0 : i32
      %dma_start3A_354 = tpu.memref_slice %arg11[%add3A_109, %dma_start3A_353] : memref<10240x128xf32, #tpu.memory_space<vmem_shared>> -> memref<64x128xf32, #tpu.memory_space<vmem_shared>>
      %dma_start3A_355 = arith.constant 0 : i32
      %dma_start3A_356 = tpu.memref_slice %arg11[%add3A_109, %dma_start3A_355] : memref<10240x128xf32, #tpu.memory_space<vmem_shared>> -> memref<64x128xf32, #tpu.memory_space<vmem_shared>>
      tpu.enqueue_dma source(%arg10 : memref<64x128xf32, #tpu.memory_space<vmem>>) target(%dma_start3A_356 : memref<64x128xf32, #tpu.memory_space<vmem_shared>>) target_semaphore(%run_scoped3A_352 : memref<!tpu.dma_semaphore, #tpu.memory_space<semaphore_mem>>)
      %dma_wait3A = arith.constant 0 : i32
      %dma_wait3A_357 = tpu.memref_slice %arg11[%add3A_109, %dma_wait3A] : memref<10240x128xf32, #tpu.memory_space<vmem_shared>> -> memref<64x128xf32, #tpu.memory_space<vmem_shared>>
      %dma_wait3A_358 = arith.constant 0 : i32
      %dma_wait3A_359 = tpu.memref_slice %arg11[%add3A_109, %dma_wait3A_358] : memref<10240x128xf32, #tpu.memory_space<vmem_shared>> -> memref<64x128xf32, #tpu.memory_space<vmem_shared>>
      tpu.wait_dma2 semaphore(%run_scoped3A_352 : memref<!tpu.dma_semaphore, #tpu.memory_space<semaphore_mem>>) src(%arg10 : memref<64x128xf32, #tpu.memory_space<vmem>>) dst(%dma_wait3A_359 : memref<64x128xf32, #tpu.memory_space<vmem_shared>>)
      tpu.yield
    }) : () -> ()
    %mul3A_110 = arith.constant 640 : i32
    %mul3A_111 = arith.muli %arg1, %mul3A_110 : i32
    %add3A_112 = arith.constant 384 : i32
    %add3A_113 = arith.addi %mul3A_111, %add3A_112 : i32
    "tpu.region"() ({
      %run_scoped3A_352 = tpu.sem_alloc : memref<!tpu.dma_semaphore, #tpu.memory_space<semaphore_mem>>
      %dma_start3A_353 = arith.constant 0 : i32
      %dma_start3A_354 = tpu.memref_slice %arg11[%add3A_113, %dma_start3A_353] : memref<10240x128xf32, #tpu.memory_space<vmem_shared>> -> memref<64x128xf32, #tpu.memory_space<vmem_shared>>
      %dma_start3A_355 = arith.constant 0 : i32
      %dma_start3A_356 = tpu.memref_slice %arg11[%add3A_113, %dma_start3A_355] : memref<10240x128xf32, #tpu.memory_space<vmem_shared>> -> memref<64x128xf32, #tpu.memory_space<vmem_shared>>
      tpu.enqueue_dma source(%arg10 : memref<64x128xf32, #tpu.memory_space<vmem>>) target(%dma_start3A_356 : memref<64x128xf32, #tpu.memory_space<vmem_shared>>) target_semaphore(%run_scoped3A_352 : memref<!tpu.dma_semaphore, #tpu.memory_space<semaphore_mem>>)
      %dma_wait3A = arith.constant 0 : i32
      %dma_wait3A_357 = tpu.memref_slice %arg11[%add3A_113, %dma_wait3A] : memref<10240x128xf32, #tpu.memory_space<vmem_shared>> -> memref<64x128xf32, #tpu.memory_space<vmem_shared>>
      %dma_wait3A_358 = arith.constant 0 : i32
      %dma_wait3A_359 = tpu.memref_slice %arg11[%add3A_113, %dma_wait3A_358] : memref<10240x128xf32, #tpu.memory_space<vmem_shared>> -> memref<64x128xf32, #tpu.memory_space<vmem_shared>>
      tpu.wait_dma2 semaphore(%run_scoped3A_352 : memref<!tpu.dma_semaphore, #tpu.memory_space<semaphore_mem>>) src(%arg10 : memref<64x128xf32, #tpu.memory_space<vmem>>) dst(%dma_wait3A_359 : memref<64x128xf32, #tpu.memory_space<vmem_shared>>)
      tpu.yield
    }) : () -> ()
    %mul3A_114 = arith.constant 640 : i32
    %mul3A_115 = arith.muli %arg1, %mul3A_114 : i32
    %add3A_116 = arith.constant 448 : i32
    %add3A_117 = arith.addi %mul3A_115, %add3A_116 : i32
    "tpu.region"() ({
      %run_scoped3A_352 = tpu.sem_alloc : memref<!tpu.dma_semaphore, #tpu.memory_space<semaphore_mem>>
      %dma_start3A_353 = arith.constant 0 : i32
      %dma_start3A_354 = tpu.memref_slice %arg11[%add3A_117, %dma_start3A_353] : memref<10240x128xf32, #tpu.memory_space<vmem_shared>> -> memref<64x128xf32, #tpu.memory_space<vmem_shared>>
      %dma_start3A_355 = arith.constant 0 : i32
      %dma_start3A_356 = tpu.memref_slice %arg11[%add3A_117, %dma_start3A_355] : memref<10240x128xf32, #tpu.memory_space<vmem_shared>> -> memref<64x128xf32, #tpu.memory_space<vmem_shared>>
      tpu.enqueue_dma source(%arg10 : memref<64x128xf32, #tpu.memory_space<vmem>>) target(%dma_start3A_356 : memref<64x128xf32, #tpu.memory_space<vmem_shared>>) target_semaphore(%run_scoped3A_352 : memref<!tpu.dma_semaphore, #tpu.memory_space<semaphore_mem>>)
      %dma_wait3A = arith.constant 0 : i32
      %dma_wait3A_357 = tpu.memref_slice %arg11[%add3A_117, %dma_wait3A] : memref<10240x128xf32, #tpu.memory_space<vmem_shared>> -> memref<64x128xf32, #tpu.memory_space<vmem_shared>>
      %dma_wait3A_358 = arith.constant 0 : i32
      %dma_wait3A_359 = tpu.memref_slice %arg11[%add3A_117, %dma_wait3A_358] : memref<10240x128xf32, #tpu.memory_space<vmem_shared>> -> memref<64x128xf32, #tpu.memory_space<vmem_shared>>
      tpu.wait_dma2 semaphore(%run_scoped3A_352 : memref<!tpu.dma_semaphore, #tpu.memory_space<semaphore_mem>>) src(%arg10 : memref<64x128xf32, #tpu.memory_space<vmem>>) dst(%dma_wait3A_359 : memref<64x128xf32, #tpu.memory_space<vmem_shared>>)
      tpu.yield
    }) : () -> ()
    %mul3A_118 = arith.constant 640 : i32
    %mul3A_119 = arith.muli %arg1, %mul3A_118 : i32
    %add3A_120 = arith.constant 512 : i32
    %add3A_121 = arith.addi %mul3A_119, %add3A_120 : i32
    "tpu.region"() ({
      %run_scoped3A_352 = tpu.sem_alloc : memref<!tpu.dma_semaphore, #tpu.memory_space<semaphore_mem>>
      %dma_start3A_353 = arith.constant 0 : i32
      %dma_start3A_354 = tpu.memref_slice %arg11[%add3A_121, %dma_start3A_353] : memref<10240x128xf32, #tpu.memory_space<vmem_shared>> -> memref<64x128xf32, #tpu.memory_space<vmem_shared>>
      %dma_start3A_355 = arith.constant 0 : i32
      %dma_start3A_356 = tpu.memref_slice %arg11[%add3A_121, %dma_start3A_355] : memref<10240x128xf32, #tpu.memory_space<vmem_shared>> -> memref<64x128xf32, #tpu.memory_space<vmem_shared>>
      tpu.enqueue_dma source(%arg10 : memref<64x128xf32, #tpu.memory_space<vmem>>) target(%dma_start3A_356 : memref<64x128xf32, #tpu.memory_space<vmem_shared>>) target_semaphore(%run_scoped3A_352 : memref<!tpu.dma_semaphore, #tpu.memory_space<semaphore_mem>>)
      %dma_wait3A = arith.constant 0 : i32
      %dma_wait3A_357 = tpu.memref_slice %arg11[%add3A_121, %dma_wait3A] : memref<10240x128xf32, #tpu.memory_space<vmem_shared>> -> memref<64x128xf32, #tpu.memory_space<vmem_shared>>
      %dma_wait3A_358 = arith.constant 0 : i32
      %dma_wait3A_359 = tpu.memref_slice %arg11[%add3A_121, %dma_wait3A_358] : memref<10240x128xf32, #tpu.memory_space<vmem_shared>> -> memref<64x128xf32, #tpu.memory_space<vmem_shared>>
      tpu.wait_dma2 semaphore(%run_scoped3A_352 : memref<!tpu.dma_semaphore, #tpu.memory_space<semaphore_mem>>) src(%arg10 : memref<64x128xf32, #tpu.memory_space<vmem>>) dst(%dma_wait3A_359 : memref<64x128xf32, #tpu.memory_space<vmem_shared>>)
      tpu.yield
    }) : () -> ()
    %mul3A_122 = arith.constant 640 : i32
    %mul3A_123 = arith.muli %arg1, %mul3A_122 : i32
    %add3A_124 = arith.constant 576 : i32
    %add3A_125 = arith.addi %mul3A_123, %add3A_124 : i32
    "tpu.region"() ({
      %run_scoped3A_352 = tpu.sem_alloc : memref<!tpu.dma_semaphore, #tpu.memory_space<semaphore_mem>>
      %dma_start3A_353 = arith.constant 0 : i32
      %dma_start3A_354 = tpu.memref_slice %arg11[%add3A_125, %dma_start3A_353] : memref<10240x128xf32, #tpu.memory_space<vmem_shared>> -> memref<64x128xf32, #tpu.memory_space<vmem_shared>>
      %dma_start3A_355 = arith.constant 0 : i32
      %dma_start3A_356 = tpu.memref_slice %arg11[%add3A_125, %dma_start3A_355] : memref<10240x128xf32, #tpu.memory_space<vmem_shared>> -> memref<64x128xf32, #tpu.memory_space<vmem_shared>>
      tpu.enqueue_dma source(%arg10 : memref<64x128xf32, #tpu.memory_space<vmem>>) target(%dma_start3A_356 : memref<64x128xf32, #tpu.memory_space<vmem_shared>>) target_semaphore(%run_scoped3A_352 : memref<!tpu.dma_semaphore, #tpu.memory_space<semaphore_mem>>)
      %dma_wait3A = arith.constant 0 : i32
      %dma_wait3A_357 = tpu.memref_slice %arg11[%add3A_125, %dma_wait3A] : memref<10240x128xf32, #tpu.memory_space<vmem_shared>> -> memref<64x128xf32, #tpu.memory_space<vmem_shared>>
      %dma_wait3A_358 = arith.constant 0 : i32
      %dma_wait3A_359 = tpu.memref_slice %arg11[%add3A_125, %dma_wait3A_358] : memref<10240x128xf32, #tpu.memory_space<vmem_shared>> -> memref<64x128xf32, #tpu.memory_space<vmem_shared>>
      tpu.wait_dma2 semaphore(%run_scoped3A_352 : memref<!tpu.dma_semaphore, #tpu.memory_space<semaphore_mem>>) src(%arg10 : memref<64x128xf32, #tpu.memory_space<vmem>>) dst(%dma_wait3A_359 : memref<64x128xf32, #tpu.memory_space<vmem_shared>>)
      tpu.yield
    }) : () -> ()
    %barrier3A_126 = arith.constant 0 : index
    tpu.barrier barrier_id(%barrier3A_126)
    %dma_start3A_127 = arith.constant 1 : i32
    %dma_start3A_128 = arith.constant 0 : i32
    %dma_start3A_129 = arith.constant 0 : i32
    %dma_start3A_130 = arith.constant 0 : i32
    %dma_start3A_131 = arith.constant 0 : i32
    %dma_start3A_132 = tpu.memref_slice %arg9[%dma_start3A_129, %dma_start3A_130, %dma_start3A_131] : memref<2x100x128xf32, #tpu.memory_space<vmem>> -> memref<1x100x128xf32, #tpu.memory_space<vmem>>
    %dma_start3A_133 = tpu.memref_squeeze %dma_start3A_132 : memref<1x100x128xf32, #tpu.memory_space<vmem>> -> memref<100x128xf32, #tpu.memory_space<vmem>>
    %dma_start3A_134 = arith.constant 0 : i32
    %dma_start3A_135 = tpu.memref_slice %arg7[%dma_start3A_128, %dma_start3A_134] : memref<50x100xi32, #tpu.memory_space<vmem>> -> memref<1x100xi32, #tpu.memory_space<vmem>>
    %dma_start3A_136 = tpu.memref_squeeze %dma_start3A_135 : memref<1x100xi32, #tpu.memory_space<vmem>> -> memref<100xi32, #tpu.memory_space<vmem>>
    %dma_start3A_137 = arith.constant 0 : i32
    %dma_start3A_138 = arith.constant 0 : i32
    %dma_start3A_139 = tpu.memref_slice %arg2[%dma_start3A_127, %dma_start3A_137, %dma_start3A_138] : memref<4x10000x128xf32, #tpu.memory_space<hbm>> -> memref<1x10000x128xf32, #tpu.memory_space<hbm>>
    %dma_start3A_140 = tpu.memref_squeeze %dma_start3A_139 : memref<1x10000x128xf32, #tpu.memory_space<hbm>> -> memref<10000x128xf32, #tpu.memory_space<hbm>>
    %dma_start3A_141 = arith.constant 0 : i32
    %dma_start3A_142 = arith.constant 0 : i32
    %dma_start3A_143 = tpu.memref_slice %dma_start3A_140[%dma_start3A_141, %dma_start3A_142] : memref<10000x128xf32, #tpu.memory_space<hbm>> -> memref<10000x128xf32, #tpu.memory_space<hbm>>
    tpu.enqueue_indirect_dma source(%dma_start3A_143 : memref<10000x128xf32, #tpu.memory_space<hbm>>) target(%dma_start3A_133 : memref<100x128xf32, #tpu.memory_space<vmem>>) offsets(%dma_start3A_136 : memref<100xi32, #tpu.memory_space<vmem>>) semaphore(%arg12 : memref<!tpu.dma_semaphore, #tpu.memory_space<semaphore_mem>>)
    %dma_start3A_144 = arith.constant 1 : i32
    %dma_start3A_145 = arith.constant 1 : i32
    %dma_start3A_146 = arith.constant 1 : i32
    %dma_start3A_147 = arith.constant 0 : i32
    %dma_start3A_148 = arith.constant 0 : i32
    %dma_start3A_149 = tpu.memref_slice %arg9[%dma_start3A_146, %dma_start3A_147, %dma_start3A_148] : memref<2x100x128xf32, #tpu.memory_space<vmem>> -> memref<1x100x128xf32, #tpu.memory_space<vmem>>
    %dma_start3A_150 = tpu.memref_squeeze %dma_start3A_149 : memref<1x100x128xf32, #tpu.memory_space<vmem>> -> memref<100x128xf32, #tpu.memory_space<vmem>>
    %dma_start3A_151 = arith.constant 0 : i32
    %dma_start3A_152 = tpu.memref_slice %arg7[%dma_start3A_145, %dma_start3A_151] : memref<50x100xi32, #tpu.memory_space<vmem>> -> memref<1x100xi32, #tpu.memory_space<vmem>>
    %dma_start3A_153 = tpu.memref_squeeze %dma_start3A_152 : memref<1x100xi32, #tpu.memory_space<vmem>> -> memref<100xi32, #tpu.memory_space<vmem>>
    %dma_start3A_154 = arith.constant 0 : i32
    %dma_start3A_155 = arith.constant 0 : i32
    %dma_start3A_156 = tpu.memref_slice %arg2[%dma_start3A_144, %dma_start3A_154, %dma_start3A_155] : memref<4x10000x128xf32, #tpu.memory_space<hbm>> -> memref<1x10000x128xf32, #tpu.memory_space<hbm>>
    %dma_start3A_157 = tpu.memref_squeeze %dma_start3A_156 : memref<1x10000x128xf32, #tpu.memory_space<hbm>> -> memref<10000x128xf32, #tpu.memory_space<hbm>>
    %dma_start3A_158 = arith.constant 0 : i32
    %dma_start3A_159 = arith.constant 0 : i32
    %dma_start3A_160 = tpu.memref_slice %dma_start3A_157[%dma_start3A_158, %dma_start3A_159] : memref<10000x128xf32, #tpu.memory_space<hbm>> -> memref<10000x128xf32, #tpu.memory_space<hbm>>
    tpu.enqueue_indirect_dma source(%dma_start3A_160 : memref<10000x128xf32, #tpu.memory_space<hbm>>) target(%dma_start3A_150 : memref<100x128xf32, #tpu.memory_space<vmem>>) offsets(%dma_start3A_153 : memref<100xi32, #tpu.memory_space<vmem>>) semaphore(%arg13 : memref<!tpu.dma_semaphore, #tpu.memory_space<semaphore_mem>>)
    %scan3A_161 = arith.constant 0 : i32
    %scan3A_162 = arith.constant 1 : i32
    %scan3A_163 = arith.constant 0 : i32
    %scan3A_164 = arith.constant 25 : i32
    %scan3A_165 = arith.addi %scan3A_163, %scan3A_164 : i32
    %scan3A_166 = arith.constant 1 : i32
    scf.for %scan3A_352 = %scan3A_163 to %scan3A_165 step %scan3A_166  : i32 {
      %mul3A_353 = arith.constant 2 : i32
      %mul3A_354 = arith.muli %scan3A_352, %mul3A_353 : i32
      %add3A_355 = arith.constant 0 : i32
      %add3A_356 = arith.addi %mul3A_354, %add3A_355 : i32
      %dma_wait3A = arith.constant 0 : i32
      %dma_wait3A_357 = arith.constant 0 : i32
      %dma_wait3A_358 = arith.constant 0 : i32
      %dma_wait3A_359 = tpu.memref_slice %arg9[%dma_wait3A, %dma_wait3A_357, %dma_wait3A_358] : memref<2x100x128xf32, #tpu.memory_space<vmem>> -> memref<1x100x128xf32, #tpu.memory_space<vmem>>
      %dma_wait3A_360 = tpu.memref_squeeze %dma_wait3A_359 : memref<1x100x128xf32, #tpu.memory_space<vmem>> -> memref<100x128xf32, #tpu.memory_space<vmem>>
      %dma_wait3A_361 = arith.constant 0 : i32
      %dma_wait3A_362 = tpu.memref_slice %arg7[%add3A_356, %dma_wait3A_361] : memref<50x100xi32, #tpu.memory_space<vmem>> -> memref<1x100xi32, #tpu.memory_space<vmem>>
      %dma_wait3A_363 = tpu.memref_squeeze %dma_wait3A_362 : memref<1x100xi32, #tpu.memory_space<vmem>> -> memref<100xi32, #tpu.memory_space<vmem>>
      %dma_wait3A_364 = arith.constant 0 : i32
      %dma_wait3A_365 = arith.constant 0 : i32
      %dma_wait3A_366 = tpu.memref_slice %arg2[%scan3A_162, %dma_wait3A_364, %dma_wait3A_365] : memref<4x10000x128xf32, #tpu.memory_space<hbm>> -> memref<1x10000x128xf32, #tpu.memory_space<hbm>>
      %dma_wait3A_367 = tpu.memref_squeeze %dma_wait3A_366 : memref<1x10000x128xf32, #tpu.memory_space<hbm>> -> memref<10000x128xf32, #tpu.memory_space<hbm>>
      %dma_wait3A_368 = arith.constant 0 : i32
      %dma_wait3A_369 = arith.constant 0 : i32
      %dma_wait3A_370 = tpu.memref_slice %dma_wait3A_367[%dma_wait3A_368, %dma_wait3A_369] : memref<10000x128xf32, #tpu.memory_space<hbm>> -> memref<10000x128xf32, #tpu.memory_space<hbm>>
      tpu.wait_indirect_dma semaphore(%arg12 : memref<!tpu.dma_semaphore, #tpu.memory_space<semaphore_mem>>) src(%dma_wait3A_370 : memref<10000x128xf32, #tpu.memory_space<hbm>>) dst(%dma_wait3A_360 : memref<100x128xf32, #tpu.memory_space<vmem>>)
      %run_scoped3A_371 = arith.constant 0 : i32
      "tpu.region"() ({
        %run_scoped3A_403 = tpu.sem_alloc : memref<!tpu.dma_semaphore, #tpu.memory_space<semaphore_mem>>
        %dma_start3A_404 = arith.constant 0 : i32
        %dma_start3A_405 = arith.constant 0 : i32
        %dma_start3A_406 = tpu.memref_slice %arg9[%run_scoped3A_371, %dma_start3A_404, %dma_start3A_405] : memref<2x100x128xf32, #tpu.memory_space<vmem>> -> memref<1x100x128xf32, #tpu.memory_space<vmem>>
        %dma_start3A_407 = tpu.memref_squeeze %dma_start3A_406 : memref<1x100x128xf32, #tpu.memory_space<vmem>> -> memref<100x128xf32, #tpu.memory_space<vmem>>
        %dma_start3A_408 = arith.constant 0 : i32
        %dma_start3A_409 = tpu.memref_slice %arg8[%add3A_356, %dma_start3A_408] : memref<50x100xi32, #tpu.memory_space<vmem>> -> memref<1x100xi32, #tpu.memory_space<vmem>>
        %dma_start3A_410 = tpu.memref_squeeze %dma_start3A_409 : memref<1x100xi32, #tpu.memory_space<vmem>> -> memref<100xi32, #tpu.memory_space<vmem>>
        %dma_start3A_411 = arith.constant 0 : i32
        %dma_start3A_412 = arith.constant 0 : i32
        %dma_start3A_413 = tpu.memref_slice %arg11[%dma_start3A_411, %dma_start3A_412] : memref<10240x128xf32, #tpu.memory_space<vmem_shared>> -> memref<10240x128xf32, #tpu.memory_space<vmem_shared>>
        tpu.enqueue_indirect_dma source(%dma_start3A_407 : memref<100x128xf32, #tpu.memory_space<vmem>>) target(%dma_start3A_413 : memref<10240x128xf32, #tpu.memory_space<vmem_shared>>) offsets(%dma_start3A_410 : memref<100xi32, #tpu.memory_space<vmem>>) semaphore(%run_scoped3A_403 : memref<!tpu.dma_semaphore, #tpu.memory_space<semaphore_mem>>) {add = true}
        %dma_wait3A_414 = arith.constant 0 : i32
        %dma_wait3A_415 = arith.constant 0 : i32
        %dma_wait3A_416 = tpu.memref_slice %arg9[%run_scoped3A_371, %dma_wait3A_414, %dma_wait3A_415] : memref<2x100x128xf32, #tpu.memory_space<vmem>> -> memref<1x100x128xf32, #tpu.memory_space<vmem>>
        %dma_wait3A_417 = tpu.memref_squeeze %dma_wait3A_416 : memref<1x100x128xf32, #tpu.memory_space<vmem>> -> memref<100x128xf32, #tpu.memory_space<vmem>>
        %dma_wait3A_418 = arith.constant 0 : i32
        %dma_wait3A_419 = tpu.memref_slice %arg8[%add3A_356, %dma_wait3A_418] : memref<50x100xi32, #tpu.memory_space<vmem>> -> memref<1x100xi32, #tpu.memory_space<vmem>>
        %dma_wait3A_420 = tpu.memref_squeeze %dma_wait3A_419 : memref<1x100xi32, #tpu.memory_space<vmem>> -> memref<100xi32, #tpu.memory_space<vmem>>
        %dma_wait3A_421 = arith.constant 0 : i32
        %dma_wait3A_422 = arith.constant 0 : i32
        %dma_wait3A_423 = tpu.memref_slice %arg11[%dma_wait3A_421, %dma_wait3A_422] : memref<10240x128xf32, #tpu.memory_space<vmem_shared>> -> memref<10240x128xf32, #tpu.memory_space<vmem_shared>>
        tpu.wait_indirect_dma semaphore(%run_scoped3A_403 : memref<!tpu.dma_semaphore, #tpu.memory_space<semaphore_mem>>) src(%dma_wait3A_417 : memref<100x128xf32, #tpu.memory_space<vmem>>) dst(%dma_wait3A_423 : memref<10240x128xf32, #tpu.memory_space<vmem_shared>>)
        tpu.yield
      }) : () -> ()
      %add3A_372 = arith.constant 2 : i32
      %add3A_373 = arith.addi %add3A_356, %add3A_372 : i32
      %lt3A = arith.constant 50 : i32
      %lt3A_374 = arith.cmpi slt, %add3A_373, %lt3A : i32
      %convert_element_type3A = arith.extui %lt3A_374 : i1 to i32
      %cond3A = arith.constant 0 : i32
      %cond3A_375 = arith.cmpi ne, %convert_element_type3A, %cond3A : i32
      scf.if %cond3A_375 {
        %add3A_403 = arith.constant 2 : i32
        %add3A_404 = arith.addi %add3A_356, %add3A_403 : i32
        %dma_start3A_405 = arith.constant 0 : i32
        %dma_start3A_406 = arith.constant 0 : i32
        %dma_start3A_407 = arith.constant 0 : i32
        %dma_start3A_408 = tpu.memref_slice %arg9[%dma_start3A_405, %dma_start3A_406, %dma_start3A_407] : memref<2x100x128xf32, #tpu.memory_space<vmem>> -> memref<1x100x128xf32, #tpu.memory_space<vmem>>
        %dma_start3A_409 = tpu.memref_squeeze %dma_start3A_408 : memref<1x100x128xf32, #tpu.memory_space<vmem>> -> memref<100x128xf32, #tpu.memory_space<vmem>>
        %dma_start3A_410 = arith.constant 0 : i32
        %dma_start3A_411 = tpu.memref_slice %arg7[%add3A_404, %dma_start3A_410] : memref<50x100xi32, #tpu.memory_space<vmem>> -> memref<1x100xi32, #tpu.memory_space<vmem>>
        %dma_start3A_412 = tpu.memref_squeeze %dma_start3A_411 : memref<1x100xi32, #tpu.memory_space<vmem>> -> memref<100xi32, #tpu.memory_space<vmem>>
        %dma_start3A_413 = arith.constant 0 : i32
        %dma_start3A_414 = arith.constant 0 : i32
        %dma_start3A_415 = tpu.memref_slice %arg2[%scan3A_162, %dma_start3A_413, %dma_start3A_414] : memref<4x10000x128xf32, #tpu.memory_space<hbm>> -> memref<1x10000x128xf32, #tpu.memory_space<hbm>>
        %dma_start3A_416 = tpu.memref_squeeze %dma_start3A_415 : memref<1x10000x128xf32, #tpu.memory_space<hbm>> -> memref<10000x128xf32, #tpu.memory_space<hbm>>
        %dma_start3A_417 = arith.constant 0 : i32
        %dma_start3A_418 = arith.constant 0 : i32
        %dma_start3A_419 = tpu.memref_slice %dma_start3A_416[%dma_start3A_417, %dma_start3A_418] : memref<10000x128xf32, #tpu.memory_space<hbm>> -> memref<10000x128xf32, #tpu.memory_space<hbm>>
        tpu.enqueue_indirect_dma source(%dma_start3A_419 : memref<10000x128xf32, #tpu.memory_space<hbm>>) target(%dma_start3A_409 : memref<100x128xf32, #tpu.memory_space<vmem>>) offsets(%dma_start3A_412 : memref<100xi32, #tpu.memory_space<vmem>>) semaphore(%arg12 : memref<!tpu.dma_semaphore, #tpu.memory_space<semaphore_mem>>)
      } else {
      }
      %mul3A_376 = arith.constant 2 : i32
      %mul3A_377 = arith.muli %scan3A_352, %mul3A_376 : i32
      %add3A_378 = arith.constant 1 : i32
      %add3A_379 = arith.addi %mul3A_377, %add3A_378 : i32
      %dma_wait3A_380 = arith.constant 1 : i32
      %dma_wait3A_381 = arith.constant 0 : i32
      %dma_wait3A_382 = arith.constant 0 : i32
      %dma_wait3A_383 = tpu.memref_slice %arg9[%dma_wait3A_380, %dma_wait3A_381, %dma_wait3A_382] : memref<2x100x128xf32, #tpu.memory_space<vmem>> -> memref<1x100x128xf32, #tpu.memory_space<vmem>>
      %dma_wait3A_384 = tpu.memref_squeeze %dma_wait3A_383 : memref<1x100x128xf32, #tpu.memory_space<vmem>> -> memref<100x128xf32, #tpu.memory_space<vmem>>
      %dma_wait3A_385 = arith.constant 0 : i32
      %dma_wait3A_386 = tpu.memref_slice %arg7[%add3A_379, %dma_wait3A_385] : memref<50x100xi32, #tpu.memory_space<vmem>> -> memref<1x100xi32, #tpu.memory_space<vmem>>
      %dma_wait3A_387 = tpu.memref_squeeze %dma_wait3A_386 : memref<1x100xi32, #tpu.memory_space<vmem>> -> memref<100xi32, #tpu.memory_space<vmem>>
      %dma_wait3A_388 = arith.constant 0 : i32
      %dma_wait3A_389 = arith.constant 0 : i32
      %dma_wait3A_390 = tpu.memref_slice %arg2[%scan3A_162, %dma_wait3A_388, %dma_wait3A_389] : memref<4x10000x128xf32, #tpu.memory_space<hbm>> -> memref<1x10000x128xf32, #tpu.memory_space<hbm>>
      %dma_wait3A_391 = tpu.memref_squeeze %dma_wait3A_390 : memref<1x10000x128xf32, #tpu.memory_space<hbm>> -> memref<10000x128xf32, #tpu.memory_space<hbm>>
      %dma_wait3A_392 = arith.constant 0 : i32
      %dma_wait3A_393 = arith.constant 0 : i32
      %dma_wait3A_394 = tpu.memref_slice %dma_wait3A_391[%dma_wait3A_392, %dma_wait3A_393] : memref<10000x128xf32, #tpu.memory_space<hbm>> -> memref<10000x128xf32, #tpu.memory_space<hbm>>
      tpu.wait_indirect_dma semaphore(%arg13 : memref<!tpu.dma_semaphore, #tpu.memory_space<semaphore_mem>>) src(%dma_wait3A_394 : memref<10000x128xf32, #tpu.memory_space<hbm>>) dst(%dma_wait3A_384 : memref<100x128xf32, #tpu.memory_space<vmem>>)
      %run_scoped3A_395 = arith.constant 1 : i32
      "tpu.region"() ({
        %run_scoped3A_403 = tpu.sem_alloc : memref<!tpu.dma_semaphore, #tpu.memory_space<semaphore_mem>>
        %dma_start3A_404 = arith.constant 0 : i32
        %dma_start3A_405 = arith.constant 0 : i32
        %dma_start3A_406 = tpu.memref_slice %arg9[%run_scoped3A_395, %dma_start3A_404, %dma_start3A_405] : memref<2x100x128xf32, #tpu.memory_space<vmem>> -> memref<1x100x128xf32, #tpu.memory_space<vmem>>
        %dma_start3A_407 = tpu.memref_squeeze %dma_start3A_406 : memref<1x100x128xf32, #tpu.memory_space<vmem>> -> memref<100x128xf32, #tpu.memory_space<vmem>>
        %dma_start3A_408 = arith.constant 0 : i32
        %dma_start3A_409 = tpu.memref_slice %arg8[%add3A_379, %dma_start3A_408] : memref<50x100xi32, #tpu.memory_space<vmem>> -> memref<1x100xi32, #tpu.memory_space<vmem>>
        %dma_start3A_410 = tpu.memref_squeeze %dma_start3A_409 : memref<1x100xi32, #tpu.memory_space<vmem>> -> memref<100xi32, #tpu.memory_space<vmem>>
        %dma_start3A_411 = arith.constant 0 : i32
        %dma_start3A_412 = arith.constant 0 : i32
        %dma_start3A_413 = tpu.memref_slice %arg11[%dma_start3A_411, %dma_start3A_412] : memref<10240x128xf32, #tpu.memory_space<vmem_shared>> -> memref<10240x128xf32, #tpu.memory_space<vmem_shared>>
        tpu.enqueue_indirect_dma source(%dma_start3A_407 : memref<100x128xf32, #tpu.memory_space<vmem>>) target(%dma_start3A_413 : memref<10240x128xf32, #tpu.memory_space<vmem_shared>>) offsets(%dma_start3A_410 : memref<100xi32, #tpu.memory_space<vmem>>) semaphore(%run_scoped3A_403 : memref<!tpu.dma_semaphore, #tpu.memory_space<semaphore_mem>>) {add = true}
        %dma_wait3A_414 = arith.constant 0 : i32
        %dma_wait3A_415 = arith.constant 0 : i32
        %dma_wait3A_416 = tpu.memref_slice %arg9[%run_scoped3A_395, %dma_wait3A_414, %dma_wait3A_415] : memref<2x100x128xf32, #tpu.memory_space<vmem>> -> memref<1x100x128xf32, #tpu.memory_space<vmem>>
        %dma_wait3A_417 = tpu.memref_squeeze %dma_wait3A_416 : memref<1x100x128xf32, #tpu.memory_space<vmem>> -> memref<100x128xf32, #tpu.memory_space<vmem>>
        %dma_wait3A_418 = arith.constant 0 : i32
        %dma_wait3A_419 = tpu.memref_slice %arg8[%add3A_379, %dma_wait3A_418] : memref<50x100xi32, #tpu.memory_space<vmem>> -> memref<1x100xi32, #tpu.memory_space<vmem>>
        %dma_wait3A_420 = tpu.memref_squeeze %dma_wait3A_419 : memref<1x100xi32, #tpu.memory_space<vmem>> -> memref<100xi32, #tpu.memory_space<vmem>>
        %dma_wait3A_421 = arith.constant 0 : i32
        %dma_wait3A_422 = arith.constant 0 : i32
        %dma_wait3A_423 = tpu.memref_slice %arg11[%dma_wait3A_421, %dma_wait3A_422] : memref<10240x128xf32, #tpu.memory_space<vmem_shared>> -> memref<10240x128xf32, #tpu.memory_space<vmem_shared>>
        tpu.wait_indirect_dma semaphore(%run_scoped3A_403 : memref<!tpu.dma_semaphore, #tpu.memory_space<semaphore_mem>>) src(%dma_wait3A_417 : memref<100x128xf32, #tpu.memory_space<vmem>>) dst(%dma_wait3A_423 : memref<10240x128xf32, #tpu.memory_space<vmem_shared>>)
        tpu.yield
      }) : () -> ()
      %add3A_396 = arith.constant 2 : i32
      %add3A_397 = arith.addi %add3A_379, %add3A_396 : i32
      %lt3A_398 = arith.constant 50 : i32
      %lt3A_399 = arith.cmpi slt, %add3A_397, %lt3A_398 : i32
      %convert_element_type3A_400 = arith.extui %lt3A_399 : i1 to i32
      %cond3A_401 = arith.constant 0 : i32
      %cond3A_402 = arith.cmpi ne, %convert_element_type3A_400, %cond3A_401 : i32
      scf.if %cond3A_402 {
        %add3A_403 = arith.constant 2 : i32
        %add3A_404 = arith.addi %add3A_379, %add3A_403 : i32
        %dma_start3A_405 = arith.constant 1 : i32
        %dma_start3A_406 = arith.constant 0 : i32
        %dma_start3A_407 = arith.constant 0 : i32
        %dma_start3A_408 = tpu.memref_slice %arg9[%dma_start3A_405, %dma_start3A_406, %dma_start3A_407] : memref<2x100x128xf32, #tpu.memory_space<vmem>> -> memref<1x100x128xf32, #tpu.memory_space<vmem>>
        %dma_start3A_409 = tpu.memref_squeeze %dma_start3A_408 : memref<1x100x128xf32, #tpu.memory_space<vmem>> -> memref<100x128xf32, #tpu.memory_space<vmem>>
        %dma_start3A_410 = arith.constant 0 : i32
        %dma_start3A_411 = tpu.memref_slice %arg7[%add3A_404, %dma_start3A_410] : memref<50x100xi32, #tpu.memory_space<vmem>> -> memref<1x100xi32, #tpu.memory_space<vmem>>
        %dma_start3A_412 = tpu.memref_squeeze %dma_start3A_411 : memref<1x100xi32, #tpu.memory_space<vmem>> -> memref<100xi32, #tpu.memory_space<vmem>>
        %dma_start3A_413 = arith.constant 0 : i32
        %dma_start3A_414 = arith.constant 0 : i32
        %dma_start3A_415 = tpu.memref_slice %arg2[%scan3A_162, %dma_start3A_413, %dma_start3A_414] : memref<4x10000x128xf32, #tpu.memory_space<hbm>> -> memref<1x10000x128xf32, #tpu.memory_space<hbm>>
        %dma_start3A_416 = tpu.memref_squeeze %dma_start3A_415 : memref<1x10000x128xf32, #tpu.memory_space<hbm>> -> memref<10000x128xf32, #tpu.memory_space<hbm>>
        %dma_start3A_417 = arith.constant 0 : i32
        %dma_start3A_418 = arith.constant 0 : i32
        %dma_start3A_419 = tpu.memref_slice %dma_start3A_416[%dma_start3A_417, %dma_start3A_418] : memref<10000x128xf32, #tpu.memory_space<hbm>> -> memref<10000x128xf32, #tpu.memory_space<hbm>>
        tpu.enqueue_indirect_dma source(%dma_start3A_419 : memref<10000x128xf32, #tpu.memory_space<hbm>>) target(%dma_start3A_409 : memref<100x128xf32, #tpu.memory_space<vmem>>) offsets(%dma_start3A_412 : memref<100xi32, #tpu.memory_space<vmem>>) semaphore(%arg13 : memref<!tpu.dma_semaphore, #tpu.memory_space<semaphore_mem>>)
      } else {
      }
    }
    %scan3A_167 = arith.constant 25 : i32
    %barrier3A_168 = arith.constant 0 : index
    tpu.barrier barrier_id(%barrier3A_168)
    %mul3A_169 = arith.constant 640 : i32
    %mul3A_170 = arith.muli %arg1, %mul3A_169 : i32
    %mul3A_171 = arith.constant 640 : i32
    %mul3A_172 = arith.muli %arg1, %mul3A_171 : i32
    %run_scoped3A_173 = arith.constant 1 : i32
    "tpu.region"() ({
      %run_scoped3A_352 = tpu.sem_alloc : memref<!tpu.dma_semaphore, #tpu.memory_space<semaphore_mem>>
      %dma_start3A_353 = arith.constant 0 : i32
      %dma_start3A_354 = tpu.memref_slice %arg6[%run_scoped3A_173, %arg0, %mul3A_172, %dma_start3A_353] : memref<4x2x10240x128xf32, #tpu.memory_space<hbm>> -> memref<1x1x640x128xf32, #tpu.memory_space<hbm>>
      %dma_start3A_355 = tpu.memref_squeeze %dma_start3A_354 : memref<1x1x640x128xf32, #tpu.memory_space<hbm>> -> memref<640x128xf32, #tpu.memory_space<hbm>>
      %dma_start3A_356 = arith.constant 0 : i32
      %dma_start3A_357 = tpu.memref_slice %arg11[%mul3A_170, %dma_start3A_356] : memref<10240x128xf32, #tpu.memory_space<vmem_shared>> -> memref<640x128xf32, #tpu.memory_space<vmem_shared>>
      tpu.enqueue_dma source(%dma_start3A_357 : memref<640x128xf32, #tpu.memory_space<vmem_shared>>) target(%dma_start3A_355 : memref<640x128xf32, #tpu.memory_space<hbm>>) target_semaphore(%run_scoped3A_352 : memref<!tpu.dma_semaphore, #tpu.memory_space<semaphore_mem>>)
      %dma_wait3A = arith.constant 0 : i32
      %dma_wait3A_358 = tpu.memref_slice %arg6[%run_scoped3A_173, %arg0, %mul3A_172, %dma_wait3A] : memref<4x2x10240x128xf32, #tpu.memory_space<hbm>> -> memref<1x1x640x128xf32, #tpu.memory_space<hbm>>
      %dma_wait3A_359 = tpu.memref_squeeze %dma_wait3A_358 : memref<1x1x640x128xf32, #tpu.memory_space<hbm>> -> memref<640x128xf32, #tpu.memory_space<hbm>>
      %dma_wait3A_360 = arith.constant 0 : i32
      %dma_wait3A_361 = tpu.memref_slice %arg11[%mul3A_170, %dma_wait3A_360] : memref<10240x128xf32, #tpu.memory_space<vmem_shared>> -> memref<640x128xf32, #tpu.memory_space<vmem_shared>>
      tpu.wait_dma2 semaphore(%run_scoped3A_352 : memref<!tpu.dma_semaphore, #tpu.memory_space<semaphore_mem>>) src(%dma_wait3A_361 : memref<640x128xf32, #tpu.memory_space<vmem_shared>>) dst(%dma_wait3A_359 : memref<640x128xf32, #tpu.memory_space<hbm>>)
      tpu.yield
    }) : () -> ()
    %barrier3A_174 = arith.constant 0 : index
    tpu.barrier barrier_id(%barrier3A_174)
    %mul3A_175 = arith.constant 640 : i32
    %mul3A_176 = arith.muli %arg1, %mul3A_175 : i32
    %add3A_177 = arith.constant 0 : i32
    %add3A_178 = arith.addi %mul3A_176, %add3A_177 : i32
    "tpu.region"() ({
      %run_scoped3A_352 = tpu.sem_alloc : memref<!tpu.dma_semaphore, #tpu.memory_space<semaphore_mem>>
      %dma_start3A_353 = arith.constant 0 : i32
      %dma_start3A_354 = tpu.memref_slice %arg11[%add3A_178, %dma_start3A_353] : memref<10240x128xf32, #tpu.memory_space<vmem_shared>> -> memref<64x128xf32, #tpu.memory_space<vmem_shared>>
      %dma_start3A_355 = arith.constant 0 : i32
      %dma_start3A_356 = tpu.memref_slice %arg11[%add3A_178, %dma_start3A_355] : memref<10240x128xf32, #tpu.memory_space<vmem_shared>> -> memref<64x128xf32, #tpu.memory_space<vmem_shared>>
      tpu.enqueue_dma source(%arg10 : memref<64x128xf32, #tpu.memory_space<vmem>>) target(%dma_start3A_356 : memref<64x128xf32, #tpu.memory_space<vmem_shared>>) target_semaphore(%run_scoped3A_352 : memref<!tpu.dma_semaphore, #tpu.memory_space<semaphore_mem>>)
      %dma_wait3A = arith.constant 0 : i32
      %dma_wait3A_357 = tpu.memref_slice %arg11[%add3A_178, %dma_wait3A] : memref<10240x128xf32, #tpu.memory_space<vmem_shared>> -> memref<64x128xf32, #tpu.memory_space<vmem_shared>>
      %dma_wait3A_358 = arith.constant 0 : i32
      %dma_wait3A_359 = tpu.memref_slice %arg11[%add3A_178, %dma_wait3A_358] : memref<10240x128xf32, #tpu.memory_space<vmem_shared>> -> memref<64x128xf32, #tpu.memory_space<vmem_shared>>
      tpu.wait_dma2 semaphore(%run_scoped3A_352 : memref<!tpu.dma_semaphore, #tpu.memory_space<semaphore_mem>>) src(%arg10 : memref<64x128xf32, #tpu.memory_space<vmem>>) dst(%dma_wait3A_359 : memref<64x128xf32, #tpu.memory_space<vmem_shared>>)
      tpu.yield
    }) : () -> ()
    %mul3A_179 = arith.constant 640 : i32
    %mul3A_180 = arith.muli %arg1, %mul3A_179 : i32
    %add3A_181 = arith.constant 64 : i32
    %add3A_182 = arith.addi %mul3A_180, %add3A_181 : i32
    "tpu.region"() ({
      %run_scoped3A_352 = tpu.sem_alloc : memref<!tpu.dma_semaphore, #tpu.memory_space<semaphore_mem>>
      %dma_start3A_353 = arith.constant 0 : i32
      %dma_start3A_354 = tpu.memref_slice %arg11[%add3A_182, %dma_start3A_353] : memref<10240x128xf32, #tpu.memory_space<vmem_shared>> -> memref<64x128xf32, #tpu.memory_space<vmem_shared>>
      %dma_start3A_355 = arith.constant 0 : i32
      %dma_start3A_356 = tpu.memref_slice %arg11[%add3A_182, %dma_start3A_355] : memref<10240x128xf32, #tpu.memory_space<vmem_shared>> -> memref<64x128xf32, #tpu.memory_space<vmem_shared>>
      tpu.enqueue_dma source(%arg10 : memref<64x128xf32, #tpu.memory_space<vmem>>) target(%dma_start3A_356 : memref<64x128xf32, #tpu.memory_space<vmem_shared>>) target_semaphore(%run_scoped3A_352 : memref<!tpu.dma_semaphore, #tpu.memory_space<semaphore_mem>>)
      %dma_wait3A = arith.constant 0 : i32
      %dma_wait3A_357 = tpu.memref_slice %arg11[%add3A_182, %dma_wait3A] : memref<10240x128xf32, #tpu.memory_space<vmem_shared>> -> memref<64x128xf32, #tpu.memory_space<vmem_shared>>
      %dma_wait3A_358 = arith.constant 0 : i32
      %dma_wait3A_359 = tpu.memref_slice %arg11[%add3A_182, %dma_wait3A_358] : memref<10240x128xf32, #tpu.memory_space<vmem_shared>> -> memref<64x128xf32, #tpu.memory_space<vmem_shared>>
      tpu.wait_dma2 semaphore(%run_scoped3A_352 : memref<!tpu.dma_semaphore, #tpu.memory_space<semaphore_mem>>) src(%arg10 : memref<64x128xf32, #tpu.memory_space<vmem>>) dst(%dma_wait3A_359 : memref<64x128xf32, #tpu.memory_space<vmem_shared>>)
      tpu.yield
    }) : () -> ()
    %mul3A_183 = arith.constant 640 : i32
    %mul3A_184 = arith.muli %arg1, %mul3A_183 : i32
    %add3A_185 = arith.constant 128 : i32
    %add3A_186 = arith.addi %mul3A_184, %add3A_185 : i32
    "tpu.region"() ({
      %run_scoped3A_352 = tpu.sem_alloc : memref<!tpu.dma_semaphore, #tpu.memory_space<semaphore_mem>>
      %dma_start3A_353 = arith.constant 0 : i32
      %dma_start3A_354 = tpu.memref_slice %arg11[%add3A_186, %dma_start3A_353] : memref<10240x128xf32, #tpu.memory_space<vmem_shared>> -> memref<64x128xf32, #tpu.memory_space<vmem_shared>>
      %dma_start3A_355 = arith.constant 0 : i32
      %dma_start3A_356 = tpu.memref_slice %arg11[%add3A_186, %dma_start3A_355] : memref<10240x128xf32, #tpu.memory_space<vmem_shared>> -> memref<64x128xf32, #tpu.memory_space<vmem_shared>>
      tpu.enqueue_dma source(%arg10 : memref<64x128xf32, #tpu.memory_space<vmem>>) target(%dma_start3A_356 : memref<64x128xf32, #tpu.memory_space<vmem_shared>>) target_semaphore(%run_scoped3A_352 : memref<!tpu.dma_semaphore, #tpu.memory_space<semaphore_mem>>)
      %dma_wait3A = arith.constant 0 : i32
      %dma_wait3A_357 = tpu.memref_slice %arg11[%add3A_186, %dma_wait3A] : memref<10240x128xf32, #tpu.memory_space<vmem_shared>> -> memref<64x128xf32, #tpu.memory_space<vmem_shared>>
      %dma_wait3A_358 = arith.constant 0 : i32
      %dma_wait3A_359 = tpu.memref_slice %arg11[%add3A_186, %dma_wait3A_358] : memref<10240x128xf32, #tpu.memory_space<vmem_shared>> -> memref<64x128xf32, #tpu.memory_space<vmem_shared>>
      tpu.wait_dma2 semaphore(%run_scoped3A_352 : memref<!tpu.dma_semaphore, #tpu.memory_space<semaphore_mem>>) src(%arg10 : memref<64x128xf32, #tpu.memory_space<vmem>>) dst(%dma_wait3A_359 : memref<64x128xf32, #tpu.memory_space<vmem_shared>>)
      tpu.yield
    }) : () -> ()
    %mul3A_187 = arith.constant 640 : i32
    %mul3A_188 = arith.muli %arg1, %mul3A_187 : i32
    %add3A_189 = arith.constant 192 : i32
    %add3A_190 = arith.addi %mul3A_188, %add3A_189 : i32
    "tpu.region"() ({
      %run_scoped3A_352 = tpu.sem_alloc : memref<!tpu.dma_semaphore, #tpu.memory_space<semaphore_mem>>
      %dma_start3A_353 = arith.constant 0 : i32
      %dma_start3A_354 = tpu.memref_slice %arg11[%add3A_190, %dma_start3A_353] : memref<10240x128xf32, #tpu.memory_space<vmem_shared>> -> memref<64x128xf32, #tpu.memory_space<vmem_shared>>
      %dma_start3A_355 = arith.constant 0 : i32
      %dma_start3A_356 = tpu.memref_slice %arg11[%add3A_190, %dma_start3A_355] : memref<10240x128xf32, #tpu.memory_space<vmem_shared>> -> memref<64x128xf32, #tpu.memory_space<vmem_shared>>
      tpu.enqueue_dma source(%arg10 : memref<64x128xf32, #tpu.memory_space<vmem>>) target(%dma_start3A_356 : memref<64x128xf32, #tpu.memory_space<vmem_shared>>) target_semaphore(%run_scoped3A_352 : memref<!tpu.dma_semaphore, #tpu.memory_space<semaphore_mem>>)
      %dma_wait3A = arith.constant 0 : i32
      %dma_wait3A_357 = tpu.memref_slice %arg11[%add3A_190, %dma_wait3A] : memref<10240x128xf32, #tpu.memory_space<vmem_shared>> -> memref<64x128xf32, #tpu.memory_space<vmem_shared>>
      %dma_wait3A_358 = arith.constant 0 : i32
      %dma_wait3A_359 = tpu.memref_slice %arg11[%add3A_190, %dma_wait3A_358] : memref<10240x128xf32, #tpu.memory_space<vmem_shared>> -> memref<64x128xf32, #tpu.memory_space<vmem_shared>>
      tpu.wait_dma2 semaphore(%run_scoped3A_352 : memref<!tpu.dma_semaphore, #tpu.memory_space<semaphore_mem>>) src(%arg10 : memref<64x128xf32, #tpu.memory_space<vmem>>) dst(%dma_wait3A_359 : memref<64x128xf32, #tpu.memory_space<vmem_shared>>)
      tpu.yield
    }) : () -> ()
    %mul3A_191 = arith.constant 640 : i32
    %mul3A_192 = arith.muli %arg1, %mul3A_191 : i32
    %add3A_193 = arith.constant 256 : i32
    %add3A_194 = arith.addi %mul3A_192, %add3A_193 : i32
    "tpu.region"() ({
      %run_scoped3A_352 = tpu.sem_alloc : memref<!tpu.dma_semaphore, #tpu.memory_space<semaphore_mem>>
      %dma_start3A_353 = arith.constant 0 : i32
      %dma_start3A_354 = tpu.memref_slice %arg11[%add3A_194, %dma_start3A_353] : memref<10240x128xf32, #tpu.memory_space<vmem_shared>> -> memref<64x128xf32, #tpu.memory_space<vmem_shared>>
      %dma_start3A_355 = arith.constant 0 : i32
      %dma_start3A_356 = tpu.memref_slice %arg11[%add3A_194, %dma_start3A_355] : memref<10240x128xf32, #tpu.memory_space<vmem_shared>> -> memref<64x128xf32, #tpu.memory_space<vmem_shared>>
      tpu.enqueue_dma source(%arg10 : memref<64x128xf32, #tpu.memory_space<vmem>>) target(%dma_start3A_356 : memref<64x128xf32, #tpu.memory_space<vmem_shared>>) target_semaphore(%run_scoped3A_352 : memref<!tpu.dma_semaphore, #tpu.memory_space<semaphore_mem>>)
      %dma_wait3A = arith.constant 0 : i32
      %dma_wait3A_357 = tpu.memref_slice %arg11[%add3A_194, %dma_wait3A] : memref<10240x128xf32, #tpu.memory_space<vmem_shared>> -> memref<64x128xf32, #tpu.memory_space<vmem_shared>>
      %dma_wait3A_358 = arith.constant 0 : i32
      %dma_wait3A_359 = tpu.memref_slice %arg11[%add3A_194, %dma_wait3A_358] : memref<10240x128xf32, #tpu.memory_space<vmem_shared>> -> memref<64x128xf32, #tpu.memory_space<vmem_shared>>
      tpu.wait_dma2 semaphore(%run_scoped3A_352 : memref<!tpu.dma_semaphore, #tpu.memory_space<semaphore_mem>>) src(%arg10 : memref<64x128xf32, #tpu.memory_space<vmem>>) dst(%dma_wait3A_359 : memref<64x128xf32, #tpu.memory_space<vmem_shared>>)
      tpu.yield
    }) : () -> ()
    %mul3A_195 = arith.constant 640 : i32
    %mul3A_196 = arith.muli %arg1, %mul3A_195 : i32
    %add3A_197 = arith.constant 320 : i32
    %add3A_198 = arith.addi %mul3A_196, %add3A_197 : i32
    "tpu.region"() ({
      %run_scoped3A_352 = tpu.sem_alloc : memref<!tpu.dma_semaphore, #tpu.memory_space<semaphore_mem>>
      %dma_start3A_353 = arith.constant 0 : i32
      %dma_start3A_354 = tpu.memref_slice %arg11[%add3A_198, %dma_start3A_353] : memref<10240x128xf32, #tpu.memory_space<vmem_shared>> -> memref<64x128xf32, #tpu.memory_space<vmem_shared>>
      %dma_start3A_355 = arith.constant 0 : i32
      %dma_start3A_356 = tpu.memref_slice %arg11[%add3A_198, %dma_start3A_355] : memref<10240x128xf32, #tpu.memory_space<vmem_shared>> -> memref<64x128xf32, #tpu.memory_space<vmem_shared>>
      tpu.enqueue_dma source(%arg10 : memref<64x128xf32, #tpu.memory_space<vmem>>) target(%dma_start3A_356 : memref<64x128xf32, #tpu.memory_space<vmem_shared>>) target_semaphore(%run_scoped3A_352 : memref<!tpu.dma_semaphore, #tpu.memory_space<semaphore_mem>>)
      %dma_wait3A = arith.constant 0 : i32
      %dma_wait3A_357 = tpu.memref_slice %arg11[%add3A_198, %dma_wait3A] : memref<10240x128xf32, #tpu.memory_space<vmem_shared>> -> memref<64x128xf32, #tpu.memory_space<vmem_shared>>
      %dma_wait3A_358 = arith.constant 0 : i32
      %dma_wait3A_359 = tpu.memref_slice %arg11[%add3A_198, %dma_wait3A_358] : memref<10240x128xf32, #tpu.memory_space<vmem_shared>> -> memref<64x128xf32, #tpu.memory_space<vmem_shared>>
      tpu.wait_dma2 semaphore(%run_scoped3A_352 : memref<!tpu.dma_semaphore, #tpu.memory_space<semaphore_mem>>) src(%arg10 : memref<64x128xf32, #tpu.memory_space<vmem>>) dst(%dma_wait3A_359 : memref<64x128xf32, #tpu.memory_space<vmem_shared>>)
      tpu.yield
    }) : () -> ()
    %mul3A_199 = arith.constant 640 : i32
    %mul3A_200 = arith.muli %arg1, %mul3A_199 : i32
    %add3A_201 = arith.constant 384 : i32
    %add3A_202 = arith.addi %mul3A_200, %add3A_201 : i32
    "tpu.region"() ({
      %run_scoped3A_352 = tpu.sem_alloc : memref<!tpu.dma_semaphore, #tpu.memory_space<semaphore_mem>>
      %dma_start3A_353 = arith.constant 0 : i32
      %dma_start3A_354 = tpu.memref_slice %arg11[%add3A_202, %dma_start3A_353] : memref<10240x128xf32, #tpu.memory_space<vmem_shared>> -> memref<64x128xf32, #tpu.memory_space<vmem_shared>>
      %dma_start3A_355 = arith.constant 0 : i32
      %dma_start3A_356 = tpu.memref_slice %arg11[%add3A_202, %dma_start3A_355] : memref<10240x128xf32, #tpu.memory_space<vmem_shared>> -> memref<64x128xf32, #tpu.memory_space<vmem_shared>>
      tpu.enqueue_dma source(%arg10 : memref<64x128xf32, #tpu.memory_space<vmem>>) target(%dma_start3A_356 : memref<64x128xf32, #tpu.memory_space<vmem_shared>>) target_semaphore(%run_scoped3A_352 : memref<!tpu.dma_semaphore, #tpu.memory_space<semaphore_mem>>)
      %dma_wait3A = arith.constant 0 : i32
      %dma_wait3A_357 = tpu.memref_slice %arg11[%add3A_202, %dma_wait3A] : memref<10240x128xf32, #tpu.memory_space<vmem_shared>> -> memref<64x128xf32, #tpu.memory_space<vmem_shared>>
      %dma_wait3A_358 = arith.constant 0 : i32
      %dma_wait3A_359 = tpu.memref_slice %arg11[%add3A_202, %dma_wait3A_358] : memref<10240x128xf32, #tpu.memory_space<vmem_shared>> -> memref<64x128xf32, #tpu.memory_space<vmem_shared>>
      tpu.wait_dma2 semaphore(%run_scoped3A_352 : memref<!tpu.dma_semaphore, #tpu.memory_space<semaphore_mem>>) src(%arg10 : memref<64x128xf32, #tpu.memory_space<vmem>>) dst(%dma_wait3A_359 : memref<64x128xf32, #tpu.memory_space<vmem_shared>>)
      tpu.yield
    }) : () -> ()
    %mul3A_203 = arith.constant 640 : i32
    %mul3A_204 = arith.muli %arg1, %mul3A_203 : i32
    %add3A_205 = arith.constant 448 : i32
    %add3A_206 = arith.addi %mul3A_204, %add3A_205 : i32
    "tpu.region"() ({
      %run_scoped3A_352 = tpu.sem_alloc : memref<!tpu.dma_semaphore, #tpu.memory_space<semaphore_mem>>
      %dma_start3A_353 = arith.constant 0 : i32
      %dma_start3A_354 = tpu.memref_slice %arg11[%add3A_206, %dma_start3A_353] : memref<10240x128xf32, #tpu.memory_space<vmem_shared>> -> memref<64x128xf32, #tpu.memory_space<vmem_shared>>
      %dma_start3A_355 = arith.constant 0 : i32
      %dma_start3A_356 = tpu.memref_slice %arg11[%add3A_206, %dma_start3A_355] : memref<10240x128xf32, #tpu.memory_space<vmem_shared>> -> memref<64x128xf32, #tpu.memory_space<vmem_shared>>
      tpu.enqueue_dma source(%arg10 : memref<64x128xf32, #tpu.memory_space<vmem>>) target(%dma_start3A_356 : memref<64x128xf32, #tpu.memory_space<vmem_shared>>) target_semaphore(%run_scoped3A_352 : memref<!tpu.dma_semaphore, #tpu.memory_space<semaphore_mem>>)
      %dma_wait3A = arith.constant 0 : i32
      %dma_wait3A_357 = tpu.memref_slice %arg11[%add3A_206, %dma_wait3A] : memref<10240x128xf32, #tpu.memory_space<vmem_shared>> -> memref<64x128xf32, #tpu.memory_space<vmem_shared>>
      %dma_wait3A_358 = arith.constant 0 : i32
      %dma_wait3A_359 = tpu.memref_slice %arg11[%add3A_206, %dma_wait3A_358] : memref<10240x128xf32, #tpu.memory_space<vmem_shared>> -> memref<64x128xf32, #tpu.memory_space<vmem_shared>>
      tpu.wait_dma2 semaphore(%run_scoped3A_352 : memref<!tpu.dma_semaphore, #tpu.memory_space<semaphore_mem>>) src(%arg10 : memref<64x128xf32, #tpu.memory_space<vmem>>) dst(%dma_wait3A_359 : memref<64x128xf32, #tpu.memory_space<vmem_shared>>)
      tpu.yield
    }) : () -> ()
    %mul3A_207 = arith.constant 640 : i32
    %mul3A_208 = arith.muli %arg1, %mul3A_207 : i32
    %add3A_209 = arith.constant 512 : i32
    %add3A_210 = arith.addi %mul3A_208, %add3A_209 : i32
    "tpu.region"() ({
      %run_scoped3A_352 = tpu.sem_alloc : memref<!tpu.dma_semaphore, #tpu.memory_space<semaphore_mem>>
      %dma_start3A_353 = arith.constant 0 : i32
      %dma_start3A_354 = tpu.memref_slice %arg11[%add3A_210, %dma_start3A_353] : memref<10240x128xf32, #tpu.memory_space<vmem_shared>> -> memref<64x128xf32, #tpu.memory_space<vmem_shared>>
      %dma_start3A_355 = arith.constant 0 : i32
      %dma_start3A_356 = tpu.memref_slice %arg11[%add3A_210, %dma_start3A_355] : memref<10240x128xf32, #tpu.memory_space<vmem_shared>> -> memref<64x128xf32, #tpu.memory_space<vmem_shared>>
      tpu.enqueue_dma source(%arg10 : memref<64x128xf32, #tpu.memory_space<vmem>>) target(%dma_start3A_356 : memref<64x128xf32, #tpu.memory_space<vmem_shared>>) target_semaphore(%run_scoped3A_352 : memref<!tpu.dma_semaphore, #tpu.memory_space<semaphore_mem>>)
      %dma_wait3A = arith.constant 0 : i32
      %dma_wait3A_357 = tpu.memref_slice %arg11[%add3A_210, %dma_wait3A] : memref<10240x128xf32, #tpu.memory_space<vmem_shared>> -> memref<64x128xf32, #tpu.memory_space<vmem_shared>>
      %dma_wait3A_358 = arith.constant 0 : i32
      %dma_wait3A_359 = tpu.memref_slice %arg11[%add3A_210, %dma_wait3A_358] : memref<10240x128xf32, #tpu.memory_space<vmem_shared>> -> memref<64x128xf32, #tpu.memory_space<vmem_shared>>
      tpu.wait_dma2 semaphore(%run_scoped3A_352 : memref<!tpu.dma_semaphore, #tpu.memory_space<semaphore_mem>>) src(%arg10 : memref<64x128xf32, #tpu.memory_space<vmem>>) dst(%dma_wait3A_359 : memref<64x128xf32, #tpu.memory_space<vmem_shared>>)
      tpu.yield
    }) : () -> ()
    %mul3A_211 = arith.constant 640 : i32
    %mul3A_212 = arith.muli %arg1, %mul3A_211 : i32
    %add3A_213 = arith.constant 576 : i32
    %add3A_214 = arith.addi %mul3A_212, %add3A_213 : i32
    "tpu.region"() ({
      %run_scoped3A_352 = tpu.sem_alloc : memref<!tpu.dma_semaphore, #tpu.memory_space<semaphore_mem>>
      %dma_start3A_353 = arith.constant 0 : i32
      %dma_start3A_354 = tpu.memref_slice %arg11[%add3A_214, %dma_start3A_353] : memref<10240x128xf32, #tpu.memory_space<vmem_shared>> -> memref<64x128xf32, #tpu.memory_space<vmem_shared>>
      %dma_start3A_355 = arith.constant 0 : i32
      %dma_start3A_356 = tpu.memref_slice %arg11[%add3A_214, %dma_start3A_355] : memref<10240x128xf32, #tpu.memory_space<vmem_shared>> -> memref<64x128xf32, #tpu.memory_space<vmem_shared>>
      tpu.enqueue_dma source(%arg10 : memref<64x128xf32, #tpu.memory_space<vmem>>) target(%dma_start3A_356 : memref<64x128xf32, #tpu.memory_space<vmem_shared>>) target_semaphore(%run_scoped3A_352 : memref<!tpu.dma_semaphore, #tpu.memory_space<semaphore_mem>>)
      %dma_wait3A = arith.constant 0 : i32
      %dma_wait3A_357 = tpu.memref_slice %arg11[%add3A_214, %dma_wait3A] : memref<10240x128xf32, #tpu.memory_space<vmem_shared>> -> memref<64x128xf32, #tpu.memory_space<vmem_shared>>
      %dma_wait3A_358 = arith.constant 0 : i32
      %dma_wait3A_359 = tpu.memref_slice %arg11[%add3A_214, %dma_wait3A_358] : memref<10240x128xf32, #tpu.memory_space<vmem_shared>> -> memref<64x128xf32, #tpu.memory_space<vmem_shared>>
      tpu.wait_dma2 semaphore(%run_scoped3A_352 : memref<!tpu.dma_semaphore, #tpu.memory_space<semaphore_mem>>) src(%arg10 : memref<64x128xf32, #tpu.memory_space<vmem>>) dst(%dma_wait3A_359 : memref<64x128xf32, #tpu.memory_space<vmem_shared>>)
      tpu.yield
    }) : () -> ()
    %barrier3A_215 = arith.constant 0 : index
    tpu.barrier barrier_id(%barrier3A_215)
    %dma_start3A_216 = arith.constant 2 : i32
    %dma_start3A_217 = arith.constant 0 : i32
    %dma_start3A_218 = arith.constant 0 : i32
    %dma_start3A_219 = arith.constant 0 : i32
    %dma_start3A_220 = arith.constant 0 : i32
    %dma_start3A_221 = tpu.memref_slice %arg9[%dma_start3A_218, %dma_start3A_219, %dma_start3A_220] : memref<2x100x128xf32, #tpu.memory_space<vmem>> -> memref<1x100x128xf32, #tpu.memory_space<vmem>>
    %dma_start3A_222 = tpu.memref_squeeze %dma_start3A_221 : memref<1x100x128xf32, #tpu.memory_space<vmem>> -> memref<100x128xf32, #tpu.memory_space<vmem>>
    %dma_start3A_223 = arith.constant 0 : i32
    %dma_start3A_224 = tpu.memref_slice %arg7[%dma_start3A_217, %dma_start3A_223] : memref<50x100xi32, #tpu.memory_space<vmem>> -> memref<1x100xi32, #tpu.memory_space<vmem>>
    %dma_start3A_225 = tpu.memref_squeeze %dma_start3A_224 : memref<1x100xi32, #tpu.memory_space<vmem>> -> memref<100xi32, #tpu.memory_space<vmem>>
    %dma_start3A_226 = arith.constant 0 : i32
    %dma_start3A_227 = arith.constant 0 : i32
    %dma_start3A_228 = tpu.memref_slice %arg2[%dma_start3A_216, %dma_start3A_226, %dma_start3A_227] : memref<4x10000x128xf32, #tpu.memory_space<hbm>> -> memref<1x10000x128xf32, #tpu.memory_space<hbm>>
    %dma_start3A_229 = tpu.memref_squeeze %dma_start3A_228 : memref<1x10000x128xf32, #tpu.memory_space<hbm>> -> memref<10000x128xf32, #tpu.memory_space<hbm>>
    %dma_start3A_230 = arith.constant 0 : i32
    %dma_start3A_231 = arith.constant 0 : i32
    %dma_start3A_232 = tpu.memref_slice %dma_start3A_229[%dma_start3A_230, %dma_start3A_231] : memref<10000x128xf32, #tpu.memory_space<hbm>> -> memref<10000x128xf32, #tpu.memory_space<hbm>>
    tpu.enqueue_indirect_dma source(%dma_start3A_232 : memref<10000x128xf32, #tpu.memory_space<hbm>>) target(%dma_start3A_222 : memref<100x128xf32, #tpu.memory_space<vmem>>) offsets(%dma_start3A_225 : memref<100xi32, #tpu.memory_space<vmem>>) semaphore(%arg12 : memref<!tpu.dma_semaphore, #tpu.memory_space<semaphore_mem>>)
    %dma_start3A_233 = arith.constant 2 : i32
    %dma_start3A_234 = arith.constant 1 : i32
    %dma_start3A_235 = arith.constant 1 : i32
    %dma_start3A_236 = arith.constant 0 : i32
    %dma_start3A_237 = arith.constant 0 : i32
    %dma_start3A_238 = tpu.memref_slice %arg9[%dma_start3A_235, %dma_start3A_236, %dma_start3A_237] : memref<2x100x128xf32, #tpu.memory_space<vmem>> -> memref<1x100x128xf32, #tpu.memory_space<vmem>>
    %dma_start3A_239 = tpu.memref_squeeze %dma_start3A_238 : memref<1x100x128xf32, #tpu.memory_space<vmem>> -> memref<100x128xf32, #tpu.memory_space<vmem>>
    %dma_start3A_240 = arith.constant 0 : i32
    %dma_start3A_241 = tpu.memref_slice %arg7[%dma_start3A_234, %dma_start3A_240] : memref<50x100xi32, #tpu.memory_space<vmem>> -> memref<1x100xi32, #tpu.memory_space<vmem>>
    %dma_start3A_242 = tpu.memref_squeeze %dma_start3A_241 : memref<1x100xi32, #tpu.memory_space<vmem>> -> memref<100xi32, #tpu.memory_space<vmem>>
    %dma_start3A_243 = arith.constant 0 : i32
    %dma_start3A_244 = arith.constant 0 : i32
    %dma_start3A_245 = tpu.memref_slice %arg2[%dma_start3A_233, %dma_start3A_243, %dma_start3A_244] : memref<4x10000x128xf32, #tpu.memory_space<hbm>> -> memref<1x10000x128xf32, #tpu.memory_space<hbm>>
    %dma_start3A_246 = tpu.memref_squeeze %dma_start3A_245 : memref<1x10000x128xf32, #tpu.memory_space<hbm>> -> memref<10000x128xf32, #tpu.memory_space<hbm>>
    %dma_start3A_247 = arith.constant 0 : i32
    %dma_start3A_248 = arith.constant 0 : i32
    %dma_start3A_249 = tpu.memref_slice %dma_start3A_246[%dma_start3A_247, %dma_start3A_248] : memref<10000x128xf32, #tpu.memory_space<hbm>> -> memref<10000x128xf32, #tpu.memory_space<hbm>>
    tpu.enqueue_indirect_dma source(%dma_start3A_249 : memref<10000x128xf32, #tpu.memory_space<hbm>>) target(%dma_start3A_239 : memref<100x128xf32, #tpu.memory_space<vmem>>) offsets(%dma_start3A_242 : memref<100xi32, #tpu.memory_space<vmem>>) semaphore(%arg13 : memref<!tpu.dma_semaphore, #tpu.memory_space<semaphore_mem>>)
    %scan3A_250 = arith.constant 0 : i32
    %scan3A_251 = arith.constant 2 : i32
    %scan3A_252 = arith.constant 0 : i32
    %scan3A_253 = arith.constant 25 : i32
    %scan3A_254 = arith.addi %scan3A_252, %scan3A_253 : i32
    %scan3A_255 = arith.constant 1 : i32
    scf.for %scan3A_352 = %scan3A_252 to %scan3A_254 step %scan3A_255  : i32 {
      %mul3A_353 = arith.constant 2 : i32
      %mul3A_354 = arith.muli %scan3A_352, %mul3A_353 : i32
      %add3A_355 = arith.constant 0 : i32
      %add3A_356 = arith.addi %mul3A_354, %add3A_355 : i32
      %dma_wait3A = arith.constant 0 : i32
      %dma_wait3A_357 = arith.constant 0 : i32
      %dma_wait3A_358 = arith.constant 0 : i32
      %dma_wait3A_359 = tpu.memref_slice %arg9[%dma_wait3A, %dma_wait3A_357, %dma_wait3A_358] : memref<2x100x128xf32, #tpu.memory_space<vmem>> -> memref<1x100x128xf32, #tpu.memory_space<vmem>>
      %dma_wait3A_360 = tpu.memref_squeeze %dma_wait3A_359 : memref<1x100x128xf32, #tpu.memory_space<vmem>> -> memref<100x128xf32, #tpu.memory_space<vmem>>
      %dma_wait3A_361 = arith.constant 0 : i32
      %dma_wait3A_362 = tpu.memref_slice %arg7[%add3A_356, %dma_wait3A_361] : memref<50x100xi32, #tpu.memory_space<vmem>> -> memref<1x100xi32, #tpu.memory_space<vmem>>
      %dma_wait3A_363 = tpu.memref_squeeze %dma_wait3A_362 : memref<1x100xi32, #tpu.memory_space<vmem>> -> memref<100xi32, #tpu.memory_space<vmem>>
      %dma_wait3A_364 = arith.constant 0 : i32
      %dma_wait3A_365 = arith.constant 0 : i32
      %dma_wait3A_366 = tpu.memref_slice %arg2[%scan3A_251, %dma_wait3A_364, %dma_wait3A_365] : memref<4x10000x128xf32, #tpu.memory_space<hbm>> -> memref<1x10000x128xf32, #tpu.memory_space<hbm>>
      %dma_wait3A_367 = tpu.memref_squeeze %dma_wait3A_366 : memref<1x10000x128xf32, #tpu.memory_space<hbm>> -> memref<10000x128xf32, #tpu.memory_space<hbm>>
      %dma_wait3A_368 = arith.constant 0 : i32
      %dma_wait3A_369 = arith.constant 0 : i32
      %dma_wait3A_370 = tpu.memref_slice %dma_wait3A_367[%dma_wait3A_368, %dma_wait3A_369] : memref<10000x128xf32, #tpu.memory_space<hbm>> -> memref<10000x128xf32, #tpu.memory_space<hbm>>
      tpu.wait_indirect_dma semaphore(%arg12 : memref<!tpu.dma_semaphore, #tpu.memory_space<semaphore_mem>>) src(%dma_wait3A_370 : memref<10000x128xf32, #tpu.memory_space<hbm>>) dst(%dma_wait3A_360 : memref<100x128xf32, #tpu.memory_space<vmem>>)
      %run_scoped3A_371 = arith.constant 0 : i32
      "tpu.region"() ({
        %run_scoped3A_403 = tpu.sem_alloc : memref<!tpu.dma_semaphore, #tpu.memory_space<semaphore_mem>>
        %dma_start3A_404 = arith.constant 0 : i32
        %dma_start3A_405 = arith.constant 0 : i32
        %dma_start3A_406 = tpu.memref_slice %arg9[%run_scoped3A_371, %dma_start3A_404, %dma_start3A_405] : memref<2x100x128xf32, #tpu.memory_space<vmem>> -> memref<1x100x128xf32, #tpu.memory_space<vmem>>
        %dma_start3A_407 = tpu.memref_squeeze %dma_start3A_406 : memref<1x100x128xf32, #tpu.memory_space<vmem>> -> memref<100x128xf32, #tpu.memory_space<vmem>>
        %dma_start3A_408 = arith.constant 0 : i32
        %dma_start3A_409 = tpu.memref_slice %arg8[%add3A_356, %dma_start3A_408] : memref<50x100xi32, #tpu.memory_space<vmem>> -> memref<1x100xi32, #tpu.memory_space<vmem>>
        %dma_start3A_410 = tpu.memref_squeeze %dma_start3A_409 : memref<1x100xi32, #tpu.memory_space<vmem>> -> memref<100xi32, #tpu.memory_space<vmem>>
        %dma_start3A_411 = arith.constant 0 : i32
        %dma_start3A_412 = arith.constant 0 : i32
        %dma_start3A_413 = tpu.memref_slice %arg11[%dma_start3A_411, %dma_start3A_412] : memref<10240x128xf32, #tpu.memory_space<vmem_shared>> -> memref<10240x128xf32, #tpu.memory_space<vmem_shared>>
        tpu.enqueue_indirect_dma source(%dma_start3A_407 : memref<100x128xf32, #tpu.memory_space<vmem>>) target(%dma_start3A_413 : memref<10240x128xf32, #tpu.memory_space<vmem_shared>>) offsets(%dma_start3A_410 : memref<100xi32, #tpu.memory_space<vmem>>) semaphore(%run_scoped3A_403 : memref<!tpu.dma_semaphore, #tpu.memory_space<semaphore_mem>>) {add = true}
        %dma_wait3A_414 = arith.constant 0 : i32
        %dma_wait3A_415 = arith.constant 0 : i32
        %dma_wait3A_416 = tpu.memref_slice %arg9[%run_scoped3A_371, %dma_wait3A_414, %dma_wait3A_415] : memref<2x100x128xf32, #tpu.memory_space<vmem>> -> memref<1x100x128xf32, #tpu.memory_space<vmem>>
        %dma_wait3A_417 = tpu.memref_squeeze %dma_wait3A_416 : memref<1x100x128xf32, #tpu.memory_space<vmem>> -> memref<100x128xf32, #tpu.memory_space<vmem>>
        %dma_wait3A_418 = arith.constant 0 : i32
        %dma_wait3A_419 = tpu.memref_slice %arg8[%add3A_356, %dma_wait3A_418] : memref<50x100xi32, #tpu.memory_space<vmem>> -> memref<1x100xi32, #tpu.memory_space<vmem>>
        %dma_wait3A_420 = tpu.memref_squeeze %dma_wait3A_419 : memref<1x100xi32, #tpu.memory_space<vmem>> -> memref<100xi32, #tpu.memory_space<vmem>>
        %dma_wait3A_421 = arith.constant 0 : i32
        %dma_wait3A_422 = arith.constant 0 : i32
        %dma_wait3A_423 = tpu.memref_slice %arg11[%dma_wait3A_421, %dma_wait3A_422] : memref<10240x128xf32, #tpu.memory_space<vmem_shared>> -> memref<10240x128xf32, #tpu.memory_space<vmem_shared>>
        tpu.wait_indirect_dma semaphore(%run_scoped3A_403 : memref<!tpu.dma_semaphore, #tpu.memory_space<semaphore_mem>>) src(%dma_wait3A_417 : memref<100x128xf32, #tpu.memory_space<vmem>>) dst(%dma_wait3A_423 : memref<10240x128xf32, #tpu.memory_space<vmem_shared>>)
        tpu.yield
      }) : () -> ()
      %add3A_372 = arith.constant 2 : i32
      %add3A_373 = arith.addi %add3A_356, %add3A_372 : i32
      %lt3A = arith.constant 50 : i32
      %lt3A_374 = arith.cmpi slt, %add3A_373, %lt3A : i32
      %convert_element_type3A = arith.extui %lt3A_374 : i1 to i32
      %cond3A = arith.constant 0 : i32
      %cond3A_375 = arith.cmpi ne, %convert_element_type3A, %cond3A : i32
      scf.if %cond3A_375 {
        %add3A_403 = arith.constant 2 : i32
        %add3A_404 = arith.addi %add3A_356, %add3A_403 : i32
        %dma_start3A_405 = arith.constant 0 : i32
        %dma_start3A_406 = arith.constant 0 : i32
        %dma_start3A_407 = arith.constant 0 : i32
        %dma_start3A_408 = tpu.memref_slice %arg9[%dma_start3A_405, %dma_start3A_406, %dma_start3A_407] : memref<2x100x128xf32, #tpu.memory_space<vmem>> -> memref<1x100x128xf32, #tpu.memory_space<vmem>>
        %dma_start3A_409 = tpu.memref_squeeze %dma_start3A_408 : memref<1x100x128xf32, #tpu.memory_space<vmem>> -> memref<100x128xf32, #tpu.memory_space<vmem>>
        %dma_start3A_410 = arith.constant 0 : i32
        %dma_start3A_411 = tpu.memref_slice %arg7[%add3A_404, %dma_start3A_410] : memref<50x100xi32, #tpu.memory_space<vmem>> -> memref<1x100xi32, #tpu.memory_space<vmem>>
        %dma_start3A_412 = tpu.memref_squeeze %dma_start3A_411 : memref<1x100xi32, #tpu.memory_space<vmem>> -> memref<100xi32, #tpu.memory_space<vmem>>
        %dma_start3A_413 = arith.constant 0 : i32
        %dma_start3A_414 = arith.constant 0 : i32
        %dma_start3A_415 = tpu.memref_slice %arg2[%scan3A_251, %dma_start3A_413, %dma_start3A_414] : memref<4x10000x128xf32, #tpu.memory_space<hbm>> -> memref<1x10000x128xf32, #tpu.memory_space<hbm>>
        %dma_start3A_416 = tpu.memref_squeeze %dma_start3A_415 : memref<1x10000x128xf32, #tpu.memory_space<hbm>> -> memref<10000x128xf32, #tpu.memory_space<hbm>>
        %dma_start3A_417 = arith.constant 0 : i32
        %dma_start3A_418 = arith.constant 0 : i32
        %dma_start3A_419 = tpu.memref_slice %dma_start3A_416[%dma_start3A_417, %dma_start3A_418] : memref<10000x128xf32, #tpu.memory_space<hbm>> -> memref<10000x128xf32, #tpu.memory_space<hbm>>
        tpu.enqueue_indirect_dma source(%dma_start3A_419 : memref<10000x128xf32, #tpu.memory_space<hbm>>) target(%dma_start3A_409 : memref<100x128xf32, #tpu.memory_space<vmem>>) offsets(%dma_start3A_412 : memref<100xi32, #tpu.memory_space<vmem>>) semaphore(%arg12 : memref<!tpu.dma_semaphore, #tpu.memory_space<semaphore_mem>>)
      } else {
      }
      %mul3A_376 = arith.constant 2 : i32
      %mul3A_377 = arith.muli %scan3A_352, %mul3A_376 : i32
      %add3A_378 = arith.constant 1 : i32
      %add3A_379 = arith.addi %mul3A_377, %add3A_378 : i32
      %dma_wait3A_380 = arith.constant 1 : i32
      %dma_wait3A_381 = arith.constant 0 : i32
      %dma_wait3A_382 = arith.constant 0 : i32
      %dma_wait3A_383 = tpu.memref_slice %arg9[%dma_wait3A_380, %dma_wait3A_381, %dma_wait3A_382] : memref<2x100x128xf32, #tpu.memory_space<vmem>> -> memref<1x100x128xf32, #tpu.memory_space<vmem>>
      %dma_wait3A_384 = tpu.memref_squeeze %dma_wait3A_383 : memref<1x100x128xf32, #tpu.memory_space<vmem>> -> memref<100x128xf32, #tpu.memory_space<vmem>>
      %dma_wait3A_385 = arith.constant 0 : i32
      %dma_wait3A_386 = tpu.memref_slice %arg7[%add3A_379, %dma_wait3A_385] : memref<50x100xi32, #tpu.memory_space<vmem>> -> memref<1x100xi32, #tpu.memory_space<vmem>>
      %dma_wait3A_387 = tpu.memref_squeeze %dma_wait3A_386 : memref<1x100xi32, #tpu.memory_space<vmem>> -> memref<100xi32, #tpu.memory_space<vmem>>
      %dma_wait3A_388 = arith.constant 0 : i32
      %dma_wait3A_389 = arith.constant 0 : i32
      %dma_wait3A_390 = tpu.memref_slice %arg2[%scan3A_251, %dma_wait3A_388, %dma_wait3A_389] : memref<4x10000x128xf32, #tpu.memory_space<hbm>> -> memref<1x10000x128xf32, #tpu.memory_space<hbm>>
      %dma_wait3A_391 = tpu.memref_squeeze %dma_wait3A_390 : memref<1x10000x128xf32, #tpu.memory_space<hbm>> -> memref<10000x128xf32, #tpu.memory_space<hbm>>
      %dma_wait3A_392 = arith.constant 0 : i32
      %dma_wait3A_393 = arith.constant 0 : i32
      %dma_wait3A_394 = tpu.memref_slice %dma_wait3A_391[%dma_wait3A_392, %dma_wait3A_393] : memref<10000x128xf32, #tpu.memory_space<hbm>> -> memref<10000x128xf32, #tpu.memory_space<hbm>>
      tpu.wait_indirect_dma semaphore(%arg13 : memref<!tpu.dma_semaphore, #tpu.memory_space<semaphore_mem>>) src(%dma_wait3A_394 : memref<10000x128xf32, #tpu.memory_space<hbm>>) dst(%dma_wait3A_384 : memref<100x128xf32, #tpu.memory_space<vmem>>)
      %run_scoped3A_395 = arith.constant 1 : i32
      "tpu.region"() ({
        %run_scoped3A_403 = tpu.sem_alloc : memref<!tpu.dma_semaphore, #tpu.memory_space<semaphore_mem>>
        %dma_start3A_404 = arith.constant 0 : i32
        %dma_start3A_405 = arith.constant 0 : i32
        %dma_start3A_406 = tpu.memref_slice %arg9[%run_scoped3A_395, %dma_start3A_404, %dma_start3A_405] : memref<2x100x128xf32, #tpu.memory_space<vmem>> -> memref<1x100x128xf32, #tpu.memory_space<vmem>>
        %dma_start3A_407 = tpu.memref_squeeze %dma_start3A_406 : memref<1x100x128xf32, #tpu.memory_space<vmem>> -> memref<100x128xf32, #tpu.memory_space<vmem>>
        %dma_start3A_408 = arith.constant 0 : i32
        %dma_start3A_409 = tpu.memref_slice %arg8[%add3A_379, %dma_start3A_408] : memref<50x100xi32, #tpu.memory_space<vmem>> -> memref<1x100xi32, #tpu.memory_space<vmem>>
        %dma_start3A_410 = tpu.memref_squeeze %dma_start3A_409 : memref<1x100xi32, #tpu.memory_space<vmem>> -> memref<100xi32, #tpu.memory_space<vmem>>
        %dma_start3A_411 = arith.constant 0 : i32
        %dma_start3A_412 = arith.constant 0 : i32
        %dma_start3A_413 = tpu.memref_slice %arg11[%dma_start3A_411, %dma_start3A_412] : memref<10240x128xf32, #tpu.memory_space<vmem_shared>> -> memref<10240x128xf32, #tpu.memory_space<vmem_shared>>
        tpu.enqueue_indirect_dma source(%dma_start3A_407 : memref<100x128xf32, #tpu.memory_space<vmem>>) target(%dma_start3A_413 : memref<10240x128xf32, #tpu.memory_space<vmem_shared>>) offsets(%dma_start3A_410 : memref<100xi32, #tpu.memory_space<vmem>>) semaphore(%run_scoped3A_403 : memref<!tpu.dma_semaphore, #tpu.memory_space<semaphore_mem>>) {add = true}
        %dma_wait3A_414 = arith.constant 0 : i32
        %dma_wait3A_415 = arith.constant 0 : i32
        %dma_wait3A_416 = tpu.memref_slice %arg9[%run_scoped3A_395, %dma_wait3A_414, %dma_wait3A_415] : memref<2x100x128xf32, #tpu.memory_space<vmem>> -> memref<1x100x128xf32, #tpu.memory_space<vmem>>
        %dma_wait3A_417 = tpu.memref_squeeze %dma_wait3A_416 : memref<1x100x128xf32, #tpu.memory_space<vmem>> -> memref<100x128xf32, #tpu.memory_space<vmem>>
        %dma_wait3A_418 = arith.constant 0 : i32
        %dma_wait3A_419 = tpu.memref_slice %arg8[%add3A_379, %dma_wait3A_418] : memref<50x100xi32, #tpu.memory_space<vmem>> -> memref<1x100xi32, #tpu.memory_space<vmem>>
        %dma_wait3A_420 = tpu.memref_squeeze %dma_wait3A_419 : memref<1x100xi32, #tpu.memory_space<vmem>> -> memref<100xi32, #tpu.memory_space<vmem>>
        %dma_wait3A_421 = arith.constant 0 : i32
        %dma_wait3A_422 = arith.constant 0 : i32
        %dma_wait3A_423 = tpu.memref_slice %arg11[%dma_wait3A_421, %dma_wait3A_422] : memref<10240x128xf32, #tpu.memory_space<vmem_shared>> -> memref<10240x128xf32, #tpu.memory_space<vmem_shared>>
        tpu.wait_indirect_dma semaphore(%run_scoped3A_403 : memref<!tpu.dma_semaphore, #tpu.memory_space<semaphore_mem>>) src(%dma_wait3A_417 : memref<100x128xf32, #tpu.memory_space<vmem>>) dst(%dma_wait3A_423 : memref<10240x128xf32, #tpu.memory_space<vmem_shared>>)
        tpu.yield
      }) : () -> ()
      %add3A_396 = arith.constant 2 : i32
      %add3A_397 = arith.addi %add3A_379, %add3A_396 : i32
      %lt3A_398 = arith.constant 50 : i32
      %lt3A_399 = arith.cmpi slt, %add3A_397, %lt3A_398 : i32
      %convert_element_type3A_400 = arith.extui %lt3A_399 : i1 to i32
      %cond3A_401 = arith.constant 0 : i32
      %cond3A_402 = arith.cmpi ne, %convert_element_type3A_400, %cond3A_401 : i32
      scf.if %cond3A_402 {
        %add3A_403 = arith.constant 2 : i32
        %add3A_404 = arith.addi %add3A_379, %add3A_403 : i32
        %dma_start3A_405 = arith.constant 1 : i32
        %dma_start3A_406 = arith.constant 0 : i32
        %dma_start3A_407 = arith.constant 0 : i32
        %dma_start3A_408 = tpu.memref_slice %arg9[%dma_start3A_405, %dma_start3A_406, %dma_start3A_407] : memref<2x100x128xf32, #tpu.memory_space<vmem>> -> memref<1x100x128xf32, #tpu.memory_space<vmem>>
        %dma_start3A_409 = tpu.memref_squeeze %dma_start3A_408 : memref<1x100x128xf32, #tpu.memory_space<vmem>> -> memref<100x128xf32, #tpu.memory_space<vmem>>
        %dma_start3A_410 = arith.constant 0 : i32
        %dma_start3A_411 = tpu.memref_slice %arg7[%add3A_404, %dma_start3A_410] : memref<50x100xi32, #tpu.memory_space<vmem>> -> memref<1x100xi32, #tpu.memory_space<vmem>>
        %dma_start3A_412 = tpu.memref_squeeze %dma_start3A_411 : memref<1x100xi32, #tpu.memory_space<vmem>> -> memref<100xi32, #tpu.memory_space<vmem>>
        %dma_start3A_413 = arith.constant 0 : i32
        %dma_start3A_414 = arith.constant 0 : i32
        %dma_start3A_415 = tpu.memref_slice %arg2[%scan3A_251, %dma_start3A_413, %dma_start3A_414] : memref<4x10000x128xf32, #tpu.memory_space<hbm>> -> memref<1x10000x128xf32, #tpu.memory_space<hbm>>
        %dma_start3A_416 = tpu.memref_squeeze %dma_start3A_415 : memref<1x10000x128xf32, #tpu.memory_space<hbm>> -> memref<10000x128xf32, #tpu.memory_space<hbm>>
        %dma_start3A_417 = arith.constant 0 : i32
        %dma_start3A_418 = arith.constant 0 : i32
        %dma_start3A_419 = tpu.memref_slice %dma_start3A_416[%dma_start3A_417, %dma_start3A_418] : memref<10000x128xf32, #tpu.memory_space<hbm>> -> memref<10000x128xf32, #tpu.memory_space<hbm>>
        tpu.enqueue_indirect_dma source(%dma_start3A_419 : memref<10000x128xf32, #tpu.memory_space<hbm>>) target(%dma_start3A_409 : memref<100x128xf32, #tpu.memory_space<vmem>>) offsets(%dma_start3A_412 : memref<100xi32, #tpu.memory_space<vmem>>) semaphore(%arg13 : memref<!tpu.dma_semaphore, #tpu.memory_space<semaphore_mem>>)
      } else {
      }
    }
    %scan3A_256 = arith.constant 25 : i32
    %barrier3A_257 = arith.constant 0 : index
    tpu.barrier barrier_id(%barrier3A_257)
    %mul3A_258 = arith.constant 640 : i32
    %mul3A_259 = arith.muli %arg1, %mul3A_258 : i32
    %mul3A_260 = arith.constant 640 : i32
    %mul3A_261 = arith.muli %arg1, %mul3A_260 : i32
    %run_scoped3A_262 = arith.constant 2 : i32
    "tpu.region"() ({
      %run_scoped3A_352 = tpu.sem_alloc : memref<!tpu.dma_semaphore, #tpu.memory_space<semaphore_mem>>
      %dma_start3A_353 = arith.constant 0 : i32
      %dma_start3A_354 = tpu.memref_slice %arg6[%run_scoped3A_262, %arg0, %mul3A_261, %dma_start3A_353] : memref<4x2x10240x128xf32, #tpu.memory_space<hbm>> -> memref<1x1x640x128xf32, #tpu.memory_space<hbm>>
      %dma_start3A_355 = tpu.memref_squeeze %dma_start3A_354 : memref<1x1x640x128xf32, #tpu.memory_space<hbm>> -> memref<640x128xf32, #tpu.memory_space<hbm>>
      %dma_start3A_356 = arith.constant 0 : i32
      %dma_start3A_357 = tpu.memref_slice %arg11[%mul3A_259, %dma_start3A_356] : memref<10240x128xf32, #tpu.memory_space<vmem_shared>> -> memref<640x128xf32, #tpu.memory_space<vmem_shared>>
      tpu.enqueue_dma source(%dma_start3A_357 : memref<640x128xf32, #tpu.memory_space<vmem_shared>>) target(%dma_start3A_355 : memref<640x128xf32, #tpu.memory_space<hbm>>) target_semaphore(%run_scoped3A_352 : memref<!tpu.dma_semaphore, #tpu.memory_space<semaphore_mem>>)
      %dma_wait3A = arith.constant 0 : i32
      %dma_wait3A_358 = tpu.memref_slice %arg6[%run_scoped3A_262, %arg0, %mul3A_261, %dma_wait3A] : memref<4x2x10240x128xf32, #tpu.memory_space<hbm>> -> memref<1x1x640x128xf32, #tpu.memory_space<hbm>>
      %dma_wait3A_359 = tpu.memref_squeeze %dma_wait3A_358 : memref<1x1x640x128xf32, #tpu.memory_space<hbm>> -> memref<640x128xf32, #tpu.memory_space<hbm>>
      %dma_wait3A_360 = arith.constant 0 : i32
      %dma_wait3A_361 = tpu.memref_slice %arg11[%mul3A_259, %dma_wait3A_360] : memref<10240x128xf32, #tpu.memory_space<vmem_shared>> -> memref<640x128xf32, #tpu.memory_space<vmem_shared>>
      tpu.wait_dma2 semaphore(%run_scoped3A_352 : memref<!tpu.dma_semaphore, #tpu.memory_space<semaphore_mem>>) src(%dma_wait3A_361 : memref<640x128xf32, #tpu.memory_space<vmem_shared>>) dst(%dma_wait3A_359 : memref<640x128xf32, #tpu.memory_space<hbm>>)
      tpu.yield
    }) : () -> ()
    %barrier3A_263 = arith.constant 0 : index
    tpu.barrier barrier_id(%barrier3A_263)
    %mul3A_264 = arith.constant 640 : i32
    %mul3A_265 = arith.muli %arg1, %mul3A_264 : i32
    %add3A_266 = arith.constant 0 : i32
    %add3A_267 = arith.addi %mul3A_265, %add3A_266 : i32
    "tpu.region"() ({
      %run_scoped3A_352 = tpu.sem_alloc : memref<!tpu.dma_semaphore, #tpu.memory_space<semaphore_mem>>
      %dma_start3A_353 = arith.constant 0 : i32
      %dma_start3A_354 = tpu.memref_slice %arg11[%add3A_267, %dma_start3A_353] : memref<10240x128xf32, #tpu.memory_space<vmem_shared>> -> memref<64x128xf32, #tpu.memory_space<vmem_shared>>
      %dma_start3A_355 = arith.constant 0 : i32
      %dma_start3A_356 = tpu.memref_slice %arg11[%add3A_267, %dma_start3A_355] : memref<10240x128xf32, #tpu.memory_space<vmem_shared>> -> memref<64x128xf32, #tpu.memory_space<vmem_shared>>
      tpu.enqueue_dma source(%arg10 : memref<64x128xf32, #tpu.memory_space<vmem>>) target(%dma_start3A_356 : memref<64x128xf32, #tpu.memory_space<vmem_shared>>) target_semaphore(%run_scoped3A_352 : memref<!tpu.dma_semaphore, #tpu.memory_space<semaphore_mem>>)
      %dma_wait3A = arith.constant 0 : i32
      %dma_wait3A_357 = tpu.memref_slice %arg11[%add3A_267, %dma_wait3A] : memref<10240x128xf32, #tpu.memory_space<vmem_shared>> -> memref<64x128xf32, #tpu.memory_space<vmem_shared>>
      %dma_wait3A_358 = arith.constant 0 : i32
      %dma_wait3A_359 = tpu.memref_slice %arg11[%add3A_267, %dma_wait3A_358] : memref<10240x128xf32, #tpu.memory_space<vmem_shared>> -> memref<64x128xf32, #tpu.memory_space<vmem_shared>>
      tpu.wait_dma2 semaphore(%run_scoped3A_352 : memref<!tpu.dma_semaphore, #tpu.memory_space<semaphore_mem>>) src(%arg10 : memref<64x128xf32, #tpu.memory_space<vmem>>) dst(%dma_wait3A_359 : memref<64x128xf32, #tpu.memory_space<vmem_shared>>)
      tpu.yield
    }) : () -> ()
    %mul3A_268 = arith.constant 640 : i32
    %mul3A_269 = arith.muli %arg1, %mul3A_268 : i32
    %add3A_270 = arith.constant 64 : i32
    %add3A_271 = arith.addi %mul3A_269, %add3A_270 : i32
    "tpu.region"() ({
      %run_scoped3A_352 = tpu.sem_alloc : memref<!tpu.dma_semaphore, #tpu.memory_space<semaphore_mem>>
      %dma_start3A_353 = arith.constant 0 : i32
      %dma_start3A_354 = tpu.memref_slice %arg11[%add3A_271, %dma_start3A_353] : memref<10240x128xf32, #tpu.memory_space<vmem_shared>> -> memref<64x128xf32, #tpu.memory_space<vmem_shared>>
      %dma_start3A_355 = arith.constant 0 : i32
      %dma_start3A_356 = tpu.memref_slice %arg11[%add3A_271, %dma_start3A_355] : memref<10240x128xf32, #tpu.memory_space<vmem_shared>> -> memref<64x128xf32, #tpu.memory_space<vmem_shared>>
      tpu.enqueue_dma source(%arg10 : memref<64x128xf32, #tpu.memory_space<vmem>>) target(%dma_start3A_356 : memref<64x128xf32, #tpu.memory_space<vmem_shared>>) target_semaphore(%run_scoped3A_352 : memref<!tpu.dma_semaphore, #tpu.memory_space<semaphore_mem>>)
      %dma_wait3A = arith.constant 0 : i32
      %dma_wait3A_357 = tpu.memref_slice %arg11[%add3A_271, %dma_wait3A] : memref<10240x128xf32, #tpu.memory_space<vmem_shared>> -> memref<64x128xf32, #tpu.memory_space<vmem_shared>>
      %dma_wait3A_358 = arith.constant 0 : i32
      %dma_wait3A_359 = tpu.memref_slice %arg11[%add3A_271, %dma_wait3A_358] : memref<10240x128xf32, #tpu.memory_space<vmem_shared>> -> memref<64x128xf32, #tpu.memory_space<vmem_shared>>
      tpu.wait_dma2 semaphore(%run_scoped3A_352 : memref<!tpu.dma_semaphore, #tpu.memory_space<semaphore_mem>>) src(%arg10 : memref<64x128xf32, #tpu.memory_space<vmem>>) dst(%dma_wait3A_359 : memref<64x128xf32, #tpu.memory_space<vmem_shared>>)
      tpu.yield
    }) : () -> ()
    %mul3A_272 = arith.constant 640 : i32
    %mul3A_273 = arith.muli %arg1, %mul3A_272 : i32
    %add3A_274 = arith.constant 128 : i32
    %add3A_275 = arith.addi %mul3A_273, %add3A_274 : i32
    "tpu.region"() ({
      %run_scoped3A_352 = tpu.sem_alloc : memref<!tpu.dma_semaphore, #tpu.memory_space<semaphore_mem>>
      %dma_start3A_353 = arith.constant 0 : i32
      %dma_start3A_354 = tpu.memref_slice %arg11[%add3A_275, %dma_start3A_353] : memref<10240x128xf32, #tpu.memory_space<vmem_shared>> -> memref<64x128xf32, #tpu.memory_space<vmem_shared>>
      %dma_start3A_355 = arith.constant 0 : i32
      %dma_start3A_356 = tpu.memref_slice %arg11[%add3A_275, %dma_start3A_355] : memref<10240x128xf32, #tpu.memory_space<vmem_shared>> -> memref<64x128xf32, #tpu.memory_space<vmem_shared>>
      tpu.enqueue_dma source(%arg10 : memref<64x128xf32, #tpu.memory_space<vmem>>) target(%dma_start3A_356 : memref<64x128xf32, #tpu.memory_space<vmem_shared>>) target_semaphore(%run_scoped3A_352 : memref<!tpu.dma_semaphore, #tpu.memory_space<semaphore_mem>>)
      %dma_wait3A = arith.constant 0 : i32
      %dma_wait3A_357 = tpu.memref_slice %arg11[%add3A_275, %dma_wait3A] : memref<10240x128xf32, #tpu.memory_space<vmem_shared>> -> memref<64x128xf32, #tpu.memory_space<vmem_shared>>
      %dma_wait3A_358 = arith.constant 0 : i32
      %dma_wait3A_359 = tpu.memref_slice %arg11[%add3A_275, %dma_wait3A_358] : memref<10240x128xf32, #tpu.memory_space<vmem_shared>> -> memref<64x128xf32, #tpu.memory_space<vmem_shared>>
      tpu.wait_dma2 semaphore(%run_scoped3A_352 : memref<!tpu.dma_semaphore, #tpu.memory_space<semaphore_mem>>) src(%arg10 : memref<64x128xf32, #tpu.memory_space<vmem>>) dst(%dma_wait3A_359 : memref<64x128xf32, #tpu.memory_space<vmem_shared>>)
      tpu.yield
    }) : () -> ()
    %mul3A_276 = arith.constant 640 : i32
    %mul3A_277 = arith.muli %arg1, %mul3A_276 : i32
    %add3A_278 = arith.constant 192 : i32
    %add3A_279 = arith.addi %mul3A_277, %add3A_278 : i32
    "tpu.region"() ({
      %run_scoped3A_352 = tpu.sem_alloc : memref<!tpu.dma_semaphore, #tpu.memory_space<semaphore_mem>>
      %dma_start3A_353 = arith.constant 0 : i32
      %dma_start3A_354 = tpu.memref_slice %arg11[%add3A_279, %dma_start3A_353] : memref<10240x128xf32, #tpu.memory_space<vmem_shared>> -> memref<64x128xf32, #tpu.memory_space<vmem_shared>>
      %dma_start3A_355 = arith.constant 0 : i32
      %dma_start3A_356 = tpu.memref_slice %arg11[%add3A_279, %dma_start3A_355] : memref<10240x128xf32, #tpu.memory_space<vmem_shared>> -> memref<64x128xf32, #tpu.memory_space<vmem_shared>>
      tpu.enqueue_dma source(%arg10 : memref<64x128xf32, #tpu.memory_space<vmem>>) target(%dma_start3A_356 : memref<64x128xf32, #tpu.memory_space<vmem_shared>>) target_semaphore(%run_scoped3A_352 : memref<!tpu.dma_semaphore, #tpu.memory_space<semaphore_mem>>)
      %dma_wait3A = arith.constant 0 : i32
      %dma_wait3A_357 = tpu.memref_slice %arg11[%add3A_279, %dma_wait3A] : memref<10240x128xf32, #tpu.memory_space<vmem_shared>> -> memref<64x128xf32, #tpu.memory_space<vmem_shared>>
      %dma_wait3A_358 = arith.constant 0 : i32
      %dma_wait3A_359 = tpu.memref_slice %arg11[%add3A_279, %dma_wait3A_358] : memref<10240x128xf32, #tpu.memory_space<vmem_shared>> -> memref<64x128xf32, #tpu.memory_space<vmem_shared>>
      tpu.wait_dma2 semaphore(%run_scoped3A_352 : memref<!tpu.dma_semaphore, #tpu.memory_space<semaphore_mem>>) src(%arg10 : memref<64x128xf32, #tpu.memory_space<vmem>>) dst(%dma_wait3A_359 : memref<64x128xf32, #tpu.memory_space<vmem_shared>>)
      tpu.yield
    }) : () -> ()
    %mul3A_280 = arith.constant 640 : i32
    %mul3A_281 = arith.muli %arg1, %mul3A_280 : i32
    %add3A_282 = arith.constant 256 : i32
    %add3A_283 = arith.addi %mul3A_281, %add3A_282 : i32
    "tpu.region"() ({
      %run_scoped3A_352 = tpu.sem_alloc : memref<!tpu.dma_semaphore, #tpu.memory_space<semaphore_mem>>
      %dma_start3A_353 = arith.constant 0 : i32
      %dma_start3A_354 = tpu.memref_slice %arg11[%add3A_283, %dma_start3A_353] : memref<10240x128xf32, #tpu.memory_space<vmem_shared>> -> memref<64x128xf32, #tpu.memory_space<vmem_shared>>
      %dma_start3A_355 = arith.constant 0 : i32
      %dma_start3A_356 = tpu.memref_slice %arg11[%add3A_283, %dma_start3A_355] : memref<10240x128xf32, #tpu.memory_space<vmem_shared>> -> memref<64x128xf32, #tpu.memory_space<vmem_shared>>
      tpu.enqueue_dma source(%arg10 : memref<64x128xf32, #tpu.memory_space<vmem>>) target(%dma_start3A_356 : memref<64x128xf32, #tpu.memory_space<vmem_shared>>) target_semaphore(%run_scoped3A_352 : memref<!tpu.dma_semaphore, #tpu.memory_space<semaphore_mem>>)
      %dma_wait3A = arith.constant 0 : i32
      %dma_wait3A_357 = tpu.memref_slice %arg11[%add3A_283, %dma_wait3A] : memref<10240x128xf32, #tpu.memory_space<vmem_shared>> -> memref<64x128xf32, #tpu.memory_space<vmem_shared>>
      %dma_wait3A_358 = arith.constant 0 : i32
      %dma_wait3A_359 = tpu.memref_slice %arg11[%add3A_283, %dma_wait3A_358] : memref<10240x128xf32, #tpu.memory_space<vmem_shared>> -> memref<64x128xf32, #tpu.memory_space<vmem_shared>>
      tpu.wait_dma2 semaphore(%run_scoped3A_352 : memref<!tpu.dma_semaphore, #tpu.memory_space<semaphore_mem>>) src(%arg10 : memref<64x128xf32, #tpu.memory_space<vmem>>) dst(%dma_wait3A_359 : memref<64x128xf32, #tpu.memory_space<vmem_shared>>)
      tpu.yield
    }) : () -> ()
    %mul3A_284 = arith.constant 640 : i32
    %mul3A_285 = arith.muli %arg1, %mul3A_284 : i32
    %add3A_286 = arith.constant 320 : i32
    %add3A_287 = arith.addi %mul3A_285, %add3A_286 : i32
    "tpu.region"() ({
      %run_scoped3A_352 = tpu.sem_alloc : memref<!tpu.dma_semaphore, #tpu.memory_space<semaphore_mem>>
      %dma_start3A_353 = arith.constant 0 : i32
      %dma_start3A_354 = tpu.memref_slice %arg11[%add3A_287, %dma_start3A_353] : memref<10240x128xf32, #tpu.memory_space<vmem_shared>> -> memref<64x128xf32, #tpu.memory_space<vmem_shared>>
      %dma_start3A_355 = arith.constant 0 : i32
      %dma_start3A_356 = tpu.memref_slice %arg11[%add3A_287, %dma_start3A_355] : memref<10240x128xf32, #tpu.memory_space<vmem_shared>> -> memref<64x128xf32, #tpu.memory_space<vmem_shared>>
      tpu.enqueue_dma source(%arg10 : memref<64x128xf32, #tpu.memory_space<vmem>>) target(%dma_start3A_356 : memref<64x128xf32, #tpu.memory_space<vmem_shared>>) target_semaphore(%run_scoped3A_352 : memref<!tpu.dma_semaphore, #tpu.memory_space<semaphore_mem>>)
      %dma_wait3A = arith.constant 0 : i32
      %dma_wait3A_357 = tpu.memref_slice %arg11[%add3A_287, %dma_wait3A] : memref<10240x128xf32, #tpu.memory_space<vmem_shared>> -> memref<64x128xf32, #tpu.memory_space<vmem_shared>>
      %dma_wait3A_358 = arith.constant 0 : i32
      %dma_wait3A_359 = tpu.memref_slice %arg11[%add3A_287, %dma_wait3A_358] : memref<10240x128xf32, #tpu.memory_space<vmem_shared>> -> memref<64x128xf32, #tpu.memory_space<vmem_shared>>
      tpu.wait_dma2 semaphore(%run_scoped3A_352 : memref<!tpu.dma_semaphore, #tpu.memory_space<semaphore_mem>>) src(%arg10 : memref<64x128xf32, #tpu.memory_space<vmem>>) dst(%dma_wait3A_359 : memref<64x128xf32, #tpu.memory_space<vmem_shared>>)
      tpu.yield
    }) : () -> ()
    %mul3A_288 = arith.constant 640 : i32
    %mul3A_289 = arith.muli %arg1, %mul3A_288 : i32
    %add3A_290 = arith.constant 384 : i32
    %add3A_291 = arith.addi %mul3A_289, %add3A_290 : i32
    "tpu.region"() ({
      %run_scoped3A_352 = tpu.sem_alloc : memref<!tpu.dma_semaphore, #tpu.memory_space<semaphore_mem>>
      %dma_start3A_353 = arith.constant 0 : i32
      %dma_start3A_354 = tpu.memref_slice %arg11[%add3A_291, %dma_start3A_353] : memref<10240x128xf32, #tpu.memory_space<vmem_shared>> -> memref<64x128xf32, #tpu.memory_space<vmem_shared>>
      %dma_start3A_355 = arith.constant 0 : i32
      %dma_start3A_356 = tpu.memref_slice %arg11[%add3A_291, %dma_start3A_355] : memref<10240x128xf32, #tpu.memory_space<vmem_shared>> -> memref<64x128xf32, #tpu.memory_space<vmem_shared>>
      tpu.enqueue_dma source(%arg10 : memref<64x128xf32, #tpu.memory_space<vmem>>) target(%dma_start3A_356 : memref<64x128xf32, #tpu.memory_space<vmem_shared>>) target_semaphore(%run_scoped3A_352 : memref<!tpu.dma_semaphore, #tpu.memory_space<semaphore_mem>>)
      %dma_wait3A = arith.constant 0 : i32
      %dma_wait3A_357 = tpu.memref_slice %arg11[%add3A_291, %dma_wait3A] : memref<10240x128xf32, #tpu.memory_space<vmem_shared>> -> memref<64x128xf32, #tpu.memory_space<vmem_shared>>
      %dma_wait3A_358 = arith.constant 0 : i32
      %dma_wait3A_359 = tpu.memref_slice %arg11[%add3A_291, %dma_wait3A_358] : memref<10240x128xf32, #tpu.memory_space<vmem_shared>> -> memref<64x128xf32, #tpu.memory_space<vmem_shared>>
      tpu.wait_dma2 semaphore(%run_scoped3A_352 : memref<!tpu.dma_semaphore, #tpu.memory_space<semaphore_mem>>) src(%arg10 : memref<64x128xf32, #tpu.memory_space<vmem>>) dst(%dma_wait3A_359 : memref<64x128xf32, #tpu.memory_space<vmem_shared>>)
      tpu.yield
    }) : () -> ()
    %mul3A_292 = arith.constant 640 : i32
    %mul3A_293 = arith.muli %arg1, %mul3A_292 : i32
    %add3A_294 = arith.constant 448 : i32
    %add3A_295 = arith.addi %mul3A_293, %add3A_294 : i32
    "tpu.region"() ({
      %run_scoped3A_352 = tpu.sem_alloc : memref<!tpu.dma_semaphore, #tpu.memory_space<semaphore_mem>>
      %dma_start3A_353 = arith.constant 0 : i32
      %dma_start3A_354 = tpu.memref_slice %arg11[%add3A_295, %dma_start3A_353] : memref<10240x128xf32, #tpu.memory_space<vmem_shared>> -> memref<64x128xf32, #tpu.memory_space<vmem_shared>>
      %dma_start3A_355 = arith.constant 0 : i32
      %dma_start3A_356 = tpu.memref_slice %arg11[%add3A_295, %dma_start3A_355] : memref<10240x128xf32, #tpu.memory_space<vmem_shared>> -> memref<64x128xf32, #tpu.memory_space<vmem_shared>>
      tpu.enqueue_dma source(%arg10 : memref<64x128xf32, #tpu.memory_space<vmem>>) target(%dma_start3A_356 : memref<64x128xf32, #tpu.memory_space<vmem_shared>>) target_semaphore(%run_scoped3A_352 : memref<!tpu.dma_semaphore, #tpu.memory_space<semaphore_mem>>)
      %dma_wait3A = arith.constant 0 : i32
      %dma_wait3A_357 = tpu.memref_slice %arg11[%add3A_295, %dma_wait3A] : memref<10240x128xf32, #tpu.memory_space<vmem_shared>> -> memref<64x128xf32, #tpu.memory_space<vmem_shared>>
      %dma_wait3A_358 = arith.constant 0 : i32
      %dma_wait3A_359 = tpu.memref_slice %arg11[%add3A_295, %dma_wait3A_358] : memref<10240x128xf32, #tpu.memory_space<vmem_shared>> -> memref<64x128xf32, #tpu.memory_space<vmem_shared>>
      tpu.wait_dma2 semaphore(%run_scoped3A_352 : memref<!tpu.dma_semaphore, #tpu.memory_space<semaphore_mem>>) src(%arg10 : memref<64x128xf32, #tpu.memory_space<vmem>>) dst(%dma_wait3A_359 : memref<64x128xf32, #tpu.memory_space<vmem_shared>>)
      tpu.yield
    }) : () -> ()
    %mul3A_296 = arith.constant 640 : i32
    %mul3A_297 = arith.muli %arg1, %mul3A_296 : i32
    %add3A_298 = arith.constant 512 : i32
    %add3A_299 = arith.addi %mul3A_297, %add3A_298 : i32
    "tpu.region"() ({
      %run_scoped3A_352 = tpu.sem_alloc : memref<!tpu.dma_semaphore, #tpu.memory_space<semaphore_mem>>
      %dma_start3A_353 = arith.constant 0 : i32
      %dma_start3A_354 = tpu.memref_slice %arg11[%add3A_299, %dma_start3A_353] : memref<10240x128xf32, #tpu.memory_space<vmem_shared>> -> memref<64x128xf32, #tpu.memory_space<vmem_shared>>
      %dma_start3A_355 = arith.constant 0 : i32
      %dma_start3A_356 = tpu.memref_slice %arg11[%add3A_299, %dma_start3A_355] : memref<10240x128xf32, #tpu.memory_space<vmem_shared>> -> memref<64x128xf32, #tpu.memory_space<vmem_shared>>
      tpu.enqueue_dma source(%arg10 : memref<64x128xf32, #tpu.memory_space<vmem>>) target(%dma_start3A_356 : memref<64x128xf32, #tpu.memory_space<vmem_shared>>) target_semaphore(%run_scoped3A_352 : memref<!tpu.dma_semaphore, #tpu.memory_space<semaphore_mem>>)
      %dma_wait3A = arith.constant 0 : i32
      %dma_wait3A_357 = tpu.memref_slice %arg11[%add3A_299, %dma_wait3A] : memref<10240x128xf32, #tpu.memory_space<vmem_shared>> -> memref<64x128xf32, #tpu.memory_space<vmem_shared>>
      %dma_wait3A_358 = arith.constant 0 : i32
      %dma_wait3A_359 = tpu.memref_slice %arg11[%add3A_299, %dma_wait3A_358] : memref<10240x128xf32, #tpu.memory_space<vmem_shared>> -> memref<64x128xf32, #tpu.memory_space<vmem_shared>>
      tpu.wait_dma2 semaphore(%run_scoped3A_352 : memref<!tpu.dma_semaphore, #tpu.memory_space<semaphore_mem>>) src(%arg10 : memref<64x128xf32, #tpu.memory_space<vmem>>) dst(%dma_wait3A_359 : memref<64x128xf32, #tpu.memory_space<vmem_shared>>)
      tpu.yield
    }) : () -> ()
    %mul3A_300 = arith.constant 640 : i32
    %mul3A_301 = arith.muli %arg1, %mul3A_300 : i32
    %add3A_302 = arith.constant 576 : i32
    %add3A_303 = arith.addi %mul3A_301, %add3A_302 : i32
    "tpu.region"() ({
      %run_scoped3A_352 = tpu.sem_alloc : memref<!tpu.dma_semaphore, #tpu.memory_space<semaphore_mem>>
      %dma_start3A_353 = arith.constant 0 : i32
      %dma_start3A_354 = tpu.memref_slice %arg11[%add3A_303, %dma_start3A_353] : memref<10240x128xf32, #tpu.memory_space<vmem_shared>> -> memref<64x128xf32, #tpu.memory_space<vmem_shared>>
      %dma_start3A_355 = arith.constant 0 : i32
      %dma_start3A_356 = tpu.memref_slice %arg11[%add3A_303, %dma_start3A_355] : memref<10240x128xf32, #tpu.memory_space<vmem_shared>> -> memref<64x128xf32, #tpu.memory_space<vmem_shared>>
      tpu.enqueue_dma source(%arg10 : memref<64x128xf32, #tpu.memory_space<vmem>>) target(%dma_start3A_356 : memref<64x128xf32, #tpu.memory_space<vmem_shared>>) target_semaphore(%run_scoped3A_352 : memref<!tpu.dma_semaphore, #tpu.memory_space<semaphore_mem>>)
      %dma_wait3A = arith.constant 0 : i32
      %dma_wait3A_357 = tpu.memref_slice %arg11[%add3A_303, %dma_wait3A] : memref<10240x128xf32, #tpu.memory_space<vmem_shared>> -> memref<64x128xf32, #tpu.memory_space<vmem_shared>>
      %dma_wait3A_358 = arith.constant 0 : i32
      %dma_wait3A_359 = tpu.memref_slice %arg11[%add3A_303, %dma_wait3A_358] : memref<10240x128xf32, #tpu.memory_space<vmem_shared>> -> memref<64x128xf32, #tpu.memory_space<vmem_shared>>
      tpu.wait_dma2 semaphore(%run_scoped3A_352 : memref<!tpu.dma_semaphore, #tpu.memory_space<semaphore_mem>>) src(%arg10 : memref<64x128xf32, #tpu.memory_space<vmem>>) dst(%dma_wait3A_359 : memref<64x128xf32, #tpu.memory_space<vmem_shared>>)
      tpu.yield
    }) : () -> ()
    %barrier3A_304 = arith.constant 0 : index
    tpu.barrier barrier_id(%barrier3A_304)
    %dma_start3A_305 = arith.constant 3 : i32
    %dma_start3A_306 = arith.constant 0 : i32
    %dma_start3A_307 = arith.constant 0 : i32
    %dma_start3A_308 = arith.constant 0 : i32
    %dma_start3A_309 = arith.constant 0 : i32
    %dma_start3A_310 = tpu.memref_slice %arg9[%dma_start3A_307, %dma_start3A_308, %dma_start3A_309] : memref<2x100x128xf32, #tpu.memory_space<vmem>> -> memref<1x100x128xf32, #tpu.memory_space<vmem>>
    %dma_start3A_311 = tpu.memref_squeeze %dma_start3A_310 : memref<1x100x128xf32, #tpu.memory_space<vmem>> -> memref<100x128xf32, #tpu.memory_space<vmem>>
    %dma_start3A_312 = arith.constant 0 : i32
    %dma_start3A_313 = tpu.memref_slice %arg7[%dma_start3A_306, %dma_start3A_312] : memref<50x100xi32, #tpu.memory_space<vmem>> -> memref<1x100xi32, #tpu.memory_space<vmem>>
    %dma_start3A_314 = tpu.memref_squeeze %dma_start3A_313 : memref<1x100xi32, #tpu.memory_space<vmem>> -> memref<100xi32, #tpu.memory_space<vmem>>
    %dma_start3A_315 = arith.constant 0 : i32
    %dma_start3A_316 = arith.constant 0 : i32
    %dma_start3A_317 = tpu.memref_slice %arg2[%dma_start3A_305, %dma_start3A_315, %dma_start3A_316] : memref<4x10000x128xf32, #tpu.memory_space<hbm>> -> memref<1x10000x128xf32, #tpu.memory_space<hbm>>
    %dma_start3A_318 = tpu.memref_squeeze %dma_start3A_317 : memref<1x10000x128xf32, #tpu.memory_space<hbm>> -> memref<10000x128xf32, #tpu.memory_space<hbm>>
    %dma_start3A_319 = arith.constant 0 : i32
    %dma_start3A_320 = arith.constant 0 : i32
    %dma_start3A_321 = tpu.memref_slice %dma_start3A_318[%dma_start3A_319, %dma_start3A_320] : memref<10000x128xf32, #tpu.memory_space<hbm>> -> memref<10000x128xf32, #tpu.memory_space<hbm>>
    tpu.enqueue_indirect_dma source(%dma_start3A_321 : memref<10000x128xf32, #tpu.memory_space<hbm>>) target(%dma_start3A_311 : memref<100x128xf32, #tpu.memory_space<vmem>>) offsets(%dma_start3A_314 : memref<100xi32, #tpu.memory_space<vmem>>) semaphore(%arg12 : memref<!tpu.dma_semaphore, #tpu.memory_space<semaphore_mem>>)
    %dma_start3A_322 = arith.constant 3 : i32
    %dma_start3A_323 = arith.constant 1 : i32
    %dma_start3A_324 = arith.constant 1 : i32
    %dma_start3A_325 = arith.constant 0 : i32
    %dma_start3A_326 = arith.constant 0 : i32
    %dma_start3A_327 = tpu.memref_slice %arg9[%dma_start3A_324, %dma_start3A_325, %dma_start3A_326] : memref<2x100x128xf32, #tpu.memory_space<vmem>> -> memref<1x100x128xf32, #tpu.memory_space<vmem>>
    %dma_start3A_328 = tpu.memref_squeeze %dma_start3A_327 : memref<1x100x128xf32, #tpu.memory_space<vmem>> -> memref<100x128xf32, #tpu.memory_space<vmem>>
    %dma_start3A_329 = arith.constant 0 : i32
    %dma_start3A_330 = tpu.memref_slice %arg7[%dma_start3A_323, %dma_start3A_329] : memref<50x100xi32, #tpu.memory_space<vmem>> -> memref<1x100xi32, #tpu.memory_space<vmem>>
    %dma_start3A_331 = tpu.memref_squeeze %dma_start3A_330 : memref<1x100xi32, #tpu.memory_space<vmem>> -> memref<100xi32, #tpu.memory_space<vmem>>
    %dma_start3A_332 = arith.constant 0 : i32
    %dma_start3A_333 = arith.constant 0 : i32
    %dma_start3A_334 = tpu.memref_slice %arg2[%dma_start3A_322, %dma_start3A_332, %dma_start3A_333] : memref<4x10000x128xf32, #tpu.memory_space<hbm>> -> memref<1x10000x128xf32, #tpu.memory_space<hbm>>
    %dma_start3A_335 = tpu.memref_squeeze %dma_start3A_334 : memref<1x10000x128xf32, #tpu.memory_space<hbm>> -> memref<10000x128xf32, #tpu.memory_space<hbm>>
    %dma_start3A_336 = arith.constant 0 : i32
    %dma_start3A_337 = arith.constant 0 : i32
    %dma_start3A_338 = tpu.memref_slice %dma_start3A_335[%dma_start3A_336, %dma_start3A_337] : memref<10000x128xf32, #tpu.memory_space<hbm>> -> memref<10000x128xf32, #tpu.memory_space<hbm>>
    tpu.enqueue_indirect_dma source(%dma_start3A_338 : memref<10000x128xf32, #tpu.memory_space<hbm>>) target(%dma_start3A_328 : memref<100x128xf32, #tpu.memory_space<vmem>>) offsets(%dma_start3A_331 : memref<100xi32, #tpu.memory_space<vmem>>) semaphore(%arg13 : memref<!tpu.dma_semaphore, #tpu.memory_space<semaphore_mem>>)
    %scan3A_339 = arith.constant 0 : i32
    %scan3A_340 = arith.constant 3 : i32
    %scan3A_341 = arith.constant 0 : i32
    %scan3A_342 = arith.constant 25 : i32
    %scan3A_343 = arith.addi %scan3A_341, %scan3A_342 : i32
    %scan3A_344 = arith.constant 1 : i32
    scf.for %scan3A_352 = %scan3A_341 to %scan3A_343 step %scan3A_344  : i32 {
      %mul3A_353 = arith.constant 2 : i32
      %mul3A_354 = arith.muli %scan3A_352, %mul3A_353 : i32
      %add3A_355 = arith.constant 0 : i32
      %add3A_356 = arith.addi %mul3A_354, %add3A_355 : i32
      %dma_wait3A = arith.constant 0 : i32
      %dma_wait3A_357 = arith.constant 0 : i32
      %dma_wait3A_358 = arith.constant 0 : i32
      %dma_wait3A_359 = tpu.memref_slice %arg9[%dma_wait3A, %dma_wait3A_357, %dma_wait3A_358] : memref<2x100x128xf32, #tpu.memory_space<vmem>> -> memref<1x100x128xf32, #tpu.memory_space<vmem>>
      %dma_wait3A_360 = tpu.memref_squeeze %dma_wait3A_359 : memref<1x100x128xf32, #tpu.memory_space<vmem>> -> memref<100x128xf32, #tpu.memory_space<vmem>>
      %dma_wait3A_361 = arith.constant 0 : i32
      %dma_wait3A_362 = tpu.memref_slice %arg7[%add3A_356, %dma_wait3A_361] : memref<50x100xi32, #tpu.memory_space<vmem>> -> memref<1x100xi32, #tpu.memory_space<vmem>>
      %dma_wait3A_363 = tpu.memref_squeeze %dma_wait3A_362 : memref<1x100xi32, #tpu.memory_space<vmem>> -> memref<100xi32, #tpu.memory_space<vmem>>
      %dma_wait3A_364 = arith.constant 0 : i32
      %dma_wait3A_365 = arith.constant 0 : i32
      %dma_wait3A_366 = tpu.memref_slice %arg2[%scan3A_340, %dma_wait3A_364, %dma_wait3A_365] : memref<4x10000x128xf32, #tpu.memory_space<hbm>> -> memref<1x10000x128xf32, #tpu.memory_space<hbm>>
      %dma_wait3A_367 = tpu.memref_squeeze %dma_wait3A_366 : memref<1x10000x128xf32, #tpu.memory_space<hbm>> -> memref<10000x128xf32, #tpu.memory_space<hbm>>
      %dma_wait3A_368 = arith.constant 0 : i32
      %dma_wait3A_369 = arith.constant 0 : i32
      %dma_wait3A_370 = tpu.memref_slice %dma_wait3A_367[%dma_wait3A_368, %dma_wait3A_369] : memref<10000x128xf32, #tpu.memory_space<hbm>> -> memref<10000x128xf32, #tpu.memory_space<hbm>>
      tpu.wait_indirect_dma semaphore(%arg12 : memref<!tpu.dma_semaphore, #tpu.memory_space<semaphore_mem>>) src(%dma_wait3A_370 : memref<10000x128xf32, #tpu.memory_space<hbm>>) dst(%dma_wait3A_360 : memref<100x128xf32, #tpu.memory_space<vmem>>)
      %run_scoped3A_371 = arith.constant 0 : i32
      "tpu.region"() ({
        %run_scoped3A_403 = tpu.sem_alloc : memref<!tpu.dma_semaphore, #tpu.memory_space<semaphore_mem>>
        %dma_start3A_404 = arith.constant 0 : i32
        %dma_start3A_405 = arith.constant 0 : i32
        %dma_start3A_406 = tpu.memref_slice %arg9[%run_scoped3A_371, %dma_start3A_404, %dma_start3A_405] : memref<2x100x128xf32, #tpu.memory_space<vmem>> -> memref<1x100x128xf32, #tpu.memory_space<vmem>>
        %dma_start3A_407 = tpu.memref_squeeze %dma_start3A_406 : memref<1x100x128xf32, #tpu.memory_space<vmem>> -> memref<100x128xf32, #tpu.memory_space<vmem>>
        %dma_start3A_408 = arith.constant 0 : i32
        %dma_start3A_409 = tpu.memref_slice %arg8[%add3A_356, %dma_start3A_408] : memref<50x100xi32, #tpu.memory_space<vmem>> -> memref<1x100xi32, #tpu.memory_space<vmem>>
        %dma_start3A_410 = tpu.memref_squeeze %dma_start3A_409 : memref<1x100xi32, #tpu.memory_space<vmem>> -> memref<100xi32, #tpu.memory_space<vmem>>
        %dma_start3A_411 = arith.constant 0 : i32
        %dma_start3A_412 = arith.constant 0 : i32
        %dma_start3A_413 = tpu.memref_slice %arg11[%dma_start3A_411, %dma_start3A_412] : memref<10240x128xf32, #tpu.memory_space<vmem_shared>> -> memref<10240x128xf32, #tpu.memory_space<vmem_shared>>
        tpu.enqueue_indirect_dma source(%dma_start3A_407 : memref<100x128xf32, #tpu.memory_space<vmem>>) target(%dma_start3A_413 : memref<10240x128xf32, #tpu.memory_space<vmem_shared>>) offsets(%dma_start3A_410 : memref<100xi32, #tpu.memory_space<vmem>>) semaphore(%run_scoped3A_403 : memref<!tpu.dma_semaphore, #tpu.memory_space<semaphore_mem>>) {add = true}
        %dma_wait3A_414 = arith.constant 0 : i32
        %dma_wait3A_415 = arith.constant 0 : i32
        %dma_wait3A_416 = tpu.memref_slice %arg9[%run_scoped3A_371, %dma_wait3A_414, %dma_wait3A_415] : memref<2x100x128xf32, #tpu.memory_space<vmem>> -> memref<1x100x128xf32, #tpu.memory_space<vmem>>
        %dma_wait3A_417 = tpu.memref_squeeze %dma_wait3A_416 : memref<1x100x128xf32, #tpu.memory_space<vmem>> -> memref<100x128xf32, #tpu.memory_space<vmem>>
        %dma_wait3A_418 = arith.constant 0 : i32
        %dma_wait3A_419 = tpu.memref_slice %arg8[%add3A_356, %dma_wait3A_418] : memref<50x100xi32, #tpu.memory_space<vmem>> -> memref<1x100xi32, #tpu.memory_space<vmem>>
        %dma_wait3A_420 = tpu.memref_squeeze %dma_wait3A_419 : memref<1x100xi32, #tpu.memory_space<vmem>> -> memref<100xi32, #tpu.memory_space<vmem>>
        %dma_wait3A_421 = arith.constant 0 : i32
        %dma_wait3A_422 = arith.constant 0 : i32
        %dma_wait3A_423 = tpu.memref_slice %arg11[%dma_wait3A_421, %dma_wait3A_422] : memref<10240x128xf32, #tpu.memory_space<vmem_shared>> -> memref<10240x128xf32, #tpu.memory_space<vmem_shared>>
        tpu.wait_indirect_dma semaphore(%run_scoped3A_403 : memref<!tpu.dma_semaphore, #tpu.memory_space<semaphore_mem>>) src(%dma_wait3A_417 : memref<100x128xf32, #tpu.memory_space<vmem>>) dst(%dma_wait3A_423 : memref<10240x128xf32, #tpu.memory_space<vmem_shared>>)
        tpu.yield
      }) : () -> ()
      %add3A_372 = arith.constant 2 : i32
      %add3A_373 = arith.addi %add3A_356, %add3A_372 : i32
      %lt3A = arith.constant 50 : i32
      %lt3A_374 = arith.cmpi slt, %add3A_373, %lt3A : i32
      %convert_element_type3A = arith.extui %lt3A_374 : i1 to i32
      %cond3A = arith.constant 0 : i32
      %cond3A_375 = arith.cmpi ne, %convert_element_type3A, %cond3A : i32
      scf.if %cond3A_375 {
        %add3A_403 = arith.constant 2 : i32
        %add3A_404 = arith.addi %add3A_356, %add3A_403 : i32
        %dma_start3A_405 = arith.constant 0 : i32
        %dma_start3A_406 = arith.constant 0 : i32
        %dma_start3A_407 = arith.constant 0 : i32
        %dma_start3A_408 = tpu.memref_slice %arg9[%dma_start3A_405, %dma_start3A_406, %dma_start3A_407] : memref<2x100x128xf32, #tpu.memory_space<vmem>> -> memref<1x100x128xf32, #tpu.memory_space<vmem>>
        %dma_start3A_409 = tpu.memref_squeeze %dma_start3A_408 : memref<1x100x128xf32, #tpu.memory_space<vmem>> -> memref<100x128xf32, #tpu.memory_space<vmem>>
        %dma_start3A_410 = arith.constant 0 : i32
        %dma_start3A_411 = tpu.memref_slice %arg7[%add3A_404, %dma_start3A_410] : memref<50x100xi32, #tpu.memory_space<vmem>> -> memref<1x100xi32, #tpu.memory_space<vmem>>
        %dma_start3A_412 = tpu.memref_squeeze %dma_start3A_411 : memref<1x100xi32, #tpu.memory_space<vmem>> -> memref<100xi32, #tpu.memory_space<vmem>>
        %dma_start3A_413 = arith.constant 0 : i32
        %dma_start3A_414 = arith.constant 0 : i32
        %dma_start3A_415 = tpu.memref_slice %arg2[%scan3A_340, %dma_start3A_413, %dma_start3A_414] : memref<4x10000x128xf32, #tpu.memory_space<hbm>> -> memref<1x10000x128xf32, #tpu.memory_space<hbm>>
        %dma_start3A_416 = tpu.memref_squeeze %dma_start3A_415 : memref<1x10000x128xf32, #tpu.memory_space<hbm>> -> memref<10000x128xf32, #tpu.memory_space<hbm>>
        %dma_start3A_417 = arith.constant 0 : i32
        %dma_start3A_418 = arith.constant 0 : i32
        %dma_start3A_419 = tpu.memref_slice %dma_start3A_416[%dma_start3A_417, %dma_start3A_418] : memref<10000x128xf32, #tpu.memory_space<hbm>> -> memref<10000x128xf32, #tpu.memory_space<hbm>>
        tpu.enqueue_indirect_dma source(%dma_start3A_419 : memref<10000x128xf32, #tpu.memory_space<hbm>>) target(%dma_start3A_409 : memref<100x128xf32, #tpu.memory_space<vmem>>) offsets(%dma_start3A_412 : memref<100xi32, #tpu.memory_space<vmem>>) semaphore(%arg12 : memref<!tpu.dma_semaphore, #tpu.memory_space<semaphore_mem>>)
      } else {
      }
      %mul3A_376 = arith.constant 2 : i32
      %mul3A_377 = arith.muli %scan3A_352, %mul3A_376 : i32
      %add3A_378 = arith.constant 1 : i32
      %add3A_379 = arith.addi %mul3A_377, %add3A_378 : i32
      %dma_wait3A_380 = arith.constant 1 : i32
      %dma_wait3A_381 = arith.constant 0 : i32
      %dma_wait3A_382 = arith.constant 0 : i32
      %dma_wait3A_383 = tpu.memref_slice %arg9[%dma_wait3A_380, %dma_wait3A_381, %dma_wait3A_382] : memref<2x100x128xf32, #tpu.memory_space<vmem>> -> memref<1x100x128xf32, #tpu.memory_space<vmem>>
      %dma_wait3A_384 = tpu.memref_squeeze %dma_wait3A_383 : memref<1x100x128xf32, #tpu.memory_space<vmem>> -> memref<100x128xf32, #tpu.memory_space<vmem>>
      %dma_wait3A_385 = arith.constant 0 : i32
      %dma_wait3A_386 = tpu.memref_slice %arg7[%add3A_379, %dma_wait3A_385] : memref<50x100xi32, #tpu.memory_space<vmem>> -> memref<1x100xi32, #tpu.memory_space<vmem>>
      %dma_wait3A_387 = tpu.memref_squeeze %dma_wait3A_386 : memref<1x100xi32, #tpu.memory_space<vmem>> -> memref<100xi32, #tpu.memory_space<vmem>>
      %dma_wait3A_388 = arith.constant 0 : i32
      %dma_wait3A_389 = arith.constant 0 : i32
      %dma_wait3A_390 = tpu.memref_slice %arg2[%scan3A_340, %dma_wait3A_388, %dma_wait3A_389] : memref<4x10000x128xf32, #tpu.memory_space<hbm>> -> memref<1x10000x128xf32, #tpu.memory_space<hbm>>
      %dma_wait3A_391 = tpu.memref_squeeze %dma_wait3A_390 : memref<1x10000x128xf32, #tpu.memory_space<hbm>> -> memref<10000x128xf32, #tpu.memory_space<hbm>>
      %dma_wait3A_392 = arith.constant 0 : i32
      %dma_wait3A_393 = arith.constant 0 : i32
      %dma_wait3A_394 = tpu.memref_slice %dma_wait3A_391[%dma_wait3A_392, %dma_wait3A_393] : memref<10000x128xf32, #tpu.memory_space<hbm>> -> memref<10000x128xf32, #tpu.memory_space<hbm>>
      tpu.wait_indirect_dma semaphore(%arg13 : memref<!tpu.dma_semaphore, #tpu.memory_space<semaphore_mem>>) src(%dma_wait3A_394 : memref<10000x128xf32, #tpu.memory_space<hbm>>) dst(%dma_wait3A_384 : memref<100x128xf32, #tpu.memory_space<vmem>>)
      %run_scoped3A_395 = arith.constant 1 : i32
      "tpu.region"() ({
        %run_scoped3A_403 = tpu.sem_alloc : memref<!tpu.dma_semaphore, #tpu.memory_space<semaphore_mem>>
        %dma_start3A_404 = arith.constant 0 : i32
        %dma_start3A_405 = arith.constant 0 : i32
        %dma_start3A_406 = tpu.memref_slice %arg9[%run_scoped3A_395, %dma_start3A_404, %dma_start3A_405] : memref<2x100x128xf32, #tpu.memory_space<vmem>> -> memref<1x100x128xf32, #tpu.memory_space<vmem>>
        %dma_start3A_407 = tpu.memref_squeeze %dma_start3A_406 : memref<1x100x128xf32, #tpu.memory_space<vmem>> -> memref<100x128xf32, #tpu.memory_space<vmem>>
        %dma_start3A_408 = arith.constant 0 : i32
        %dma_start3A_409 = tpu.memref_slice %arg8[%add3A_379, %dma_start3A_408] : memref<50x100xi32, #tpu.memory_space<vmem>> -> memref<1x100xi32, #tpu.memory_space<vmem>>
        %dma_start3A_410 = tpu.memref_squeeze %dma_start3A_409 : memref<1x100xi32, #tpu.memory_space<vmem>> -> memref<100xi32, #tpu.memory_space<vmem>>
        %dma_start3A_411 = arith.constant 0 : i32
        %dma_start3A_412 = arith.constant 0 : i32
        %dma_start3A_413 = tpu.memref_slice %arg11[%dma_start3A_411, %dma_start3A_412] : memref<10240x128xf32, #tpu.memory_space<vmem_shared>> -> memref<10240x128xf32, #tpu.memory_space<vmem_shared>>
        tpu.enqueue_indirect_dma source(%dma_start3A_407 : memref<100x128xf32, #tpu.memory_space<vmem>>) target(%dma_start3A_413 : memref<10240x128xf32, #tpu.memory_space<vmem_shared>>) offsets(%dma_start3A_410 : memref<100xi32, #tpu.memory_space<vmem>>) semaphore(%run_scoped3A_403 : memref<!tpu.dma_semaphore, #tpu.memory_space<semaphore_mem>>) {add = true}
        %dma_wait3A_414 = arith.constant 0 : i32
        %dma_wait3A_415 = arith.constant 0 : i32
        %dma_wait3A_416 = tpu.memref_slice %arg9[%run_scoped3A_395, %dma_wait3A_414, %dma_wait3A_415] : memref<2x100x128xf32, #tpu.memory_space<vmem>> -> memref<1x100x128xf32, #tpu.memory_space<vmem>>
        %dma_wait3A_417 = tpu.memref_squeeze %dma_wait3A_416 : memref<1x100x128xf32, #tpu.memory_space<vmem>> -> memref<100x128xf32, #tpu.memory_space<vmem>>
        %dma_wait3A_418 = arith.constant 0 : i32
        %dma_wait3A_419 = tpu.memref_slice %arg8[%add3A_379, %dma_wait3A_418] : memref<50x100xi32, #tpu.memory_space<vmem>> -> memref<1x100xi32, #tpu.memory_space<vmem>>
        %dma_wait3A_420 = tpu.memref_squeeze %dma_wait3A_419 : memref<1x100xi32, #tpu.memory_space<vmem>> -> memref<100xi32, #tpu.memory_space<vmem>>
        %dma_wait3A_421 = arith.constant 0 : i32
        %dma_wait3A_422 = arith.constant 0 : i32
        %dma_wait3A_423 = tpu.memref_slice %arg11[%dma_wait3A_421, %dma_wait3A_422] : memref<10240x128xf32, #tpu.memory_space<vmem_shared>> -> memref<10240x128xf32, #tpu.memory_space<vmem_shared>>
        tpu.wait_indirect_dma semaphore(%run_scoped3A_403 : memref<!tpu.dma_semaphore, #tpu.memory_space<semaphore_mem>>) src(%dma_wait3A_417 : memref<100x128xf32, #tpu.memory_space<vmem>>) dst(%dma_wait3A_423 : memref<10240x128xf32, #tpu.memory_space<vmem_shared>>)
        tpu.yield
      }) : () -> ()
      %add3A_396 = arith.constant 2 : i32
      %add3A_397 = arith.addi %add3A_379, %add3A_396 : i32
      %lt3A_398 = arith.constant 50 : i32
      %lt3A_399 = arith.cmpi slt, %add3A_397, %lt3A_398 : i32
      %convert_element_type3A_400 = arith.extui %lt3A_399 : i1 to i32
      %cond3A_401 = arith.constant 0 : i32
      %cond3A_402 = arith.cmpi ne, %convert_element_type3A_400, %cond3A_401 : i32
      scf.if %cond3A_402 {
        %add3A_403 = arith.constant 2 : i32
        %add3A_404 = arith.addi %add3A_379, %add3A_403 : i32
        %dma_start3A_405 = arith.constant 1 : i32
        %dma_start3A_406 = arith.constant 0 : i32
        %dma_start3A_407 = arith.constant 0 : i32
        %dma_start3A_408 = tpu.memref_slice %arg9[%dma_start3A_405, %dma_start3A_406, %dma_start3A_407] : memref<2x100x128xf32, #tpu.memory_space<vmem>> -> memref<1x100x128xf32, #tpu.memory_space<vmem>>
        %dma_start3A_409 = tpu.memref_squeeze %dma_start3A_408 : memref<1x100x128xf32, #tpu.memory_space<vmem>> -> memref<100x128xf32, #tpu.memory_space<vmem>>
        %dma_start3A_410 = arith.constant 0 : i32
        %dma_start3A_411 = tpu.memref_slice %arg7[%add3A_404, %dma_start3A_410] : memref<50x100xi32, #tpu.memory_space<vmem>> -> memref<1x100xi32, #tpu.memory_space<vmem>>
        %dma_start3A_412 = tpu.memref_squeeze %dma_start3A_411 : memref<1x100xi32, #tpu.memory_space<vmem>> -> memref<100xi32, #tpu.memory_space<vmem>>
        %dma_start3A_413 = arith.constant 0 : i32
        %dma_start3A_414 = arith.constant 0 : i32
        %dma_start3A_415 = tpu.memref_slice %arg2[%scan3A_340, %dma_start3A_413, %dma_start3A_414] : memref<4x10000x128xf32, #tpu.memory_space<hbm>> -> memref<1x10000x128xf32, #tpu.memory_space<hbm>>
        %dma_start3A_416 = tpu.memref_squeeze %dma_start3A_415 : memref<1x10000x128xf32, #tpu.memory_space<hbm>> -> memref<10000x128xf32, #tpu.memory_space<hbm>>
        %dma_start3A_417 = arith.constant 0 : i32
        %dma_start3A_418 = arith.constant 0 : i32
        %dma_start3A_419 = tpu.memref_slice %dma_start3A_416[%dma_start3A_417, %dma_start3A_418] : memref<10000x128xf32, #tpu.memory_space<hbm>> -> memref<10000x128xf32, #tpu.memory_space<hbm>>
        tpu.enqueue_indirect_dma source(%dma_start3A_419 : memref<10000x128xf32, #tpu.memory_space<hbm>>) target(%dma_start3A_409 : memref<100x128xf32, #tpu.memory_space<vmem>>) offsets(%dma_start3A_412 : memref<100xi32, #tpu.memory_space<vmem>>) semaphore(%arg13 : memref<!tpu.dma_semaphore, #tpu.memory_space<semaphore_mem>>)
      } else {
      }
    }
    %scan3A_345 = arith.constant 25 : i32
    %barrier3A_346 = arith.constant 0 : index
    tpu.barrier barrier_id(%barrier3A_346)
    %mul3A_347 = arith.constant 640 : i32
    %mul3A_348 = arith.muli %arg1, %mul3A_347 : i32
    %mul3A_349 = arith.constant 640 : i32
    %mul3A_350 = arith.muli %arg1, %mul3A_349 : i32
    %run_scoped3A_351 = arith.constant 3 : i32
    "tpu.region"() ({
      %run_scoped3A_352 = tpu.sem_alloc : memref<!tpu.dma_semaphore, #tpu.memory_space<semaphore_mem>>
      %dma_start3A_353 = arith.constant 0 : i32
      %dma_start3A_354 = tpu.memref_slice %arg6[%run_scoped3A_351, %arg0, %mul3A_350, %dma_start3A_353] : memref<4x2x10240x128xf32, #tpu.memory_space<hbm>> -> memref<1x1x640x128xf32, #tpu.memory_space<hbm>>
      %dma_start3A_355 = tpu.memref_squeeze %dma_start3A_354 : memref<1x1x640x128xf32, #tpu.memory_space<hbm>> -> memref<640x128xf32, #tpu.memory_space<hbm>>
      %dma_start3A_356 = arith.constant 0 : i32
      %dma_start3A_357 = tpu.memref_slice %arg11[%mul3A_348, %dma_start3A_356] : memref<10240x128xf32, #tpu.memory_space<vmem_shared>> -> memref<640x128xf32, #tpu.memory_space<vmem_shared>>
      tpu.enqueue_dma source(%dma_start3A_357 : memref<640x128xf32, #tpu.memory_space<vmem_shared>>) target(%dma_start3A_355 : memref<640x128xf32, #tpu.memory_space<hbm>>) target_semaphore(%run_scoped3A_352 : memref<!tpu.dma_semaphore, #tpu.memory_space<semaphore_mem>>)
      %dma_wait3A = arith.constant 0 : i32
      %dma_wait3A_358 = tpu.memref_slice %arg6[%run_scoped3A_351, %arg0, %mul3A_350, %dma_wait3A] : memref<4x2x10240x128xf32, #tpu.memory_space<hbm>> -> memref<1x1x640x128xf32, #tpu.memory_space<hbm>>
      %dma_wait3A_359 = tpu.memref_squeeze %dma_wait3A_358 : memref<1x1x640x128xf32, #tpu.memory_space<hbm>> -> memref<640x128xf32, #tpu.memory_space<hbm>>
      %dma_wait3A_360 = arith.constant 0 : i32
      %dma_wait3A_361 = tpu.memref_slice %arg11[%mul3A_348, %dma_wait3A_360] : memref<10240x128xf32, #tpu.memory_space<vmem_shared>> -> memref<640x128xf32, #tpu.memory_space<vmem_shared>>
      tpu.wait_dma2 semaphore(%run_scoped3A_352 : memref<!tpu.dma_semaphore, #tpu.memory_space<semaphore_mem>>) src(%dma_wait3A_361 : memref<640x128xf32, #tpu.memory_space<vmem_shared>>) dst(%dma_wait3A_359 : memref<640x128xf32, #tpu.memory_space<hbm>>)
      tpu.yield
    }) : () -> ()
    return
  }
}

#map = affine_map<(d0, d1) -> (0, 0)>
#map1 = affine_map<(d0, d1) -> (0, 0, 0)>
#map2 = affine_map<(d0, d1) -> (0, 0, 0, 0)>
module attributes {stable_mosaic.version = 14 : i64} {
  func.func @sc_degree(%arg0: i32, %arg1: i32, %arg2: memref<100x128xf32, #tpu.memory_space<hbm>>, %arg3: memref<32x50x100xi32, #tpu.memory_space<hbm>>, %arg4: memref<32x50x100xi32, #tpu.memory_space<hbm>>, %arg5: memref<64x128xf32, #tpu.memory_space<hbm>>, %arg6: memref<1x2x10240x128xf32, #tpu.memory_space<hbm>>, %arg7: memref<50x100xi32, #tpu.memory_space<vmem>>, %arg8: memref<50x100xi32, #tpu.memory_space<vmem>>, %arg9: memref<2x100x128xf32, #tpu.memory_space<vmem>>, %arg10: memref<64x128xf32, #tpu.memory_space<vmem>>, %arg11: memref<10240x128xf32, #tpu.memory_space<vmem_shared>>, %arg12: memref<!tpu.dma_semaphore, #tpu.memory_space<semaphore_mem>>, %arg13: memref<!tpu.dma_semaphore, #tpu.memory_space<semaphore_mem>>) attributes {dimension_semantics = [#tpu.dimension_semantics<core_parallel>, #tpu.dimension_semantics<subcore_parallel>], iteration_bounds = array<i64: 2, 16>, scalar_prefetch = 0 : i64, scratch_operands = 7 : i64, tpu.core_type = #tpu.core_type<sc_vector_subcore>, window_params = [{transform_indices = #map}, {transform_indices = #map1}, {transform_indices = #map1}, {transform_indices = #map}, {transform_indices = #map2}]} {
    %mul3A = arith.constant 16 : i32
    %mul3A_0 = arith.muli %arg0, %mul3A : i32
    %add3A = arith.addi %mul3A_0, %arg1 : i32
    "tpu.region"() ({
      %run_scoped3A_52 = tpu.sem_alloc : memref<!tpu.dma_semaphore, #tpu.memory_space<semaphore_mem>>
      tpu.enqueue_dma source(%arg5 : memref<64x128xf32, #tpu.memory_space<hbm>>) target(%arg10 : memref<64x128xf32, #tpu.memory_space<vmem>>) target_semaphore(%run_scoped3A_52 : memref<!tpu.dma_semaphore, #tpu.memory_space<semaphore_mem>>)
      tpu.wait_dma2 semaphore(%run_scoped3A_52 : memref<!tpu.dma_semaphore, #tpu.memory_space<semaphore_mem>>) src(%arg5 : memref<64x128xf32, #tpu.memory_space<hbm>>) dst(%arg10 : memref<64x128xf32, #tpu.memory_space<vmem>>)
      tpu.yield
    }) : () -> ()
    %run_scoped3A = arith.constant 0 : i32
    "tpu.region"() ({
      %run_scoped3A_52 = tpu.sem_alloc : memref<!tpu.dma_semaphore, #tpu.memory_space<semaphore_mem>>
      %dma_start3A = arith.constant 0 : i32
      %dma_start3A_53 = arith.constant 0 : i32
      %dma_start3A_54 = tpu.memref_slice %arg9[%run_scoped3A, %dma_start3A, %dma_start3A_53] : memref<2x100x128xf32, #tpu.memory_space<vmem>> -> memref<1x100x128xf32, #tpu.memory_space<vmem>>
      %dma_start3A_55 = tpu.memref_squeeze %dma_start3A_54 : memref<1x100x128xf32, #tpu.memory_space<vmem>> -> memref<100x128xf32, #tpu.memory_space<vmem>>
      %dma_start3A_56 = arith.constant 0 : i32
      %dma_start3A_57 = arith.constant 0 : i32
      %dma_start3A_58 = tpu.memref_slice %arg9[%run_scoped3A, %dma_start3A_56, %dma_start3A_57] : memref<2x100x128xf32, #tpu.memory_space<vmem>> -> memref<1x100x128xf32, #tpu.memory_space<vmem>>
      %dma_start3A_59 = tpu.memref_squeeze %dma_start3A_58 : memref<1x100x128xf32, #tpu.memory_space<vmem>> -> memref<100x128xf32, #tpu.memory_space<vmem>>
      tpu.enqueue_dma source(%arg2 : memref<100x128xf32, #tpu.memory_space<hbm>>) target(%dma_start3A_59 : memref<100x128xf32, #tpu.memory_space<vmem>>) target_semaphore(%run_scoped3A_52 : memref<!tpu.dma_semaphore, #tpu.memory_space<semaphore_mem>>)
      %dma_wait3A = arith.constant 0 : i32
      %dma_wait3A_60 = arith.constant 0 : i32
      %dma_wait3A_61 = tpu.memref_slice %arg9[%run_scoped3A, %dma_wait3A, %dma_wait3A_60] : memref<2x100x128xf32, #tpu.memory_space<vmem>> -> memref<1x100x128xf32, #tpu.memory_space<vmem>>
      %dma_wait3A_62 = tpu.memref_squeeze %dma_wait3A_61 : memref<1x100x128xf32, #tpu.memory_space<vmem>> -> memref<100x128xf32, #tpu.memory_space<vmem>>
      %dma_wait3A_63 = arith.constant 0 : i32
      %dma_wait3A_64 = arith.constant 0 : i32
      %dma_wait3A_65 = tpu.memref_slice %arg9[%run_scoped3A, %dma_wait3A_63, %dma_wait3A_64] : memref<2x100x128xf32, #tpu.memory_space<vmem>> -> memref<1x100x128xf32, #tpu.memory_space<vmem>>
      %dma_wait3A_66 = tpu.memref_squeeze %dma_wait3A_65 : memref<1x100x128xf32, #tpu.memory_space<vmem>> -> memref<100x128xf32, #tpu.memory_space<vmem>>
      tpu.wait_dma2 semaphore(%run_scoped3A_52 : memref<!tpu.dma_semaphore, #tpu.memory_space<semaphore_mem>>) src(%arg2 : memref<100x128xf32, #tpu.memory_space<hbm>>) dst(%dma_wait3A_66 : memref<100x128xf32, #tpu.memory_space<vmem>>)
      tpu.yield
    }) : () -> ()
    "tpu.region"() ({
      %run_scoped3A_52 = tpu.sem_alloc : memref<!tpu.dma_semaphore, #tpu.memory_space<semaphore_mem>>
      %dma_start3A = arith.constant 0 : i32
      %dma_start3A_53 = arith.constant 0 : i32
      %dma_start3A_54 = tpu.memref_slice %arg4[%add3A, %dma_start3A, %dma_start3A_53] : memref<32x50x100xi32, #tpu.memory_space<hbm>> -> memref<1x50x100xi32, #tpu.memory_space<hbm>>
      %dma_start3A_55 = tpu.memref_squeeze %dma_start3A_54 : memref<1x50x100xi32, #tpu.memory_space<hbm>> -> memref<50x100xi32, #tpu.memory_space<hbm>>
      %dma_start3A_56 = arith.constant 0 : i32
      %dma_start3A_57 = arith.constant 0 : i32
      %dma_start3A_58 = tpu.memref_slice %arg4[%add3A, %dma_start3A_56, %dma_start3A_57] : memref<32x50x100xi32, #tpu.memory_space<hbm>> -> memref<1x50x100xi32, #tpu.memory_space<hbm>>
      %dma_start3A_59 = tpu.memref_squeeze %dma_start3A_58 : memref<1x50x100xi32, #tpu.memory_space<hbm>> -> memref<50x100xi32, #tpu.memory_space<hbm>>
      tpu.enqueue_dma source(%dma_start3A_59 : memref<50x100xi32, #tpu.memory_space<hbm>>) target(%arg8 : memref<50x100xi32, #tpu.memory_space<vmem>>) target_semaphore(%run_scoped3A_52 : memref<!tpu.dma_semaphore, #tpu.memory_space<semaphore_mem>>)
      %dma_wait3A = arith.constant 0 : i32
      %dma_wait3A_60 = arith.constant 0 : i32
      %dma_wait3A_61 = tpu.memref_slice %arg4[%add3A, %dma_wait3A, %dma_wait3A_60] : memref<32x50x100xi32, #tpu.memory_space<hbm>> -> memref<1x50x100xi32, #tpu.memory_space<hbm>>
      %dma_wait3A_62 = tpu.memref_squeeze %dma_wait3A_61 : memref<1x50x100xi32, #tpu.memory_space<hbm>> -> memref<50x100xi32, #tpu.memory_space<hbm>>
      %dma_wait3A_63 = arith.constant 0 : i32
      %dma_wait3A_64 = arith.constant 0 : i32
      %dma_wait3A_65 = tpu.memref_slice %arg4[%add3A, %dma_wait3A_63, %dma_wait3A_64] : memref<32x50x100xi32, #tpu.memory_space<hbm>> -> memref<1x50x100xi32, #tpu.memory_space<hbm>>
      %dma_wait3A_66 = tpu.memref_squeeze %dma_wait3A_65 : memref<1x50x100xi32, #tpu.memory_space<hbm>> -> memref<50x100xi32, #tpu.memory_space<hbm>>
      tpu.wait_dma2 semaphore(%run_scoped3A_52 : memref<!tpu.dma_semaphore, #tpu.memory_space<semaphore_mem>>) src(%dma_wait3A_66 : memref<50x100xi32, #tpu.memory_space<hbm>>) dst(%arg8 : memref<50x100xi32, #tpu.memory_space<vmem>>)
      tpu.yield
    }) : () -> ()
    %mul3A_1 = arith.constant 640 : i32
    %mul3A_2 = arith.muli %arg1, %mul3A_1 : i32
    %add3A_3 = arith.constant 0 : i32
    %add3A_4 = arith.addi %mul3A_2, %add3A_3 : i32
    "tpu.region"() ({
      %run_scoped3A_52 = tpu.sem_alloc : memref<!tpu.dma_semaphore, #tpu.memory_space<semaphore_mem>>
      %dma_start3A = arith.constant 0 : i32
      %dma_start3A_53 = tpu.memref_slice %arg11[%add3A_4, %dma_start3A] : memref<10240x128xf32, #tpu.memory_space<vmem_shared>> -> memref<64x128xf32, #tpu.memory_space<vmem_shared>>
      %dma_start3A_54 = arith.constant 0 : i32
      %dma_start3A_55 = tpu.memref_slice %arg11[%add3A_4, %dma_start3A_54] : memref<10240x128xf32, #tpu.memory_space<vmem_shared>> -> memref<64x128xf32, #tpu.memory_space<vmem_shared>>
      tpu.enqueue_dma source(%arg10 : memref<64x128xf32, #tpu.memory_space<vmem>>) target(%dma_start3A_55 : memref<64x128xf32, #tpu.memory_space<vmem_shared>>) target_semaphore(%run_scoped3A_52 : memref<!tpu.dma_semaphore, #tpu.memory_space<semaphore_mem>>)
      %dma_wait3A = arith.constant 0 : i32
      %dma_wait3A_56 = tpu.memref_slice %arg11[%add3A_4, %dma_wait3A] : memref<10240x128xf32, #tpu.memory_space<vmem_shared>> -> memref<64x128xf32, #tpu.memory_space<vmem_shared>>
      %dma_wait3A_57 = arith.constant 0 : i32
      %dma_wait3A_58 = tpu.memref_slice %arg11[%add3A_4, %dma_wait3A_57] : memref<10240x128xf32, #tpu.memory_space<vmem_shared>> -> memref<64x128xf32, #tpu.memory_space<vmem_shared>>
      tpu.wait_dma2 semaphore(%run_scoped3A_52 : memref<!tpu.dma_semaphore, #tpu.memory_space<semaphore_mem>>) src(%arg10 : memref<64x128xf32, #tpu.memory_space<vmem>>) dst(%dma_wait3A_58 : memref<64x128xf32, #tpu.memory_space<vmem_shared>>)
      tpu.yield
    }) : () -> ()
    %mul3A_5 = arith.constant 640 : i32
    %mul3A_6 = arith.muli %arg1, %mul3A_5 : i32
    %add3A_7 = arith.constant 64 : i32
    %add3A_8 = arith.addi %mul3A_6, %add3A_7 : i32
    "tpu.region"() ({
      %run_scoped3A_52 = tpu.sem_alloc : memref<!tpu.dma_semaphore, #tpu.memory_space<semaphore_mem>>
      %dma_start3A = arith.constant 0 : i32
      %dma_start3A_53 = tpu.memref_slice %arg11[%add3A_8, %dma_start3A] : memref<10240x128xf32, #tpu.memory_space<vmem_shared>> -> memref<64x128xf32, #tpu.memory_space<vmem_shared>>
      %dma_start3A_54 = arith.constant 0 : i32
      %dma_start3A_55 = tpu.memref_slice %arg11[%add3A_8, %dma_start3A_54] : memref<10240x128xf32, #tpu.memory_space<vmem_shared>> -> memref<64x128xf32, #tpu.memory_space<vmem_shared>>
      tpu.enqueue_dma source(%arg10 : memref<64x128xf32, #tpu.memory_space<vmem>>) target(%dma_start3A_55 : memref<64x128xf32, #tpu.memory_space<vmem_shared>>) target_semaphore(%run_scoped3A_52 : memref<!tpu.dma_semaphore, #tpu.memory_space<semaphore_mem>>)
      %dma_wait3A = arith.constant 0 : i32
      %dma_wait3A_56 = tpu.memref_slice %arg11[%add3A_8, %dma_wait3A] : memref<10240x128xf32, #tpu.memory_space<vmem_shared>> -> memref<64x128xf32, #tpu.memory_space<vmem_shared>>
      %dma_wait3A_57 = arith.constant 0 : i32
      %dma_wait3A_58 = tpu.memref_slice %arg11[%add3A_8, %dma_wait3A_57] : memref<10240x128xf32, #tpu.memory_space<vmem_shared>> -> memref<64x128xf32, #tpu.memory_space<vmem_shared>>
      tpu.wait_dma2 semaphore(%run_scoped3A_52 : memref<!tpu.dma_semaphore, #tpu.memory_space<semaphore_mem>>) src(%arg10 : memref<64x128xf32, #tpu.memory_space<vmem>>) dst(%dma_wait3A_58 : memref<64x128xf32, #tpu.memory_space<vmem_shared>>)
      tpu.yield
    }) : () -> ()
    %mul3A_9 = arith.constant 640 : i32
    %mul3A_10 = arith.muli %arg1, %mul3A_9 : i32
    %add3A_11 = arith.constant 128 : i32
    %add3A_12 = arith.addi %mul3A_10, %add3A_11 : i32
    "tpu.region"() ({
      %run_scoped3A_52 = tpu.sem_alloc : memref<!tpu.dma_semaphore, #tpu.memory_space<semaphore_mem>>
      %dma_start3A = arith.constant 0 : i32
      %dma_start3A_53 = tpu.memref_slice %arg11[%add3A_12, %dma_start3A] : memref<10240x128xf32, #tpu.memory_space<vmem_shared>> -> memref<64x128xf32, #tpu.memory_space<vmem_shared>>
      %dma_start3A_54 = arith.constant 0 : i32
      %dma_start3A_55 = tpu.memref_slice %arg11[%add3A_12, %dma_start3A_54] : memref<10240x128xf32, #tpu.memory_space<vmem_shared>> -> memref<64x128xf32, #tpu.memory_space<vmem_shared>>
      tpu.enqueue_dma source(%arg10 : memref<64x128xf32, #tpu.memory_space<vmem>>) target(%dma_start3A_55 : memref<64x128xf32, #tpu.memory_space<vmem_shared>>) target_semaphore(%run_scoped3A_52 : memref<!tpu.dma_semaphore, #tpu.memory_space<semaphore_mem>>)
      %dma_wait3A = arith.constant 0 : i32
      %dma_wait3A_56 = tpu.memref_slice %arg11[%add3A_12, %dma_wait3A] : memref<10240x128xf32, #tpu.memory_space<vmem_shared>> -> memref<64x128xf32, #tpu.memory_space<vmem_shared>>
      %dma_wait3A_57 = arith.constant 0 : i32
      %dma_wait3A_58 = tpu.memref_slice %arg11[%add3A_12, %dma_wait3A_57] : memref<10240x128xf32, #tpu.memory_space<vmem_shared>> -> memref<64x128xf32, #tpu.memory_space<vmem_shared>>
      tpu.wait_dma2 semaphore(%run_scoped3A_52 : memref<!tpu.dma_semaphore, #tpu.memory_space<semaphore_mem>>) src(%arg10 : memref<64x128xf32, #tpu.memory_space<vmem>>) dst(%dma_wait3A_58 : memref<64x128xf32, #tpu.memory_space<vmem_shared>>)
      tpu.yield
    }) : () -> ()
    %mul3A_13 = arith.constant 640 : i32
    %mul3A_14 = arith.muli %arg1, %mul3A_13 : i32
    %add3A_15 = arith.constant 192 : i32
    %add3A_16 = arith.addi %mul3A_14, %add3A_15 : i32
    "tpu.region"() ({
      %run_scoped3A_52 = tpu.sem_alloc : memref<!tpu.dma_semaphore, #tpu.memory_space<semaphore_mem>>
      %dma_start3A = arith.constant 0 : i32
      %dma_start3A_53 = tpu.memref_slice %arg11[%add3A_16, %dma_start3A] : memref<10240x128xf32, #tpu.memory_space<vmem_shared>> -> memref<64x128xf32, #tpu.memory_space<vmem_shared>>
      %dma_start3A_54 = arith.constant 0 : i32
      %dma_start3A_55 = tpu.memref_slice %arg11[%add3A_16, %dma_start3A_54] : memref<10240x128xf32, #tpu.memory_space<vmem_shared>> -> memref<64x128xf32, #tpu.memory_space<vmem_shared>>
      tpu.enqueue_dma source(%arg10 : memref<64x128xf32, #tpu.memory_space<vmem>>) target(%dma_start3A_55 : memref<64x128xf32, #tpu.memory_space<vmem_shared>>) target_semaphore(%run_scoped3A_52 : memref<!tpu.dma_semaphore, #tpu.memory_space<semaphore_mem>>)
      %dma_wait3A = arith.constant 0 : i32
      %dma_wait3A_56 = tpu.memref_slice %arg11[%add3A_16, %dma_wait3A] : memref<10240x128xf32, #tpu.memory_space<vmem_shared>> -> memref<64x128xf32, #tpu.memory_space<vmem_shared>>
      %dma_wait3A_57 = arith.constant 0 : i32
      %dma_wait3A_58 = tpu.memref_slice %arg11[%add3A_16, %dma_wait3A_57] : memref<10240x128xf32, #tpu.memory_space<vmem_shared>> -> memref<64x128xf32, #tpu.memory_space<vmem_shared>>
      tpu.wait_dma2 semaphore(%run_scoped3A_52 : memref<!tpu.dma_semaphore, #tpu.memory_space<semaphore_mem>>) src(%arg10 : memref<64x128xf32, #tpu.memory_space<vmem>>) dst(%dma_wait3A_58 : memref<64x128xf32, #tpu.memory_space<vmem_shared>>)
      tpu.yield
    }) : () -> ()
    %mul3A_17 = arith.constant 640 : i32
    %mul3A_18 = arith.muli %arg1, %mul3A_17 : i32
    %add3A_19 = arith.constant 256 : i32
    %add3A_20 = arith.addi %mul3A_18, %add3A_19 : i32
    "tpu.region"() ({
      %run_scoped3A_52 = tpu.sem_alloc : memref<!tpu.dma_semaphore, #tpu.memory_space<semaphore_mem>>
      %dma_start3A = arith.constant 0 : i32
      %dma_start3A_53 = tpu.memref_slice %arg11[%add3A_20, %dma_start3A] : memref<10240x128xf32, #tpu.memory_space<vmem_shared>> -> memref<64x128xf32, #tpu.memory_space<vmem_shared>>
      %dma_start3A_54 = arith.constant 0 : i32
      %dma_start3A_55 = tpu.memref_slice %arg11[%add3A_20, %dma_start3A_54] : memref<10240x128xf32, #tpu.memory_space<vmem_shared>> -> memref<64x128xf32, #tpu.memory_space<vmem_shared>>
      tpu.enqueue_dma source(%arg10 : memref<64x128xf32, #tpu.memory_space<vmem>>) target(%dma_start3A_55 : memref<64x128xf32, #tpu.memory_space<vmem_shared>>) target_semaphore(%run_scoped3A_52 : memref<!tpu.dma_semaphore, #tpu.memory_space<semaphore_mem>>)
      %dma_wait3A = arith.constant 0 : i32
      %dma_wait3A_56 = tpu.memref_slice %arg11[%add3A_20, %dma_wait3A] : memref<10240x128xf32, #tpu.memory_space<vmem_shared>> -> memref<64x128xf32, #tpu.memory_space<vmem_shared>>
      %dma_wait3A_57 = arith.constant 0 : i32
      %dma_wait3A_58 = tpu.memref_slice %arg11[%add3A_20, %dma_wait3A_57] : memref<10240x128xf32, #tpu.memory_space<vmem_shared>> -> memref<64x128xf32, #tpu.memory_space<vmem_shared>>
      tpu.wait_dma2 semaphore(%run_scoped3A_52 : memref<!tpu.dma_semaphore, #tpu.memory_space<semaphore_mem>>) src(%arg10 : memref<64x128xf32, #tpu.memory_space<vmem>>) dst(%dma_wait3A_58 : memref<64x128xf32, #tpu.memory_space<vmem_shared>>)
      tpu.yield
    }) : () -> ()
    %mul3A_21 = arith.constant 640 : i32
    %mul3A_22 = arith.muli %arg1, %mul3A_21 : i32
    %add3A_23 = arith.constant 320 : i32
    %add3A_24 = arith.addi %mul3A_22, %add3A_23 : i32
    "tpu.region"() ({
      %run_scoped3A_52 = tpu.sem_alloc : memref<!tpu.dma_semaphore, #tpu.memory_space<semaphore_mem>>
      %dma_start3A = arith.constant 0 : i32
      %dma_start3A_53 = tpu.memref_slice %arg11[%add3A_24, %dma_start3A] : memref<10240x128xf32, #tpu.memory_space<vmem_shared>> -> memref<64x128xf32, #tpu.memory_space<vmem_shared>>
      %dma_start3A_54 = arith.constant 0 : i32
      %dma_start3A_55 = tpu.memref_slice %arg11[%add3A_24, %dma_start3A_54] : memref<10240x128xf32, #tpu.memory_space<vmem_shared>> -> memref<64x128xf32, #tpu.memory_space<vmem_shared>>
      tpu.enqueue_dma source(%arg10 : memref<64x128xf32, #tpu.memory_space<vmem>>) target(%dma_start3A_55 : memref<64x128xf32, #tpu.memory_space<vmem_shared>>) target_semaphore(%run_scoped3A_52 : memref<!tpu.dma_semaphore, #tpu.memory_space<semaphore_mem>>)
      %dma_wait3A = arith.constant 0 : i32
      %dma_wait3A_56 = tpu.memref_slice %arg11[%add3A_24, %dma_wait3A] : memref<10240x128xf32, #tpu.memory_space<vmem_shared>> -> memref<64x128xf32, #tpu.memory_space<vmem_shared>>
      %dma_wait3A_57 = arith.constant 0 : i32
      %dma_wait3A_58 = tpu.memref_slice %arg11[%add3A_24, %dma_wait3A_57] : memref<10240x128xf32, #tpu.memory_space<vmem_shared>> -> memref<64x128xf32, #tpu.memory_space<vmem_shared>>
      tpu.wait_dma2 semaphore(%run_scoped3A_52 : memref<!tpu.dma_semaphore, #tpu.memory_space<semaphore_mem>>) src(%arg10 : memref<64x128xf32, #tpu.memory_space<vmem>>) dst(%dma_wait3A_58 : memref<64x128xf32, #tpu.memory_space<vmem_shared>>)
      tpu.yield
    }) : () -> ()
    %mul3A_25 = arith.constant 640 : i32
    %mul3A_26 = arith.muli %arg1, %mul3A_25 : i32
    %add3A_27 = arith.constant 384 : i32
    %add3A_28 = arith.addi %mul3A_26, %add3A_27 : i32
    "tpu.region"() ({
      %run_scoped3A_52 = tpu.sem_alloc : memref<!tpu.dma_semaphore, #tpu.memory_space<semaphore_mem>>
      %dma_start3A = arith.constant 0 : i32
      %dma_start3A_53 = tpu.memref_slice %arg11[%add3A_28, %dma_start3A] : memref<10240x128xf32, #tpu.memory_space<vmem_shared>> -> memref<64x128xf32, #tpu.memory_space<vmem_shared>>
      %dma_start3A_54 = arith.constant 0 : i32
      %dma_start3A_55 = tpu.memref_slice %arg11[%add3A_28, %dma_start3A_54] : memref<10240x128xf32, #tpu.memory_space<vmem_shared>> -> memref<64x128xf32, #tpu.memory_space<vmem_shared>>
      tpu.enqueue_dma source(%arg10 : memref<64x128xf32, #tpu.memory_space<vmem>>) target(%dma_start3A_55 : memref<64x128xf32, #tpu.memory_space<vmem_shared>>) target_semaphore(%run_scoped3A_52 : memref<!tpu.dma_semaphore, #tpu.memory_space<semaphore_mem>>)
      %dma_wait3A = arith.constant 0 : i32
      %dma_wait3A_56 = tpu.memref_slice %arg11[%add3A_28, %dma_wait3A] : memref<10240x128xf32, #tpu.memory_space<vmem_shared>> -> memref<64x128xf32, #tpu.memory_space<vmem_shared>>
      %dma_wait3A_57 = arith.constant 0 : i32
      %dma_wait3A_58 = tpu.memref_slice %arg11[%add3A_28, %dma_wait3A_57] : memref<10240x128xf32, #tpu.memory_space<vmem_shared>> -> memref<64x128xf32, #tpu.memory_space<vmem_shared>>
      tpu.wait_dma2 semaphore(%run_scoped3A_52 : memref<!tpu.dma_semaphore, #tpu.memory_space<semaphore_mem>>) src(%arg10 : memref<64x128xf32, #tpu.memory_space<vmem>>) dst(%dma_wait3A_58 : memref<64x128xf32, #tpu.memory_space<vmem_shared>>)
      tpu.yield
    }) : () -> ()
    %mul3A_29 = arith.constant 640 : i32
    %mul3A_30 = arith.muli %arg1, %mul3A_29 : i32
    %add3A_31 = arith.constant 448 : i32
    %add3A_32 = arith.addi %mul3A_30, %add3A_31 : i32
    "tpu.region"() ({
      %run_scoped3A_52 = tpu.sem_alloc : memref<!tpu.dma_semaphore, #tpu.memory_space<semaphore_mem>>
      %dma_start3A = arith.constant 0 : i32
      %dma_start3A_53 = tpu.memref_slice %arg11[%add3A_32, %dma_start3A] : memref<10240x128xf32, #tpu.memory_space<vmem_shared>> -> memref<64x128xf32, #tpu.memory_space<vmem_shared>>
      %dma_start3A_54 = arith.constant 0 : i32
      %dma_start3A_55 = tpu.memref_slice %arg11[%add3A_32, %dma_start3A_54] : memref<10240x128xf32, #tpu.memory_space<vmem_shared>> -> memref<64x128xf32, #tpu.memory_space<vmem_shared>>
      tpu.enqueue_dma source(%arg10 : memref<64x128xf32, #tpu.memory_space<vmem>>) target(%dma_start3A_55 : memref<64x128xf32, #tpu.memory_space<vmem_shared>>) target_semaphore(%run_scoped3A_52 : memref<!tpu.dma_semaphore, #tpu.memory_space<semaphore_mem>>)
      %dma_wait3A = arith.constant 0 : i32
      %dma_wait3A_56 = tpu.memref_slice %arg11[%add3A_32, %dma_wait3A] : memref<10240x128xf32, #tpu.memory_space<vmem_shared>> -> memref<64x128xf32, #tpu.memory_space<vmem_shared>>
      %dma_wait3A_57 = arith.constant 0 : i32
      %dma_wait3A_58 = tpu.memref_slice %arg11[%add3A_32, %dma_wait3A_57] : memref<10240x128xf32, #tpu.memory_space<vmem_shared>> -> memref<64x128xf32, #tpu.memory_space<vmem_shared>>
      tpu.wait_dma2 semaphore(%run_scoped3A_52 : memref<!tpu.dma_semaphore, #tpu.memory_space<semaphore_mem>>) src(%arg10 : memref<64x128xf32, #tpu.memory_space<vmem>>) dst(%dma_wait3A_58 : memref<64x128xf32, #tpu.memory_space<vmem_shared>>)
      tpu.yield
    }) : () -> ()
    %mul3A_33 = arith.constant 640 : i32
    %mul3A_34 = arith.muli %arg1, %mul3A_33 : i32
    %add3A_35 = arith.constant 512 : i32
    %add3A_36 = arith.addi %mul3A_34, %add3A_35 : i32
    "tpu.region"() ({
      %run_scoped3A_52 = tpu.sem_alloc : memref<!tpu.dma_semaphore, #tpu.memory_space<semaphore_mem>>
      %dma_start3A = arith.constant 0 : i32
      %dma_start3A_53 = tpu.memref_slice %arg11[%add3A_36, %dma_start3A] : memref<10240x128xf32, #tpu.memory_space<vmem_shared>> -> memref<64x128xf32, #tpu.memory_space<vmem_shared>>
      %dma_start3A_54 = arith.constant 0 : i32
      %dma_start3A_55 = tpu.memref_slice %arg11[%add3A_36, %dma_start3A_54] : memref<10240x128xf32, #tpu.memory_space<vmem_shared>> -> memref<64x128xf32, #tpu.memory_space<vmem_shared>>
      tpu.enqueue_dma source(%arg10 : memref<64x128xf32, #tpu.memory_space<vmem>>) target(%dma_start3A_55 : memref<64x128xf32, #tpu.memory_space<vmem_shared>>) target_semaphore(%run_scoped3A_52 : memref<!tpu.dma_semaphore, #tpu.memory_space<semaphore_mem>>)
      %dma_wait3A = arith.constant 0 : i32
      %dma_wait3A_56 = tpu.memref_slice %arg11[%add3A_36, %dma_wait3A] : memref<10240x128xf32, #tpu.memory_space<vmem_shared>> -> memref<64x128xf32, #tpu.memory_space<vmem_shared>>
      %dma_wait3A_57 = arith.constant 0 : i32
      %dma_wait3A_58 = tpu.memref_slice %arg11[%add3A_36, %dma_wait3A_57] : memref<10240x128xf32, #tpu.memory_space<vmem_shared>> -> memref<64x128xf32, #tpu.memory_space<vmem_shared>>
      tpu.wait_dma2 semaphore(%run_scoped3A_52 : memref<!tpu.dma_semaphore, #tpu.memory_space<semaphore_mem>>) src(%arg10 : memref<64x128xf32, #tpu.memory_space<vmem>>) dst(%dma_wait3A_58 : memref<64x128xf32, #tpu.memory_space<vmem_shared>>)
      tpu.yield
    }) : () -> ()
    %mul3A_37 = arith.constant 640 : i32
    %mul3A_38 = arith.muli %arg1, %mul3A_37 : i32
    %add3A_39 = arith.constant 576 : i32
    %add3A_40 = arith.addi %mul3A_38, %add3A_39 : i32
    "tpu.region"() ({
      %run_scoped3A_52 = tpu.sem_alloc : memref<!tpu.dma_semaphore, #tpu.memory_space<semaphore_mem>>
      %dma_start3A = arith.constant 0 : i32
      %dma_start3A_53 = tpu.memref_slice %arg11[%add3A_40, %dma_start3A] : memref<10240x128xf32, #tpu.memory_space<vmem_shared>> -> memref<64x128xf32, #tpu.memory_space<vmem_shared>>
      %dma_start3A_54 = arith.constant 0 : i32
      %dma_start3A_55 = tpu.memref_slice %arg11[%add3A_40, %dma_start3A_54] : memref<10240x128xf32, #tpu.memory_space<vmem_shared>> -> memref<64x128xf32, #tpu.memory_space<vmem_shared>>
      tpu.enqueue_dma source(%arg10 : memref<64x128xf32, #tpu.memory_space<vmem>>) target(%dma_start3A_55 : memref<64x128xf32, #tpu.memory_space<vmem_shared>>) target_semaphore(%run_scoped3A_52 : memref<!tpu.dma_semaphore, #tpu.memory_space<semaphore_mem>>)
      %dma_wait3A = arith.constant 0 : i32
      %dma_wait3A_56 = tpu.memref_slice %arg11[%add3A_40, %dma_wait3A] : memref<10240x128xf32, #tpu.memory_space<vmem_shared>> -> memref<64x128xf32, #tpu.memory_space<vmem_shared>>
      %dma_wait3A_57 = arith.constant 0 : i32
      %dma_wait3A_58 = tpu.memref_slice %arg11[%add3A_40, %dma_wait3A_57] : memref<10240x128xf32, #tpu.memory_space<vmem_shared>> -> memref<64x128xf32, #tpu.memory_space<vmem_shared>>
      tpu.wait_dma2 semaphore(%run_scoped3A_52 : memref<!tpu.dma_semaphore, #tpu.memory_space<semaphore_mem>>) src(%arg10 : memref<64x128xf32, #tpu.memory_space<vmem>>) dst(%dma_wait3A_58 : memref<64x128xf32, #tpu.memory_space<vmem_shared>>)
      tpu.yield
    }) : () -> ()
    %barrier3A = arith.constant 0 : index
    tpu.barrier barrier_id(%barrier3A)
    %scan3A = arith.constant 0 : i32
    %scan3A_41 = arith.constant 0 : i32
    %scan3A_42 = arith.constant 50 : i32
    %scan3A_43 = arith.addi %scan3A_41, %scan3A_42 : i32
    %scan3A_44 = arith.constant 1 : i32
    scf.for %scan3A_52 = %scan3A_41 to %scan3A_43 step %scan3A_44  : i32 {
      %run_scoped3A_53 = arith.constant 0 : i32
      "tpu.region"() ({
        %run_scoped3A_54 = tpu.sem_alloc : memref<!tpu.dma_semaphore, #tpu.memory_space<semaphore_mem>>
        %dma_start3A = arith.constant 0 : i32
        %dma_start3A_55 = arith.constant 0 : i32
        %dma_start3A_56 = tpu.memref_slice %arg9[%run_scoped3A_53, %dma_start3A, %dma_start3A_55] : memref<2x100x128xf32, #tpu.memory_space<vmem>> -> memref<1x100x128xf32, #tpu.memory_space<vmem>>
        %dma_start3A_57 = tpu.memref_squeeze %dma_start3A_56 : memref<1x100x128xf32, #tpu.memory_space<vmem>> -> memref<100x128xf32, #tpu.memory_space<vmem>>
        %dma_start3A_58 = arith.constant 0 : i32
        %dma_start3A_59 = tpu.memref_slice %arg8[%scan3A_52, %dma_start3A_58] : memref<50x100xi32, #tpu.memory_space<vmem>> -> memref<1x100xi32, #tpu.memory_space<vmem>>
        %dma_start3A_60 = tpu.memref_squeeze %dma_start3A_59 : memref<1x100xi32, #tpu.memory_space<vmem>> -> memref<100xi32, #tpu.memory_space<vmem>>
        %dma_start3A_61 = arith.constant 0 : i32
        %dma_start3A_62 = arith.constant 0 : i32
        %dma_start3A_63 = tpu.memref_slice %arg11[%dma_start3A_61, %dma_start3A_62] : memref<10240x128xf32, #tpu.memory_space<vmem_shared>> -> memref<10240x128xf32, #tpu.memory_space<vmem_shared>>
        tpu.enqueue_indirect_dma source(%dma_start3A_57 : memref<100x128xf32, #tpu.memory_space<vmem>>) target(%dma_start3A_63 : memref<10240x128xf32, #tpu.memory_space<vmem_shared>>) offsets(%dma_start3A_60 : memref<100xi32, #tpu.memory_space<vmem>>) semaphore(%run_scoped3A_54 : memref<!tpu.dma_semaphore, #tpu.memory_space<semaphore_mem>>) {add = true}
        %dma_wait3A = arith.constant 0 : i32
        %dma_wait3A_64 = arith.constant 0 : i32
        %dma_wait3A_65 = tpu.memref_slice %arg9[%run_scoped3A_53, %dma_wait3A, %dma_wait3A_64] : memref<2x100x128xf32, #tpu.memory_space<vmem>> -> memref<1x100x128xf32, #tpu.memory_space<vmem>>
        %dma_wait3A_66 = tpu.memref_squeeze %dma_wait3A_65 : memref<1x100x128xf32, #tpu.memory_space<vmem>> -> memref<100x128xf32, #tpu.memory_space<vmem>>
        %dma_wait3A_67 = arith.constant 0 : i32
        %dma_wait3A_68 = tpu.memref_slice %arg8[%scan3A_52, %dma_wait3A_67] : memref<50x100xi32, #tpu.memory_space<vmem>> -> memref<1x100xi32, #tpu.memory_space<vmem>>
        %dma_wait3A_69 = tpu.memref_squeeze %dma_wait3A_68 : memref<1x100xi32, #tpu.memory_space<vmem>> -> memref<100xi32, #tpu.memory_space<vmem>>
        %dma_wait3A_70 = arith.constant 0 : i32
        %dma_wait3A_71 = arith.constant 0 : i32
        %dma_wait3A_72 = tpu.memref_slice %arg11[%dma_wait3A_70, %dma_wait3A_71] : memref<10240x128xf32, #tpu.memory_space<vmem_shared>> -> memref<10240x128xf32, #tpu.memory_space<vmem_shared>>
        tpu.wait_indirect_dma semaphore(%run_scoped3A_54 : memref<!tpu.dma_semaphore, #tpu.memory_space<semaphore_mem>>) src(%dma_wait3A_66 : memref<100x128xf32, #tpu.memory_space<vmem>>) dst(%dma_wait3A_72 : memref<10240x128xf32, #tpu.memory_space<vmem_shared>>)
        tpu.yield
      }) : () -> ()
    }
    %scan3A_45 = arith.constant 50 : i32
    %barrier3A_46 = arith.constant 0 : index
    tpu.barrier barrier_id(%barrier3A_46)
    %mul3A_47 = arith.constant 640 : i32
    %mul3A_48 = arith.muli %arg1, %mul3A_47 : i32
    %mul3A_49 = arith.constant 640 : i32
    %mul3A_50 = arith.muli %arg1, %mul3A_49 : i32
    %run_scoped3A_51 = arith.constant 0 : i32
    "tpu.region"() ({
      %run_scoped3A_52 = tpu.sem_alloc : memref<!tpu.dma_semaphore, #tpu.memory_space<semaphore_mem>>
      %dma_start3A = arith.constant 0 : i32
      %dma_start3A_53 = tpu.memref_slice %arg6[%run_scoped3A_51, %arg0, %mul3A_50, %dma_start3A] : memref<1x2x10240x128xf32, #tpu.memory_space<hbm>> -> memref<1x1x640x128xf32, #tpu.memory_space<hbm>>
      %dma_start3A_54 = tpu.memref_squeeze %dma_start3A_53 : memref<1x1x640x128xf32, #tpu.memory_space<hbm>> -> memref<640x128xf32, #tpu.memory_space<hbm>>
      %dma_start3A_55 = arith.constant 0 : i32
      %dma_start3A_56 = tpu.memref_slice %arg11[%mul3A_48, %dma_start3A_55] : memref<10240x128xf32, #tpu.memory_space<vmem_shared>> -> memref<640x128xf32, #tpu.memory_space<vmem_shared>>
      tpu.enqueue_dma source(%dma_start3A_56 : memref<640x128xf32, #tpu.memory_space<vmem_shared>>) target(%dma_start3A_54 : memref<640x128xf32, #tpu.memory_space<hbm>>) target_semaphore(%run_scoped3A_52 : memref<!tpu.dma_semaphore, #tpu.memory_space<semaphore_mem>>)
      %dma_wait3A = arith.constant 0 : i32
      %dma_wait3A_57 = tpu.memref_slice %arg6[%run_scoped3A_51, %arg0, %mul3A_50, %dma_wait3A] : memref<1x2x10240x128xf32, #tpu.memory_space<hbm>> -> memref<1x1x640x128xf32, #tpu.memory_space<hbm>>
      %dma_wait3A_58 = tpu.memref_squeeze %dma_wait3A_57 : memref<1x1x640x128xf32, #tpu.memory_space<hbm>> -> memref<640x128xf32, #tpu.memory_space<hbm>>
      %dma_wait3A_59 = arith.constant 0 : i32
      %dma_wait3A_60 = tpu.memref_slice %arg11[%mul3A_48, %dma_wait3A_59] : memref<10240x128xf32, #tpu.memory_space<vmem_shared>> -> memref<640x128xf32, #tpu.memory_space<vmem_shared>>
      tpu.wait_dma2 semaphore(%run_scoped3A_52 : memref<!tpu.dma_semaphore, #tpu.memory_space<semaphore_mem>>) src(%dma_wait3A_60 : memref<640x128xf32, #tpu.memory_space<vmem_shared>>) dst(%dma_wait3A_58 : memref<640x128xf32, #tpu.memory_space<hbm>>)
      tpu.yield
    }) : () -> ()
    return
  }
}

#map = affine_map<(d0, d1) -> (0, 0, 0)>
#map1 = affine_map<(d0, d1) -> (0, 0)>
#map2 = affine_map<(d0, d1) -> (0, 0, 0, 0)>
module attributes {stable_mosaic.version = 14 : i64} {
  func.func @sc_propagate(%arg0: i32, %arg1: i32, %arg2: memref<2x10000x128xf32, #tpu.memory_space<hbm>>, %arg3: memref<32x50x100xi32, #tpu.memory_space<hbm>>, %arg4: memref<32x50x100xi32, #tpu.memory_space<hbm>>, %arg5: memref<64x128xf32, #tpu.memory_space<hbm>>, %arg6: memref<2x2x10240x128xf32, #tpu.memory_space<hbm>>, %arg7: memref<50x100xi32, #tpu.memory_space<vmem>>, %arg8: memref<50x100xi32, #tpu.memory_space<vmem>>, %arg9: memref<2x100x128xf32, #tpu.memory_space<vmem>>, %arg10: memref<64x128xf32, #tpu.memory_space<vmem>>, %arg11: memref<10240x128xf32, #tpu.memory_space<vmem_shared>>, %arg12: memref<!tpu.dma_semaphore, #tpu.memory_space<semaphore_mem>>, %arg13: memref<!tpu.dma_semaphore, #tpu.memory_space<semaphore_mem>>) attributes {dimension_semantics = [#tpu.dimension_semantics<core_parallel>, #tpu.dimension_semantics<subcore_parallel>], iteration_bounds = array<i64: 2, 16>, scalar_prefetch = 0 : i64, scratch_operands = 7 : i64, tpu.core_type = #tpu.core_type<sc_vector_subcore>, window_params = [{transform_indices = #map}, {transform_indices = #map}, {transform_indices = #map}, {transform_indices = #map1}, {transform_indices = #map2}]} {
    %mul3A = arith.constant 16 : i32
    %mul3A_0 = arith.muli %arg0, %mul3A : i32
    %add3A = arith.addi %mul3A_0, %arg1 : i32
    "tpu.region"() ({
      %run_scoped3A_174 = tpu.sem_alloc : memref<!tpu.dma_semaphore, #tpu.memory_space<semaphore_mem>>
      tpu.enqueue_dma source(%arg5 : memref<64x128xf32, #tpu.memory_space<hbm>>) target(%arg10 : memref<64x128xf32, #tpu.memory_space<vmem>>) target_semaphore(%run_scoped3A_174 : memref<!tpu.dma_semaphore, #tpu.memory_space<semaphore_mem>>)
      tpu.wait_dma2 semaphore(%run_scoped3A_174 : memref<!tpu.dma_semaphore, #tpu.memory_space<semaphore_mem>>) src(%arg5 : memref<64x128xf32, #tpu.memory_space<hbm>>) dst(%arg10 : memref<64x128xf32, #tpu.memory_space<vmem>>)
      tpu.yield
    }) : () -> ()
    "tpu.region"() ({
      %run_scoped3A_174 = tpu.sem_alloc : memref<!tpu.dma_semaphore, #tpu.memory_space<semaphore_mem>>
      %dma_start3A_175 = arith.constant 0 : i32
      %dma_start3A_176 = arith.constant 0 : i32
      %dma_start3A_177 = tpu.memref_slice %arg3[%add3A, %dma_start3A_175, %dma_start3A_176] : memref<32x50x100xi32, #tpu.memory_space<hbm>> -> memref<1x50x100xi32, #tpu.memory_space<hbm>>
      %dma_start3A_178 = tpu.memref_squeeze %dma_start3A_177 : memref<1x50x100xi32, #tpu.memory_space<hbm>> -> memref<50x100xi32, #tpu.memory_space<hbm>>
      %dma_start3A_179 = arith.constant 0 : i32
      %dma_start3A_180 = arith.constant 0 : i32
      %dma_start3A_181 = tpu.memref_slice %arg3[%add3A, %dma_start3A_179, %dma_start3A_180] : memref<32x50x100xi32, #tpu.memory_space<hbm>> -> memref<1x50x100xi32, #tpu.memory_space<hbm>>
      %dma_start3A_182 = tpu.memref_squeeze %dma_start3A_181 : memref<1x50x100xi32, #tpu.memory_space<hbm>> -> memref<50x100xi32, #tpu.memory_space<hbm>>
      tpu.enqueue_dma source(%dma_start3A_182 : memref<50x100xi32, #tpu.memory_space<hbm>>) target(%arg7 : memref<50x100xi32, #tpu.memory_space<vmem>>) target_semaphore(%run_scoped3A_174 : memref<!tpu.dma_semaphore, #tpu.memory_space<semaphore_mem>>)
      %dma_wait3A = arith.constant 0 : i32
      %dma_wait3A_183 = arith.constant 0 : i32
      %dma_wait3A_184 = tpu.memref_slice %arg3[%add3A, %dma_wait3A, %dma_wait3A_183] : memref<32x50x100xi32, #tpu.memory_space<hbm>> -> memref<1x50x100xi32, #tpu.memory_space<hbm>>
      %dma_wait3A_185 = tpu.memref_squeeze %dma_wait3A_184 : memref<1x50x100xi32, #tpu.memory_space<hbm>> -> memref<50x100xi32, #tpu.memory_space<hbm>>
      %dma_wait3A_186 = arith.constant 0 : i32
      %dma_wait3A_187 = arith.constant 0 : i32
      %dma_wait3A_188 = tpu.memref_slice %arg3[%add3A, %dma_wait3A_186, %dma_wait3A_187] : memref<32x50x100xi32, #tpu.memory_space<hbm>> -> memref<1x50x100xi32, #tpu.memory_space<hbm>>
      %dma_wait3A_189 = tpu.memref_squeeze %dma_wait3A_188 : memref<1x50x100xi32, #tpu.memory_space<hbm>> -> memref<50x100xi32, #tpu.memory_space<hbm>>
      tpu.wait_dma2 semaphore(%run_scoped3A_174 : memref<!tpu.dma_semaphore, #tpu.memory_space<semaphore_mem>>) src(%dma_wait3A_189 : memref<50x100xi32, #tpu.memory_space<hbm>>) dst(%arg7 : memref<50x100xi32, #tpu.memory_space<vmem>>)
      tpu.yield
    }) : () -> ()
    "tpu.region"() ({
      %run_scoped3A_174 = tpu.sem_alloc : memref<!tpu.dma_semaphore, #tpu.memory_space<semaphore_mem>>
      %dma_start3A_175 = arith.constant 0 : i32
      %dma_start3A_176 = arith.constant 0 : i32
      %dma_start3A_177 = tpu.memref_slice %arg4[%add3A, %dma_start3A_175, %dma_start3A_176] : memref<32x50x100xi32, #tpu.memory_space<hbm>> -> memref<1x50x100xi32, #tpu.memory_space<hbm>>
      %dma_start3A_178 = tpu.memref_squeeze %dma_start3A_177 : memref<1x50x100xi32, #tpu.memory_space<hbm>> -> memref<50x100xi32, #tpu.memory_space<hbm>>
      %dma_start3A_179 = arith.constant 0 : i32
      %dma_start3A_180 = arith.constant 0 : i32
      %dma_start3A_181 = tpu.memref_slice %arg4[%add3A, %dma_start3A_179, %dma_start3A_180] : memref<32x50x100xi32, #tpu.memory_space<hbm>> -> memref<1x50x100xi32, #tpu.memory_space<hbm>>
      %dma_start3A_182 = tpu.memref_squeeze %dma_start3A_181 : memref<1x50x100xi32, #tpu.memory_space<hbm>> -> memref<50x100xi32, #tpu.memory_space<hbm>>
      tpu.enqueue_dma source(%dma_start3A_182 : memref<50x100xi32, #tpu.memory_space<hbm>>) target(%arg8 : memref<50x100xi32, #tpu.memory_space<vmem>>) target_semaphore(%run_scoped3A_174 : memref<!tpu.dma_semaphore, #tpu.memory_space<semaphore_mem>>)
      %dma_wait3A = arith.constant 0 : i32
      %dma_wait3A_183 = arith.constant 0 : i32
      %dma_wait3A_184 = tpu.memref_slice %arg4[%add3A, %dma_wait3A, %dma_wait3A_183] : memref<32x50x100xi32, #tpu.memory_space<hbm>> -> memref<1x50x100xi32, #tpu.memory_space<hbm>>
      %dma_wait3A_185 = tpu.memref_squeeze %dma_wait3A_184 : memref<1x50x100xi32, #tpu.memory_space<hbm>> -> memref<50x100xi32, #tpu.memory_space<hbm>>
      %dma_wait3A_186 = arith.constant 0 : i32
      %dma_wait3A_187 = arith.constant 0 : i32
      %dma_wait3A_188 = tpu.memref_slice %arg4[%add3A, %dma_wait3A_186, %dma_wait3A_187] : memref<32x50x100xi32, #tpu.memory_space<hbm>> -> memref<1x50x100xi32, #tpu.memory_space<hbm>>
      %dma_wait3A_189 = tpu.memref_squeeze %dma_wait3A_188 : memref<1x50x100xi32, #tpu.memory_space<hbm>> -> memref<50x100xi32, #tpu.memory_space<hbm>>
      tpu.wait_dma2 semaphore(%run_scoped3A_174 : memref<!tpu.dma_semaphore, #tpu.memory_space<semaphore_mem>>) src(%dma_wait3A_189 : memref<50x100xi32, #tpu.memory_space<hbm>>) dst(%arg8 : memref<50x100xi32, #tpu.memory_space<vmem>>)
      tpu.yield
    }) : () -> ()
    %mul3A_1 = arith.constant 640 : i32
    %mul3A_2 = arith.muli %arg1, %mul3A_1 : i32
    %add3A_3 = arith.constant 0 : i32
    %add3A_4 = arith.addi %mul3A_2, %add3A_3 : i32
    "tpu.region"() ({
      %run_scoped3A_174 = tpu.sem_alloc : memref<!tpu.dma_semaphore, #tpu.memory_space<semaphore_mem>>
      %dma_start3A_175 = arith.constant 0 : i32
      %dma_start3A_176 = tpu.memref_slice %arg11[%add3A_4, %dma_start3A_175] : memref<10240x128xf32, #tpu.memory_space<vmem_shared>> -> memref<64x128xf32, #tpu.memory_space<vmem_shared>>
      %dma_start3A_177 = arith.constant 0 : i32
      %dma_start3A_178 = tpu.memref_slice %arg11[%add3A_4, %dma_start3A_177] : memref<10240x128xf32, #tpu.memory_space<vmem_shared>> -> memref<64x128xf32, #tpu.memory_space<vmem_shared>>
      tpu.enqueue_dma source(%arg10 : memref<64x128xf32, #tpu.memory_space<vmem>>) target(%dma_start3A_178 : memref<64x128xf32, #tpu.memory_space<vmem_shared>>) target_semaphore(%run_scoped3A_174 : memref<!tpu.dma_semaphore, #tpu.memory_space<semaphore_mem>>)
      %dma_wait3A = arith.constant 0 : i32
      %dma_wait3A_179 = tpu.memref_slice %arg11[%add3A_4, %dma_wait3A] : memref<10240x128xf32, #tpu.memory_space<vmem_shared>> -> memref<64x128xf32, #tpu.memory_space<vmem_shared>>
      %dma_wait3A_180 = arith.constant 0 : i32
      %dma_wait3A_181 = tpu.memref_slice %arg11[%add3A_4, %dma_wait3A_180] : memref<10240x128xf32, #tpu.memory_space<vmem_shared>> -> memref<64x128xf32, #tpu.memory_space<vmem_shared>>
      tpu.wait_dma2 semaphore(%run_scoped3A_174 : memref<!tpu.dma_semaphore, #tpu.memory_space<semaphore_mem>>) src(%arg10 : memref<64x128xf32, #tpu.memory_space<vmem>>) dst(%dma_wait3A_181 : memref<64x128xf32, #tpu.memory_space<vmem_shared>>)
      tpu.yield
    }) : () -> ()
    %mul3A_5 = arith.constant 640 : i32
    %mul3A_6 = arith.muli %arg1, %mul3A_5 : i32
    %add3A_7 = arith.constant 64 : i32
    %add3A_8 = arith.addi %mul3A_6, %add3A_7 : i32
    "tpu.region"() ({
      %run_scoped3A_174 = tpu.sem_alloc : memref<!tpu.dma_semaphore, #tpu.memory_space<semaphore_mem>>
      %dma_start3A_175 = arith.constant 0 : i32
      %dma_start3A_176 = tpu.memref_slice %arg11[%add3A_8, %dma_start3A_175] : memref<10240x128xf32, #tpu.memory_space<vmem_shared>> -> memref<64x128xf32, #tpu.memory_space<vmem_shared>>
      %dma_start3A_177 = arith.constant 0 : i32
      %dma_start3A_178 = tpu.memref_slice %arg11[%add3A_8, %dma_start3A_177] : memref<10240x128xf32, #tpu.memory_space<vmem_shared>> -> memref<64x128xf32, #tpu.memory_space<vmem_shared>>
      tpu.enqueue_dma source(%arg10 : memref<64x128xf32, #tpu.memory_space<vmem>>) target(%dma_start3A_178 : memref<64x128xf32, #tpu.memory_space<vmem_shared>>) target_semaphore(%run_scoped3A_174 : memref<!tpu.dma_semaphore, #tpu.memory_space<semaphore_mem>>)
      %dma_wait3A = arith.constant 0 : i32
      %dma_wait3A_179 = tpu.memref_slice %arg11[%add3A_8, %dma_wait3A] : memref<10240x128xf32, #tpu.memory_space<vmem_shared>> -> memref<64x128xf32, #tpu.memory_space<vmem_shared>>
      %dma_wait3A_180 = arith.constant 0 : i32
      %dma_wait3A_181 = tpu.memref_slice %arg11[%add3A_8, %dma_wait3A_180] : memref<10240x128xf32, #tpu.memory_space<vmem_shared>> -> memref<64x128xf32, #tpu.memory_space<vmem_shared>>
      tpu.wait_dma2 semaphore(%run_scoped3A_174 : memref<!tpu.dma_semaphore, #tpu.memory_space<semaphore_mem>>) src(%arg10 : memref<64x128xf32, #tpu.memory_space<vmem>>) dst(%dma_wait3A_181 : memref<64x128xf32, #tpu.memory_space<vmem_shared>>)
      tpu.yield
    }) : () -> ()
    %mul3A_9 = arith.constant 640 : i32
    %mul3A_10 = arith.muli %arg1, %mul3A_9 : i32
    %add3A_11 = arith.constant 128 : i32
    %add3A_12 = arith.addi %mul3A_10, %add3A_11 : i32
    "tpu.region"() ({
      %run_scoped3A_174 = tpu.sem_alloc : memref<!tpu.dma_semaphore, #tpu.memory_space<semaphore_mem>>
      %dma_start3A_175 = arith.constant 0 : i32
      %dma_start3A_176 = tpu.memref_slice %arg11[%add3A_12, %dma_start3A_175] : memref<10240x128xf32, #tpu.memory_space<vmem_shared>> -> memref<64x128xf32, #tpu.memory_space<vmem_shared>>
      %dma_start3A_177 = arith.constant 0 : i32
      %dma_start3A_178 = tpu.memref_slice %arg11[%add3A_12, %dma_start3A_177] : memref<10240x128xf32, #tpu.memory_space<vmem_shared>> -> memref<64x128xf32, #tpu.memory_space<vmem_shared>>
      tpu.enqueue_dma source(%arg10 : memref<64x128xf32, #tpu.memory_space<vmem>>) target(%dma_start3A_178 : memref<64x128xf32, #tpu.memory_space<vmem_shared>>) target_semaphore(%run_scoped3A_174 : memref<!tpu.dma_semaphore, #tpu.memory_space<semaphore_mem>>)
      %dma_wait3A = arith.constant 0 : i32
      %dma_wait3A_179 = tpu.memref_slice %arg11[%add3A_12, %dma_wait3A] : memref<10240x128xf32, #tpu.memory_space<vmem_shared>> -> memref<64x128xf32, #tpu.memory_space<vmem_shared>>
      %dma_wait3A_180 = arith.constant 0 : i32
      %dma_wait3A_181 = tpu.memref_slice %arg11[%add3A_12, %dma_wait3A_180] : memref<10240x128xf32, #tpu.memory_space<vmem_shared>> -> memref<64x128xf32, #tpu.memory_space<vmem_shared>>
      tpu.wait_dma2 semaphore(%run_scoped3A_174 : memref<!tpu.dma_semaphore, #tpu.memory_space<semaphore_mem>>) src(%arg10 : memref<64x128xf32, #tpu.memory_space<vmem>>) dst(%dma_wait3A_181 : memref<64x128xf32, #tpu.memory_space<vmem_shared>>)
      tpu.yield
    }) : () -> ()
    %mul3A_13 = arith.constant 640 : i32
    %mul3A_14 = arith.muli %arg1, %mul3A_13 : i32
    %add3A_15 = arith.constant 192 : i32
    %add3A_16 = arith.addi %mul3A_14, %add3A_15 : i32
    "tpu.region"() ({
      %run_scoped3A_174 = tpu.sem_alloc : memref<!tpu.dma_semaphore, #tpu.memory_space<semaphore_mem>>
      %dma_start3A_175 = arith.constant 0 : i32
      %dma_start3A_176 = tpu.memref_slice %arg11[%add3A_16, %dma_start3A_175] : memref<10240x128xf32, #tpu.memory_space<vmem_shared>> -> memref<64x128xf32, #tpu.memory_space<vmem_shared>>
      %dma_start3A_177 = arith.constant 0 : i32
      %dma_start3A_178 = tpu.memref_slice %arg11[%add3A_16, %dma_start3A_177] : memref<10240x128xf32, #tpu.memory_space<vmem_shared>> -> memref<64x128xf32, #tpu.memory_space<vmem_shared>>
      tpu.enqueue_dma source(%arg10 : memref<64x128xf32, #tpu.memory_space<vmem>>) target(%dma_start3A_178 : memref<64x128xf32, #tpu.memory_space<vmem_shared>>) target_semaphore(%run_scoped3A_174 : memref<!tpu.dma_semaphore, #tpu.memory_space<semaphore_mem>>)
      %dma_wait3A = arith.constant 0 : i32
      %dma_wait3A_179 = tpu.memref_slice %arg11[%add3A_16, %dma_wait3A] : memref<10240x128xf32, #tpu.memory_space<vmem_shared>> -> memref<64x128xf32, #tpu.memory_space<vmem_shared>>
      %dma_wait3A_180 = arith.constant 0 : i32
      %dma_wait3A_181 = tpu.memref_slice %arg11[%add3A_16, %dma_wait3A_180] : memref<10240x128xf32, #tpu.memory_space<vmem_shared>> -> memref<64x128xf32, #tpu.memory_space<vmem_shared>>
      tpu.wait_dma2 semaphore(%run_scoped3A_174 : memref<!tpu.dma_semaphore, #tpu.memory_space<semaphore_mem>>) src(%arg10 : memref<64x128xf32, #tpu.memory_space<vmem>>) dst(%dma_wait3A_181 : memref<64x128xf32, #tpu.memory_space<vmem_shared>>)
      tpu.yield
    }) : () -> ()
    %mul3A_17 = arith.constant 640 : i32
    %mul3A_18 = arith.muli %arg1, %mul3A_17 : i32
    %add3A_19 = arith.constant 256 : i32
    %add3A_20 = arith.addi %mul3A_18, %add3A_19 : i32
    "tpu.region"() ({
      %run_scoped3A_174 = tpu.sem_alloc : memref<!tpu.dma_semaphore, #tpu.memory_space<semaphore_mem>>
      %dma_start3A_175 = arith.constant 0 : i32
      %dma_start3A_176 = tpu.memref_slice %arg11[%add3A_20, %dma_start3A_175] : memref<10240x128xf32, #tpu.memory_space<vmem_shared>> -> memref<64x128xf32, #tpu.memory_space<vmem_shared>>
      %dma_start3A_177 = arith.constant 0 : i32
      %dma_start3A_178 = tpu.memref_slice %arg11[%add3A_20, %dma_start3A_177] : memref<10240x128xf32, #tpu.memory_space<vmem_shared>> -> memref<64x128xf32, #tpu.memory_space<vmem_shared>>
      tpu.enqueue_dma source(%arg10 : memref<64x128xf32, #tpu.memory_space<vmem>>) target(%dma_start3A_178 : memref<64x128xf32, #tpu.memory_space<vmem_shared>>) target_semaphore(%run_scoped3A_174 : memref<!tpu.dma_semaphore, #tpu.memory_space<semaphore_mem>>)
      %dma_wait3A = arith.constant 0 : i32
      %dma_wait3A_179 = tpu.memref_slice %arg11[%add3A_20, %dma_wait3A] : memref<10240x128xf32, #tpu.memory_space<vmem_shared>> -> memref<64x128xf32, #tpu.memory_space<vmem_shared>>
      %dma_wait3A_180 = arith.constant 0 : i32
      %dma_wait3A_181 = tpu.memref_slice %arg11[%add3A_20, %dma_wait3A_180] : memref<10240x128xf32, #tpu.memory_space<vmem_shared>> -> memref<64x128xf32, #tpu.memory_space<vmem_shared>>
      tpu.wait_dma2 semaphore(%run_scoped3A_174 : memref<!tpu.dma_semaphore, #tpu.memory_space<semaphore_mem>>) src(%arg10 : memref<64x128xf32, #tpu.memory_space<vmem>>) dst(%dma_wait3A_181 : memref<64x128xf32, #tpu.memory_space<vmem_shared>>)
      tpu.yield
    }) : () -> ()
    %mul3A_21 = arith.constant 640 : i32
    %mul3A_22 = arith.muli %arg1, %mul3A_21 : i32
    %add3A_23 = arith.constant 320 : i32
    %add3A_24 = arith.addi %mul3A_22, %add3A_23 : i32
    "tpu.region"() ({
      %run_scoped3A_174 = tpu.sem_alloc : memref<!tpu.dma_semaphore, #tpu.memory_space<semaphore_mem>>
      %dma_start3A_175 = arith.constant 0 : i32
      %dma_start3A_176 = tpu.memref_slice %arg11[%add3A_24, %dma_start3A_175] : memref<10240x128xf32, #tpu.memory_space<vmem_shared>> -> memref<64x128xf32, #tpu.memory_space<vmem_shared>>
      %dma_start3A_177 = arith.constant 0 : i32
      %dma_start3A_178 = tpu.memref_slice %arg11[%add3A_24, %dma_start3A_177] : memref<10240x128xf32, #tpu.memory_space<vmem_shared>> -> memref<64x128xf32, #tpu.memory_space<vmem_shared>>
      tpu.enqueue_dma source(%arg10 : memref<64x128xf32, #tpu.memory_space<vmem>>) target(%dma_start3A_178 : memref<64x128xf32, #tpu.memory_space<vmem_shared>>) target_semaphore(%run_scoped3A_174 : memref<!tpu.dma_semaphore, #tpu.memory_space<semaphore_mem>>)
      %dma_wait3A = arith.constant 0 : i32
      %dma_wait3A_179 = tpu.memref_slice %arg11[%add3A_24, %dma_wait3A] : memref<10240x128xf32, #tpu.memory_space<vmem_shared>> -> memref<64x128xf32, #tpu.memory_space<vmem_shared>>
      %dma_wait3A_180 = arith.constant 0 : i32
      %dma_wait3A_181 = tpu.memref_slice %arg11[%add3A_24, %dma_wait3A_180] : memref<10240x128xf32, #tpu.memory_space<vmem_shared>> -> memref<64x128xf32, #tpu.memory_space<vmem_shared>>
      tpu.wait_dma2 semaphore(%run_scoped3A_174 : memref<!tpu.dma_semaphore, #tpu.memory_space<semaphore_mem>>) src(%arg10 : memref<64x128xf32, #tpu.memory_space<vmem>>) dst(%dma_wait3A_181 : memref<64x128xf32, #tpu.memory_space<vmem_shared>>)
      tpu.yield
    }) : () -> ()
    %mul3A_25 = arith.constant 640 : i32
    %mul3A_26 = arith.muli %arg1, %mul3A_25 : i32
    %add3A_27 = arith.constant 384 : i32
    %add3A_28 = arith.addi %mul3A_26, %add3A_27 : i32
    "tpu.region"() ({
      %run_scoped3A_174 = tpu.sem_alloc : memref<!tpu.dma_semaphore, #tpu.memory_space<semaphore_mem>>
      %dma_start3A_175 = arith.constant 0 : i32
      %dma_start3A_176 = tpu.memref_slice %arg11[%add3A_28, %dma_start3A_175] : memref<10240x128xf32, #tpu.memory_space<vmem_shared>> -> memref<64x128xf32, #tpu.memory_space<vmem_shared>>
      %dma_start3A_177 = arith.constant 0 : i32
      %dma_start3A_178 = tpu.memref_slice %arg11[%add3A_28, %dma_start3A_177] : memref<10240x128xf32, #tpu.memory_space<vmem_shared>> -> memref<64x128xf32, #tpu.memory_space<vmem_shared>>
      tpu.enqueue_dma source(%arg10 : memref<64x128xf32, #tpu.memory_space<vmem>>) target(%dma_start3A_178 : memref<64x128xf32, #tpu.memory_space<vmem_shared>>) target_semaphore(%run_scoped3A_174 : memref<!tpu.dma_semaphore, #tpu.memory_space<semaphore_mem>>)
      %dma_wait3A = arith.constant 0 : i32
      %dma_wait3A_179 = tpu.memref_slice %arg11[%add3A_28, %dma_wait3A] : memref<10240x128xf32, #tpu.memory_space<vmem_shared>> -> memref<64x128xf32, #tpu.memory_space<vmem_shared>>
      %dma_wait3A_180 = arith.constant 0 : i32
      %dma_wait3A_181 = tpu.memref_slice %arg11[%add3A_28, %dma_wait3A_180] : memref<10240x128xf32, #tpu.memory_space<vmem_shared>> -> memref<64x128xf32, #tpu.memory_space<vmem_shared>>
      tpu.wait_dma2 semaphore(%run_scoped3A_174 : memref<!tpu.dma_semaphore, #tpu.memory_space<semaphore_mem>>) src(%arg10 : memref<64x128xf32, #tpu.memory_space<vmem>>) dst(%dma_wait3A_181 : memref<64x128xf32, #tpu.memory_space<vmem_shared>>)
      tpu.yield
    }) : () -> ()
    %mul3A_29 = arith.constant 640 : i32
    %mul3A_30 = arith.muli %arg1, %mul3A_29 : i32
    %add3A_31 = arith.constant 448 : i32
    %add3A_32 = arith.addi %mul3A_30, %add3A_31 : i32
    "tpu.region"() ({
      %run_scoped3A_174 = tpu.sem_alloc : memref<!tpu.dma_semaphore, #tpu.memory_space<semaphore_mem>>
      %dma_start3A_175 = arith.constant 0 : i32
      %dma_start3A_176 = tpu.memref_slice %arg11[%add3A_32, %dma_start3A_175] : memref<10240x128xf32, #tpu.memory_space<vmem_shared>> -> memref<64x128xf32, #tpu.memory_space<vmem_shared>>
      %dma_start3A_177 = arith.constant 0 : i32
      %dma_start3A_178 = tpu.memref_slice %arg11[%add3A_32, %dma_start3A_177] : memref<10240x128xf32, #tpu.memory_space<vmem_shared>> -> memref<64x128xf32, #tpu.memory_space<vmem_shared>>
      tpu.enqueue_dma source(%arg10 : memref<64x128xf32, #tpu.memory_space<vmem>>) target(%dma_start3A_178 : memref<64x128xf32, #tpu.memory_space<vmem_shared>>) target_semaphore(%run_scoped3A_174 : memref<!tpu.dma_semaphore, #tpu.memory_space<semaphore_mem>>)
      %dma_wait3A = arith.constant 0 : i32
      %dma_wait3A_179 = tpu.memref_slice %arg11[%add3A_32, %dma_wait3A] : memref<10240x128xf32, #tpu.memory_space<vmem_shared>> -> memref<64x128xf32, #tpu.memory_space<vmem_shared>>
      %dma_wait3A_180 = arith.constant 0 : i32
      %dma_wait3A_181 = tpu.memref_slice %arg11[%add3A_32, %dma_wait3A_180] : memref<10240x128xf32, #tpu.memory_space<vmem_shared>> -> memref<64x128xf32, #tpu.memory_space<vmem_shared>>
      tpu.wait_dma2 semaphore(%run_scoped3A_174 : memref<!tpu.dma_semaphore, #tpu.memory_space<semaphore_mem>>) src(%arg10 : memref<64x128xf32, #tpu.memory_space<vmem>>) dst(%dma_wait3A_181 : memref<64x128xf32, #tpu.memory_space<vmem_shared>>)
      tpu.yield
    }) : () -> ()
    %mul3A_33 = arith.constant 640 : i32
    %mul3A_34 = arith.muli %arg1, %mul3A_33 : i32
    %add3A_35 = arith.constant 512 : i32
    %add3A_36 = arith.addi %mul3A_34, %add3A_35 : i32
    "tpu.region"() ({
      %run_scoped3A_174 = tpu.sem_alloc : memref<!tpu.dma_semaphore, #tpu.memory_space<semaphore_mem>>
      %dma_start3A_175 = arith.constant 0 : i32
      %dma_start3A_176 = tpu.memref_slice %arg11[%add3A_36, %dma_start3A_175] : memref<10240x128xf32, #tpu.memory_space<vmem_shared>> -> memref<64x128xf32, #tpu.memory_space<vmem_shared>>
      %dma_start3A_177 = arith.constant 0 : i32
      %dma_start3A_178 = tpu.memref_slice %arg11[%add3A_36, %dma_start3A_177] : memref<10240x128xf32, #tpu.memory_space<vmem_shared>> -> memref<64x128xf32, #tpu.memory_space<vmem_shared>>
      tpu.enqueue_dma source(%arg10 : memref<64x128xf32, #tpu.memory_space<vmem>>) target(%dma_start3A_178 : memref<64x128xf32, #tpu.memory_space<vmem_shared>>) target_semaphore(%run_scoped3A_174 : memref<!tpu.dma_semaphore, #tpu.memory_space<semaphore_mem>>)
      %dma_wait3A = arith.constant 0 : i32
      %dma_wait3A_179 = tpu.memref_slice %arg11[%add3A_36, %dma_wait3A] : memref<10240x128xf32, #tpu.memory_space<vmem_shared>> -> memref<64x128xf32, #tpu.memory_space<vmem_shared>>
      %dma_wait3A_180 = arith.constant 0 : i32
      %dma_wait3A_181 = tpu.memref_slice %arg11[%add3A_36, %dma_wait3A_180] : memref<10240x128xf32, #tpu.memory_space<vmem_shared>> -> memref<64x128xf32, #tpu.memory_space<vmem_shared>>
      tpu.wait_dma2 semaphore(%run_scoped3A_174 : memref<!tpu.dma_semaphore, #tpu.memory_space<semaphore_mem>>) src(%arg10 : memref<64x128xf32, #tpu.memory_space<vmem>>) dst(%dma_wait3A_181 : memref<64x128xf32, #tpu.memory_space<vmem_shared>>)
      tpu.yield
    }) : () -> ()
    %mul3A_37 = arith.constant 640 : i32
    %mul3A_38 = arith.muli %arg1, %mul3A_37 : i32
    %add3A_39 = arith.constant 576 : i32
    %add3A_40 = arith.addi %mul3A_38, %add3A_39 : i32
    "tpu.region"() ({
      %run_scoped3A_174 = tpu.sem_alloc : memref<!tpu.dma_semaphore, #tpu.memory_space<semaphore_mem>>
      %dma_start3A_175 = arith.constant 0 : i32
      %dma_start3A_176 = tpu.memref_slice %arg11[%add3A_40, %dma_start3A_175] : memref<10240x128xf32, #tpu.memory_space<vmem_shared>> -> memref<64x128xf32, #tpu.memory_space<vmem_shared>>
      %dma_start3A_177 = arith.constant 0 : i32
      %dma_start3A_178 = tpu.memref_slice %arg11[%add3A_40, %dma_start3A_177] : memref<10240x128xf32, #tpu.memory_space<vmem_shared>> -> memref<64x128xf32, #tpu.memory_space<vmem_shared>>
      tpu.enqueue_dma source(%arg10 : memref<64x128xf32, #tpu.memory_space<vmem>>) target(%dma_start3A_178 : memref<64x128xf32, #tpu.memory_space<vmem_shared>>) target_semaphore(%run_scoped3A_174 : memref<!tpu.dma_semaphore, #tpu.memory_space<semaphore_mem>>)
      %dma_wait3A = arith.constant 0 : i32
      %dma_wait3A_179 = tpu.memref_slice %arg11[%add3A_40, %dma_wait3A] : memref<10240x128xf32, #tpu.memory_space<vmem_shared>> -> memref<64x128xf32, #tpu.memory_space<vmem_shared>>
      %dma_wait3A_180 = arith.constant 0 : i32
      %dma_wait3A_181 = tpu.memref_slice %arg11[%add3A_40, %dma_wait3A_180] : memref<10240x128xf32, #tpu.memory_space<vmem_shared>> -> memref<64x128xf32, #tpu.memory_space<vmem_shared>>
      tpu.wait_dma2 semaphore(%run_scoped3A_174 : memref<!tpu.dma_semaphore, #tpu.memory_space<semaphore_mem>>) src(%arg10 : memref<64x128xf32, #tpu.memory_space<vmem>>) dst(%dma_wait3A_181 : memref<64x128xf32, #tpu.memory_space<vmem_shared>>)
      tpu.yield
    }) : () -> ()
    %barrier3A = arith.constant 0 : index
    tpu.barrier barrier_id(%barrier3A)
    %dma_start3A = arith.constant 0 : i32
    %dma_start3A_41 = arith.constant 0 : i32
    %dma_start3A_42 = arith.constant 0 : i32
    %dma_start3A_43 = arith.constant 0 : i32
    %dma_start3A_44 = arith.constant 0 : i32
    %dma_start3A_45 = tpu.memref_slice %arg9[%dma_start3A_42, %dma_start3A_43, %dma_start3A_44] : memref<2x100x128xf32, #tpu.memory_space<vmem>> -> memref<1x100x128xf32, #tpu.memory_space<vmem>>
    %dma_start3A_46 = tpu.memref_squeeze %dma_start3A_45 : memref<1x100x128xf32, #tpu.memory_space<vmem>> -> memref<100x128xf32, #tpu.memory_space<vmem>>
    %dma_start3A_47 = arith.constant 0 : i32
    %dma_start3A_48 = tpu.memref_slice %arg7[%dma_start3A_41, %dma_start3A_47] : memref<50x100xi32, #tpu.memory_space<vmem>> -> memref<1x100xi32, #tpu.memory_space<vmem>>
    %dma_start3A_49 = tpu.memref_squeeze %dma_start3A_48 : memref<1x100xi32, #tpu.memory_space<vmem>> -> memref<100xi32, #tpu.memory_space<vmem>>
    %dma_start3A_50 = arith.constant 0 : i32
    %dma_start3A_51 = arith.constant 0 : i32
    %dma_start3A_52 = tpu.memref_slice %arg2[%dma_start3A, %dma_start3A_50, %dma_start3A_51] : memref<2x10000x128xf32, #tpu.memory_space<hbm>> -> memref<1x10000x128xf32, #tpu.memory_space<hbm>>
    %dma_start3A_53 = tpu.memref_squeeze %dma_start3A_52 : memref<1x10000x128xf32, #tpu.memory_space<hbm>> -> memref<10000x128xf32, #tpu.memory_space<hbm>>
    %dma_start3A_54 = arith.constant 0 : i32
    %dma_start3A_55 = arith.constant 0 : i32
    %dma_start3A_56 = tpu.memref_slice %dma_start3A_53[%dma_start3A_54, %dma_start3A_55] : memref<10000x128xf32, #tpu.memory_space<hbm>> -> memref<10000x128xf32, #tpu.memory_space<hbm>>
    tpu.enqueue_indirect_dma source(%dma_start3A_56 : memref<10000x128xf32, #tpu.memory_space<hbm>>) target(%dma_start3A_46 : memref<100x128xf32, #tpu.memory_space<vmem>>) offsets(%dma_start3A_49 : memref<100xi32, #tpu.memory_space<vmem>>) semaphore(%arg12 : memref<!tpu.dma_semaphore, #tpu.memory_space<semaphore_mem>>)
    %dma_start3A_57 = arith.constant 0 : i32
    %dma_start3A_58 = arith.constant 1 : i32
    %dma_start3A_59 = arith.constant 1 : i32
    %dma_start3A_60 = arith.constant 0 : i32
    %dma_start3A_61 = arith.constant 0 : i32
    %dma_start3A_62 = tpu.memref_slice %arg9[%dma_start3A_59, %dma_start3A_60, %dma_start3A_61] : memref<2x100x128xf32, #tpu.memory_space<vmem>> -> memref<1x100x128xf32, #tpu.memory_space<vmem>>
    %dma_start3A_63 = tpu.memref_squeeze %dma_start3A_62 : memref<1x100x128xf32, #tpu.memory_space<vmem>> -> memref<100x128xf32, #tpu.memory_space<vmem>>
    %dma_start3A_64 = arith.constant 0 : i32
    %dma_start3A_65 = tpu.memref_slice %arg7[%dma_start3A_58, %dma_start3A_64] : memref<50x100xi32, #tpu.memory_space<vmem>> -> memref<1x100xi32, #tpu.memory_space<vmem>>
    %dma_start3A_66 = tpu.memref_squeeze %dma_start3A_65 : memref<1x100xi32, #tpu.memory_space<vmem>> -> memref<100xi32, #tpu.memory_space<vmem>>
    %dma_start3A_67 = arith.constant 0 : i32
    %dma_start3A_68 = arith.constant 0 : i32
    %dma_start3A_69 = tpu.memref_slice %arg2[%dma_start3A_57, %dma_start3A_67, %dma_start3A_68] : memref<2x10000x128xf32, #tpu.memory_space<hbm>> -> memref<1x10000x128xf32, #tpu.memory_space<hbm>>
    %dma_start3A_70 = tpu.memref_squeeze %dma_start3A_69 : memref<1x10000x128xf32, #tpu.memory_space<hbm>> -> memref<10000x128xf32, #tpu.memory_space<hbm>>
    %dma_start3A_71 = arith.constant 0 : i32
    %dma_start3A_72 = arith.constant 0 : i32
    %dma_start3A_73 = tpu.memref_slice %dma_start3A_70[%dma_start3A_71, %dma_start3A_72] : memref<10000x128xf32, #tpu.memory_space<hbm>> -> memref<10000x128xf32, #tpu.memory_space<hbm>>
    tpu.enqueue_indirect_dma source(%dma_start3A_73 : memref<10000x128xf32, #tpu.memory_space<hbm>>) target(%dma_start3A_63 : memref<100x128xf32, #tpu.memory_space<vmem>>) offsets(%dma_start3A_66 : memref<100xi32, #tpu.memory_space<vmem>>) semaphore(%arg13 : memref<!tpu.dma_semaphore, #tpu.memory_space<semaphore_mem>>)
    %scan3A = arith.constant 0 : i32
    %scan3A_74 = arith.constant 0 : i32
    %scan3A_75 = arith.constant 0 : i32
    %scan3A_76 = arith.constant 25 : i32
    %scan3A_77 = arith.addi %scan3A_75, %scan3A_76 : i32
    %scan3A_78 = arith.constant 1 : i32
    scf.for %scan3A_174 = %scan3A_75 to %scan3A_77 step %scan3A_78  : i32 {
      %mul3A_175 = arith.constant 2 : i32
      %mul3A_176 = arith.muli %scan3A_174, %mul3A_175 : i32
      %add3A_177 = arith.constant 0 : i32
      %add3A_178 = arith.addi %mul3A_176, %add3A_177 : i32
      %dma_wait3A = arith.constant 0 : i32
      %dma_wait3A_179 = arith.constant 0 : i32
      %dma_wait3A_180 = arith.constant 0 : i32
      %dma_wait3A_181 = tpu.memref_slice %arg9[%dma_wait3A, %dma_wait3A_179, %dma_wait3A_180] : memref<2x100x128xf32, #tpu.memory_space<vmem>> -> memref<1x100x128xf32, #tpu.memory_space<vmem>>
      %dma_wait3A_182 = tpu.memref_squeeze %dma_wait3A_181 : memref<1x100x128xf32, #tpu.memory_space<vmem>> -> memref<100x128xf32, #tpu.memory_space<vmem>>
      %dma_wait3A_183 = arith.constant 0 : i32
      %dma_wait3A_184 = tpu.memref_slice %arg7[%add3A_178, %dma_wait3A_183] : memref<50x100xi32, #tpu.memory_space<vmem>> -> memref<1x100xi32, #tpu.memory_space<vmem>>
      %dma_wait3A_185 = tpu.memref_squeeze %dma_wait3A_184 : memref<1x100xi32, #tpu.memory_space<vmem>> -> memref<100xi32, #tpu.memory_space<vmem>>
      %dma_wait3A_186 = arith.constant 0 : i32
      %dma_wait3A_187 = arith.constant 0 : i32
      %dma_wait3A_188 = tpu.memref_slice %arg2[%scan3A_74, %dma_wait3A_186, %dma_wait3A_187] : memref<2x10000x128xf32, #tpu.memory_space<hbm>> -> memref<1x10000x128xf32, #tpu.memory_space<hbm>>
      %dma_wait3A_189 = tpu.memref_squeeze %dma_wait3A_188 : memref<1x10000x128xf32, #tpu.memory_space<hbm>> -> memref<10000x128xf32, #tpu.memory_space<hbm>>
      %dma_wait3A_190 = arith.constant 0 : i32
      %dma_wait3A_191 = arith.constant 0 : i32
      %dma_wait3A_192 = tpu.memref_slice %dma_wait3A_189[%dma_wait3A_190, %dma_wait3A_191] : memref<10000x128xf32, #tpu.memory_space<hbm>> -> memref<10000x128xf32, #tpu.memory_space<hbm>>
      tpu.wait_indirect_dma semaphore(%arg12 : memref<!tpu.dma_semaphore, #tpu.memory_space<semaphore_mem>>) src(%dma_wait3A_192 : memref<10000x128xf32, #tpu.memory_space<hbm>>) dst(%dma_wait3A_182 : memref<100x128xf32, #tpu.memory_space<vmem>>)
      %run_scoped3A_193 = arith.constant 0 : i32
      "tpu.region"() ({
        %run_scoped3A_225 = tpu.sem_alloc : memref<!tpu.dma_semaphore, #tpu.memory_space<semaphore_mem>>
        %dma_start3A_226 = arith.constant 0 : i32
        %dma_start3A_227 = arith.constant 0 : i32
        %dma_start3A_228 = tpu.memref_slice %arg9[%run_scoped3A_193, %dma_start3A_226, %dma_start3A_227] : memref<2x100x128xf32, #tpu.memory_space<vmem>> -> memref<1x100x128xf32, #tpu.memory_space<vmem>>
        %dma_start3A_229 = tpu.memref_squeeze %dma_start3A_228 : memref<1x100x128xf32, #tpu.memory_space<vmem>> -> memref<100x128xf32, #tpu.memory_space<vmem>>
        %dma_start3A_230 = arith.constant 0 : i32
        %dma_start3A_231 = tpu.memref_slice %arg8[%add3A_178, %dma_start3A_230] : memref<50x100xi32, #tpu.memory_space<vmem>> -> memref<1x100xi32, #tpu.memory_space<vmem>>
        %dma_start3A_232 = tpu.memref_squeeze %dma_start3A_231 : memref<1x100xi32, #tpu.memory_space<vmem>> -> memref<100xi32, #tpu.memory_space<vmem>>
        %dma_start3A_233 = arith.constant 0 : i32
        %dma_start3A_234 = arith.constant 0 : i32
        %dma_start3A_235 = tpu.memref_slice %arg11[%dma_start3A_233, %dma_start3A_234] : memref<10240x128xf32, #tpu.memory_space<vmem_shared>> -> memref<10240x128xf32, #tpu.memory_space<vmem_shared>>
        tpu.enqueue_indirect_dma source(%dma_start3A_229 : memref<100x128xf32, #tpu.memory_space<vmem>>) target(%dma_start3A_235 : memref<10240x128xf32, #tpu.memory_space<vmem_shared>>) offsets(%dma_start3A_232 : memref<100xi32, #tpu.memory_space<vmem>>) semaphore(%run_scoped3A_225 : memref<!tpu.dma_semaphore, #tpu.memory_space<semaphore_mem>>) {add = true}
        %dma_wait3A_236 = arith.constant 0 : i32
        %dma_wait3A_237 = arith.constant 0 : i32
        %dma_wait3A_238 = tpu.memref_slice %arg9[%run_scoped3A_193, %dma_wait3A_236, %dma_wait3A_237] : memref<2x100x128xf32, #tpu.memory_space<vmem>> -> memref<1x100x128xf32, #tpu.memory_space<vmem>>
        %dma_wait3A_239 = tpu.memref_squeeze %dma_wait3A_238 : memref<1x100x128xf32, #tpu.memory_space<vmem>> -> memref<100x128xf32, #tpu.memory_space<vmem>>
        %dma_wait3A_240 = arith.constant 0 : i32
        %dma_wait3A_241 = tpu.memref_slice %arg8[%add3A_178, %dma_wait3A_240] : memref<50x100xi32, #tpu.memory_space<vmem>> -> memref<1x100xi32, #tpu.memory_space<vmem>>
        %dma_wait3A_242 = tpu.memref_squeeze %dma_wait3A_241 : memref<1x100xi32, #tpu.memory_space<vmem>> -> memref<100xi32, #tpu.memory_space<vmem>>
        %dma_wait3A_243 = arith.constant 0 : i32
        %dma_wait3A_244 = arith.constant 0 : i32
        %dma_wait3A_245 = tpu.memref_slice %arg11[%dma_wait3A_243, %dma_wait3A_244] : memref<10240x128xf32, #tpu.memory_space<vmem_shared>> -> memref<10240x128xf32, #tpu.memory_space<vmem_shared>>
        tpu.wait_indirect_dma semaphore(%run_scoped3A_225 : memref<!tpu.dma_semaphore, #tpu.memory_space<semaphore_mem>>) src(%dma_wait3A_239 : memref<100x128xf32, #tpu.memory_space<vmem>>) dst(%dma_wait3A_245 : memref<10240x128xf32, #tpu.memory_space<vmem_shared>>)
        tpu.yield
      }) : () -> ()
      %add3A_194 = arith.constant 2 : i32
      %add3A_195 = arith.addi %add3A_178, %add3A_194 : i32
      %lt3A = arith.constant 50 : i32
      %lt3A_196 = arith.cmpi slt, %add3A_195, %lt3A : i32
      %convert_element_type3A = arith.extui %lt3A_196 : i1 to i32
      %cond3A = arith.constant 0 : i32
      %cond3A_197 = arith.cmpi ne, %convert_element_type3A, %cond3A : i32
      scf.if %cond3A_197 {
        %add3A_225 = arith.constant 2 : i32
        %add3A_226 = arith.addi %add3A_178, %add3A_225 : i32
        %dma_start3A_227 = arith.constant 0 : i32
        %dma_start3A_228 = arith.constant 0 : i32
        %dma_start3A_229 = arith.constant 0 : i32
        %dma_start3A_230 = tpu.memref_slice %arg9[%dma_start3A_227, %dma_start3A_228, %dma_start3A_229] : memref<2x100x128xf32, #tpu.memory_space<vmem>> -> memref<1x100x128xf32, #tpu.memory_space<vmem>>
        %dma_start3A_231 = tpu.memref_squeeze %dma_start3A_230 : memref<1x100x128xf32, #tpu.memory_space<vmem>> -> memref<100x128xf32, #tpu.memory_space<vmem>>
        %dma_start3A_232 = arith.constant 0 : i32
        %dma_start3A_233 = tpu.memref_slice %arg7[%add3A_226, %dma_start3A_232] : memref<50x100xi32, #tpu.memory_space<vmem>> -> memref<1x100xi32, #tpu.memory_space<vmem>>
        %dma_start3A_234 = tpu.memref_squeeze %dma_start3A_233 : memref<1x100xi32, #tpu.memory_space<vmem>> -> memref<100xi32, #tpu.memory_space<vmem>>
        %dma_start3A_235 = arith.constant 0 : i32
        %dma_start3A_236 = arith.constant 0 : i32
        %dma_start3A_237 = tpu.memref_slice %arg2[%scan3A_74, %dma_start3A_235, %dma_start3A_236] : memref<2x10000x128xf32, #tpu.memory_space<hbm>> -> memref<1x10000x128xf32, #tpu.memory_space<hbm>>
        %dma_start3A_238 = tpu.memref_squeeze %dma_start3A_237 : memref<1x10000x128xf32, #tpu.memory_space<hbm>> -> memref<10000x128xf32, #tpu.memory_space<hbm>>
        %dma_start3A_239 = arith.constant 0 : i32
        %dma_start3A_240 = arith.constant 0 : i32
        %dma_start3A_241 = tpu.memref_slice %dma_start3A_238[%dma_start3A_239, %dma_start3A_240] : memref<10000x128xf32, #tpu.memory_space<hbm>> -> memref<10000x128xf32, #tpu.memory_space<hbm>>
        tpu.enqueue_indirect_dma source(%dma_start3A_241 : memref<10000x128xf32, #tpu.memory_space<hbm>>) target(%dma_start3A_231 : memref<100x128xf32, #tpu.memory_space<vmem>>) offsets(%dma_start3A_234 : memref<100xi32, #tpu.memory_space<vmem>>) semaphore(%arg12 : memref<!tpu.dma_semaphore, #tpu.memory_space<semaphore_mem>>)
      } else {
      }
      %mul3A_198 = arith.constant 2 : i32
      %mul3A_199 = arith.muli %scan3A_174, %mul3A_198 : i32
      %add3A_200 = arith.constant 1 : i32
      %add3A_201 = arith.addi %mul3A_199, %add3A_200 : i32
      %dma_wait3A_202 = arith.constant 1 : i32
      %dma_wait3A_203 = arith.constant 0 : i32
      %dma_wait3A_204 = arith.constant 0 : i32
      %dma_wait3A_205 = tpu.memref_slice %arg9[%dma_wait3A_202, %dma_wait3A_203, %dma_wait3A_204] : memref<2x100x128xf32, #tpu.memory_space<vmem>> -> memref<1x100x128xf32, #tpu.memory_space<vmem>>
      %dma_wait3A_206 = tpu.memref_squeeze %dma_wait3A_205 : memref<1x100x128xf32, #tpu.memory_space<vmem>> -> memref<100x128xf32, #tpu.memory_space<vmem>>
      %dma_wait3A_207 = arith.constant 0 : i32
      %dma_wait3A_208 = tpu.memref_slice %arg7[%add3A_201, %dma_wait3A_207] : memref<50x100xi32, #tpu.memory_space<vmem>> -> memref<1x100xi32, #tpu.memory_space<vmem>>
      %dma_wait3A_209 = tpu.memref_squeeze %dma_wait3A_208 : memref<1x100xi32, #tpu.memory_space<vmem>> -> memref<100xi32, #tpu.memory_space<vmem>>
      %dma_wait3A_210 = arith.constant 0 : i32
      %dma_wait3A_211 = arith.constant 0 : i32
      %dma_wait3A_212 = tpu.memref_slice %arg2[%scan3A_74, %dma_wait3A_210, %dma_wait3A_211] : memref<2x10000x128xf32, #tpu.memory_space<hbm>> -> memref<1x10000x128xf32, #tpu.memory_space<hbm>>
      %dma_wait3A_213 = tpu.memref_squeeze %dma_wait3A_212 : memref<1x10000x128xf32, #tpu.memory_space<hbm>> -> memref<10000x128xf32, #tpu.memory_space<hbm>>
      %dma_wait3A_214 = arith.constant 0 : i32
      %dma_wait3A_215 = arith.constant 0 : i32
      %dma_wait3A_216 = tpu.memref_slice %dma_wait3A_213[%dma_wait3A_214, %dma_wait3A_215] : memref<10000x128xf32, #tpu.memory_space<hbm>> -> memref<10000x128xf32, #tpu.memory_space<hbm>>
      tpu.wait_indirect_dma semaphore(%arg13 : memref<!tpu.dma_semaphore, #tpu.memory_space<semaphore_mem>>) src(%dma_wait3A_216 : memref<10000x128xf32, #tpu.memory_space<hbm>>) dst(%dma_wait3A_206 : memref<100x128xf32, #tpu.memory_space<vmem>>)
      %run_scoped3A_217 = arith.constant 1 : i32
      "tpu.region"() ({
        %run_scoped3A_225 = tpu.sem_alloc : memref<!tpu.dma_semaphore, #tpu.memory_space<semaphore_mem>>
        %dma_start3A_226 = arith.constant 0 : i32
        %dma_start3A_227 = arith.constant 0 : i32
        %dma_start3A_228 = tpu.memref_slice %arg9[%run_scoped3A_217, %dma_start3A_226, %dma_start3A_227] : memref<2x100x128xf32, #tpu.memory_space<vmem>> -> memref<1x100x128xf32, #tpu.memory_space<vmem>>
        %dma_start3A_229 = tpu.memref_squeeze %dma_start3A_228 : memref<1x100x128xf32, #tpu.memory_space<vmem>> -> memref<100x128xf32, #tpu.memory_space<vmem>>
        %dma_start3A_230 = arith.constant 0 : i32
        %dma_start3A_231 = tpu.memref_slice %arg8[%add3A_201, %dma_start3A_230] : memref<50x100xi32, #tpu.memory_space<vmem>> -> memref<1x100xi32, #tpu.memory_space<vmem>>
        %dma_start3A_232 = tpu.memref_squeeze %dma_start3A_231 : memref<1x100xi32, #tpu.memory_space<vmem>> -> memref<100xi32, #tpu.memory_space<vmem>>
        %dma_start3A_233 = arith.constant 0 : i32
        %dma_start3A_234 = arith.constant 0 : i32
        %dma_start3A_235 = tpu.memref_slice %arg11[%dma_start3A_233, %dma_start3A_234] : memref<10240x128xf32, #tpu.memory_space<vmem_shared>> -> memref<10240x128xf32, #tpu.memory_space<vmem_shared>>
        tpu.enqueue_indirect_dma source(%dma_start3A_229 : memref<100x128xf32, #tpu.memory_space<vmem>>) target(%dma_start3A_235 : memref<10240x128xf32, #tpu.memory_space<vmem_shared>>) offsets(%dma_start3A_232 : memref<100xi32, #tpu.memory_space<vmem>>) semaphore(%run_scoped3A_225 : memref<!tpu.dma_semaphore, #tpu.memory_space<semaphore_mem>>) {add = true}
        %dma_wait3A_236 = arith.constant 0 : i32
        %dma_wait3A_237 = arith.constant 0 : i32
        %dma_wait3A_238 = tpu.memref_slice %arg9[%run_scoped3A_217, %dma_wait3A_236, %dma_wait3A_237] : memref<2x100x128xf32, #tpu.memory_space<vmem>> -> memref<1x100x128xf32, #tpu.memory_space<vmem>>
        %dma_wait3A_239 = tpu.memref_squeeze %dma_wait3A_238 : memref<1x100x128xf32, #tpu.memory_space<vmem>> -> memref<100x128xf32, #tpu.memory_space<vmem>>
        %dma_wait3A_240 = arith.constant 0 : i32
        %dma_wait3A_241 = tpu.memref_slice %arg8[%add3A_201, %dma_wait3A_240] : memref<50x100xi32, #tpu.memory_space<vmem>> -> memref<1x100xi32, #tpu.memory_space<vmem>>
        %dma_wait3A_242 = tpu.memref_squeeze %dma_wait3A_241 : memref<1x100xi32, #tpu.memory_space<vmem>> -> memref<100xi32, #tpu.memory_space<vmem>>
        %dma_wait3A_243 = arith.constant 0 : i32
        %dma_wait3A_244 = arith.constant 0 : i32
        %dma_wait3A_245 = tpu.memref_slice %arg11[%dma_wait3A_243, %dma_wait3A_244] : memref<10240x128xf32, #tpu.memory_space<vmem_shared>> -> memref<10240x128xf32, #tpu.memory_space<vmem_shared>>
        tpu.wait_indirect_dma semaphore(%run_scoped3A_225 : memref<!tpu.dma_semaphore, #tpu.memory_space<semaphore_mem>>) src(%dma_wait3A_239 : memref<100x128xf32, #tpu.memory_space<vmem>>) dst(%dma_wait3A_245 : memref<10240x128xf32, #tpu.memory_space<vmem_shared>>)
        tpu.yield
      }) : () -> ()
      %add3A_218 = arith.constant 2 : i32
      %add3A_219 = arith.addi %add3A_201, %add3A_218 : i32
      %lt3A_220 = arith.constant 50 : i32
      %lt3A_221 = arith.cmpi slt, %add3A_219, %lt3A_220 : i32
      %convert_element_type3A_222 = arith.extui %lt3A_221 : i1 to i32
      %cond3A_223 = arith.constant 0 : i32
      %cond3A_224 = arith.cmpi ne, %convert_element_type3A_222, %cond3A_223 : i32
      scf.if %cond3A_224 {
        %add3A_225 = arith.constant 2 : i32
        %add3A_226 = arith.addi %add3A_201, %add3A_225 : i32
        %dma_start3A_227 = arith.constant 1 : i32
        %dma_start3A_228 = arith.constant 0 : i32
        %dma_start3A_229 = arith.constant 0 : i32
        %dma_start3A_230 = tpu.memref_slice %arg9[%dma_start3A_227, %dma_start3A_228, %dma_start3A_229] : memref<2x100x128xf32, #tpu.memory_space<vmem>> -> memref<1x100x128xf32, #tpu.memory_space<vmem>>
        %dma_start3A_231 = tpu.memref_squeeze %dma_start3A_230 : memref<1x100x128xf32, #tpu.memory_space<vmem>> -> memref<100x128xf32, #tpu.memory_space<vmem>>
        %dma_start3A_232 = arith.constant 0 : i32
        %dma_start3A_233 = tpu.memref_slice %arg7[%add3A_226, %dma_start3A_232] : memref<50x100xi32, #tpu.memory_space<vmem>> -> memref<1x100xi32, #tpu.memory_space<vmem>>
        %dma_start3A_234 = tpu.memref_squeeze %dma_start3A_233 : memref<1x100xi32, #tpu.memory_space<vmem>> -> memref<100xi32, #tpu.memory_space<vmem>>
        %dma_start3A_235 = arith.constant 0 : i32
        %dma_start3A_236 = arith.constant 0 : i32
        %dma_start3A_237 = tpu.memref_slice %arg2[%scan3A_74, %dma_start3A_235, %dma_start3A_236] : memref<2x10000x128xf32, #tpu.memory_space<hbm>> -> memref<1x10000x128xf32, #tpu.memory_space<hbm>>
        %dma_start3A_238 = tpu.memref_squeeze %dma_start3A_237 : memref<1x10000x128xf32, #tpu.memory_space<hbm>> -> memref<10000x128xf32, #tpu.memory_space<hbm>>
        %dma_start3A_239 = arith.constant 0 : i32
        %dma_start3A_240 = arith.constant 0 : i32
        %dma_start3A_241 = tpu.memref_slice %dma_start3A_238[%dma_start3A_239, %dma_start3A_240] : memref<10000x128xf32, #tpu.memory_space<hbm>> -> memref<10000x128xf32, #tpu.memory_space<hbm>>
        tpu.enqueue_indirect_dma source(%dma_start3A_241 : memref<10000x128xf32, #tpu.memory_space<hbm>>) target(%dma_start3A_231 : memref<100x128xf32, #tpu.memory_space<vmem>>) offsets(%dma_start3A_234 : memref<100xi32, #tpu.memory_space<vmem>>) semaphore(%arg13 : memref<!tpu.dma_semaphore, #tpu.memory_space<semaphore_mem>>)
      } else {
      }
    }
    %scan3A_79 = arith.constant 25 : i32
    %barrier3A_80 = arith.constant 0 : index
    tpu.barrier barrier_id(%barrier3A_80)
    %mul3A_81 = arith.constant 640 : i32
    %mul3A_82 = arith.muli %arg1, %mul3A_81 : i32
    %mul3A_83 = arith.constant 640 : i32
    %mul3A_84 = arith.muli %arg1, %mul3A_83 : i32
    %run_scoped3A = arith.constant 0 : i32
    "tpu.region"() ({
      %run_scoped3A_174 = tpu.sem_alloc : memref<!tpu.dma_semaphore, #tpu.memory_space<semaphore_mem>>
      %dma_start3A_175 = arith.constant 0 : i32
      %dma_start3A_176 = tpu.memref_slice %arg6[%run_scoped3A, %arg0, %mul3A_84, %dma_start3A_175] : memref<2x2x10240x128xf32, #tpu.memory_space<hbm>> -> memref<1x1x640x128xf32, #tpu.memory_space<hbm>>
      %dma_start3A_177 = tpu.memref_squeeze %dma_start3A_176 : memref<1x1x640x128xf32, #tpu.memory_space<hbm>> -> memref<640x128xf32, #tpu.memory_space<hbm>>
      %dma_start3A_178 = arith.constant 0 : i32
      %dma_start3A_179 = tpu.memref_slice %arg11[%mul3A_82, %dma_start3A_178] : memref<10240x128xf32, #tpu.memory_space<vmem_shared>> -> memref<640x128xf32, #tpu.memory_space<vmem_shared>>
      tpu.enqueue_dma source(%dma_start3A_179 : memref<640x128xf32, #tpu.memory_space<vmem_shared>>) target(%dma_start3A_177 : memref<640x128xf32, #tpu.memory_space<hbm>>) target_semaphore(%run_scoped3A_174 : memref<!tpu.dma_semaphore, #tpu.memory_space<semaphore_mem>>)
      %dma_wait3A = arith.constant 0 : i32
      %dma_wait3A_180 = tpu.memref_slice %arg6[%run_scoped3A, %arg0, %mul3A_84, %dma_wait3A] : memref<2x2x10240x128xf32, #tpu.memory_space<hbm>> -> memref<1x1x640x128xf32, #tpu.memory_space<hbm>>
      %dma_wait3A_181 = tpu.memref_squeeze %dma_wait3A_180 : memref<1x1x640x128xf32, #tpu.memory_space<hbm>> -> memref<640x128xf32, #tpu.memory_space<hbm>>
      %dma_wait3A_182 = arith.constant 0 : i32
      %dma_wait3A_183 = tpu.memref_slice %arg11[%mul3A_82, %dma_wait3A_182] : memref<10240x128xf32, #tpu.memory_space<vmem_shared>> -> memref<640x128xf32, #tpu.memory_space<vmem_shared>>
      tpu.wait_dma2 semaphore(%run_scoped3A_174 : memref<!tpu.dma_semaphore, #tpu.memory_space<semaphore_mem>>) src(%dma_wait3A_183 : memref<640x128xf32, #tpu.memory_space<vmem_shared>>) dst(%dma_wait3A_181 : memref<640x128xf32, #tpu.memory_space<hbm>>)
      tpu.yield
    }) : () -> ()
    %barrier3A_85 = arith.constant 0 : index
    tpu.barrier barrier_id(%barrier3A_85)
    %mul3A_86 = arith.constant 640 : i32
    %mul3A_87 = arith.muli %arg1, %mul3A_86 : i32
    %add3A_88 = arith.constant 0 : i32
    %add3A_89 = arith.addi %mul3A_87, %add3A_88 : i32
    "tpu.region"() ({
      %run_scoped3A_174 = tpu.sem_alloc : memref<!tpu.dma_semaphore, #tpu.memory_space<semaphore_mem>>
      %dma_start3A_175 = arith.constant 0 : i32
      %dma_start3A_176 = tpu.memref_slice %arg11[%add3A_89, %dma_start3A_175] : memref<10240x128xf32, #tpu.memory_space<vmem_shared>> -> memref<64x128xf32, #tpu.memory_space<vmem_shared>>
      %dma_start3A_177 = arith.constant 0 : i32
      %dma_start3A_178 = tpu.memref_slice %arg11[%add3A_89, %dma_start3A_177] : memref<10240x128xf32, #tpu.memory_space<vmem_shared>> -> memref<64x128xf32, #tpu.memory_space<vmem_shared>>
      tpu.enqueue_dma source(%arg10 : memref<64x128xf32, #tpu.memory_space<vmem>>) target(%dma_start3A_178 : memref<64x128xf32, #tpu.memory_space<vmem_shared>>) target_semaphore(%run_scoped3A_174 : memref<!tpu.dma_semaphore, #tpu.memory_space<semaphore_mem>>)
      %dma_wait3A = arith.constant 0 : i32
      %dma_wait3A_179 = tpu.memref_slice %arg11[%add3A_89, %dma_wait3A] : memref<10240x128xf32, #tpu.memory_space<vmem_shared>> -> memref<64x128xf32, #tpu.memory_space<vmem_shared>>
      %dma_wait3A_180 = arith.constant 0 : i32
      %dma_wait3A_181 = tpu.memref_slice %arg11[%add3A_89, %dma_wait3A_180] : memref<10240x128xf32, #tpu.memory_space<vmem_shared>> -> memref<64x128xf32, #tpu.memory_space<vmem_shared>>
      tpu.wait_dma2 semaphore(%run_scoped3A_174 : memref<!tpu.dma_semaphore, #tpu.memory_space<semaphore_mem>>) src(%arg10 : memref<64x128xf32, #tpu.memory_space<vmem>>) dst(%dma_wait3A_181 : memref<64x128xf32, #tpu.memory_space<vmem_shared>>)
      tpu.yield
    }) : () -> ()
    %mul3A_90 = arith.constant 640 : i32
    %mul3A_91 = arith.muli %arg1, %mul3A_90 : i32
    %add3A_92 = arith.constant 64 : i32
    %add3A_93 = arith.addi %mul3A_91, %add3A_92 : i32
    "tpu.region"() ({
      %run_scoped3A_174 = tpu.sem_alloc : memref<!tpu.dma_semaphore, #tpu.memory_space<semaphore_mem>>
      %dma_start3A_175 = arith.constant 0 : i32
      %dma_start3A_176 = tpu.memref_slice %arg11[%add3A_93, %dma_start3A_175] : memref<10240x128xf32, #tpu.memory_space<vmem_shared>> -> memref<64x128xf32, #tpu.memory_space<vmem_shared>>
      %dma_start3A_177 = arith.constant 0 : i32
      %dma_start3A_178 = tpu.memref_slice %arg11[%add3A_93, %dma_start3A_177] : memref<10240x128xf32, #tpu.memory_space<vmem_shared>> -> memref<64x128xf32, #tpu.memory_space<vmem_shared>>
      tpu.enqueue_dma source(%arg10 : memref<64x128xf32, #tpu.memory_space<vmem>>) target(%dma_start3A_178 : memref<64x128xf32, #tpu.memory_space<vmem_shared>>) target_semaphore(%run_scoped3A_174 : memref<!tpu.dma_semaphore, #tpu.memory_space<semaphore_mem>>)
      %dma_wait3A = arith.constant 0 : i32
      %dma_wait3A_179 = tpu.memref_slice %arg11[%add3A_93, %dma_wait3A] : memref<10240x128xf32, #tpu.memory_space<vmem_shared>> -> memref<64x128xf32, #tpu.memory_space<vmem_shared>>
      %dma_wait3A_180 = arith.constant 0 : i32
      %dma_wait3A_181 = tpu.memref_slice %arg11[%add3A_93, %dma_wait3A_180] : memref<10240x128xf32, #tpu.memory_space<vmem_shared>> -> memref<64x128xf32, #tpu.memory_space<vmem_shared>>
      tpu.wait_dma2 semaphore(%run_scoped3A_174 : memref<!tpu.dma_semaphore, #tpu.memory_space<semaphore_mem>>) src(%arg10 : memref<64x128xf32, #tpu.memory_space<vmem>>) dst(%dma_wait3A_181 : memref<64x128xf32, #tpu.memory_space<vmem_shared>>)
      tpu.yield
    }) : () -> ()
    %mul3A_94 = arith.constant 640 : i32
    %mul3A_95 = arith.muli %arg1, %mul3A_94 : i32
    %add3A_96 = arith.constant 128 : i32
    %add3A_97 = arith.addi %mul3A_95, %add3A_96 : i32
    "tpu.region"() ({
      %run_scoped3A_174 = tpu.sem_alloc : memref<!tpu.dma_semaphore, #tpu.memory_space<semaphore_mem>>
      %dma_start3A_175 = arith.constant 0 : i32
      %dma_start3A_176 = tpu.memref_slice %arg11[%add3A_97, %dma_start3A_175] : memref<10240x128xf32, #tpu.memory_space<vmem_shared>> -> memref<64x128xf32, #tpu.memory_space<vmem_shared>>
      %dma_start3A_177 = arith.constant 0 : i32
      %dma_start3A_178 = tpu.memref_slice %arg11[%add3A_97, %dma_start3A_177] : memref<10240x128xf32, #tpu.memory_space<vmem_shared>> -> memref<64x128xf32, #tpu.memory_space<vmem_shared>>
      tpu.enqueue_dma source(%arg10 : memref<64x128xf32, #tpu.memory_space<vmem>>) target(%dma_start3A_178 : memref<64x128xf32, #tpu.memory_space<vmem_shared>>) target_semaphore(%run_scoped3A_174 : memref<!tpu.dma_semaphore, #tpu.memory_space<semaphore_mem>>)
      %dma_wait3A = arith.constant 0 : i32
      %dma_wait3A_179 = tpu.memref_slice %arg11[%add3A_97, %dma_wait3A] : memref<10240x128xf32, #tpu.memory_space<vmem_shared>> -> memref<64x128xf32, #tpu.memory_space<vmem_shared>>
      %dma_wait3A_180 = arith.constant 0 : i32
      %dma_wait3A_181 = tpu.memref_slice %arg11[%add3A_97, %dma_wait3A_180] : memref<10240x128xf32, #tpu.memory_space<vmem_shared>> -> memref<64x128xf32, #tpu.memory_space<vmem_shared>>
      tpu.wait_dma2 semaphore(%run_scoped3A_174 : memref<!tpu.dma_semaphore, #tpu.memory_space<semaphore_mem>>) src(%arg10 : memref<64x128xf32, #tpu.memory_space<vmem>>) dst(%dma_wait3A_181 : memref<64x128xf32, #tpu.memory_space<vmem_shared>>)
      tpu.yield
    }) : () -> ()
    %mul3A_98 = arith.constant 640 : i32
    %mul3A_99 = arith.muli %arg1, %mul3A_98 : i32
    %add3A_100 = arith.constant 192 : i32
    %add3A_101 = arith.addi %mul3A_99, %add3A_100 : i32
    "tpu.region"() ({
      %run_scoped3A_174 = tpu.sem_alloc : memref<!tpu.dma_semaphore, #tpu.memory_space<semaphore_mem>>
      %dma_start3A_175 = arith.constant 0 : i32
      %dma_start3A_176 = tpu.memref_slice %arg11[%add3A_101, %dma_start3A_175] : memref<10240x128xf32, #tpu.memory_space<vmem_shared>> -> memref<64x128xf32, #tpu.memory_space<vmem_shared>>
      %dma_start3A_177 = arith.constant 0 : i32
      %dma_start3A_178 = tpu.memref_slice %arg11[%add3A_101, %dma_start3A_177] : memref<10240x128xf32, #tpu.memory_space<vmem_shared>> -> memref<64x128xf32, #tpu.memory_space<vmem_shared>>
      tpu.enqueue_dma source(%arg10 : memref<64x128xf32, #tpu.memory_space<vmem>>) target(%dma_start3A_178 : memref<64x128xf32, #tpu.memory_space<vmem_shared>>) target_semaphore(%run_scoped3A_174 : memref<!tpu.dma_semaphore, #tpu.memory_space<semaphore_mem>>)
      %dma_wait3A = arith.constant 0 : i32
      %dma_wait3A_179 = tpu.memref_slice %arg11[%add3A_101, %dma_wait3A] : memref<10240x128xf32, #tpu.memory_space<vmem_shared>> -> memref<64x128xf32, #tpu.memory_space<vmem_shared>>
      %dma_wait3A_180 = arith.constant 0 : i32
      %dma_wait3A_181 = tpu.memref_slice %arg11[%add3A_101, %dma_wait3A_180] : memref<10240x128xf32, #tpu.memory_space<vmem_shared>> -> memref<64x128xf32, #tpu.memory_space<vmem_shared>>
      tpu.wait_dma2 semaphore(%run_scoped3A_174 : memref<!tpu.dma_semaphore, #tpu.memory_space<semaphore_mem>>) src(%arg10 : memref<64x128xf32, #tpu.memory_space<vmem>>) dst(%dma_wait3A_181 : memref<64x128xf32, #tpu.memory_space<vmem_shared>>)
      tpu.yield
    }) : () -> ()
    %mul3A_102 = arith.constant 640 : i32
    %mul3A_103 = arith.muli %arg1, %mul3A_102 : i32
    %add3A_104 = arith.constant 256 : i32
    %add3A_105 = arith.addi %mul3A_103, %add3A_104 : i32
    "tpu.region"() ({
      %run_scoped3A_174 = tpu.sem_alloc : memref<!tpu.dma_semaphore, #tpu.memory_space<semaphore_mem>>
      %dma_start3A_175 = arith.constant 0 : i32
      %dma_start3A_176 = tpu.memref_slice %arg11[%add3A_105, %dma_start3A_175] : memref<10240x128xf32, #tpu.memory_space<vmem_shared>> -> memref<64x128xf32, #tpu.memory_space<vmem_shared>>
      %dma_start3A_177 = arith.constant 0 : i32
      %dma_start3A_178 = tpu.memref_slice %arg11[%add3A_105, %dma_start3A_177] : memref<10240x128xf32, #tpu.memory_space<vmem_shared>> -> memref<64x128xf32, #tpu.memory_space<vmem_shared>>
      tpu.enqueue_dma source(%arg10 : memref<64x128xf32, #tpu.memory_space<vmem>>) target(%dma_start3A_178 : memref<64x128xf32, #tpu.memory_space<vmem_shared>>) target_semaphore(%run_scoped3A_174 : memref<!tpu.dma_semaphore, #tpu.memory_space<semaphore_mem>>)
      %dma_wait3A = arith.constant 0 : i32
      %dma_wait3A_179 = tpu.memref_slice %arg11[%add3A_105, %dma_wait3A] : memref<10240x128xf32, #tpu.memory_space<vmem_shared>> -> memref<64x128xf32, #tpu.memory_space<vmem_shared>>
      %dma_wait3A_180 = arith.constant 0 : i32
      %dma_wait3A_181 = tpu.memref_slice %arg11[%add3A_105, %dma_wait3A_180] : memref<10240x128xf32, #tpu.memory_space<vmem_shared>> -> memref<64x128xf32, #tpu.memory_space<vmem_shared>>
      tpu.wait_dma2 semaphore(%run_scoped3A_174 : memref<!tpu.dma_semaphore, #tpu.memory_space<semaphore_mem>>) src(%arg10 : memref<64x128xf32, #tpu.memory_space<vmem>>) dst(%dma_wait3A_181 : memref<64x128xf32, #tpu.memory_space<vmem_shared>>)
      tpu.yield
    }) : () -> ()
    %mul3A_106 = arith.constant 640 : i32
    %mul3A_107 = arith.muli %arg1, %mul3A_106 : i32
    %add3A_108 = arith.constant 320 : i32
    %add3A_109 = arith.addi %mul3A_107, %add3A_108 : i32
    "tpu.region"() ({
      %run_scoped3A_174 = tpu.sem_alloc : memref<!tpu.dma_semaphore, #tpu.memory_space<semaphore_mem>>
      %dma_start3A_175 = arith.constant 0 : i32
      %dma_start3A_176 = tpu.memref_slice %arg11[%add3A_109, %dma_start3A_175] : memref<10240x128xf32, #tpu.memory_space<vmem_shared>> -> memref<64x128xf32, #tpu.memory_space<vmem_shared>>
      %dma_start3A_177 = arith.constant 0 : i32
      %dma_start3A_178 = tpu.memref_slice %arg11[%add3A_109, %dma_start3A_177] : memref<10240x128xf32, #tpu.memory_space<vmem_shared>> -> memref<64x128xf32, #tpu.memory_space<vmem_shared>>
      tpu.enqueue_dma source(%arg10 : memref<64x128xf32, #tpu.memory_space<vmem>>) target(%dma_start3A_178 : memref<64x128xf32, #tpu.memory_space<vmem_shared>>) target_semaphore(%run_scoped3A_174 : memref<!tpu.dma_semaphore, #tpu.memory_space<semaphore_mem>>)
      %dma_wait3A = arith.constant 0 : i32
      %dma_wait3A_179 = tpu.memref_slice %arg11[%add3A_109, %dma_wait3A] : memref<10240x128xf32, #tpu.memory_space<vmem_shared>> -> memref<64x128xf32, #tpu.memory_space<vmem_shared>>
      %dma_wait3A_180 = arith.constant 0 : i32
      %dma_wait3A_181 = tpu.memref_slice %arg11[%add3A_109, %dma_wait3A_180] : memref<10240x128xf32, #tpu.memory_space<vmem_shared>> -> memref<64x128xf32, #tpu.memory_space<vmem_shared>>
      tpu.wait_dma2 semaphore(%run_scoped3A_174 : memref<!tpu.dma_semaphore, #tpu.memory_space<semaphore_mem>>) src(%arg10 : memref<64x128xf32, #tpu.memory_space<vmem>>) dst(%dma_wait3A_181 : memref<64x128xf32, #tpu.memory_space<vmem_shared>>)
      tpu.yield
    }) : () -> ()
    %mul3A_110 = arith.constant 640 : i32
    %mul3A_111 = arith.muli %arg1, %mul3A_110 : i32
    %add3A_112 = arith.constant 384 : i32
    %add3A_113 = arith.addi %mul3A_111, %add3A_112 : i32
    "tpu.region"() ({
      %run_scoped3A_174 = tpu.sem_alloc : memref<!tpu.dma_semaphore, #tpu.memory_space<semaphore_mem>>
      %dma_start3A_175 = arith.constant 0 : i32
      %dma_start3A_176 = tpu.memref_slice %arg11[%add3A_113, %dma_start3A_175] : memref<10240x128xf32, #tpu.memory_space<vmem_shared>> -> memref<64x128xf32, #tpu.memory_space<vmem_shared>>
      %dma_start3A_177 = arith.constant 0 : i32
      %dma_start3A_178 = tpu.memref_slice %arg11[%add3A_113, %dma_start3A_177] : memref<10240x128xf32, #tpu.memory_space<vmem_shared>> -> memref<64x128xf32, #tpu.memory_space<vmem_shared>>
      tpu.enqueue_dma source(%arg10 : memref<64x128xf32, #tpu.memory_space<vmem>>) target(%dma_start3A_178 : memref<64x128xf32, #tpu.memory_space<vmem_shared>>) target_semaphore(%run_scoped3A_174 : memref<!tpu.dma_semaphore, #tpu.memory_space<semaphore_mem>>)
      %dma_wait3A = arith.constant 0 : i32
      %dma_wait3A_179 = tpu.memref_slice %arg11[%add3A_113, %dma_wait3A] : memref<10240x128xf32, #tpu.memory_space<vmem_shared>> -> memref<64x128xf32, #tpu.memory_space<vmem_shared>>
      %dma_wait3A_180 = arith.constant 0 : i32
      %dma_wait3A_181 = tpu.memref_slice %arg11[%add3A_113, %dma_wait3A_180] : memref<10240x128xf32, #tpu.memory_space<vmem_shared>> -> memref<64x128xf32, #tpu.memory_space<vmem_shared>>
      tpu.wait_dma2 semaphore(%run_scoped3A_174 : memref<!tpu.dma_semaphore, #tpu.memory_space<semaphore_mem>>) src(%arg10 : memref<64x128xf32, #tpu.memory_space<vmem>>) dst(%dma_wait3A_181 : memref<64x128xf32, #tpu.memory_space<vmem_shared>>)
      tpu.yield
    }) : () -> ()
    %mul3A_114 = arith.constant 640 : i32
    %mul3A_115 = arith.muli %arg1, %mul3A_114 : i32
    %add3A_116 = arith.constant 448 : i32
    %add3A_117 = arith.addi %mul3A_115, %add3A_116 : i32
    "tpu.region"() ({
      %run_scoped3A_174 = tpu.sem_alloc : memref<!tpu.dma_semaphore, #tpu.memory_space<semaphore_mem>>
      %dma_start3A_175 = arith.constant 0 : i32
      %dma_start3A_176 = tpu.memref_slice %arg11[%add3A_117, %dma_start3A_175] : memref<10240x128xf32, #tpu.memory_space<vmem_shared>> -> memref<64x128xf32, #tpu.memory_space<vmem_shared>>
      %dma_start3A_177 = arith.constant 0 : i32
      %dma_start3A_178 = tpu.memref_slice %arg11[%add3A_117, %dma_start3A_177] : memref<10240x128xf32, #tpu.memory_space<vmem_shared>> -> memref<64x128xf32, #tpu.memory_space<vmem_shared>>
      tpu.enqueue_dma source(%arg10 : memref<64x128xf32, #tpu.memory_space<vmem>>) target(%dma_start3A_178 : memref<64x128xf32, #tpu.memory_space<vmem_shared>>) target_semaphore(%run_scoped3A_174 : memref<!tpu.dma_semaphore, #tpu.memory_space<semaphore_mem>>)
      %dma_wait3A = arith.constant 0 : i32
      %dma_wait3A_179 = tpu.memref_slice %arg11[%add3A_117, %dma_wait3A] : memref<10240x128xf32, #tpu.memory_space<vmem_shared>> -> memref<64x128xf32, #tpu.memory_space<vmem_shared>>
      %dma_wait3A_180 = arith.constant 0 : i32
      %dma_wait3A_181 = tpu.memref_slice %arg11[%add3A_117, %dma_wait3A_180] : memref<10240x128xf32, #tpu.memory_space<vmem_shared>> -> memref<64x128xf32, #tpu.memory_space<vmem_shared>>
      tpu.wait_dma2 semaphore(%run_scoped3A_174 : memref<!tpu.dma_semaphore, #tpu.memory_space<semaphore_mem>>) src(%arg10 : memref<64x128xf32, #tpu.memory_space<vmem>>) dst(%dma_wait3A_181 : memref<64x128xf32, #tpu.memory_space<vmem_shared>>)
      tpu.yield
    }) : () -> ()
    %mul3A_118 = arith.constant 640 : i32
    %mul3A_119 = arith.muli %arg1, %mul3A_118 : i32
    %add3A_120 = arith.constant 512 : i32
    %add3A_121 = arith.addi %mul3A_119, %add3A_120 : i32
    "tpu.region"() ({
      %run_scoped3A_174 = tpu.sem_alloc : memref<!tpu.dma_semaphore, #tpu.memory_space<semaphore_mem>>
      %dma_start3A_175 = arith.constant 0 : i32
      %dma_start3A_176 = tpu.memref_slice %arg11[%add3A_121, %dma_start3A_175] : memref<10240x128xf32, #tpu.memory_space<vmem_shared>> -> memref<64x128xf32, #tpu.memory_space<vmem_shared>>
      %dma_start3A_177 = arith.constant 0 : i32
      %dma_start3A_178 = tpu.memref_slice %arg11[%add3A_121, %dma_start3A_177] : memref<10240x128xf32, #tpu.memory_space<vmem_shared>> -> memref<64x128xf32, #tpu.memory_space<vmem_shared>>
      tpu.enqueue_dma source(%arg10 : memref<64x128xf32, #tpu.memory_space<vmem>>) target(%dma_start3A_178 : memref<64x128xf32, #tpu.memory_space<vmem_shared>>) target_semaphore(%run_scoped3A_174 : memref<!tpu.dma_semaphore, #tpu.memory_space<semaphore_mem>>)
      %dma_wait3A = arith.constant 0 : i32
      %dma_wait3A_179 = tpu.memref_slice %arg11[%add3A_121, %dma_wait3A] : memref<10240x128xf32, #tpu.memory_space<vmem_shared>> -> memref<64x128xf32, #tpu.memory_space<vmem_shared>>
      %dma_wait3A_180 = arith.constant 0 : i32
      %dma_wait3A_181 = tpu.memref_slice %arg11[%add3A_121, %dma_wait3A_180] : memref<10240x128xf32, #tpu.memory_space<vmem_shared>> -> memref<64x128xf32, #tpu.memory_space<vmem_shared>>
      tpu.wait_dma2 semaphore(%run_scoped3A_174 : memref<!tpu.dma_semaphore, #tpu.memory_space<semaphore_mem>>) src(%arg10 : memref<64x128xf32, #tpu.memory_space<vmem>>) dst(%dma_wait3A_181 : memref<64x128xf32, #tpu.memory_space<vmem_shared>>)
      tpu.yield
    }) : () -> ()
    %mul3A_122 = arith.constant 640 : i32
    %mul3A_123 = arith.muli %arg1, %mul3A_122 : i32
    %add3A_124 = arith.constant 576 : i32
    %add3A_125 = arith.addi %mul3A_123, %add3A_124 : i32
    "tpu.region"() ({
      %run_scoped3A_174 = tpu.sem_alloc : memref<!tpu.dma_semaphore, #tpu.memory_space<semaphore_mem>>
      %dma_start3A_175 = arith.constant 0 : i32
      %dma_start3A_176 = tpu.memref_slice %arg11[%add3A_125, %dma_start3A_175] : memref<10240x128xf32, #tpu.memory_space<vmem_shared>> -> memref<64x128xf32, #tpu.memory_space<vmem_shared>>
      %dma_start3A_177 = arith.constant 0 : i32
      %dma_start3A_178 = tpu.memref_slice %arg11[%add3A_125, %dma_start3A_177] : memref<10240x128xf32, #tpu.memory_space<vmem_shared>> -> memref<64x128xf32, #tpu.memory_space<vmem_shared>>
      tpu.enqueue_dma source(%arg10 : memref<64x128xf32, #tpu.memory_space<vmem>>) target(%dma_start3A_178 : memref<64x128xf32, #tpu.memory_space<vmem_shared>>) target_semaphore(%run_scoped3A_174 : memref<!tpu.dma_semaphore, #tpu.memory_space<semaphore_mem>>)
      %dma_wait3A = arith.constant 0 : i32
      %dma_wait3A_179 = tpu.memref_slice %arg11[%add3A_125, %dma_wait3A] : memref<10240x128xf32, #tpu.memory_space<vmem_shared>> -> memref<64x128xf32, #tpu.memory_space<vmem_shared>>
      %dma_wait3A_180 = arith.constant 0 : i32
      %dma_wait3A_181 = tpu.memref_slice %arg11[%add3A_125, %dma_wait3A_180] : memref<10240x128xf32, #tpu.memory_space<vmem_shared>> -> memref<64x128xf32, #tpu.memory_space<vmem_shared>>
      tpu.wait_dma2 semaphore(%run_scoped3A_174 : memref<!tpu.dma_semaphore, #tpu.memory_space<semaphore_mem>>) src(%arg10 : memref<64x128xf32, #tpu.memory_space<vmem>>) dst(%dma_wait3A_181 : memref<64x128xf32, #tpu.memory_space<vmem_shared>>)
      tpu.yield
    }) : () -> ()
    %barrier3A_126 = arith.constant 0 : index
    tpu.barrier barrier_id(%barrier3A_126)
    %dma_start3A_127 = arith.constant 1 : i32
    %dma_start3A_128 = arith.constant 0 : i32
    %dma_start3A_129 = arith.constant 0 : i32
    %dma_start3A_130 = arith.constant 0 : i32
    %dma_start3A_131 = arith.constant 0 : i32
    %dma_start3A_132 = tpu.memref_slice %arg9[%dma_start3A_129, %dma_start3A_130, %dma_start3A_131] : memref<2x100x128xf32, #tpu.memory_space<vmem>> -> memref<1x100x128xf32, #tpu.memory_space<vmem>>
    %dma_start3A_133 = tpu.memref_squeeze %dma_start3A_132 : memref<1x100x128xf32, #tpu.memory_space<vmem>> -> memref<100x128xf32, #tpu.memory_space<vmem>>
    %dma_start3A_134 = arith.constant 0 : i32
    %dma_start3A_135 = tpu.memref_slice %arg7[%dma_start3A_128, %dma_start3A_134] : memref<50x100xi32, #tpu.memory_space<vmem>> -> memref<1x100xi32, #tpu.memory_space<vmem>>
    %dma_start3A_136 = tpu.memref_squeeze %dma_start3A_135 : memref<1x100xi32, #tpu.memory_space<vmem>> -> memref<100xi32, #tpu.memory_space<vmem>>
    %dma_start3A_137 = arith.constant 0 : i32
    %dma_start3A_138 = arith.constant 0 : i32
    %dma_start3A_139 = tpu.memref_slice %arg2[%dma_start3A_127, %dma_start3A_137, %dma_start3A_138] : memref<2x10000x128xf32, #tpu.memory_space<hbm>> -> memref<1x10000x128xf32, #tpu.memory_space<hbm>>
    %dma_start3A_140 = tpu.memref_squeeze %dma_start3A_139 : memref<1x10000x128xf32, #tpu.memory_space<hbm>> -> memref<10000x128xf32, #tpu.memory_space<hbm>>
    %dma_start3A_141 = arith.constant 0 : i32
    %dma_start3A_142 = arith.constant 0 : i32
    %dma_start3A_143 = tpu.memref_slice %dma_start3A_140[%dma_start3A_141, %dma_start3A_142] : memref<10000x128xf32, #tpu.memory_space<hbm>> -> memref<10000x128xf32, #tpu.memory_space<hbm>>
    tpu.enqueue_indirect_dma source(%dma_start3A_143 : memref<10000x128xf32, #tpu.memory_space<hbm>>) target(%dma_start3A_133 : memref<100x128xf32, #tpu.memory_space<vmem>>) offsets(%dma_start3A_136 : memref<100xi32, #tpu.memory_space<vmem>>) semaphore(%arg12 : memref<!tpu.dma_semaphore, #tpu.memory_space<semaphore_mem>>)
    %dma_start3A_144 = arith.constant 1 : i32
    %dma_start3A_145 = arith.constant 1 : i32
    %dma_start3A_146 = arith.constant 1 : i32
    %dma_start3A_147 = arith.constant 0 : i32
    %dma_start3A_148 = arith.constant 0 : i32
    %dma_start3A_149 = tpu.memref_slice %arg9[%dma_start3A_146, %dma_start3A_147, %dma_start3A_148] : memref<2x100x128xf32, #tpu.memory_space<vmem>> -> memref<1x100x128xf32, #tpu.memory_space<vmem>>
    %dma_start3A_150 = tpu.memref_squeeze %dma_start3A_149 : memref<1x100x128xf32, #tpu.memory_space<vmem>> -> memref<100x128xf32, #tpu.memory_space<vmem>>
    %dma_start3A_151 = arith.constant 0 : i32
    %dma_start3A_152 = tpu.memref_slice %arg7[%dma_start3A_145, %dma_start3A_151] : memref<50x100xi32, #tpu.memory_space<vmem>> -> memref<1x100xi32, #tpu.memory_space<vmem>>
    %dma_start3A_153 = tpu.memref_squeeze %dma_start3A_152 : memref<1x100xi32, #tpu.memory_space<vmem>> -> memref<100xi32, #tpu.memory_space<vmem>>
    %dma_start3A_154 = arith.constant 0 : i32
    %dma_start3A_155 = arith.constant 0 : i32
    %dma_start3A_156 = tpu.memref_slice %arg2[%dma_start3A_144, %dma_start3A_154, %dma_start3A_155] : memref<2x10000x128xf32, #tpu.memory_space<hbm>> -> memref<1x10000x128xf32, #tpu.memory_space<hbm>>
    %dma_start3A_157 = tpu.memref_squeeze %dma_start3A_156 : memref<1x10000x128xf32, #tpu.memory_space<hbm>> -> memref<10000x128xf32, #tpu.memory_space<hbm>>
    %dma_start3A_158 = arith.constant 0 : i32
    %dma_start3A_159 = arith.constant 0 : i32
    %dma_start3A_160 = tpu.memref_slice %dma_start3A_157[%dma_start3A_158, %dma_start3A_159] : memref<10000x128xf32, #tpu.memory_space<hbm>> -> memref<10000x128xf32, #tpu.memory_space<hbm>>
    tpu.enqueue_indirect_dma source(%dma_start3A_160 : memref<10000x128xf32, #tpu.memory_space<hbm>>) target(%dma_start3A_150 : memref<100x128xf32, #tpu.memory_space<vmem>>) offsets(%dma_start3A_153 : memref<100xi32, #tpu.memory_space<vmem>>) semaphore(%arg13 : memref<!tpu.dma_semaphore, #tpu.memory_space<semaphore_mem>>)
    %scan3A_161 = arith.constant 0 : i32
    %scan3A_162 = arith.constant 1 : i32
    %scan3A_163 = arith.constant 0 : i32
    %scan3A_164 = arith.constant 25 : i32
    %scan3A_165 = arith.addi %scan3A_163, %scan3A_164 : i32
    %scan3A_166 = arith.constant 1 : i32
    scf.for %scan3A_174 = %scan3A_163 to %scan3A_165 step %scan3A_166  : i32 {
      %mul3A_175 = arith.constant 2 : i32
      %mul3A_176 = arith.muli %scan3A_174, %mul3A_175 : i32
      %add3A_177 = arith.constant 0 : i32
      %add3A_178 = arith.addi %mul3A_176, %add3A_177 : i32
      %dma_wait3A = arith.constant 0 : i32
      %dma_wait3A_179 = arith.constant 0 : i32
      %dma_wait3A_180 = arith.constant 0 : i32
      %dma_wait3A_181 = tpu.memref_slice %arg9[%dma_wait3A, %dma_wait3A_179, %dma_wait3A_180] : memref<2x100x128xf32, #tpu.memory_space<vmem>> -> memref<1x100x128xf32, #tpu.memory_space<vmem>>
      %dma_wait3A_182 = tpu.memref_squeeze %dma_wait3A_181 : memref<1x100x128xf32, #tpu.memory_space<vmem>> -> memref<100x128xf32, #tpu.memory_space<vmem>>
      %dma_wait3A_183 = arith.constant 0 : i32
      %dma_wait3A_184 = tpu.memref_slice %arg7[%add3A_178, %dma_wait3A_183] : memref<50x100xi32, #tpu.memory_space<vmem>> -> memref<1x100xi32, #tpu.memory_space<vmem>>
      %dma_wait3A_185 = tpu.memref_squeeze %dma_wait3A_184 : memref<1x100xi32, #tpu.memory_space<vmem>> -> memref<100xi32, #tpu.memory_space<vmem>>
      %dma_wait3A_186 = arith.constant 0 : i32
      %dma_wait3A_187 = arith.constant 0 : i32
      %dma_wait3A_188 = tpu.memref_slice %arg2[%scan3A_162, %dma_wait3A_186, %dma_wait3A_187] : memref<2x10000x128xf32, #tpu.memory_space<hbm>> -> memref<1x10000x128xf32, #tpu.memory_space<hbm>>
      %dma_wait3A_189 = tpu.memref_squeeze %dma_wait3A_188 : memref<1x10000x128xf32, #tpu.memory_space<hbm>> -> memref<10000x128xf32, #tpu.memory_space<hbm>>
      %dma_wait3A_190 = arith.constant 0 : i32
      %dma_wait3A_191 = arith.constant 0 : i32
      %dma_wait3A_192 = tpu.memref_slice %dma_wait3A_189[%dma_wait3A_190, %dma_wait3A_191] : memref<10000x128xf32, #tpu.memory_space<hbm>> -> memref<10000x128xf32, #tpu.memory_space<hbm>>
      tpu.wait_indirect_dma semaphore(%arg12 : memref<!tpu.dma_semaphore, #tpu.memory_space<semaphore_mem>>) src(%dma_wait3A_192 : memref<10000x128xf32, #tpu.memory_space<hbm>>) dst(%dma_wait3A_182 : memref<100x128xf32, #tpu.memory_space<vmem>>)
      %run_scoped3A_193 = arith.constant 0 : i32
      "tpu.region"() ({
        %run_scoped3A_225 = tpu.sem_alloc : memref<!tpu.dma_semaphore, #tpu.memory_space<semaphore_mem>>
        %dma_start3A_226 = arith.constant 0 : i32
        %dma_start3A_227 = arith.constant 0 : i32
        %dma_start3A_228 = tpu.memref_slice %arg9[%run_scoped3A_193, %dma_start3A_226, %dma_start3A_227] : memref<2x100x128xf32, #tpu.memory_space<vmem>> -> memref<1x100x128xf32, #tpu.memory_space<vmem>>
        %dma_start3A_229 = tpu.memref_squeeze %dma_start3A_228 : memref<1x100x128xf32, #tpu.memory_space<vmem>> -> memref<100x128xf32, #tpu.memory_space<vmem>>
        %dma_start3A_230 = arith.constant 0 : i32
        %dma_start3A_231 = tpu.memref_slice %arg8[%add3A_178, %dma_start3A_230] : memref<50x100xi32, #tpu.memory_space<vmem>> -> memref<1x100xi32, #tpu.memory_space<vmem>>
        %dma_start3A_232 = tpu.memref_squeeze %dma_start3A_231 : memref<1x100xi32, #tpu.memory_space<vmem>> -> memref<100xi32, #tpu.memory_space<vmem>>
        %dma_start3A_233 = arith.constant 0 : i32
        %dma_start3A_234 = arith.constant 0 : i32
        %dma_start3A_235 = tpu.memref_slice %arg11[%dma_start3A_233, %dma_start3A_234] : memref<10240x128xf32, #tpu.memory_space<vmem_shared>> -> memref<10240x128xf32, #tpu.memory_space<vmem_shared>>
        tpu.enqueue_indirect_dma source(%dma_start3A_229 : memref<100x128xf32, #tpu.memory_space<vmem>>) target(%dma_start3A_235 : memref<10240x128xf32, #tpu.memory_space<vmem_shared>>) offsets(%dma_start3A_232 : memref<100xi32, #tpu.memory_space<vmem>>) semaphore(%run_scoped3A_225 : memref<!tpu.dma_semaphore, #tpu.memory_space<semaphore_mem>>) {add = true}
        %dma_wait3A_236 = arith.constant 0 : i32
        %dma_wait3A_237 = arith.constant 0 : i32
        %dma_wait3A_238 = tpu.memref_slice %arg9[%run_scoped3A_193, %dma_wait3A_236, %dma_wait3A_237] : memref<2x100x128xf32, #tpu.memory_space<vmem>> -> memref<1x100x128xf32, #tpu.memory_space<vmem>>
        %dma_wait3A_239 = tpu.memref_squeeze %dma_wait3A_238 : memref<1x100x128xf32, #tpu.memory_space<vmem>> -> memref<100x128xf32, #tpu.memory_space<vmem>>
        %dma_wait3A_240 = arith.constant 0 : i32
        %dma_wait3A_241 = tpu.memref_slice %arg8[%add3A_178, %dma_wait3A_240] : memref<50x100xi32, #tpu.memory_space<vmem>> -> memref<1x100xi32, #tpu.memory_space<vmem>>
        %dma_wait3A_242 = tpu.memref_squeeze %dma_wait3A_241 : memref<1x100xi32, #tpu.memory_space<vmem>> -> memref<100xi32, #tpu.memory_space<vmem>>
        %dma_wait3A_243 = arith.constant 0 : i32
        %dma_wait3A_244 = arith.constant 0 : i32
        %dma_wait3A_245 = tpu.memref_slice %arg11[%dma_wait3A_243, %dma_wait3A_244] : memref<10240x128xf32, #tpu.memory_space<vmem_shared>> -> memref<10240x128xf32, #tpu.memory_space<vmem_shared>>
        tpu.wait_indirect_dma semaphore(%run_scoped3A_225 : memref<!tpu.dma_semaphore, #tpu.memory_space<semaphore_mem>>) src(%dma_wait3A_239 : memref<100x128xf32, #tpu.memory_space<vmem>>) dst(%dma_wait3A_245 : memref<10240x128xf32, #tpu.memory_space<vmem_shared>>)
        tpu.yield
      }) : () -> ()
      %add3A_194 = arith.constant 2 : i32
      %add3A_195 = arith.addi %add3A_178, %add3A_194 : i32
      %lt3A = arith.constant 50 : i32
      %lt3A_196 = arith.cmpi slt, %add3A_195, %lt3A : i32
      %convert_element_type3A = arith.extui %lt3A_196 : i1 to i32
      %cond3A = arith.constant 0 : i32
      %cond3A_197 = arith.cmpi ne, %convert_element_type3A, %cond3A : i32
      scf.if %cond3A_197 {
        %add3A_225 = arith.constant 2 : i32
        %add3A_226 = arith.addi %add3A_178, %add3A_225 : i32
        %dma_start3A_227 = arith.constant 0 : i32
        %dma_start3A_228 = arith.constant 0 : i32
        %dma_start3A_229 = arith.constant 0 : i32
        %dma_start3A_230 = tpu.memref_slice %arg9[%dma_start3A_227, %dma_start3A_228, %dma_start3A_229] : memref<2x100x128xf32, #tpu.memory_space<vmem>> -> memref<1x100x128xf32, #tpu.memory_space<vmem>>
        %dma_start3A_231 = tpu.memref_squeeze %dma_start3A_230 : memref<1x100x128xf32, #tpu.memory_space<vmem>> -> memref<100x128xf32, #tpu.memory_space<vmem>>
        %dma_start3A_232 = arith.constant 0 : i32
        %dma_start3A_233 = tpu.memref_slice %arg7[%add3A_226, %dma_start3A_232] : memref<50x100xi32, #tpu.memory_space<vmem>> -> memref<1x100xi32, #tpu.memory_space<vmem>>
        %dma_start3A_234 = tpu.memref_squeeze %dma_start3A_233 : memref<1x100xi32, #tpu.memory_space<vmem>> -> memref<100xi32, #tpu.memory_space<vmem>>
        %dma_start3A_235 = arith.constant 0 : i32
        %dma_start3A_236 = arith.constant 0 : i32
        %dma_start3A_237 = tpu.memref_slice %arg2[%scan3A_162, %dma_start3A_235, %dma_start3A_236] : memref<2x10000x128xf32, #tpu.memory_space<hbm>> -> memref<1x10000x128xf32, #tpu.memory_space<hbm>>
        %dma_start3A_238 = tpu.memref_squeeze %dma_start3A_237 : memref<1x10000x128xf32, #tpu.memory_space<hbm>> -> memref<10000x128xf32, #tpu.memory_space<hbm>>
        %dma_start3A_239 = arith.constant 0 : i32
        %dma_start3A_240 = arith.constant 0 : i32
        %dma_start3A_241 = tpu.memref_slice %dma_start3A_238[%dma_start3A_239, %dma_start3A_240] : memref<10000x128xf32, #tpu.memory_space<hbm>> -> memref<10000x128xf32, #tpu.memory_space<hbm>>
        tpu.enqueue_indirect_dma source(%dma_start3A_241 : memref<10000x128xf32, #tpu.memory_space<hbm>>) target(%dma_start3A_231 : memref<100x128xf32, #tpu.memory_space<vmem>>) offsets(%dma_start3A_234 : memref<100xi32, #tpu.memory_space<vmem>>) semaphore(%arg12 : memref<!tpu.dma_semaphore, #tpu.memory_space<semaphore_mem>>)
      } else {
      }
      %mul3A_198 = arith.constant 2 : i32
      %mul3A_199 = arith.muli %scan3A_174, %mul3A_198 : i32
      %add3A_200 = arith.constant 1 : i32
      %add3A_201 = arith.addi %mul3A_199, %add3A_200 : i32
      %dma_wait3A_202 = arith.constant 1 : i32
      %dma_wait3A_203 = arith.constant 0 : i32
      %dma_wait3A_204 = arith.constant 0 : i32
      %dma_wait3A_205 = tpu.memref_slice %arg9[%dma_wait3A_202, %dma_wait3A_203, %dma_wait3A_204] : memref<2x100x128xf32, #tpu.memory_space<vmem>> -> memref<1x100x128xf32, #tpu.memory_space<vmem>>
      %dma_wait3A_206 = tpu.memref_squeeze %dma_wait3A_205 : memref<1x100x128xf32, #tpu.memory_space<vmem>> -> memref<100x128xf32, #tpu.memory_space<vmem>>
      %dma_wait3A_207 = arith.constant 0 : i32
      %dma_wait3A_208 = tpu.memref_slice %arg7[%add3A_201, %dma_wait3A_207] : memref<50x100xi32, #tpu.memory_space<vmem>> -> memref<1x100xi32, #tpu.memory_space<vmem>>
      %dma_wait3A_209 = tpu.memref_squeeze %dma_wait3A_208 : memref<1x100xi32, #tpu.memory_space<vmem>> -> memref<100xi32, #tpu.memory_space<vmem>>
      %dma_wait3A_210 = arith.constant 0 : i32
      %dma_wait3A_211 = arith.constant 0 : i32
      %dma_wait3A_212 = tpu.memref_slice %arg2[%scan3A_162, %dma_wait3A_210, %dma_wait3A_211] : memref<2x10000x128xf32, #tpu.memory_space<hbm>> -> memref<1x10000x128xf32, #tpu.memory_space<hbm>>
      %dma_wait3A_213 = tpu.memref_squeeze %dma_wait3A_212 : memref<1x10000x128xf32, #tpu.memory_space<hbm>> -> memref<10000x128xf32, #tpu.memory_space<hbm>>
      %dma_wait3A_214 = arith.constant 0 : i32
      %dma_wait3A_215 = arith.constant 0 : i32
      %dma_wait3A_216 = tpu.memref_slice %dma_wait3A_213[%dma_wait3A_214, %dma_wait3A_215] : memref<10000x128xf32, #tpu.memory_space<hbm>> -> memref<10000x128xf32, #tpu.memory_space<hbm>>
      tpu.wait_indirect_dma semaphore(%arg13 : memref<!tpu.dma_semaphore, #tpu.memory_space<semaphore_mem>>) src(%dma_wait3A_216 : memref<10000x128xf32, #tpu.memory_space<hbm>>) dst(%dma_wait3A_206 : memref<100x128xf32, #tpu.memory_space<vmem>>)
      %run_scoped3A_217 = arith.constant 1 : i32
      "tpu.region"() ({
        %run_scoped3A_225 = tpu.sem_alloc : memref<!tpu.dma_semaphore, #tpu.memory_space<semaphore_mem>>
        %dma_start3A_226 = arith.constant 0 : i32
        %dma_start3A_227 = arith.constant 0 : i32
        %dma_start3A_228 = tpu.memref_slice %arg9[%run_scoped3A_217, %dma_start3A_226, %dma_start3A_227] : memref<2x100x128xf32, #tpu.memory_space<vmem>> -> memref<1x100x128xf32, #tpu.memory_space<vmem>>
        %dma_start3A_229 = tpu.memref_squeeze %dma_start3A_228 : memref<1x100x128xf32, #tpu.memory_space<vmem>> -> memref<100x128xf32, #tpu.memory_space<vmem>>
        %dma_start3A_230 = arith.constant 0 : i32
        %dma_start3A_231 = tpu.memref_slice %arg8[%add3A_201, %dma_start3A_230] : memref<50x100xi32, #tpu.memory_space<vmem>> -> memref<1x100xi32, #tpu.memory_space<vmem>>
        %dma_start3A_232 = tpu.memref_squeeze %dma_start3A_231 : memref<1x100xi32, #tpu.memory_space<vmem>> -> memref<100xi32, #tpu.memory_space<vmem>>
        %dma_start3A_233 = arith.constant 0 : i32
        %dma_start3A_234 = arith.constant 0 : i32
        %dma_start3A_235 = tpu.memref_slice %arg11[%dma_start3A_233, %dma_start3A_234] : memref<10240x128xf32, #tpu.memory_space<vmem_shared>> -> memref<10240x128xf32, #tpu.memory_space<vmem_shared>>
        tpu.enqueue_indirect_dma source(%dma_start3A_229 : memref<100x128xf32, #tpu.memory_space<vmem>>) target(%dma_start3A_235 : memref<10240x128xf32, #tpu.memory_space<vmem_shared>>) offsets(%dma_start3A_232 : memref<100xi32, #tpu.memory_space<vmem>>) semaphore(%run_scoped3A_225 : memref<!tpu.dma_semaphore, #tpu.memory_space<semaphore_mem>>) {add = true}
        %dma_wait3A_236 = arith.constant 0 : i32
        %dma_wait3A_237 = arith.constant 0 : i32
        %dma_wait3A_238 = tpu.memref_slice %arg9[%run_scoped3A_217, %dma_wait3A_236, %dma_wait3A_237] : memref<2x100x128xf32, #tpu.memory_space<vmem>> -> memref<1x100x128xf32, #tpu.memory_space<vmem>>
        %dma_wait3A_239 = tpu.memref_squeeze %dma_wait3A_238 : memref<1x100x128xf32, #tpu.memory_space<vmem>> -> memref<100x128xf32, #tpu.memory_space<vmem>>
        %dma_wait3A_240 = arith.constant 0 : i32
        %dma_wait3A_241 = tpu.memref_slice %arg8[%add3A_201, %dma_wait3A_240] : memref<50x100xi32, #tpu.memory_space<vmem>> -> memref<1x100xi32, #tpu.memory_space<vmem>>
        %dma_wait3A_242 = tpu.memref_squeeze %dma_wait3A_241 : memref<1x100xi32, #tpu.memory_space<vmem>> -> memref<100xi32, #tpu.memory_space<vmem>>
        %dma_wait3A_243 = arith.constant 0 : i32
        %dma_wait3A_244 = arith.constant 0 : i32
        %dma_wait3A_245 = tpu.memref_slice %arg11[%dma_wait3A_243, %dma_wait3A_244] : memref<10240x128xf32, #tpu.memory_space<vmem_shared>> -> memref<10240x128xf32, #tpu.memory_space<vmem_shared>>
        tpu.wait_indirect_dma semaphore(%run_scoped3A_225 : memref<!tpu.dma_semaphore, #tpu.memory_space<semaphore_mem>>) src(%dma_wait3A_239 : memref<100x128xf32, #tpu.memory_space<vmem>>) dst(%dma_wait3A_245 : memref<10240x128xf32, #tpu.memory_space<vmem_shared>>)
        tpu.yield
      }) : () -> ()
      %add3A_218 = arith.constant 2 : i32
      %add3A_219 = arith.addi %add3A_201, %add3A_218 : i32
      %lt3A_220 = arith.constant 50 : i32
      %lt3A_221 = arith.cmpi slt, %add3A_219, %lt3A_220 : i32
      %convert_element_type3A_222 = arith.extui %lt3A_221 : i1 to i32
      %cond3A_223 = arith.constant 0 : i32
      %cond3A_224 = arith.cmpi ne, %convert_element_type3A_222, %cond3A_223 : i32
      scf.if %cond3A_224 {
        %add3A_225 = arith.constant 2 : i32
        %add3A_226 = arith.addi %add3A_201, %add3A_225 : i32
        %dma_start3A_227 = arith.constant 1 : i32
        %dma_start3A_228 = arith.constant 0 : i32
        %dma_start3A_229 = arith.constant 0 : i32
        %dma_start3A_230 = tpu.memref_slice %arg9[%dma_start3A_227, %dma_start3A_228, %dma_start3A_229] : memref<2x100x128xf32, #tpu.memory_space<vmem>> -> memref<1x100x128xf32, #tpu.memory_space<vmem>>
        %dma_start3A_231 = tpu.memref_squeeze %dma_start3A_230 : memref<1x100x128xf32, #tpu.memory_space<vmem>> -> memref<100x128xf32, #tpu.memory_space<vmem>>
        %dma_start3A_232 = arith.constant 0 : i32
        %dma_start3A_233 = tpu.memref_slice %arg7[%add3A_226, %dma_start3A_232] : memref<50x100xi32, #tpu.memory_space<vmem>> -> memref<1x100xi32, #tpu.memory_space<vmem>>
        %dma_start3A_234 = tpu.memref_squeeze %dma_start3A_233 : memref<1x100xi32, #tpu.memory_space<vmem>> -> memref<100xi32, #tpu.memory_space<vmem>>
        %dma_start3A_235 = arith.constant 0 : i32
        %dma_start3A_236 = arith.constant 0 : i32
        %dma_start3A_237 = tpu.memref_slice %arg2[%scan3A_162, %dma_start3A_235, %dma_start3A_236] : memref<2x10000x128xf32, #tpu.memory_space<hbm>> -> memref<1x10000x128xf32, #tpu.memory_space<hbm>>
        %dma_start3A_238 = tpu.memref_squeeze %dma_start3A_237 : memref<1x10000x128xf32, #tpu.memory_space<hbm>> -> memref<10000x128xf32, #tpu.memory_space<hbm>>
        %dma_start3A_239 = arith.constant 0 : i32
        %dma_start3A_240 = arith.constant 0 : i32
        %dma_start3A_241 = tpu.memref_slice %dma_start3A_238[%dma_start3A_239, %dma_start3A_240] : memref<10000x128xf32, #tpu.memory_space<hbm>> -> memref<10000x128xf32, #tpu.memory_space<hbm>>
        tpu.enqueue_indirect_dma source(%dma_start3A_241 : memref<10000x128xf32, #tpu.memory_space<hbm>>) target(%dma_start3A_231 : memref<100x128xf32, #tpu.memory_space<vmem>>) offsets(%dma_start3A_234 : memref<100xi32, #tpu.memory_space<vmem>>) semaphore(%arg13 : memref<!tpu.dma_semaphore, #tpu.memory_space<semaphore_mem>>)
      } else {
      }
    }
    %scan3A_167 = arith.constant 25 : i32
    %barrier3A_168 = arith.constant 0 : index
    tpu.barrier barrier_id(%barrier3A_168)
    %mul3A_169 = arith.constant 640 : i32
    %mul3A_170 = arith.muli %arg1, %mul3A_169 : i32
    %mul3A_171 = arith.constant 640 : i32
    %mul3A_172 = arith.muli %arg1, %mul3A_171 : i32
    %run_scoped3A_173 = arith.constant 1 : i32
    "tpu.region"() ({
      %run_scoped3A_174 = tpu.sem_alloc : memref<!tpu.dma_semaphore, #tpu.memory_space<semaphore_mem>>
      %dma_start3A_175 = arith.constant 0 : i32
      %dma_start3A_176 = tpu.memref_slice %arg6[%run_scoped3A_173, %arg0, %mul3A_172, %dma_start3A_175] : memref<2x2x10240x128xf32, #tpu.memory_space<hbm>> -> memref<1x1x640x128xf32, #tpu.memory_space<hbm>>
      %dma_start3A_177 = tpu.memref_squeeze %dma_start3A_176 : memref<1x1x640x128xf32, #tpu.memory_space<hbm>> -> memref<640x128xf32, #tpu.memory_space<hbm>>
      %dma_start3A_178 = arith.constant 0 : i32
      %dma_start3A_179 = tpu.memref_slice %arg11[%mul3A_170, %dma_start3A_178] : memref<10240x128xf32, #tpu.memory_space<vmem_shared>> -> memref<640x128xf32, #tpu.memory_space<vmem_shared>>
      tpu.enqueue_dma source(%dma_start3A_179 : memref<640x128xf32, #tpu.memory_space<vmem_shared>>) target(%dma_start3A_177 : memref<640x128xf32, #tpu.memory_space<hbm>>) target_semaphore(%run_scoped3A_174 : memref<!tpu.dma_semaphore, #tpu.memory_space<semaphore_mem>>)
      %dma_wait3A = arith.constant 0 : i32
      %dma_wait3A_180 = tpu.memref_slice %arg6[%run_scoped3A_173, %arg0, %mul3A_172, %dma_wait3A] : memref<2x2x10240x128xf32, #tpu.memory_space<hbm>> -> memref<1x1x640x128xf32, #tpu.memory_space<hbm>>
      %dma_wait3A_181 = tpu.memref_squeeze %dma_wait3A_180 : memref<1x1x640x128xf32, #tpu.memory_space<hbm>> -> memref<640x128xf32, #tpu.memory_space<hbm>>
      %dma_wait3A_182 = arith.constant 0 : i32
      %dma_wait3A_183 = tpu.memref_slice %arg11[%mul3A_170, %dma_wait3A_182] : memref<10240x128xf32, #tpu.memory_space<vmem_shared>> -> memref<640x128xf32, #tpu.memory_space<vmem_shared>>
      tpu.wait_dma2 semaphore(%run_scoped3A_174 : memref<!tpu.dma_semaphore, #tpu.memory_space<semaphore_mem>>) src(%dma_wait3A_183 : memref<640x128xf32, #tpu.memory_space<vmem_shared>>) dst(%dma_wait3A_181 : memref<640x128xf32, #tpu.memory_space<hbm>>)
      tpu.yield
    }) : () -> ()
    return
  }
}

#map = affine_map<(d0, d1) -> (0, 0, 0)>
#map1 = affine_map<(d0, d1) -> (0, 0)>
#map2 = affine_map<(d0, d1) -> (0, 0, 0, 0)>
module attributes {stable_mosaic.version = 14 : i64} {
  func.func @sc_propagate(%arg0: i32, %arg1: i32, %arg2: memref<2x10000x128xf32, #tpu.memory_space<hbm>>, %arg3: memref<32x50x100xi32, #tpu.memory_space<hbm>>, %arg4: memref<32x50x100xi32, #tpu.memory_space<hbm>>, %arg5: memref<64x128xf32, #tpu.memory_space<hbm>>, %arg6: memref<2x2x10240x128xf32, #tpu.memory_space<hbm>>, %arg7: memref<50x100xi32, #tpu.memory_space<vmem>>, %arg8: memref<50x100xi32, #tpu.memory_space<vmem>>, %arg9: memref<2x100x128xf32, #tpu.memory_space<vmem>>, %arg10: memref<64x128xf32, #tpu.memory_space<vmem>>, %arg11: memref<10240x128xf32, #tpu.memory_space<vmem_shared>>, %arg12: memref<!tpu.dma_semaphore, #tpu.memory_space<semaphore_mem>>, %arg13: memref<!tpu.dma_semaphore, #tpu.memory_space<semaphore_mem>>) attributes {dimension_semantics = [#tpu.dimension_semantics<core_parallel>, #tpu.dimension_semantics<subcore_parallel>], iteration_bounds = array<i64: 2, 16>, scalar_prefetch = 0 : i64, scratch_operands = 7 : i64, tpu.core_type = #tpu.core_type<sc_vector_subcore>, window_params = [{transform_indices = #map}, {transform_indices = #map}, {transform_indices = #map}, {transform_indices = #map1}, {transform_indices = #map2}]} {
    %mul3A = arith.constant 16 : i32
    %mul3A_0 = arith.muli %arg0, %mul3A : i32
    %add3A = arith.addi %mul3A_0, %arg1 : i32
    "tpu.region"() ({
      %run_scoped3A_174 = tpu.sem_alloc : memref<!tpu.dma_semaphore, #tpu.memory_space<semaphore_mem>>
      tpu.enqueue_dma source(%arg5 : memref<64x128xf32, #tpu.memory_space<hbm>>) target(%arg10 : memref<64x128xf32, #tpu.memory_space<vmem>>) target_semaphore(%run_scoped3A_174 : memref<!tpu.dma_semaphore, #tpu.memory_space<semaphore_mem>>)
      tpu.wait_dma2 semaphore(%run_scoped3A_174 : memref<!tpu.dma_semaphore, #tpu.memory_space<semaphore_mem>>) src(%arg5 : memref<64x128xf32, #tpu.memory_space<hbm>>) dst(%arg10 : memref<64x128xf32, #tpu.memory_space<vmem>>)
      tpu.yield
    }) : () -> ()
    "tpu.region"() ({
      %run_scoped3A_174 = tpu.sem_alloc : memref<!tpu.dma_semaphore, #tpu.memory_space<semaphore_mem>>
      %dma_start3A_175 = arith.constant 0 : i32
      %dma_start3A_176 = arith.constant 0 : i32
      %dma_start3A_177 = tpu.memref_slice %arg3[%add3A, %dma_start3A_175, %dma_start3A_176] : memref<32x50x100xi32, #tpu.memory_space<hbm>> -> memref<1x50x100xi32, #tpu.memory_space<hbm>>
      %dma_start3A_178 = tpu.memref_squeeze %dma_start3A_177 : memref<1x50x100xi32, #tpu.memory_space<hbm>> -> memref<50x100xi32, #tpu.memory_space<hbm>>
      %dma_start3A_179 = arith.constant 0 : i32
      %dma_start3A_180 = arith.constant 0 : i32
      %dma_start3A_181 = tpu.memref_slice %arg3[%add3A, %dma_start3A_179, %dma_start3A_180] : memref<32x50x100xi32, #tpu.memory_space<hbm>> -> memref<1x50x100xi32, #tpu.memory_space<hbm>>
      %dma_start3A_182 = tpu.memref_squeeze %dma_start3A_181 : memref<1x50x100xi32, #tpu.memory_space<hbm>> -> memref<50x100xi32, #tpu.memory_space<hbm>>
      tpu.enqueue_dma source(%dma_start3A_182 : memref<50x100xi32, #tpu.memory_space<hbm>>) target(%arg7 : memref<50x100xi32, #tpu.memory_space<vmem>>) target_semaphore(%run_scoped3A_174 : memref<!tpu.dma_semaphore, #tpu.memory_space<semaphore_mem>>)
      %dma_wait3A = arith.constant 0 : i32
      %dma_wait3A_183 = arith.constant 0 : i32
      %dma_wait3A_184 = tpu.memref_slice %arg3[%add3A, %dma_wait3A, %dma_wait3A_183] : memref<32x50x100xi32, #tpu.memory_space<hbm>> -> memref<1x50x100xi32, #tpu.memory_space<hbm>>
      %dma_wait3A_185 = tpu.memref_squeeze %dma_wait3A_184 : memref<1x50x100xi32, #tpu.memory_space<hbm>> -> memref<50x100xi32, #tpu.memory_space<hbm>>
      %dma_wait3A_186 = arith.constant 0 : i32
      %dma_wait3A_187 = arith.constant 0 : i32
      %dma_wait3A_188 = tpu.memref_slice %arg3[%add3A, %dma_wait3A_186, %dma_wait3A_187] : memref<32x50x100xi32, #tpu.memory_space<hbm>> -> memref<1x50x100xi32, #tpu.memory_space<hbm>>
      %dma_wait3A_189 = tpu.memref_squeeze %dma_wait3A_188 : memref<1x50x100xi32, #tpu.memory_space<hbm>> -> memref<50x100xi32, #tpu.memory_space<hbm>>
      tpu.wait_dma2 semaphore(%run_scoped3A_174 : memref<!tpu.dma_semaphore, #tpu.memory_space<semaphore_mem>>) src(%dma_wait3A_189 : memref<50x100xi32, #tpu.memory_space<hbm>>) dst(%arg7 : memref<50x100xi32, #tpu.memory_space<vmem>>)
      tpu.yield
    }) : () -> ()
    "tpu.region"() ({
      %run_scoped3A_174 = tpu.sem_alloc : memref<!tpu.dma_semaphore, #tpu.memory_space<semaphore_mem>>
      %dma_start3A_175 = arith.constant 0 : i32
      %dma_start3A_176 = arith.constant 0 : i32
      %dma_start3A_177 = tpu.memref_slice %arg4[%add3A, %dma_start3A_175, %dma_start3A_176] : memref<32x50x100xi32, #tpu.memory_space<hbm>> -> memref<1x50x100xi32, #tpu.memory_space<hbm>>
      %dma_start3A_178 = tpu.memref_squeeze %dma_start3A_177 : memref<1x50x100xi32, #tpu.memory_space<hbm>> -> memref<50x100xi32, #tpu.memory_space<hbm>>
      %dma_start3A_179 = arith.constant 0 : i32
      %dma_start3A_180 = arith.constant 0 : i32
      %dma_start3A_181 = tpu.memref_slice %arg4[%add3A, %dma_start3A_179, %dma_start3A_180] : memref<32x50x100xi32, #tpu.memory_space<hbm>> -> memref<1x50x100xi32, #tpu.memory_space<hbm>>
      %dma_start3A_182 = tpu.memref_squeeze %dma_start3A_181 : memref<1x50x100xi32, #tpu.memory_space<hbm>> -> memref<50x100xi32, #tpu.memory_space<hbm>>
      tpu.enqueue_dma source(%dma_start3A_182 : memref<50x100xi32, #tpu.memory_space<hbm>>) target(%arg8 : memref<50x100xi32, #tpu.memory_space<vmem>>) target_semaphore(%run_scoped3A_174 : memref<!tpu.dma_semaphore, #tpu.memory_space<semaphore_mem>>)
      %dma_wait3A = arith.constant 0 : i32
      %dma_wait3A_183 = arith.constant 0 : i32
      %dma_wait3A_184 = tpu.memref_slice %arg4[%add3A, %dma_wait3A, %dma_wait3A_183] : memref<32x50x100xi32, #tpu.memory_space<hbm>> -> memref<1x50x100xi32, #tpu.memory_space<hbm>>
      %dma_wait3A_185 = tpu.memref_squeeze %dma_wait3A_184 : memref<1x50x100xi32, #tpu.memory_space<hbm>> -> memref<50x100xi32, #tpu.memory_space<hbm>>
      %dma_wait3A_186 = arith.constant 0 : i32
      %dma_wait3A_187 = arith.constant 0 : i32
      %dma_wait3A_188 = tpu.memref_slice %arg4[%add3A, %dma_wait3A_186, %dma_wait3A_187] : memref<32x50x100xi32, #tpu.memory_space<hbm>> -> memref<1x50x100xi32, #tpu.memory_space<hbm>>
      %dma_wait3A_189 = tpu.memref_squeeze %dma_wait3A_188 : memref<1x50x100xi32, #tpu.memory_space<hbm>> -> memref<50x100xi32, #tpu.memory_space<hbm>>
      tpu.wait_dma2 semaphore(%run_scoped3A_174 : memref<!tpu.dma_semaphore, #tpu.memory_space<semaphore_mem>>) src(%dma_wait3A_189 : memref<50x100xi32, #tpu.memory_space<hbm>>) dst(%arg8 : memref<50x100xi32, #tpu.memory_space<vmem>>)
      tpu.yield
    }) : () -> ()
    %mul3A_1 = arith.constant 640 : i32
    %mul3A_2 = arith.muli %arg1, %mul3A_1 : i32
    %add3A_3 = arith.constant 0 : i32
    %add3A_4 = arith.addi %mul3A_2, %add3A_3 : i32
    "tpu.region"() ({
      %run_scoped3A_174 = tpu.sem_alloc : memref<!tpu.dma_semaphore, #tpu.memory_space<semaphore_mem>>
      %dma_start3A_175 = arith.constant 0 : i32
      %dma_start3A_176 = tpu.memref_slice %arg11[%add3A_4, %dma_start3A_175] : memref<10240x128xf32, #tpu.memory_space<vmem_shared>> -> memref<64x128xf32, #tpu.memory_space<vmem_shared>>
      %dma_start3A_177 = arith.constant 0 : i32
      %dma_start3A_178 = tpu.memref_slice %arg11[%add3A_4, %dma_start3A_177] : memref<10240x128xf32, #tpu.memory_space<vmem_shared>> -> memref<64x128xf32, #tpu.memory_space<vmem_shared>>
      tpu.enqueue_dma source(%arg10 : memref<64x128xf32, #tpu.memory_space<vmem>>) target(%dma_start3A_178 : memref<64x128xf32, #tpu.memory_space<vmem_shared>>) target_semaphore(%run_scoped3A_174 : memref<!tpu.dma_semaphore, #tpu.memory_space<semaphore_mem>>)
      %dma_wait3A = arith.constant 0 : i32
      %dma_wait3A_179 = tpu.memref_slice %arg11[%add3A_4, %dma_wait3A] : memref<10240x128xf32, #tpu.memory_space<vmem_shared>> -> memref<64x128xf32, #tpu.memory_space<vmem_shared>>
      %dma_wait3A_180 = arith.constant 0 : i32
      %dma_wait3A_181 = tpu.memref_slice %arg11[%add3A_4, %dma_wait3A_180] : memref<10240x128xf32, #tpu.memory_space<vmem_shared>> -> memref<64x128xf32, #tpu.memory_space<vmem_shared>>
      tpu.wait_dma2 semaphore(%run_scoped3A_174 : memref<!tpu.dma_semaphore, #tpu.memory_space<semaphore_mem>>) src(%arg10 : memref<64x128xf32, #tpu.memory_space<vmem>>) dst(%dma_wait3A_181 : memref<64x128xf32, #tpu.memory_space<vmem_shared>>)
      tpu.yield
    }) : () -> ()
    %mul3A_5 = arith.constant 640 : i32
    %mul3A_6 = arith.muli %arg1, %mul3A_5 : i32
    %add3A_7 = arith.constant 64 : i32
    %add3A_8 = arith.addi %mul3A_6, %add3A_7 : i32
    "tpu.region"() ({
      %run_scoped3A_174 = tpu.sem_alloc : memref<!tpu.dma_semaphore, #tpu.memory_space<semaphore_mem>>
      %dma_start3A_175 = arith.constant 0 : i32
      %dma_start3A_176 = tpu.memref_slice %arg11[%add3A_8, %dma_start3A_175] : memref<10240x128xf32, #tpu.memory_space<vmem_shared>> -> memref<64x128xf32, #tpu.memory_space<vmem_shared>>
      %dma_start3A_177 = arith.constant 0 : i32
      %dma_start3A_178 = tpu.memref_slice %arg11[%add3A_8, %dma_start3A_177] : memref<10240x128xf32, #tpu.memory_space<vmem_shared>> -> memref<64x128xf32, #tpu.memory_space<vmem_shared>>
      tpu.enqueue_dma source(%arg10 : memref<64x128xf32, #tpu.memory_space<vmem>>) target(%dma_start3A_178 : memref<64x128xf32, #tpu.memory_space<vmem_shared>>) target_semaphore(%run_scoped3A_174 : memref<!tpu.dma_semaphore, #tpu.memory_space<semaphore_mem>>)
      %dma_wait3A = arith.constant 0 : i32
      %dma_wait3A_179 = tpu.memref_slice %arg11[%add3A_8, %dma_wait3A] : memref<10240x128xf32, #tpu.memory_space<vmem_shared>> -> memref<64x128xf32, #tpu.memory_space<vmem_shared>>
      %dma_wait3A_180 = arith.constant 0 : i32
      %dma_wait3A_181 = tpu.memref_slice %arg11[%add3A_8, %dma_wait3A_180] : memref<10240x128xf32, #tpu.memory_space<vmem_shared>> -> memref<64x128xf32, #tpu.memory_space<vmem_shared>>
      tpu.wait_dma2 semaphore(%run_scoped3A_174 : memref<!tpu.dma_semaphore, #tpu.memory_space<semaphore_mem>>) src(%arg10 : memref<64x128xf32, #tpu.memory_space<vmem>>) dst(%dma_wait3A_181 : memref<64x128xf32, #tpu.memory_space<vmem_shared>>)
      tpu.yield
    }) : () -> ()
    %mul3A_9 = arith.constant 640 : i32
    %mul3A_10 = arith.muli %arg1, %mul3A_9 : i32
    %add3A_11 = arith.constant 128 : i32
    %add3A_12 = arith.addi %mul3A_10, %add3A_11 : i32
    "tpu.region"() ({
      %run_scoped3A_174 = tpu.sem_alloc : memref<!tpu.dma_semaphore, #tpu.memory_space<semaphore_mem>>
      %dma_start3A_175 = arith.constant 0 : i32
      %dma_start3A_176 = tpu.memref_slice %arg11[%add3A_12, %dma_start3A_175] : memref<10240x128xf32, #tpu.memory_space<vmem_shared>> -> memref<64x128xf32, #tpu.memory_space<vmem_shared>>
      %dma_start3A_177 = arith.constant 0 : i32
      %dma_start3A_178 = tpu.memref_slice %arg11[%add3A_12, %dma_start3A_177] : memref<10240x128xf32, #tpu.memory_space<vmem_shared>> -> memref<64x128xf32, #tpu.memory_space<vmem_shared>>
      tpu.enqueue_dma source(%arg10 : memref<64x128xf32, #tpu.memory_space<vmem>>) target(%dma_start3A_178 : memref<64x128xf32, #tpu.memory_space<vmem_shared>>) target_semaphore(%run_scoped3A_174 : memref<!tpu.dma_semaphore, #tpu.memory_space<semaphore_mem>>)
      %dma_wait3A = arith.constant 0 : i32
      %dma_wait3A_179 = tpu.memref_slice %arg11[%add3A_12, %dma_wait3A] : memref<10240x128xf32, #tpu.memory_space<vmem_shared>> -> memref<64x128xf32, #tpu.memory_space<vmem_shared>>
      %dma_wait3A_180 = arith.constant 0 : i32
      %dma_wait3A_181 = tpu.memref_slice %arg11[%add3A_12, %dma_wait3A_180] : memref<10240x128xf32, #tpu.memory_space<vmem_shared>> -> memref<64x128xf32, #tpu.memory_space<vmem_shared>>
      tpu.wait_dma2 semaphore(%run_scoped3A_174 : memref<!tpu.dma_semaphore, #tpu.memory_space<semaphore_mem>>) src(%arg10 : memref<64x128xf32, #tpu.memory_space<vmem>>) dst(%dma_wait3A_181 : memref<64x128xf32, #tpu.memory_space<vmem_shared>>)
      tpu.yield
    }) : () -> ()
    %mul3A_13 = arith.constant 640 : i32
    %mul3A_14 = arith.muli %arg1, %mul3A_13 : i32
    %add3A_15 = arith.constant 192 : i32
    %add3A_16 = arith.addi %mul3A_14, %add3A_15 : i32
    "tpu.region"() ({
      %run_scoped3A_174 = tpu.sem_alloc : memref<!tpu.dma_semaphore, #tpu.memory_space<semaphore_mem>>
      %dma_start3A_175 = arith.constant 0 : i32
      %dma_start3A_176 = tpu.memref_slice %arg11[%add3A_16, %dma_start3A_175] : memref<10240x128xf32, #tpu.memory_space<vmem_shared>> -> memref<64x128xf32, #tpu.memory_space<vmem_shared>>
      %dma_start3A_177 = arith.constant 0 : i32
      %dma_start3A_178 = tpu.memref_slice %arg11[%add3A_16, %dma_start3A_177] : memref<10240x128xf32, #tpu.memory_space<vmem_shared>> -> memref<64x128xf32, #tpu.memory_space<vmem_shared>>
      tpu.enqueue_dma source(%arg10 : memref<64x128xf32, #tpu.memory_space<vmem>>) target(%dma_start3A_178 : memref<64x128xf32, #tpu.memory_space<vmem_shared>>) target_semaphore(%run_scoped3A_174 : memref<!tpu.dma_semaphore, #tpu.memory_space<semaphore_mem>>)
      %dma_wait3A = arith.constant 0 : i32
      %dma_wait3A_179 = tpu.memref_slice %arg11[%add3A_16, %dma_wait3A] : memref<10240x128xf32, #tpu.memory_space<vmem_shared>> -> memref<64x128xf32, #tpu.memory_space<vmem_shared>>
      %dma_wait3A_180 = arith.constant 0 : i32
      %dma_wait3A_181 = tpu.memref_slice %arg11[%add3A_16, %dma_wait3A_180] : memref<10240x128xf32, #tpu.memory_space<vmem_shared>> -> memref<64x128xf32, #tpu.memory_space<vmem_shared>>
      tpu.wait_dma2 semaphore(%run_scoped3A_174 : memref<!tpu.dma_semaphore, #tpu.memory_space<semaphore_mem>>) src(%arg10 : memref<64x128xf32, #tpu.memory_space<vmem>>) dst(%dma_wait3A_181 : memref<64x128xf32, #tpu.memory_space<vmem_shared>>)
      tpu.yield
    }) : () -> ()
    %mul3A_17 = arith.constant 640 : i32
    %mul3A_18 = arith.muli %arg1, %mul3A_17 : i32
    %add3A_19 = arith.constant 256 : i32
    %add3A_20 = arith.addi %mul3A_18, %add3A_19 : i32
    "tpu.region"() ({
      %run_scoped3A_174 = tpu.sem_alloc : memref<!tpu.dma_semaphore, #tpu.memory_space<semaphore_mem>>
      %dma_start3A_175 = arith.constant 0 : i32
      %dma_start3A_176 = tpu.memref_slice %arg11[%add3A_20, %dma_start3A_175] : memref<10240x128xf32, #tpu.memory_space<vmem_shared>> -> memref<64x128xf32, #tpu.memory_space<vmem_shared>>
      %dma_start3A_177 = arith.constant 0 : i32
      %dma_start3A_178 = tpu.memref_slice %arg11[%add3A_20, %dma_start3A_177] : memref<10240x128xf32, #tpu.memory_space<vmem_shared>> -> memref<64x128xf32, #tpu.memory_space<vmem_shared>>
      tpu.enqueue_dma source(%arg10 : memref<64x128xf32, #tpu.memory_space<vmem>>) target(%dma_start3A_178 : memref<64x128xf32, #tpu.memory_space<vmem_shared>>) target_semaphore(%run_scoped3A_174 : memref<!tpu.dma_semaphore, #tpu.memory_space<semaphore_mem>>)
      %dma_wait3A = arith.constant 0 : i32
      %dma_wait3A_179 = tpu.memref_slice %arg11[%add3A_20, %dma_wait3A] : memref<10240x128xf32, #tpu.memory_space<vmem_shared>> -> memref<64x128xf32, #tpu.memory_space<vmem_shared>>
      %dma_wait3A_180 = arith.constant 0 : i32
      %dma_wait3A_181 = tpu.memref_slice %arg11[%add3A_20, %dma_wait3A_180] : memref<10240x128xf32, #tpu.memory_space<vmem_shared>> -> memref<64x128xf32, #tpu.memory_space<vmem_shared>>
      tpu.wait_dma2 semaphore(%run_scoped3A_174 : memref<!tpu.dma_semaphore, #tpu.memory_space<semaphore_mem>>) src(%arg10 : memref<64x128xf32, #tpu.memory_space<vmem>>) dst(%dma_wait3A_181 : memref<64x128xf32, #tpu.memory_space<vmem_shared>>)
      tpu.yield
    }) : () -> ()
    %mul3A_21 = arith.constant 640 : i32
    %mul3A_22 = arith.muli %arg1, %mul3A_21 : i32
    %add3A_23 = arith.constant 320 : i32
    %add3A_24 = arith.addi %mul3A_22, %add3A_23 : i32
    "tpu.region"() ({
      %run_scoped3A_174 = tpu.sem_alloc : memref<!tpu.dma_semaphore, #tpu.memory_space<semaphore_mem>>
      %dma_start3A_175 = arith.constant 0 : i32
      %dma_start3A_176 = tpu.memref_slice %arg11[%add3A_24, %dma_start3A_175] : memref<10240x128xf32, #tpu.memory_space<vmem_shared>> -> memref<64x128xf32, #tpu.memory_space<vmem_shared>>
      %dma_start3A_177 = arith.constant 0 : i32
      %dma_start3A_178 = tpu.memref_slice %arg11[%add3A_24, %dma_start3A_177] : memref<10240x128xf32, #tpu.memory_space<vmem_shared>> -> memref<64x128xf32, #tpu.memory_space<vmem_shared>>
      tpu.enqueue_dma source(%arg10 : memref<64x128xf32, #tpu.memory_space<vmem>>) target(%dma_start3A_178 : memref<64x128xf32, #tpu.memory_space<vmem_shared>>) target_semaphore(%run_scoped3A_174 : memref<!tpu.dma_semaphore, #tpu.memory_space<semaphore_mem>>)
      %dma_wait3A = arith.constant 0 : i32
      %dma_wait3A_179 = tpu.memref_slice %arg11[%add3A_24, %dma_wait3A] : memref<10240x128xf32, #tpu.memory_space<vmem_shared>> -> memref<64x128xf32, #tpu.memory_space<vmem_shared>>
      %dma_wait3A_180 = arith.constant 0 : i32
      %dma_wait3A_181 = tpu.memref_slice %arg11[%add3A_24, %dma_wait3A_180] : memref<10240x128xf32, #tpu.memory_space<vmem_shared>> -> memref<64x128xf32, #tpu.memory_space<vmem_shared>>
      tpu.wait_dma2 semaphore(%run_scoped3A_174 : memref<!tpu.dma_semaphore, #tpu.memory_space<semaphore_mem>>) src(%arg10 : memref<64x128xf32, #tpu.memory_space<vmem>>) dst(%dma_wait3A_181 : memref<64x128xf32, #tpu.memory_space<vmem_shared>>)
      tpu.yield
    }) : () -> ()
    %mul3A_25 = arith.constant 640 : i32
    %mul3A_26 = arith.muli %arg1, %mul3A_25 : i32
    %add3A_27 = arith.constant 384 : i32
    %add3A_28 = arith.addi %mul3A_26, %add3A_27 : i32
    "tpu.region"() ({
      %run_scoped3A_174 = tpu.sem_alloc : memref<!tpu.dma_semaphore, #tpu.memory_space<semaphore_mem>>
      %dma_start3A_175 = arith.constant 0 : i32
      %dma_start3A_176 = tpu.memref_slice %arg11[%add3A_28, %dma_start3A_175] : memref<10240x128xf32, #tpu.memory_space<vmem_shared>> -> memref<64x128xf32, #tpu.memory_space<vmem_shared>>
      %dma_start3A_177 = arith.constant 0 : i32
      %dma_start3A_178 = tpu.memref_slice %arg11[%add3A_28, %dma_start3A_177] : memref<10240x128xf32, #tpu.memory_space<vmem_shared>> -> memref<64x128xf32, #tpu.memory_space<vmem_shared>>
      tpu.enqueue_dma source(%arg10 : memref<64x128xf32, #tpu.memory_space<vmem>>) target(%dma_start3A_178 : memref<64x128xf32, #tpu.memory_space<vmem_shared>>) target_semaphore(%run_scoped3A_174 : memref<!tpu.dma_semaphore, #tpu.memory_space<semaphore_mem>>)
      %dma_wait3A = arith.constant 0 : i32
      %dma_wait3A_179 = tpu.memref_slice %arg11[%add3A_28, %dma_wait3A] : memref<10240x128xf32, #tpu.memory_space<vmem_shared>> -> memref<64x128xf32, #tpu.memory_space<vmem_shared>>
      %dma_wait3A_180 = arith.constant 0 : i32
      %dma_wait3A_181 = tpu.memref_slice %arg11[%add3A_28, %dma_wait3A_180] : memref<10240x128xf32, #tpu.memory_space<vmem_shared>> -> memref<64x128xf32, #tpu.memory_space<vmem_shared>>
      tpu.wait_dma2 semaphore(%run_scoped3A_174 : memref<!tpu.dma_semaphore, #tpu.memory_space<semaphore_mem>>) src(%arg10 : memref<64x128xf32, #tpu.memory_space<vmem>>) dst(%dma_wait3A_181 : memref<64x128xf32, #tpu.memory_space<vmem_shared>>)
      tpu.yield
    }) : () -> ()
    %mul3A_29 = arith.constant 640 : i32
    %mul3A_30 = arith.muli %arg1, %mul3A_29 : i32
    %add3A_31 = arith.constant 448 : i32
    %add3A_32 = arith.addi %mul3A_30, %add3A_31 : i32
    "tpu.region"() ({
      %run_scoped3A_174 = tpu.sem_alloc : memref<!tpu.dma_semaphore, #tpu.memory_space<semaphore_mem>>
      %dma_start3A_175 = arith.constant 0 : i32
      %dma_start3A_176 = tpu.memref_slice %arg11[%add3A_32, %dma_start3A_175] : memref<10240x128xf32, #tpu.memory_space<vmem_shared>> -> memref<64x128xf32, #tpu.memory_space<vmem_shared>>
      %dma_start3A_177 = arith.constant 0 : i32
      %dma_start3A_178 = tpu.memref_slice %arg11[%add3A_32, %dma_start3A_177] : memref<10240x128xf32, #tpu.memory_space<vmem_shared>> -> memref<64x128xf32, #tpu.memory_space<vmem_shared>>
      tpu.enqueue_dma source(%arg10 : memref<64x128xf32, #tpu.memory_space<vmem>>) target(%dma_start3A_178 : memref<64x128xf32, #tpu.memory_space<vmem_shared>>) target_semaphore(%run_scoped3A_174 : memref<!tpu.dma_semaphore, #tpu.memory_space<semaphore_mem>>)
      %dma_wait3A = arith.constant 0 : i32
      %dma_wait3A_179 = tpu.memref_slice %arg11[%add3A_32, %dma_wait3A] : memref<10240x128xf32, #tpu.memory_space<vmem_shared>> -> memref<64x128xf32, #tpu.memory_space<vmem_shared>>
      %dma_wait3A_180 = arith.constant 0 : i32
      %dma_wait3A_181 = tpu.memref_slice %arg11[%add3A_32, %dma_wait3A_180] : memref<10240x128xf32, #tpu.memory_space<vmem_shared>> -> memref<64x128xf32, #tpu.memory_space<vmem_shared>>
      tpu.wait_dma2 semaphore(%run_scoped3A_174 : memref<!tpu.dma_semaphore, #tpu.memory_space<semaphore_mem>>) src(%arg10 : memref<64x128xf32, #tpu.memory_space<vmem>>) dst(%dma_wait3A_181 : memref<64x128xf32, #tpu.memory_space<vmem_shared>>)
      tpu.yield
    }) : () -> ()
    %mul3A_33 = arith.constant 640 : i32
    %mul3A_34 = arith.muli %arg1, %mul3A_33 : i32
    %add3A_35 = arith.constant 512 : i32
    %add3A_36 = arith.addi %mul3A_34, %add3A_35 : i32
    "tpu.region"() ({
      %run_scoped3A_174 = tpu.sem_alloc : memref<!tpu.dma_semaphore, #tpu.memory_space<semaphore_mem>>
      %dma_start3A_175 = arith.constant 0 : i32
      %dma_start3A_176 = tpu.memref_slice %arg11[%add3A_36, %dma_start3A_175] : memref<10240x128xf32, #tpu.memory_space<vmem_shared>> -> memref<64x128xf32, #tpu.memory_space<vmem_shared>>
      %dma_start3A_177 = arith.constant 0 : i32
      %dma_start3A_178 = tpu.memref_slice %arg11[%add3A_36, %dma_start3A_177] : memref<10240x128xf32, #tpu.memory_space<vmem_shared>> -> memref<64x128xf32, #tpu.memory_space<vmem_shared>>
      tpu.enqueue_dma source(%arg10 : memref<64x128xf32, #tpu.memory_space<vmem>>) target(%dma_start3A_178 : memref<64x128xf32, #tpu.memory_space<vmem_shared>>) target_semaphore(%run_scoped3A_174 : memref<!tpu.dma_semaphore, #tpu.memory_space<semaphore_mem>>)
      %dma_wait3A = arith.constant 0 : i32
      %dma_wait3A_179 = tpu.memref_slice %arg11[%add3A_36, %dma_wait3A] : memref<10240x128xf32, #tpu.memory_space<vmem_shared>> -> memref<64x128xf32, #tpu.memory_space<vmem_shared>>
      %dma_wait3A_180 = arith.constant 0 : i32
      %dma_wait3A_181 = tpu.memref_slice %arg11[%add3A_36, %dma_wait3A_180] : memref<10240x128xf32, #tpu.memory_space<vmem_shared>> -> memref<64x128xf32, #tpu.memory_space<vmem_shared>>
      tpu.wait_dma2 semaphore(%run_scoped3A_174 : memref<!tpu.dma_semaphore, #tpu.memory_space<semaphore_mem>>) src(%arg10 : memref<64x128xf32, #tpu.memory_space<vmem>>) dst(%dma_wait3A_181 : memref<64x128xf32, #tpu.memory_space<vmem_shared>>)
      tpu.yield
    }) : () -> ()
    %mul3A_37 = arith.constant 640 : i32
    %mul3A_38 = arith.muli %arg1, %mul3A_37 : i32
    %add3A_39 = arith.constant 576 : i32
    %add3A_40 = arith.addi %mul3A_38, %add3A_39 : i32
    "tpu.region"() ({
      %run_scoped3A_174 = tpu.sem_alloc : memref<!tpu.dma_semaphore, #tpu.memory_space<semaphore_mem>>
      %dma_start3A_175 = arith.constant 0 : i32
      %dma_start3A_176 = tpu.memref_slice %arg11[%add3A_40, %dma_start3A_175] : memref<10240x128xf32, #tpu.memory_space<vmem_shared>> -> memref<64x128xf32, #tpu.memory_space<vmem_shared>>
      %dma_start3A_177 = arith.constant 0 : i32
      %dma_start3A_178 = tpu.memref_slice %arg11[%add3A_40, %dma_start3A_177] : memref<10240x128xf32, #tpu.memory_space<vmem_shared>> -> memref<64x128xf32, #tpu.memory_space<vmem_shared>>
      tpu.enqueue_dma source(%arg10 : memref<64x128xf32, #tpu.memory_space<vmem>>) target(%dma_start3A_178 : memref<64x128xf32, #tpu.memory_space<vmem_shared>>) target_semaphore(%run_scoped3A_174 : memref<!tpu.dma_semaphore, #tpu.memory_space<semaphore_mem>>)
      %dma_wait3A = arith.constant 0 : i32
      %dma_wait3A_179 = tpu.memref_slice %arg11[%add3A_40, %dma_wait3A] : memref<10240x128xf32, #tpu.memory_space<vmem_shared>> -> memref<64x128xf32, #tpu.memory_space<vmem_shared>>
      %dma_wait3A_180 = arith.constant 0 : i32
      %dma_wait3A_181 = tpu.memref_slice %arg11[%add3A_40, %dma_wait3A_180] : memref<10240x128xf32, #tpu.memory_space<vmem_shared>> -> memref<64x128xf32, #tpu.memory_space<vmem_shared>>
      tpu.wait_dma2 semaphore(%run_scoped3A_174 : memref<!tpu.dma_semaphore, #tpu.memory_space<semaphore_mem>>) src(%arg10 : memref<64x128xf32, #tpu.memory_space<vmem>>) dst(%dma_wait3A_181 : memref<64x128xf32, #tpu.memory_space<vmem_shared>>)
      tpu.yield
    }) : () -> ()
    %barrier3A = arith.constant 0 : index
    tpu.barrier barrier_id(%barrier3A)
    %dma_start3A = arith.constant 0 : i32
    %dma_start3A_41 = arith.constant 0 : i32
    %dma_start3A_42 = arith.constant 0 : i32
    %dma_start3A_43 = arith.constant 0 : i32
    %dma_start3A_44 = arith.constant 0 : i32
    %dma_start3A_45 = tpu.memref_slice %arg9[%dma_start3A_42, %dma_start3A_43, %dma_start3A_44] : memref<2x100x128xf32, #tpu.memory_space<vmem>> -> memref<1x100x128xf32, #tpu.memory_space<vmem>>
    %dma_start3A_46 = tpu.memref_squeeze %dma_start3A_45 : memref<1x100x128xf32, #tpu.memory_space<vmem>> -> memref<100x128xf32, #tpu.memory_space<vmem>>
    %dma_start3A_47 = arith.constant 0 : i32
    %dma_start3A_48 = tpu.memref_slice %arg7[%dma_start3A_41, %dma_start3A_47] : memref<50x100xi32, #tpu.memory_space<vmem>> -> memref<1x100xi32, #tpu.memory_space<vmem>>
    %dma_start3A_49 = tpu.memref_squeeze %dma_start3A_48 : memref<1x100xi32, #tpu.memory_space<vmem>> -> memref<100xi32, #tpu.memory_space<vmem>>
    %dma_start3A_50 = arith.constant 0 : i32
    %dma_start3A_51 = arith.constant 0 : i32
    %dma_start3A_52 = tpu.memref_slice %arg2[%dma_start3A, %dma_start3A_50, %dma_start3A_51] : memref<2x10000x128xf32, #tpu.memory_space<hbm>> -> memref<1x10000x128xf32, #tpu.memory_space<hbm>>
    %dma_start3A_53 = tpu.memref_squeeze %dma_start3A_52 : memref<1x10000x128xf32, #tpu.memory_space<hbm>> -> memref<10000x128xf32, #tpu.memory_space<hbm>>
    %dma_start3A_54 = arith.constant 0 : i32
    %dma_start3A_55 = arith.constant 0 : i32
    %dma_start3A_56 = tpu.memref_slice %dma_start3A_53[%dma_start3A_54, %dma_start3A_55] : memref<10000x128xf32, #tpu.memory_space<hbm>> -> memref<10000x128xf32, #tpu.memory_space<hbm>>
    tpu.enqueue_indirect_dma source(%dma_start3A_56 : memref<10000x128xf32, #tpu.memory_space<hbm>>) target(%dma_start3A_46 : memref<100x128xf32, #tpu.memory_space<vmem>>) offsets(%dma_start3A_49 : memref<100xi32, #tpu.memory_space<vmem>>) semaphore(%arg12 : memref<!tpu.dma_semaphore, #tpu.memory_space<semaphore_mem>>)
    %dma_start3A_57 = arith.constant 0 : i32
    %dma_start3A_58 = arith.constant 1 : i32
    %dma_start3A_59 = arith.constant 1 : i32
    %dma_start3A_60 = arith.constant 0 : i32
    %dma_start3A_61 = arith.constant 0 : i32
    %dma_start3A_62 = tpu.memref_slice %arg9[%dma_start3A_59, %dma_start3A_60, %dma_start3A_61] : memref<2x100x128xf32, #tpu.memory_space<vmem>> -> memref<1x100x128xf32, #tpu.memory_space<vmem>>
    %dma_start3A_63 = tpu.memref_squeeze %dma_start3A_62 : memref<1x100x128xf32, #tpu.memory_space<vmem>> -> memref<100x128xf32, #tpu.memory_space<vmem>>
    %dma_start3A_64 = arith.constant 0 : i32
    %dma_start3A_65 = tpu.memref_slice %arg7[%dma_start3A_58, %dma_start3A_64] : memref<50x100xi32, #tpu.memory_space<vmem>> -> memref<1x100xi32, #tpu.memory_space<vmem>>
    %dma_start3A_66 = tpu.memref_squeeze %dma_start3A_65 : memref<1x100xi32, #tpu.memory_space<vmem>> -> memref<100xi32, #tpu.memory_space<vmem>>
    %dma_start3A_67 = arith.constant 0 : i32
    %dma_start3A_68 = arith.constant 0 : i32
    %dma_start3A_69 = tpu.memref_slice %arg2[%dma_start3A_57, %dma_start3A_67, %dma_start3A_68] : memref<2x10000x128xf32, #tpu.memory_space<hbm>> -> memref<1x10000x128xf32, #tpu.memory_space<hbm>>
    %dma_start3A_70 = tpu.memref_squeeze %dma_start3A_69 : memref<1x10000x128xf32, #tpu.memory_space<hbm>> -> memref<10000x128xf32, #tpu.memory_space<hbm>>
    %dma_start3A_71 = arith.constant 0 : i32
    %dma_start3A_72 = arith.constant 0 : i32
    %dma_start3A_73 = tpu.memref_slice %dma_start3A_70[%dma_start3A_71, %dma_start3A_72] : memref<10000x128xf32, #tpu.memory_space<hbm>> -> memref<10000x128xf32, #tpu.memory_space<hbm>>
    tpu.enqueue_indirect_dma source(%dma_start3A_73 : memref<10000x128xf32, #tpu.memory_space<hbm>>) target(%dma_start3A_63 : memref<100x128xf32, #tpu.memory_space<vmem>>) offsets(%dma_start3A_66 : memref<100xi32, #tpu.memory_space<vmem>>) semaphore(%arg13 : memref<!tpu.dma_semaphore, #tpu.memory_space<semaphore_mem>>)
    %scan3A = arith.constant 0 : i32
    %scan3A_74 = arith.constant 0 : i32
    %scan3A_75 = arith.constant 0 : i32
    %scan3A_76 = arith.constant 25 : i32
    %scan3A_77 = arith.addi %scan3A_75, %scan3A_76 : i32
    %scan3A_78 = arith.constant 1 : i32
    scf.for %scan3A_174 = %scan3A_75 to %scan3A_77 step %scan3A_78  : i32 {
      %mul3A_175 = arith.constant 2 : i32
      %mul3A_176 = arith.muli %scan3A_174, %mul3A_175 : i32
      %add3A_177 = arith.constant 0 : i32
      %add3A_178 = arith.addi %mul3A_176, %add3A_177 : i32
      %dma_wait3A = arith.constant 0 : i32
      %dma_wait3A_179 = arith.constant 0 : i32
      %dma_wait3A_180 = arith.constant 0 : i32
      %dma_wait3A_181 = tpu.memref_slice %arg9[%dma_wait3A, %dma_wait3A_179, %dma_wait3A_180] : memref<2x100x128xf32, #tpu.memory_space<vmem>> -> memref<1x100x128xf32, #tpu.memory_space<vmem>>
      %dma_wait3A_182 = tpu.memref_squeeze %dma_wait3A_181 : memref<1x100x128xf32, #tpu.memory_space<vmem>> -> memref<100x128xf32, #tpu.memory_space<vmem>>
      %dma_wait3A_183 = arith.constant 0 : i32
      %dma_wait3A_184 = tpu.memref_slice %arg7[%add3A_178, %dma_wait3A_183] : memref<50x100xi32, #tpu.memory_space<vmem>> -> memref<1x100xi32, #tpu.memory_space<vmem>>
      %dma_wait3A_185 = tpu.memref_squeeze %dma_wait3A_184 : memref<1x100xi32, #tpu.memory_space<vmem>> -> memref<100xi32, #tpu.memory_space<vmem>>
      %dma_wait3A_186 = arith.constant 0 : i32
      %dma_wait3A_187 = arith.constant 0 : i32
      %dma_wait3A_188 = tpu.memref_slice %arg2[%scan3A_74, %dma_wait3A_186, %dma_wait3A_187] : memref<2x10000x128xf32, #tpu.memory_space<hbm>> -> memref<1x10000x128xf32, #tpu.memory_space<hbm>>
      %dma_wait3A_189 = tpu.memref_squeeze %dma_wait3A_188 : memref<1x10000x128xf32, #tpu.memory_space<hbm>> -> memref<10000x128xf32, #tpu.memory_space<hbm>>
      %dma_wait3A_190 = arith.constant 0 : i32
      %dma_wait3A_191 = arith.constant 0 : i32
      %dma_wait3A_192 = tpu.memref_slice %dma_wait3A_189[%dma_wait3A_190, %dma_wait3A_191] : memref<10000x128xf32, #tpu.memory_space<hbm>> -> memref<10000x128xf32, #tpu.memory_space<hbm>>
      tpu.wait_indirect_dma semaphore(%arg12 : memref<!tpu.dma_semaphore, #tpu.memory_space<semaphore_mem>>) src(%dma_wait3A_192 : memref<10000x128xf32, #tpu.memory_space<hbm>>) dst(%dma_wait3A_182 : memref<100x128xf32, #tpu.memory_space<vmem>>)
      %run_scoped3A_193 = arith.constant 0 : i32
      "tpu.region"() ({
        %run_scoped3A_225 = tpu.sem_alloc : memref<!tpu.dma_semaphore, #tpu.memory_space<semaphore_mem>>
        %dma_start3A_226 = arith.constant 0 : i32
        %dma_start3A_227 = arith.constant 0 : i32
        %dma_start3A_228 = tpu.memref_slice %arg9[%run_scoped3A_193, %dma_start3A_226, %dma_start3A_227] : memref<2x100x128xf32, #tpu.memory_space<vmem>> -> memref<1x100x128xf32, #tpu.memory_space<vmem>>
        %dma_start3A_229 = tpu.memref_squeeze %dma_start3A_228 : memref<1x100x128xf32, #tpu.memory_space<vmem>> -> memref<100x128xf32, #tpu.memory_space<vmem>>
        %dma_start3A_230 = arith.constant 0 : i32
        %dma_start3A_231 = tpu.memref_slice %arg8[%add3A_178, %dma_start3A_230] : memref<50x100xi32, #tpu.memory_space<vmem>> -> memref<1x100xi32, #tpu.memory_space<vmem>>
        %dma_start3A_232 = tpu.memref_squeeze %dma_start3A_231 : memref<1x100xi32, #tpu.memory_space<vmem>> -> memref<100xi32, #tpu.memory_space<vmem>>
        %dma_start3A_233 = arith.constant 0 : i32
        %dma_start3A_234 = arith.constant 0 : i32
        %dma_start3A_235 = tpu.memref_slice %arg11[%dma_start3A_233, %dma_start3A_234] : memref<10240x128xf32, #tpu.memory_space<vmem_shared>> -> memref<10240x128xf32, #tpu.memory_space<vmem_shared>>
        tpu.enqueue_indirect_dma source(%dma_start3A_229 : memref<100x128xf32, #tpu.memory_space<vmem>>) target(%dma_start3A_235 : memref<10240x128xf32, #tpu.memory_space<vmem_shared>>) offsets(%dma_start3A_232 : memref<100xi32, #tpu.memory_space<vmem>>) semaphore(%run_scoped3A_225 : memref<!tpu.dma_semaphore, #tpu.memory_space<semaphore_mem>>) {add = true}
        %dma_wait3A_236 = arith.constant 0 : i32
        %dma_wait3A_237 = arith.constant 0 : i32
        %dma_wait3A_238 = tpu.memref_slice %arg9[%run_scoped3A_193, %dma_wait3A_236, %dma_wait3A_237] : memref<2x100x128xf32, #tpu.memory_space<vmem>> -> memref<1x100x128xf32, #tpu.memory_space<vmem>>
        %dma_wait3A_239 = tpu.memref_squeeze %dma_wait3A_238 : memref<1x100x128xf32, #tpu.memory_space<vmem>> -> memref<100x128xf32, #tpu.memory_space<vmem>>
        %dma_wait3A_240 = arith.constant 0 : i32
        %dma_wait3A_241 = tpu.memref_slice %arg8[%add3A_178, %dma_wait3A_240] : memref<50x100xi32, #tpu.memory_space<vmem>> -> memref<1x100xi32, #tpu.memory_space<vmem>>
        %dma_wait3A_242 = tpu.memref_squeeze %dma_wait3A_241 : memref<1x100xi32, #tpu.memory_space<vmem>> -> memref<100xi32, #tpu.memory_space<vmem>>
        %dma_wait3A_243 = arith.constant 0 : i32
        %dma_wait3A_244 = arith.constant 0 : i32
        %dma_wait3A_245 = tpu.memref_slice %arg11[%dma_wait3A_243, %dma_wait3A_244] : memref<10240x128xf32, #tpu.memory_space<vmem_shared>> -> memref<10240x128xf32, #tpu.memory_space<vmem_shared>>
        tpu.wait_indirect_dma semaphore(%run_scoped3A_225 : memref<!tpu.dma_semaphore, #tpu.memory_space<semaphore_mem>>) src(%dma_wait3A_239 : memref<100x128xf32, #tpu.memory_space<vmem>>) dst(%dma_wait3A_245 : memref<10240x128xf32, #tpu.memory_space<vmem_shared>>)
        tpu.yield
      }) : () -> ()
      %add3A_194 = arith.constant 2 : i32
      %add3A_195 = arith.addi %add3A_178, %add3A_194 : i32
      %lt3A = arith.constant 50 : i32
      %lt3A_196 = arith.cmpi slt, %add3A_195, %lt3A : i32
      %convert_element_type3A = arith.extui %lt3A_196 : i1 to i32
      %cond3A = arith.constant 0 : i32
      %cond3A_197 = arith.cmpi ne, %convert_element_type3A, %cond3A : i32
      scf.if %cond3A_197 {
        %add3A_225 = arith.constant 2 : i32
        %add3A_226 = arith.addi %add3A_178, %add3A_225 : i32
        %dma_start3A_227 = arith.constant 0 : i32
        %dma_start3A_228 = arith.constant 0 : i32
        %dma_start3A_229 = arith.constant 0 : i32
        %dma_start3A_230 = tpu.memref_slice %arg9[%dma_start3A_227, %dma_start3A_228, %dma_start3A_229] : memref<2x100x128xf32, #tpu.memory_space<vmem>> -> memref<1x100x128xf32, #tpu.memory_space<vmem>>
        %dma_start3A_231 = tpu.memref_squeeze %dma_start3A_230 : memref<1x100x128xf32, #tpu.memory_space<vmem>> -> memref<100x128xf32, #tpu.memory_space<vmem>>
        %dma_start3A_232 = arith.constant 0 : i32
        %dma_start3A_233 = tpu.memref_slice %arg7[%add3A_226, %dma_start3A_232] : memref<50x100xi32, #tpu.memory_space<vmem>> -> memref<1x100xi32, #tpu.memory_space<vmem>>
        %dma_start3A_234 = tpu.memref_squeeze %dma_start3A_233 : memref<1x100xi32, #tpu.memory_space<vmem>> -> memref<100xi32, #tpu.memory_space<vmem>>
        %dma_start3A_235 = arith.constant 0 : i32
        %dma_start3A_236 = arith.constant 0 : i32
        %dma_start3A_237 = tpu.memref_slice %arg2[%scan3A_74, %dma_start3A_235, %dma_start3A_236] : memref<2x10000x128xf32, #tpu.memory_space<hbm>> -> memref<1x10000x128xf32, #tpu.memory_space<hbm>>
        %dma_start3A_238 = tpu.memref_squeeze %dma_start3A_237 : memref<1x10000x128xf32, #tpu.memory_space<hbm>> -> memref<10000x128xf32, #tpu.memory_space<hbm>>
        %dma_start3A_239 = arith.constant 0 : i32
        %dma_start3A_240 = arith.constant 0 : i32
        %dma_start3A_241 = tpu.memref_slice %dma_start3A_238[%dma_start3A_239, %dma_start3A_240] : memref<10000x128xf32, #tpu.memory_space<hbm>> -> memref<10000x128xf32, #tpu.memory_space<hbm>>
        tpu.enqueue_indirect_dma source(%dma_start3A_241 : memref<10000x128xf32, #tpu.memory_space<hbm>>) target(%dma_start3A_231 : memref<100x128xf32, #tpu.memory_space<vmem>>) offsets(%dma_start3A_234 : memref<100xi32, #tpu.memory_space<vmem>>) semaphore(%arg12 : memref<!tpu.dma_semaphore, #tpu.memory_space<semaphore_mem>>)
      } else {
      }
      %mul3A_198 = arith.constant 2 : i32
      %mul3A_199 = arith.muli %scan3A_174, %mul3A_198 : i32
      %add3A_200 = arith.constant 1 : i32
      %add3A_201 = arith.addi %mul3A_199, %add3A_200 : i32
      %dma_wait3A_202 = arith.constant 1 : i32
      %dma_wait3A_203 = arith.constant 0 : i32
      %dma_wait3A_204 = arith.constant 0 : i32
      %dma_wait3A_205 = tpu.memref_slice %arg9[%dma_wait3A_202, %dma_wait3A_203, %dma_wait3A_204] : memref<2x100x128xf32, #tpu.memory_space<vmem>> -> memref<1x100x128xf32, #tpu.memory_space<vmem>>
      %dma_wait3A_206 = tpu.memref_squeeze %dma_wait3A_205 : memref<1x100x128xf32, #tpu.memory_space<vmem>> -> memref<100x128xf32, #tpu.memory_space<vmem>>
      %dma_wait3A_207 = arith.constant 0 : i32
      %dma_wait3A_208 = tpu.memref_slice %arg7[%add3A_201, %dma_wait3A_207] : memref<50x100xi32, #tpu.memory_space<vmem>> -> memref<1x100xi32, #tpu.memory_space<vmem>>
      %dma_wait3A_209 = tpu.memref_squeeze %dma_wait3A_208 : memref<1x100xi32, #tpu.memory_space<vmem>> -> memref<100xi32, #tpu.memory_space<vmem>>
      %dma_wait3A_210 = arith.constant 0 : i32
      %dma_wait3A_211 = arith.constant 0 : i32
      %dma_wait3A_212 = tpu.memref_slice %arg2[%scan3A_74, %dma_wait3A_210, %dma_wait3A_211] : memref<2x10000x128xf32, #tpu.memory_space<hbm>> -> memref<1x10000x128xf32, #tpu.memory_space<hbm>>
      %dma_wait3A_213 = tpu.memref_squeeze %dma_wait3A_212 : memref<1x10000x128xf32, #tpu.memory_space<hbm>> -> memref<10000x128xf32, #tpu.memory_space<hbm>>
      %dma_wait3A_214 = arith.constant 0 : i32
      %dma_wait3A_215 = arith.constant 0 : i32
      %dma_wait3A_216 = tpu.memref_slice %dma_wait3A_213[%dma_wait3A_214, %dma_wait3A_215] : memref<10000x128xf32, #tpu.memory_space<hbm>> -> memref<10000x128xf32, #tpu.memory_space<hbm>>
      tpu.wait_indirect_dma semaphore(%arg13 : memref<!tpu.dma_semaphore, #tpu.memory_space<semaphore_mem>>) src(%dma_wait3A_216 : memref<10000x128xf32, #tpu.memory_space<hbm>>) dst(%dma_wait3A_206 : memref<100x128xf32, #tpu.memory_space<vmem>>)
      %run_scoped3A_217 = arith.constant 1 : i32
      "tpu.region"() ({
        %run_scoped3A_225 = tpu.sem_alloc : memref<!tpu.dma_semaphore, #tpu.memory_space<semaphore_mem>>
        %dma_start3A_226 = arith.constant 0 : i32
        %dma_start3A_227 = arith.constant 0 : i32
        %dma_start3A_228 = tpu.memref_slice %arg9[%run_scoped3A_217, %dma_start3A_226, %dma_start3A_227] : memref<2x100x128xf32, #tpu.memory_space<vmem>> -> memref<1x100x128xf32, #tpu.memory_space<vmem>>
        %dma_start3A_229 = tpu.memref_squeeze %dma_start3A_228 : memref<1x100x128xf32, #tpu.memory_space<vmem>> -> memref<100x128xf32, #tpu.memory_space<vmem>>
        %dma_start3A_230 = arith.constant 0 : i32
        %dma_start3A_231 = tpu.memref_slice %arg8[%add3A_201, %dma_start3A_230] : memref<50x100xi32, #tpu.memory_space<vmem>> -> memref<1x100xi32, #tpu.memory_space<vmem>>
        %dma_start3A_232 = tpu.memref_squeeze %dma_start3A_231 : memref<1x100xi32, #tpu.memory_space<vmem>> -> memref<100xi32, #tpu.memory_space<vmem>>
        %dma_start3A_233 = arith.constant 0 : i32
        %dma_start3A_234 = arith.constant 0 : i32
        %dma_start3A_235 = tpu.memref_slice %arg11[%dma_start3A_233, %dma_start3A_234] : memref<10240x128xf32, #tpu.memory_space<vmem_shared>> -> memref<10240x128xf32, #tpu.memory_space<vmem_shared>>
        tpu.enqueue_indirect_dma source(%dma_start3A_229 : memref<100x128xf32, #tpu.memory_space<vmem>>) target(%dma_start3A_235 : memref<10240x128xf32, #tpu.memory_space<vmem_shared>>) offsets(%dma_start3A_232 : memref<100xi32, #tpu.memory_space<vmem>>) semaphore(%run_scoped3A_225 : memref<!tpu.dma_semaphore, #tpu.memory_space<semaphore_mem>>) {add = true}
        %dma_wait3A_236 = arith.constant 0 : i32
        %dma_wait3A_237 = arith.constant 0 : i32
        %dma_wait3A_238 = tpu.memref_slice %arg9[%run_scoped3A_217, %dma_wait3A_236, %dma_wait3A_237] : memref<2x100x128xf32, #tpu.memory_space<vmem>> -> memref<1x100x128xf32, #tpu.memory_space<vmem>>
        %dma_wait3A_239 = tpu.memref_squeeze %dma_wait3A_238 : memref<1x100x128xf32, #tpu.memory_space<vmem>> -> memref<100x128xf32, #tpu.memory_space<vmem>>
        %dma_wait3A_240 = arith.constant 0 : i32
        %dma_wait3A_241 = tpu.memref_slice %arg8[%add3A_201, %dma_wait3A_240] : memref<50x100xi32, #tpu.memory_space<vmem>> -> memref<1x100xi32, #tpu.memory_space<vmem>>
        %dma_wait3A_242 = tpu.memref_squeeze %dma_wait3A_241 : memref<1x100xi32, #tpu.memory_space<vmem>> -> memref<100xi32, #tpu.memory_space<vmem>>
        %dma_wait3A_243 = arith.constant 0 : i32
        %dma_wait3A_244 = arith.constant 0 : i32
        %dma_wait3A_245 = tpu.memref_slice %arg11[%dma_wait3A_243, %dma_wait3A_244] : memref<10240x128xf32, #tpu.memory_space<vmem_shared>> -> memref<10240x128xf32, #tpu.memory_space<vmem_shared>>
        tpu.wait_indirect_dma semaphore(%run_scoped3A_225 : memref<!tpu.dma_semaphore, #tpu.memory_space<semaphore_mem>>) src(%dma_wait3A_239 : memref<100x128xf32, #tpu.memory_space<vmem>>) dst(%dma_wait3A_245 : memref<10240x128xf32, #tpu.memory_space<vmem_shared>>)
        tpu.yield
      }) : () -> ()
      %add3A_218 = arith.constant 2 : i32
      %add3A_219 = arith.addi %add3A_201, %add3A_218 : i32
      %lt3A_220 = arith.constant 50 : i32
      %lt3A_221 = arith.cmpi slt, %add3A_219, %lt3A_220 : i32
      %convert_element_type3A_222 = arith.extui %lt3A_221 : i1 to i32
      %cond3A_223 = arith.constant 0 : i32
      %cond3A_224 = arith.cmpi ne, %convert_element_type3A_222, %cond3A_223 : i32
      scf.if %cond3A_224 {
        %add3A_225 = arith.constant 2 : i32
        %add3A_226 = arith.addi %add3A_201, %add3A_225 : i32
        %dma_start3A_227 = arith.constant 1 : i32
        %dma_start3A_228 = arith.constant 0 : i32
        %dma_start3A_229 = arith.constant 0 : i32
        %dma_start3A_230 = tpu.memref_slice %arg9[%dma_start3A_227, %dma_start3A_228, %dma_start3A_229] : memref<2x100x128xf32, #tpu.memory_space<vmem>> -> memref<1x100x128xf32, #tpu.memory_space<vmem>>
        %dma_start3A_231 = tpu.memref_squeeze %dma_start3A_230 : memref<1x100x128xf32, #tpu.memory_space<vmem>> -> memref<100x128xf32, #tpu.memory_space<vmem>>
        %dma_start3A_232 = arith.constant 0 : i32
        %dma_start3A_233 = tpu.memref_slice %arg7[%add3A_226, %dma_start3A_232] : memref<50x100xi32, #tpu.memory_space<vmem>> -> memref<1x100xi32, #tpu.memory_space<vmem>>
        %dma_start3A_234 = tpu.memref_squeeze %dma_start3A_233 : memref<1x100xi32, #tpu.memory_space<vmem>> -> memref<100xi32, #tpu.memory_space<vmem>>
        %dma_start3A_235 = arith.constant 0 : i32
        %dma_start3A_236 = arith.constant 0 : i32
        %dma_start3A_237 = tpu.memref_slice %arg2[%scan3A_74, %dma_start3A_235, %dma_start3A_236] : memref<2x10000x128xf32, #tpu.memory_space<hbm>> -> memref<1x10000x128xf32, #tpu.memory_space<hbm>>
        %dma_start3A_238 = tpu.memref_squeeze %dma_start3A_237 : memref<1x10000x128xf32, #tpu.memory_space<hbm>> -> memref<10000x128xf32, #tpu.memory_space<hbm>>
        %dma_start3A_239 = arith.constant 0 : i32
        %dma_start3A_240 = arith.constant 0 : i32
        %dma_start3A_241 = tpu.memref_slice %dma_start3A_238[%dma_start3A_239, %dma_start3A_240] : memref<10000x128xf32, #tpu.memory_space<hbm>> -> memref<10000x128xf32, #tpu.memory_space<hbm>>
        tpu.enqueue_indirect_dma source(%dma_start3A_241 : memref<10000x128xf32, #tpu.memory_space<hbm>>) target(%dma_start3A_231 : memref<100x128xf32, #tpu.memory_space<vmem>>) offsets(%dma_start3A_234 : memref<100xi32, #tpu.memory_space<vmem>>) semaphore(%arg13 : memref<!tpu.dma_semaphore, #tpu.memory_space<semaphore_mem>>)
      } else {
      }
    }
    %scan3A_79 = arith.constant 25 : i32
    %barrier3A_80 = arith.constant 0 : index
    tpu.barrier barrier_id(%barrier3A_80)
    %mul3A_81 = arith.constant 640 : i32
    %mul3A_82 = arith.muli %arg1, %mul3A_81 : i32
    %mul3A_83 = arith.constant 640 : i32
    %mul3A_84 = arith.muli %arg1, %mul3A_83 : i32
    %run_scoped3A = arith.constant 0 : i32
    "tpu.region"() ({
      %run_scoped3A_174 = tpu.sem_alloc : memref<!tpu.dma_semaphore, #tpu.memory_space<semaphore_mem>>
      %dma_start3A_175 = arith.constant 0 : i32
      %dma_start3A_176 = tpu.memref_slice %arg6[%run_scoped3A, %arg0, %mul3A_84, %dma_start3A_175] : memref<2x2x10240x128xf32, #tpu.memory_space<hbm>> -> memref<1x1x640x128xf32, #tpu.memory_space<hbm>>
      %dma_start3A_177 = tpu.memref_squeeze %dma_start3A_176 : memref<1x1x640x128xf32, #tpu.memory_space<hbm>> -> memref<640x128xf32, #tpu.memory_space<hbm>>
      %dma_start3A_178 = arith.constant 0 : i32
      %dma_start3A_179 = tpu.memref_slice %arg11[%mul3A_82, %dma_start3A_178] : memref<10240x128xf32, #tpu.memory_space<vmem_shared>> -> memref<640x128xf32, #tpu.memory_space<vmem_shared>>
      tpu.enqueue_dma source(%dma_start3A_179 : memref<640x128xf32, #tpu.memory_space<vmem_shared>>) target(%dma_start3A_177 : memref<640x128xf32, #tpu.memory_space<hbm>>) target_semaphore(%run_scoped3A_174 : memref<!tpu.dma_semaphore, #tpu.memory_space<semaphore_mem>>)
      %dma_wait3A = arith.constant 0 : i32
      %dma_wait3A_180 = tpu.memref_slice %arg6[%run_scoped3A, %arg0, %mul3A_84, %dma_wait3A] : memref<2x2x10240x128xf32, #tpu.memory_space<hbm>> -> memref<1x1x640x128xf32, #tpu.memory_space<hbm>>
      %dma_wait3A_181 = tpu.memref_squeeze %dma_wait3A_180 : memref<1x1x640x128xf32, #tpu.memory_space<hbm>> -> memref<640x128xf32, #tpu.memory_space<hbm>>
      %dma_wait3A_182 = arith.constant 0 : i32
      %dma_wait3A_183 = tpu.memref_slice %arg11[%mul3A_82, %dma_wait3A_182] : memref<10240x128xf32, #tpu.memory_space<vmem_shared>> -> memref<640x128xf32, #tpu.memory_space<vmem_shared>>
      tpu.wait_dma2 semaphore(%run_scoped3A_174 : memref<!tpu.dma_semaphore, #tpu.memory_space<semaphore_mem>>) src(%dma_wait3A_183 : memref<640x128xf32, #tpu.memory_space<vmem_shared>>) dst(%dma_wait3A_181 : memref<640x128xf32, #tpu.memory_space<hbm>>)
      tpu.yield
    }) : () -> ()
    %barrier3A_85 = arith.constant 0 : index
    tpu.barrier barrier_id(%barrier3A_85)
    %mul3A_86 = arith.constant 640 : i32
    %mul3A_87 = arith.muli %arg1, %mul3A_86 : i32
    %add3A_88 = arith.constant 0 : i32
    %add3A_89 = arith.addi %mul3A_87, %add3A_88 : i32
    "tpu.region"() ({
      %run_scoped3A_174 = tpu.sem_alloc : memref<!tpu.dma_semaphore, #tpu.memory_space<semaphore_mem>>
      %dma_start3A_175 = arith.constant 0 : i32
      %dma_start3A_176 = tpu.memref_slice %arg11[%add3A_89, %dma_start3A_175] : memref<10240x128xf32, #tpu.memory_space<vmem_shared>> -> memref<64x128xf32, #tpu.memory_space<vmem_shared>>
      %dma_start3A_177 = arith.constant 0 : i32
      %dma_start3A_178 = tpu.memref_slice %arg11[%add3A_89, %dma_start3A_177] : memref<10240x128xf32, #tpu.memory_space<vmem_shared>> -> memref<64x128xf32, #tpu.memory_space<vmem_shared>>
      tpu.enqueue_dma source(%arg10 : memref<64x128xf32, #tpu.memory_space<vmem>>) target(%dma_start3A_178 : memref<64x128xf32, #tpu.memory_space<vmem_shared>>) target_semaphore(%run_scoped3A_174 : memref<!tpu.dma_semaphore, #tpu.memory_space<semaphore_mem>>)
      %dma_wait3A = arith.constant 0 : i32
      %dma_wait3A_179 = tpu.memref_slice %arg11[%add3A_89, %dma_wait3A] : memref<10240x128xf32, #tpu.memory_space<vmem_shared>> -> memref<64x128xf32, #tpu.memory_space<vmem_shared>>
      %dma_wait3A_180 = arith.constant 0 : i32
      %dma_wait3A_181 = tpu.memref_slice %arg11[%add3A_89, %dma_wait3A_180] : memref<10240x128xf32, #tpu.memory_space<vmem_shared>> -> memref<64x128xf32, #tpu.memory_space<vmem_shared>>
      tpu.wait_dma2 semaphore(%run_scoped3A_174 : memref<!tpu.dma_semaphore, #tpu.memory_space<semaphore_mem>>) src(%arg10 : memref<64x128xf32, #tpu.memory_space<vmem>>) dst(%dma_wait3A_181 : memref<64x128xf32, #tpu.memory_space<vmem_shared>>)
      tpu.yield
    }) : () -> ()
    %mul3A_90 = arith.constant 640 : i32
    %mul3A_91 = arith.muli %arg1, %mul3A_90 : i32
    %add3A_92 = arith.constant 64 : i32
    %add3A_93 = arith.addi %mul3A_91, %add3A_92 : i32
    "tpu.region"() ({
      %run_scoped3A_174 = tpu.sem_alloc : memref<!tpu.dma_semaphore, #tpu.memory_space<semaphore_mem>>
      %dma_start3A_175 = arith.constant 0 : i32
      %dma_start3A_176 = tpu.memref_slice %arg11[%add3A_93, %dma_start3A_175] : memref<10240x128xf32, #tpu.memory_space<vmem_shared>> -> memref<64x128xf32, #tpu.memory_space<vmem_shared>>
      %dma_start3A_177 = arith.constant 0 : i32
      %dma_start3A_178 = tpu.memref_slice %arg11[%add3A_93, %dma_start3A_177] : memref<10240x128xf32, #tpu.memory_space<vmem_shared>> -> memref<64x128xf32, #tpu.memory_space<vmem_shared>>
      tpu.enqueue_dma source(%arg10 : memref<64x128xf32, #tpu.memory_space<vmem>>) target(%dma_start3A_178 : memref<64x128xf32, #tpu.memory_space<vmem_shared>>) target_semaphore(%run_scoped3A_174 : memref<!tpu.dma_semaphore, #tpu.memory_space<semaphore_mem>>)
      %dma_wait3A = arith.constant 0 : i32
      %dma_wait3A_179 = tpu.memref_slice %arg11[%add3A_93, %dma_wait3A] : memref<10240x128xf32, #tpu.memory_space<vmem_shared>> -> memref<64x128xf32, #tpu.memory_space<vmem_shared>>
      %dma_wait3A_180 = arith.constant 0 : i32
      %dma_wait3A_181 = tpu.memref_slice %arg11[%add3A_93, %dma_wait3A_180] : memref<10240x128xf32, #tpu.memory_space<vmem_shared>> -> memref<64x128xf32, #tpu.memory_space<vmem_shared>>
      tpu.wait_dma2 semaphore(%run_scoped3A_174 : memref<!tpu.dma_semaphore, #tpu.memory_space<semaphore_mem>>) src(%arg10 : memref<64x128xf32, #tpu.memory_space<vmem>>) dst(%dma_wait3A_181 : memref<64x128xf32, #tpu.memory_space<vmem_shared>>)
      tpu.yield
    }) : () -> ()
    %mul3A_94 = arith.constant 640 : i32
    %mul3A_95 = arith.muli %arg1, %mul3A_94 : i32
    %add3A_96 = arith.constant 128 : i32
    %add3A_97 = arith.addi %mul3A_95, %add3A_96 : i32
    "tpu.region"() ({
      %run_scoped3A_174 = tpu.sem_alloc : memref<!tpu.dma_semaphore, #tpu.memory_space<semaphore_mem>>
      %dma_start3A_175 = arith.constant 0 : i32
      %dma_start3A_176 = tpu.memref_slice %arg11[%add3A_97, %dma_start3A_175] : memref<10240x128xf32, #tpu.memory_space<vmem_shared>> -> memref<64x128xf32, #tpu.memory_space<vmem_shared>>
      %dma_start3A_177 = arith.constant 0 : i32
      %dma_start3A_178 = tpu.memref_slice %arg11[%add3A_97, %dma_start3A_177] : memref<10240x128xf32, #tpu.memory_space<vmem_shared>> -> memref<64x128xf32, #tpu.memory_space<vmem_shared>>
      tpu.enqueue_dma source(%arg10 : memref<64x128xf32, #tpu.memory_space<vmem>>) target(%dma_start3A_178 : memref<64x128xf32, #tpu.memory_space<vmem_shared>>) target_semaphore(%run_scoped3A_174 : memref<!tpu.dma_semaphore, #tpu.memory_space<semaphore_mem>>)
      %dma_wait3A = arith.constant 0 : i32
      %dma_wait3A_179 = tpu.memref_slice %arg11[%add3A_97, %dma_wait3A] : memref<10240x128xf32, #tpu.memory_space<vmem_shared>> -> memref<64x128xf32, #tpu.memory_space<vmem_shared>>
      %dma_wait3A_180 = arith.constant 0 : i32
      %dma_wait3A_181 = tpu.memref_slice %arg11[%add3A_97, %dma_wait3A_180] : memref<10240x128xf32, #tpu.memory_space<vmem_shared>> -> memref<64x128xf32, #tpu.memory_space<vmem_shared>>
      tpu.wait_dma2 semaphore(%run_scoped3A_174 : memref<!tpu.dma_semaphore, #tpu.memory_space<semaphore_mem>>) src(%arg10 : memref<64x128xf32, #tpu.memory_space<vmem>>) dst(%dma_wait3A_181 : memref<64x128xf32, #tpu.memory_space<vmem_shared>>)
      tpu.yield
    }) : () -> ()
    %mul3A_98 = arith.constant 640 : i32
    %mul3A_99 = arith.muli %arg1, %mul3A_98 : i32
    %add3A_100 = arith.constant 192 : i32
    %add3A_101 = arith.addi %mul3A_99, %add3A_100 : i32
    "tpu.region"() ({
      %run_scoped3A_174 = tpu.sem_alloc : memref<!tpu.dma_semaphore, #tpu.memory_space<semaphore_mem>>
      %dma_start3A_175 = arith.constant 0 : i32
      %dma_start3A_176 = tpu.memref_slice %arg11[%add3A_101, %dma_start3A_175] : memref<10240x128xf32, #tpu.memory_space<vmem_shared>> -> memref<64x128xf32, #tpu.memory_space<vmem_shared>>
      %dma_start3A_177 = arith.constant 0 : i32
      %dma_start3A_178 = tpu.memref_slice %arg11[%add3A_101, %dma_start3A_177] : memref<10240x128xf32, #tpu.memory_space<vmem_shared>> -> memref<64x128xf32, #tpu.memory_space<vmem_shared>>
      tpu.enqueue_dma source(%arg10 : memref<64x128xf32, #tpu.memory_space<vmem>>) target(%dma_start3A_178 : memref<64x128xf32, #tpu.memory_space<vmem_shared>>) target_semaphore(%run_scoped3A_174 : memref<!tpu.dma_semaphore, #tpu.memory_space<semaphore_mem>>)
      %dma_wait3A = arith.constant 0 : i32
      %dma_wait3A_179 = tpu.memref_slice %arg11[%add3A_101, %dma_wait3A] : memref<10240x128xf32, #tpu.memory_space<vmem_shared>> -> memref<64x128xf32, #tpu.memory_space<vmem_shared>>
      %dma_wait3A_180 = arith.constant 0 : i32
      %dma_wait3A_181 = tpu.memref_slice %arg11[%add3A_101, %dma_wait3A_180] : memref<10240x128xf32, #tpu.memory_space<vmem_shared>> -> memref<64x128xf32, #tpu.memory_space<vmem_shared>>
      tpu.wait_dma2 semaphore(%run_scoped3A_174 : memref<!tpu.dma_semaphore, #tpu.memory_space<semaphore_mem>>) src(%arg10 : memref<64x128xf32, #tpu.memory_space<vmem>>) dst(%dma_wait3A_181 : memref<64x128xf32, #tpu.memory_space<vmem_shared>>)
      tpu.yield
    }) : () -> ()
    %mul3A_102 = arith.constant 640 : i32
    %mul3A_103 = arith.muli %arg1, %mul3A_102 : i32
    %add3A_104 = arith.constant 256 : i32
    %add3A_105 = arith.addi %mul3A_103, %add3A_104 : i32
    "tpu.region"() ({
      %run_scoped3A_174 = tpu.sem_alloc : memref<!tpu.dma_semaphore, #tpu.memory_space<semaphore_mem>>
      %dma_start3A_175 = arith.constant 0 : i32
      %dma_start3A_176 = tpu.memref_slice %arg11[%add3A_105, %dma_start3A_175] : memref<10240x128xf32, #tpu.memory_space<vmem_shared>> -> memref<64x128xf32, #tpu.memory_space<vmem_shared>>
      %dma_start3A_177 = arith.constant 0 : i32
      %dma_start3A_178 = tpu.memref_slice %arg11[%add3A_105, %dma_start3A_177] : memref<10240x128xf32, #tpu.memory_space<vmem_shared>> -> memref<64x128xf32, #tpu.memory_space<vmem_shared>>
      tpu.enqueue_dma source(%arg10 : memref<64x128xf32, #tpu.memory_space<vmem>>) target(%dma_start3A_178 : memref<64x128xf32, #tpu.memory_space<vmem_shared>>) target_semaphore(%run_scoped3A_174 : memref<!tpu.dma_semaphore, #tpu.memory_space<semaphore_mem>>)
      %dma_wait3A = arith.constant 0 : i32
      %dma_wait3A_179 = tpu.memref_slice %arg11[%add3A_105, %dma_wait3A] : memref<10240x128xf32, #tpu.memory_space<vmem_shared>> -> memref<64x128xf32, #tpu.memory_space<vmem_shared>>
      %dma_wait3A_180 = arith.constant 0 : i32
      %dma_wait3A_181 = tpu.memref_slice %arg11[%add3A_105, %dma_wait3A_180] : memref<10240x128xf32, #tpu.memory_space<vmem_shared>> -> memref<64x128xf32, #tpu.memory_space<vmem_shared>>
      tpu.wait_dma2 semaphore(%run_scoped3A_174 : memref<!tpu.dma_semaphore, #tpu.memory_space<semaphore_mem>>) src(%arg10 : memref<64x128xf32, #tpu.memory_space<vmem>>) dst(%dma_wait3A_181 : memref<64x128xf32, #tpu.memory_space<vmem_shared>>)
      tpu.yield
    }) : () -> ()
    %mul3A_106 = arith.constant 640 : i32
    %mul3A_107 = arith.muli %arg1, %mul3A_106 : i32
    %add3A_108 = arith.constant 320 : i32
    %add3A_109 = arith.addi %mul3A_107, %add3A_108 : i32
    "tpu.region"() ({
      %run_scoped3A_174 = tpu.sem_alloc : memref<!tpu.dma_semaphore, #tpu.memory_space<semaphore_mem>>
      %dma_start3A_175 = arith.constant 0 : i32
      %dma_start3A_176 = tpu.memref_slice %arg11[%add3A_109, %dma_start3A_175] : memref<10240x128xf32, #tpu.memory_space<vmem_shared>> -> memref<64x128xf32, #tpu.memory_space<vmem_shared>>
      %dma_start3A_177 = arith.constant 0 : i32
      %dma_start3A_178 = tpu.memref_slice %arg11[%add3A_109, %dma_start3A_177] : memref<10240x128xf32, #tpu.memory_space<vmem_shared>> -> memref<64x128xf32, #tpu.memory_space<vmem_shared>>
      tpu.enqueue_dma source(%arg10 : memref<64x128xf32, #tpu.memory_space<vmem>>) target(%dma_start3A_178 : memref<64x128xf32, #tpu.memory_space<vmem_shared>>) target_semaphore(%run_scoped3A_174 : memref<!tpu.dma_semaphore, #tpu.memory_space<semaphore_mem>>)
      %dma_wait3A = arith.constant 0 : i32
      %dma_wait3A_179 = tpu.memref_slice %arg11[%add3A_109, %dma_wait3A] : memref<10240x128xf32, #tpu.memory_space<vmem_shared>> -> memref<64x128xf32, #tpu.memory_space<vmem_shared>>
      %dma_wait3A_180 = arith.constant 0 : i32
      %dma_wait3A_181 = tpu.memref_slice %arg11[%add3A_109, %dma_wait3A_180] : memref<10240x128xf32, #tpu.memory_space<vmem_shared>> -> memref<64x128xf32, #tpu.memory_space<vmem_shared>>
      tpu.wait_dma2 semaphore(%run_scoped3A_174 : memref<!tpu.dma_semaphore, #tpu.memory_space<semaphore_mem>>) src(%arg10 : memref<64x128xf32, #tpu.memory_space<vmem>>) dst(%dma_wait3A_181 : memref<64x128xf32, #tpu.memory_space<vmem_shared>>)
      tpu.yield
    }) : () -> ()
    %mul3A_110 = arith.constant 640 : i32
    %mul3A_111 = arith.muli %arg1, %mul3A_110 : i32
    %add3A_112 = arith.constant 384 : i32
    %add3A_113 = arith.addi %mul3A_111, %add3A_112 : i32
    "tpu.region"() ({
      %run_scoped3A_174 = tpu.sem_alloc : memref<!tpu.dma_semaphore, #tpu.memory_space<semaphore_mem>>
      %dma_start3A_175 = arith.constant 0 : i32
      %dma_start3A_176 = tpu.memref_slice %arg11[%add3A_113, %dma_start3A_175] : memref<10240x128xf32, #tpu.memory_space<vmem_shared>> -> memref<64x128xf32, #tpu.memory_space<vmem_shared>>
      %dma_start3A_177 = arith.constant 0 : i32
      %dma_start3A_178 = tpu.memref_slice %arg11[%add3A_113, %dma_start3A_177] : memref<10240x128xf32, #tpu.memory_space<vmem_shared>> -> memref<64x128xf32, #tpu.memory_space<vmem_shared>>
      tpu.enqueue_dma source(%arg10 : memref<64x128xf32, #tpu.memory_space<vmem>>) target(%dma_start3A_178 : memref<64x128xf32, #tpu.memory_space<vmem_shared>>) target_semaphore(%run_scoped3A_174 : memref<!tpu.dma_semaphore, #tpu.memory_space<semaphore_mem>>)
      %dma_wait3A = arith.constant 0 : i32
      %dma_wait3A_179 = tpu.memref_slice %arg11[%add3A_113, %dma_wait3A] : memref<10240x128xf32, #tpu.memory_space<vmem_shared>> -> memref<64x128xf32, #tpu.memory_space<vmem_shared>>
      %dma_wait3A_180 = arith.constant 0 : i32
      %dma_wait3A_181 = tpu.memref_slice %arg11[%add3A_113, %dma_wait3A_180] : memref<10240x128xf32, #tpu.memory_space<vmem_shared>> -> memref<64x128xf32, #tpu.memory_space<vmem_shared>>
      tpu.wait_dma2 semaphore(%run_scoped3A_174 : memref<!tpu.dma_semaphore, #tpu.memory_space<semaphore_mem>>) src(%arg10 : memref<64x128xf32, #tpu.memory_space<vmem>>) dst(%dma_wait3A_181 : memref<64x128xf32, #tpu.memory_space<vmem_shared>>)
      tpu.yield
    }) : () -> ()
    %mul3A_114 = arith.constant 640 : i32
    %mul3A_115 = arith.muli %arg1, %mul3A_114 : i32
    %add3A_116 = arith.constant 448 : i32
    %add3A_117 = arith.addi %mul3A_115, %add3A_116 : i32
    "tpu.region"() ({
      %run_scoped3A_174 = tpu.sem_alloc : memref<!tpu.dma_semaphore, #tpu.memory_space<semaphore_mem>>
      %dma_start3A_175 = arith.constant 0 : i32
      %dma_start3A_176 = tpu.memref_slice %arg11[%add3A_117, %dma_start3A_175] : memref<10240x128xf32, #tpu.memory_space<vmem_shared>> -> memref<64x128xf32, #tpu.memory_space<vmem_shared>>
      %dma_start3A_177 = arith.constant 0 : i32
      %dma_start3A_178 = tpu.memref_slice %arg11[%add3A_117, %dma_start3A_177] : memref<10240x128xf32, #tpu.memory_space<vmem_shared>> -> memref<64x128xf32, #tpu.memory_space<vmem_shared>>
      tpu.enqueue_dma source(%arg10 : memref<64x128xf32, #tpu.memory_space<vmem>>) target(%dma_start3A_178 : memref<64x128xf32, #tpu.memory_space<vmem_shared>>) target_semaphore(%run_scoped3A_174 : memref<!tpu.dma_semaphore, #tpu.memory_space<semaphore_mem>>)
      %dma_wait3A = arith.constant 0 : i32
      %dma_wait3A_179 = tpu.memref_slice %arg11[%add3A_117, %dma_wait3A] : memref<10240x128xf32, #tpu.memory_space<vmem_shared>> -> memref<64x128xf32, #tpu.memory_space<vmem_shared>>
      %dma_wait3A_180 = arith.constant 0 : i32
      %dma_wait3A_181 = tpu.memref_slice %arg11[%add3A_117, %dma_wait3A_180] : memref<10240x128xf32, #tpu.memory_space<vmem_shared>> -> memref<64x128xf32, #tpu.memory_space<vmem_shared>>
      tpu.wait_dma2 semaphore(%run_scoped3A_174 : memref<!tpu.dma_semaphore, #tpu.memory_space<semaphore_mem>>) src(%arg10 : memref<64x128xf32, #tpu.memory_space<vmem>>) dst(%dma_wait3A_181 : memref<64x128xf32, #tpu.memory_space<vmem_shared>>)
      tpu.yield
    }) : () -> ()
    %mul3A_118 = arith.constant 640 : i32
    %mul3A_119 = arith.muli %arg1, %mul3A_118 : i32
    %add3A_120 = arith.constant 512 : i32
    %add3A_121 = arith.addi %mul3A_119, %add3A_120 : i32
    "tpu.region"() ({
      %run_scoped3A_174 = tpu.sem_alloc : memref<!tpu.dma_semaphore, #tpu.memory_space<semaphore_mem>>
      %dma_start3A_175 = arith.constant 0 : i32
      %dma_start3A_176 = tpu.memref_slice %arg11[%add3A_121, %dma_start3A_175] : memref<10240x128xf32, #tpu.memory_space<vmem_shared>> -> memref<64x128xf32, #tpu.memory_space<vmem_shared>>
      %dma_start3A_177 = arith.constant 0 : i32
      %dma_start3A_178 = tpu.memref_slice %arg11[%add3A_121, %dma_start3A_177] : memref<10240x128xf32, #tpu.memory_space<vmem_shared>> -> memref<64x128xf32, #tpu.memory_space<vmem_shared>>
      tpu.enqueue_dma source(%arg10 : memref<64x128xf32, #tpu.memory_space<vmem>>) target(%dma_start3A_178 : memref<64x128xf32, #tpu.memory_space<vmem_shared>>) target_semaphore(%run_scoped3A_174 : memref<!tpu.dma_semaphore, #tpu.memory_space<semaphore_mem>>)
      %dma_wait3A = arith.constant 0 : i32
      %dma_wait3A_179 = tpu.memref_slice %arg11[%add3A_121, %dma_wait3A] : memref<10240x128xf32, #tpu.memory_space<vmem_shared>> -> memref<64x128xf32, #tpu.memory_space<vmem_shared>>
      %dma_wait3A_180 = arith.constant 0 : i32
      %dma_wait3A_181 = tpu.memref_slice %arg11[%add3A_121, %dma_wait3A_180] : memref<10240x128xf32, #tpu.memory_space<vmem_shared>> -> memref<64x128xf32, #tpu.memory_space<vmem_shared>>
      tpu.wait_dma2 semaphore(%run_scoped3A_174 : memref<!tpu.dma_semaphore, #tpu.memory_space<semaphore_mem>>) src(%arg10 : memref<64x128xf32, #tpu.memory_space<vmem>>) dst(%dma_wait3A_181 : memref<64x128xf32, #tpu.memory_space<vmem_shared>>)
      tpu.yield
    }) : () -> ()
    %mul3A_122 = arith.constant 640 : i32
    %mul3A_123 = arith.muli %arg1, %mul3A_122 : i32
    %add3A_124 = arith.constant 576 : i32
    %add3A_125 = arith.addi %mul3A_123, %add3A_124 : i32
    "tpu.region"() ({
      %run_scoped3A_174 = tpu.sem_alloc : memref<!tpu.dma_semaphore, #tpu.memory_space<semaphore_mem>>
      %dma_start3A_175 = arith.constant 0 : i32
      %dma_start3A_176 = tpu.memref_slice %arg11[%add3A_125, %dma_start3A_175] : memref<10240x128xf32, #tpu.memory_space<vmem_shared>> -> memref<64x128xf32, #tpu.memory_space<vmem_shared>>
      %dma_start3A_177 = arith.constant 0 : i32
      %dma_start3A_178 = tpu.memref_slice %arg11[%add3A_125, %dma_start3A_177] : memref<10240x128xf32, #tpu.memory_space<vmem_shared>> -> memref<64x128xf32, #tpu.memory_space<vmem_shared>>
      tpu.enqueue_dma source(%arg10 : memref<64x128xf32, #tpu.memory_space<vmem>>) target(%dma_start3A_178 : memref<64x128xf32, #tpu.memory_space<vmem_shared>>) target_semaphore(%run_scoped3A_174 : memref<!tpu.dma_semaphore, #tpu.memory_space<semaphore_mem>>)
      %dma_wait3A = arith.constant 0 : i32
      %dma_wait3A_179 = tpu.memref_slice %arg11[%add3A_125, %dma_wait3A] : memref<10240x128xf32, #tpu.memory_space<vmem_shared>> -> memref<64x128xf32, #tpu.memory_space<vmem_shared>>
      %dma_wait3A_180 = arith.constant 0 : i32
      %dma_wait3A_181 = tpu.memref_slice %arg11[%add3A_125, %dma_wait3A_180] : memref<10240x128xf32, #tpu.memory_space<vmem_shared>> -> memref<64x128xf32, #tpu.memory_space<vmem_shared>>
      tpu.wait_dma2 semaphore(%run_scoped3A_174 : memref<!tpu.dma_semaphore, #tpu.memory_space<semaphore_mem>>) src(%arg10 : memref<64x128xf32, #tpu.memory_space<vmem>>) dst(%dma_wait3A_181 : memref<64x128xf32, #tpu.memory_space<vmem_shared>>)
      tpu.yield
    }) : () -> ()
    %barrier3A_126 = arith.constant 0 : index
    tpu.barrier barrier_id(%barrier3A_126)
    %dma_start3A_127 = arith.constant 1 : i32
    %dma_start3A_128 = arith.constant 0 : i32
    %dma_start3A_129 = arith.constant 0 : i32
    %dma_start3A_130 = arith.constant 0 : i32
    %dma_start3A_131 = arith.constant 0 : i32
    %dma_start3A_132 = tpu.memref_slice %arg9[%dma_start3A_129, %dma_start3A_130, %dma_start3A_131] : memref<2x100x128xf32, #tpu.memory_space<vmem>> -> memref<1x100x128xf32, #tpu.memory_space<vmem>>
    %dma_start3A_133 = tpu.memref_squeeze %dma_start3A_132 : memref<1x100x128xf32, #tpu.memory_space<vmem>> -> memref<100x128xf32, #tpu.memory_space<vmem>>
    %dma_start3A_134 = arith.constant 0 : i32
    %dma_start3A_135 = tpu.memref_slice %arg7[%dma_start3A_128, %dma_start3A_134] : memref<50x100xi32, #tpu.memory_space<vmem>> -> memref<1x100xi32, #tpu.memory_space<vmem>>
    %dma_start3A_136 = tpu.memref_squeeze %dma_start3A_135 : memref<1x100xi32, #tpu.memory_space<vmem>> -> memref<100xi32, #tpu.memory_space<vmem>>
    %dma_start3A_137 = arith.constant 0 : i32
    %dma_start3A_138 = arith.constant 0 : i32
    %dma_start3A_139 = tpu.memref_slice %arg2[%dma_start3A_127, %dma_start3A_137, %dma_start3A_138] : memref<2x10000x128xf32, #tpu.memory_space<hbm>> -> memref<1x10000x128xf32, #tpu.memory_space<hbm>>
    %dma_start3A_140 = tpu.memref_squeeze %dma_start3A_139 : memref<1x10000x128xf32, #tpu.memory_space<hbm>> -> memref<10000x128xf32, #tpu.memory_space<hbm>>
    %dma_start3A_141 = arith.constant 0 : i32
    %dma_start3A_142 = arith.constant 0 : i32
    %dma_start3A_143 = tpu.memref_slice %dma_start3A_140[%dma_start3A_141, %dma_start3A_142] : memref<10000x128xf32, #tpu.memory_space<hbm>> -> memref<10000x128xf32, #tpu.memory_space<hbm>>
    tpu.enqueue_indirect_dma source(%dma_start3A_143 : memref<10000x128xf32, #tpu.memory_space<hbm>>) target(%dma_start3A_133 : memref<100x128xf32, #tpu.memory_space<vmem>>) offsets(%dma_start3A_136 : memref<100xi32, #tpu.memory_space<vmem>>) semaphore(%arg12 : memref<!tpu.dma_semaphore, #tpu.memory_space<semaphore_mem>>)
    %dma_start3A_144 = arith.constant 1 : i32
    %dma_start3A_145 = arith.constant 1 : i32
    %dma_start3A_146 = arith.constant 1 : i32
    %dma_start3A_147 = arith.constant 0 : i32
    %dma_start3A_148 = arith.constant 0 : i32
    %dma_start3A_149 = tpu.memref_slice %arg9[%dma_start3A_146, %dma_start3A_147, %dma_start3A_148] : memref<2x100x128xf32, #tpu.memory_space<vmem>> -> memref<1x100x128xf32, #tpu.memory_space<vmem>>
    %dma_start3A_150 = tpu.memref_squeeze %dma_start3A_149 : memref<1x100x128xf32, #tpu.memory_space<vmem>> -> memref<100x128xf32, #tpu.memory_space<vmem>>
    %dma_start3A_151 = arith.constant 0 : i32
    %dma_start3A_152 = tpu.memref_slice %arg7[%dma_start3A_145, %dma_start3A_151] : memref<50x100xi32, #tpu.memory_space<vmem>> -> memref<1x100xi32, #tpu.memory_space<vmem>>
    %dma_start3A_153 = tpu.memref_squeeze %dma_start3A_152 : memref<1x100xi32, #tpu.memory_space<vmem>> -> memref<100xi32, #tpu.memory_space<vmem>>
    %dma_start3A_154 = arith.constant 0 : i32
    %dma_start3A_155 = arith.constant 0 : i32
    %dma_start3A_156 = tpu.memref_slice %arg2[%dma_start3A_144, %dma_start3A_154, %dma_start3A_155] : memref<2x10000x128xf32, #tpu.memory_space<hbm>> -> memref<1x10000x128xf32, #tpu.memory_space<hbm>>
    %dma_start3A_157 = tpu.memref_squeeze %dma_start3A_156 : memref<1x10000x128xf32, #tpu.memory_space<hbm>> -> memref<10000x128xf32, #tpu.memory_space<hbm>>
    %dma_start3A_158 = arith.constant 0 : i32
    %dma_start3A_159 = arith.constant 0 : i32
    %dma_start3A_160 = tpu.memref_slice %dma_start3A_157[%dma_start3A_158, %dma_start3A_159] : memref<10000x128xf32, #tpu.memory_space<hbm>> -> memref<10000x128xf32, #tpu.memory_space<hbm>>
    tpu.enqueue_indirect_dma source(%dma_start3A_160 : memref<10000x128xf32, #tpu.memory_space<hbm>>) target(%dma_start3A_150 : memref<100x128xf32, #tpu.memory_space<vmem>>) offsets(%dma_start3A_153 : memref<100xi32, #tpu.memory_space<vmem>>) semaphore(%arg13 : memref<!tpu.dma_semaphore, #tpu.memory_space<semaphore_mem>>)
    %scan3A_161 = arith.constant 0 : i32
    %scan3A_162 = arith.constant 1 : i32
    %scan3A_163 = arith.constant 0 : i32
    %scan3A_164 = arith.constant 25 : i32
    %scan3A_165 = arith.addi %scan3A_163, %scan3A_164 : i32
    %scan3A_166 = arith.constant 1 : i32
    scf.for %scan3A_174 = %scan3A_163 to %scan3A_165 step %scan3A_166  : i32 {
      %mul3A_175 = arith.constant 2 : i32
      %mul3A_176 = arith.muli %scan3A_174, %mul3A_175 : i32
      %add3A_177 = arith.constant 0 : i32
      %add3A_178 = arith.addi %mul3A_176, %add3A_177 : i32
      %dma_wait3A = arith.constant 0 : i32
      %dma_wait3A_179 = arith.constant 0 : i32
      %dma_wait3A_180 = arith.constant 0 : i32
      %dma_wait3A_181 = tpu.memref_slice %arg9[%dma_wait3A, %dma_wait3A_179, %dma_wait3A_180] : memref<2x100x128xf32, #tpu.memory_space<vmem>> -> memref<1x100x128xf32, #tpu.memory_space<vmem>>
      %dma_wait3A_182 = tpu.memref_squeeze %dma_wait3A_181 : memref<1x100x128xf32, #tpu.memory_space<vmem>> -> memref<100x128xf32, #tpu.memory_space<vmem>>
      %dma_wait3A_183 = arith.constant 0 : i32
      %dma_wait3A_184 = tpu.memref_slice %arg7[%add3A_178, %dma_wait3A_183] : memref<50x100xi32, #tpu.memory_space<vmem>> -> memref<1x100xi32, #tpu.memory_space<vmem>>
      %dma_wait3A_185 = tpu.memref_squeeze %dma_wait3A_184 : memref<1x100xi32, #tpu.memory_space<vmem>> -> memref<100xi32, #tpu.memory_space<vmem>>
      %dma_wait3A_186 = arith.constant 0 : i32
      %dma_wait3A_187 = arith.constant 0 : i32
      %dma_wait3A_188 = tpu.memref_slice %arg2[%scan3A_162, %dma_wait3A_186, %dma_wait3A_187] : memref<2x10000x128xf32, #tpu.memory_space<hbm>> -> memref<1x10000x128xf32, #tpu.memory_space<hbm>>
      %dma_wait3A_189 = tpu.memref_squeeze %dma_wait3A_188 : memref<1x10000x128xf32, #tpu.memory_space<hbm>> -> memref<10000x128xf32, #tpu.memory_space<hbm>>
      %dma_wait3A_190 = arith.constant 0 : i32
      %dma_wait3A_191 = arith.constant 0 : i32
      %dma_wait3A_192 = tpu.memref_slice %dma_wait3A_189[%dma_wait3A_190, %dma_wait3A_191] : memref<10000x128xf32, #tpu.memory_space<hbm>> -> memref<10000x128xf32, #tpu.memory_space<hbm>>
      tpu.wait_indirect_dma semaphore(%arg12 : memref<!tpu.dma_semaphore, #tpu.memory_space<semaphore_mem>>) src(%dma_wait3A_192 : memref<10000x128xf32, #tpu.memory_space<hbm>>) dst(%dma_wait3A_182 : memref<100x128xf32, #tpu.memory_space<vmem>>)
      %run_scoped3A_193 = arith.constant 0 : i32
      "tpu.region"() ({
        %run_scoped3A_225 = tpu.sem_alloc : memref<!tpu.dma_semaphore, #tpu.memory_space<semaphore_mem>>
        %dma_start3A_226 = arith.constant 0 : i32
        %dma_start3A_227 = arith.constant 0 : i32
        %dma_start3A_228 = tpu.memref_slice %arg9[%run_scoped3A_193, %dma_start3A_226, %dma_start3A_227] : memref<2x100x128xf32, #tpu.memory_space<vmem>> -> memref<1x100x128xf32, #tpu.memory_space<vmem>>
        %dma_start3A_229 = tpu.memref_squeeze %dma_start3A_228 : memref<1x100x128xf32, #tpu.memory_space<vmem>> -> memref<100x128xf32, #tpu.memory_space<vmem>>
        %dma_start3A_230 = arith.constant 0 : i32
        %dma_start3A_231 = tpu.memref_slice %arg8[%add3A_178, %dma_start3A_230] : memref<50x100xi32, #tpu.memory_space<vmem>> -> memref<1x100xi32, #tpu.memory_space<vmem>>
        %dma_start3A_232 = tpu.memref_squeeze %dma_start3A_231 : memref<1x100xi32, #tpu.memory_space<vmem>> -> memref<100xi32, #tpu.memory_space<vmem>>
        %dma_start3A_233 = arith.constant 0 : i32
        %dma_start3A_234 = arith.constant 0 : i32
        %dma_start3A_235 = tpu.memref_slice %arg11[%dma_start3A_233, %dma_start3A_234] : memref<10240x128xf32, #tpu.memory_space<vmem_shared>> -> memref<10240x128xf32, #tpu.memory_space<vmem_shared>>
        tpu.enqueue_indirect_dma source(%dma_start3A_229 : memref<100x128xf32, #tpu.memory_space<vmem>>) target(%dma_start3A_235 : memref<10240x128xf32, #tpu.memory_space<vmem_shared>>) offsets(%dma_start3A_232 : memref<100xi32, #tpu.memory_space<vmem>>) semaphore(%run_scoped3A_225 : memref<!tpu.dma_semaphore, #tpu.memory_space<semaphore_mem>>) {add = true}
        %dma_wait3A_236 = arith.constant 0 : i32
        %dma_wait3A_237 = arith.constant 0 : i32
        %dma_wait3A_238 = tpu.memref_slice %arg9[%run_scoped3A_193, %dma_wait3A_236, %dma_wait3A_237] : memref<2x100x128xf32, #tpu.memory_space<vmem>> -> memref<1x100x128xf32, #tpu.memory_space<vmem>>
        %dma_wait3A_239 = tpu.memref_squeeze %dma_wait3A_238 : memref<1x100x128xf32, #tpu.memory_space<vmem>> -> memref<100x128xf32, #tpu.memory_space<vmem>>
        %dma_wait3A_240 = arith.constant 0 : i32
        %dma_wait3A_241 = tpu.memref_slice %arg8[%add3A_178, %dma_wait3A_240] : memref<50x100xi32, #tpu.memory_space<vmem>> -> memref<1x100xi32, #tpu.memory_space<vmem>>
        %dma_wait3A_242 = tpu.memref_squeeze %dma_wait3A_241 : memref<1x100xi32, #tpu.memory_space<vmem>> -> memref<100xi32, #tpu.memory_space<vmem>>
        %dma_wait3A_243 = arith.constant 0 : i32
        %dma_wait3A_244 = arith.constant 0 : i32
        %dma_wait3A_245 = tpu.memref_slice %arg11[%dma_wait3A_243, %dma_wait3A_244] : memref<10240x128xf32, #tpu.memory_space<vmem_shared>> -> memref<10240x128xf32, #tpu.memory_space<vmem_shared>>
        tpu.wait_indirect_dma semaphore(%run_scoped3A_225 : memref<!tpu.dma_semaphore, #tpu.memory_space<semaphore_mem>>) src(%dma_wait3A_239 : memref<100x128xf32, #tpu.memory_space<vmem>>) dst(%dma_wait3A_245 : memref<10240x128xf32, #tpu.memory_space<vmem_shared>>)
        tpu.yield
      }) : () -> ()
      %add3A_194 = arith.constant 2 : i32
      %add3A_195 = arith.addi %add3A_178, %add3A_194 : i32
      %lt3A = arith.constant 50 : i32
      %lt3A_196 = arith.cmpi slt, %add3A_195, %lt3A : i32
      %convert_element_type3A = arith.extui %lt3A_196 : i1 to i32
      %cond3A = arith.constant 0 : i32
      %cond3A_197 = arith.cmpi ne, %convert_element_type3A, %cond3A : i32
      scf.if %cond3A_197 {
        %add3A_225 = arith.constant 2 : i32
        %add3A_226 = arith.addi %add3A_178, %add3A_225 : i32
        %dma_start3A_227 = arith.constant 0 : i32
        %dma_start3A_228 = arith.constant 0 : i32
        %dma_start3A_229 = arith.constant 0 : i32
        %dma_start3A_230 = tpu.memref_slice %arg9[%dma_start3A_227, %dma_start3A_228, %dma_start3A_229] : memref<2x100x128xf32, #tpu.memory_space<vmem>> -> memref<1x100x128xf32, #tpu.memory_space<vmem>>
        %dma_start3A_231 = tpu.memref_squeeze %dma_start3A_230 : memref<1x100x128xf32, #tpu.memory_space<vmem>> -> memref<100x128xf32, #tpu.memory_space<vmem>>
        %dma_start3A_232 = arith.constant 0 : i32
        %dma_start3A_233 = tpu.memref_slice %arg7[%add3A_226, %dma_start3A_232] : memref<50x100xi32, #tpu.memory_space<vmem>> -> memref<1x100xi32, #tpu.memory_space<vmem>>
        %dma_start3A_234 = tpu.memref_squeeze %dma_start3A_233 : memref<1x100xi32, #tpu.memory_space<vmem>> -> memref<100xi32, #tpu.memory_space<vmem>>
        %dma_start3A_235 = arith.constant 0 : i32
        %dma_start3A_236 = arith.constant 0 : i32
        %dma_start3A_237 = tpu.memref_slice %arg2[%scan3A_162, %dma_start3A_235, %dma_start3A_236] : memref<2x10000x128xf32, #tpu.memory_space<hbm>> -> memref<1x10000x128xf32, #tpu.memory_space<hbm>>
        %dma_start3A_238 = tpu.memref_squeeze %dma_start3A_237 : memref<1x10000x128xf32, #tpu.memory_space<hbm>> -> memref<10000x128xf32, #tpu.memory_space<hbm>>
        %dma_start3A_239 = arith.constant 0 : i32
        %dma_start3A_240 = arith.constant 0 : i32
        %dma_start3A_241 = tpu.memref_slice %dma_start3A_238[%dma_start3A_239, %dma_start3A_240] : memref<10000x128xf32, #tpu.memory_space<hbm>> -> memref<10000x128xf32, #tpu.memory_space<hbm>>
        tpu.enqueue_indirect_dma source(%dma_start3A_241 : memref<10000x128xf32, #tpu.memory_space<hbm>>) target(%dma_start3A_231 : memref<100x128xf32, #tpu.memory_space<vmem>>) offsets(%dma_start3A_234 : memref<100xi32, #tpu.memory_space<vmem>>) semaphore(%arg12 : memref<!tpu.dma_semaphore, #tpu.memory_space<semaphore_mem>>)
      } else {
      }
      %mul3A_198 = arith.constant 2 : i32
      %mul3A_199 = arith.muli %scan3A_174, %mul3A_198 : i32
      %add3A_200 = arith.constant 1 : i32
      %add3A_201 = arith.addi %mul3A_199, %add3A_200 : i32
      %dma_wait3A_202 = arith.constant 1 : i32
      %dma_wait3A_203 = arith.constant 0 : i32
      %dma_wait3A_204 = arith.constant 0 : i32
      %dma_wait3A_205 = tpu.memref_slice %arg9[%dma_wait3A_202, %dma_wait3A_203, %dma_wait3A_204] : memref<2x100x128xf32, #tpu.memory_space<vmem>> -> memref<1x100x128xf32, #tpu.memory_space<vmem>>
      %dma_wait3A_206 = tpu.memref_squeeze %dma_wait3A_205 : memref<1x100x128xf32, #tpu.memory_space<vmem>> -> memref<100x128xf32, #tpu.memory_space<vmem>>
      %dma_wait3A_207 = arith.constant 0 : i32
      %dma_wait3A_208 = tpu.memref_slice %arg7[%add3A_201, %dma_wait3A_207] : memref<50x100xi32, #tpu.memory_space<vmem>> -> memref<1x100xi32, #tpu.memory_space<vmem>>
      %dma_wait3A_209 = tpu.memref_squeeze %dma_wait3A_208 : memref<1x100xi32, #tpu.memory_space<vmem>> -> memref<100xi32, #tpu.memory_space<vmem>>
      %dma_wait3A_210 = arith.constant 0 : i32
      %dma_wait3A_211 = arith.constant 0 : i32
      %dma_wait3A_212 = tpu.memref_slice %arg2[%scan3A_162, %dma_wait3A_210, %dma_wait3A_211] : memref<2x10000x128xf32, #tpu.memory_space<hbm>> -> memref<1x10000x128xf32, #tpu.memory_space<hbm>>
      %dma_wait3A_213 = tpu.memref_squeeze %dma_wait3A_212 : memref<1x10000x128xf32, #tpu.memory_space<hbm>> -> memref<10000x128xf32, #tpu.memory_space<hbm>>
      %dma_wait3A_214 = arith.constant 0 : i32
      %dma_wait3A_215 = arith.constant 0 : i32
      %dma_wait3A_216 = tpu.memref_slice %dma_wait3A_213[%dma_wait3A_214, %dma_wait3A_215] : memref<10000x128xf32, #tpu.memory_space<hbm>> -> memref<10000x128xf32, #tpu.memory_space<hbm>>
      tpu.wait_indirect_dma semaphore(%arg13 : memref<!tpu.dma_semaphore, #tpu.memory_space<semaphore_mem>>) src(%dma_wait3A_216 : memref<10000x128xf32, #tpu.memory_space<hbm>>) dst(%dma_wait3A_206 : memref<100x128xf32, #tpu.memory_space<vmem>>)
      %run_scoped3A_217 = arith.constant 1 : i32
      "tpu.region"() ({
        %run_scoped3A_225 = tpu.sem_alloc : memref<!tpu.dma_semaphore, #tpu.memory_space<semaphore_mem>>
        %dma_start3A_226 = arith.constant 0 : i32
        %dma_start3A_227 = arith.constant 0 : i32
        %dma_start3A_228 = tpu.memref_slice %arg9[%run_scoped3A_217, %dma_start3A_226, %dma_start3A_227] : memref<2x100x128xf32, #tpu.memory_space<vmem>> -> memref<1x100x128xf32, #tpu.memory_space<vmem>>
        %dma_start3A_229 = tpu.memref_squeeze %dma_start3A_228 : memref<1x100x128xf32, #tpu.memory_space<vmem>> -> memref<100x128xf32, #tpu.memory_space<vmem>>
        %dma_start3A_230 = arith.constant 0 : i32
        %dma_start3A_231 = tpu.memref_slice %arg8[%add3A_201, %dma_start3A_230] : memref<50x100xi32, #tpu.memory_space<vmem>> -> memref<1x100xi32, #tpu.memory_space<vmem>>
        %dma_start3A_232 = tpu.memref_squeeze %dma_start3A_231 : memref<1x100xi32, #tpu.memory_space<vmem>> -> memref<100xi32, #tpu.memory_space<vmem>>
        %dma_start3A_233 = arith.constant 0 : i32
        %dma_start3A_234 = arith.constant 0 : i32
        %dma_start3A_235 = tpu.memref_slice %arg11[%dma_start3A_233, %dma_start3A_234] : memref<10240x128xf32, #tpu.memory_space<vmem_shared>> -> memref<10240x128xf32, #tpu.memory_space<vmem_shared>>
        tpu.enqueue_indirect_dma source(%dma_start3A_229 : memref<100x128xf32, #tpu.memory_space<vmem>>) target(%dma_start3A_235 : memref<10240x128xf32, #tpu.memory_space<vmem_shared>>) offsets(%dma_start3A_232 : memref<100xi32, #tpu.memory_space<vmem>>) semaphore(%run_scoped3A_225 : memref<!tpu.dma_semaphore, #tpu.memory_space<semaphore_mem>>) {add = true}
        %dma_wait3A_236 = arith.constant 0 : i32
        %dma_wait3A_237 = arith.constant 0 : i32
        %dma_wait3A_238 = tpu.memref_slice %arg9[%run_scoped3A_217, %dma_wait3A_236, %dma_wait3A_237] : memref<2x100x128xf32, #tpu.memory_space<vmem>> -> memref<1x100x128xf32, #tpu.memory_space<vmem>>
        %dma_wait3A_239 = tpu.memref_squeeze %dma_wait3A_238 : memref<1x100x128xf32, #tpu.memory_space<vmem>> -> memref<100x128xf32, #tpu.memory_space<vmem>>
        %dma_wait3A_240 = arith.constant 0 : i32
        %dma_wait3A_241 = tpu.memref_slice %arg8[%add3A_201, %dma_wait3A_240] : memref<50x100xi32, #tpu.memory_space<vmem>> -> memref<1x100xi32, #tpu.memory_space<vmem>>
        %dma_wait3A_242 = tpu.memref_squeeze %dma_wait3A_241 : memref<1x100xi32, #tpu.memory_space<vmem>> -> memref<100xi32, #tpu.memory_space<vmem>>
        %dma_wait3A_243 = arith.constant 0 : i32
        %dma_wait3A_244 = arith.constant 0 : i32
        %dma_wait3A_245 = tpu.memref_slice %arg11[%dma_wait3A_243, %dma_wait3A_244] : memref<10240x128xf32, #tpu.memory_space<vmem_shared>> -> memref<10240x128xf32, #tpu.memory_space<vmem_shared>>
        tpu.wait_indirect_dma semaphore(%run_scoped3A_225 : memref<!tpu.dma_semaphore, #tpu.memory_space<semaphore_mem>>) src(%dma_wait3A_239 : memref<100x128xf32, #tpu.memory_space<vmem>>) dst(%dma_wait3A_245 : memref<10240x128xf32, #tpu.memory_space<vmem_shared>>)
        tpu.yield
      }) : () -> ()
      %add3A_218 = arith.constant 2 : i32
      %add3A_219 = arith.addi %add3A_201, %add3A_218 : i32
      %lt3A_220 = arith.constant 50 : i32
      %lt3A_221 = arith.cmpi slt, %add3A_219, %lt3A_220 : i32
      %convert_element_type3A_222 = arith.extui %lt3A_221 : i1 to i32
      %cond3A_223 = arith.constant 0 : i32
      %cond3A_224 = arith.cmpi ne, %convert_element_type3A_222, %cond3A_223 : i32
      scf.if %cond3A_224 {
        %add3A_225 = arith.constant 2 : i32
        %add3A_226 = arith.addi %add3A_201, %add3A_225 : i32
        %dma_start3A_227 = arith.constant 1 : i32
        %dma_start3A_228 = arith.constant 0 : i32
        %dma_start3A_229 = arith.constant 0 : i32
        %dma_start3A_230 = tpu.memref_slice %arg9[%dma_start3A_227, %dma_start3A_228, %dma_start3A_229] : memref<2x100x128xf32, #tpu.memory_space<vmem>> -> memref<1x100x128xf32, #tpu.memory_space<vmem>>
        %dma_start3A_231 = tpu.memref_squeeze %dma_start3A_230 : memref<1x100x128xf32, #tpu.memory_space<vmem>> -> memref<100x128xf32, #tpu.memory_space<vmem>>
        %dma_start3A_232 = arith.constant 0 : i32
        %dma_start3A_233 = tpu.memref_slice %arg7[%add3A_226, %dma_start3A_232] : memref<50x100xi32, #tpu.memory_space<vmem>> -> memref<1x100xi32, #tpu.memory_space<vmem>>
        %dma_start3A_234 = tpu.memref_squeeze %dma_start3A_233 : memref<1x100xi32, #tpu.memory_space<vmem>> -> memref<100xi32, #tpu.memory_space<vmem>>
        %dma_start3A_235 = arith.constant 0 : i32
        %dma_start3A_236 = arith.constant 0 : i32
        %dma_start3A_237 = tpu.memref_slice %arg2[%scan3A_162, %dma_start3A_235, %dma_start3A_236] : memref<2x10000x128xf32, #tpu.memory_space<hbm>> -> memref<1x10000x128xf32, #tpu.memory_space<hbm>>
        %dma_start3A_238 = tpu.memref_squeeze %dma_start3A_237 : memref<1x10000x128xf32, #tpu.memory_space<hbm>> -> memref<10000x128xf32, #tpu.memory_space<hbm>>
        %dma_start3A_239 = arith.constant 0 : i32
        %dma_start3A_240 = arith.constant 0 : i32
        %dma_start3A_241 = tpu.memref_slice %dma_start3A_238[%dma_start3A_239, %dma_start3A_240] : memref<10000x128xf32, #tpu.memory_space<hbm>> -> memref<10000x128xf32, #tpu.memory_space<hbm>>
        tpu.enqueue_indirect_dma source(%dma_start3A_241 : memref<10000x128xf32, #tpu.memory_space<hbm>>) target(%dma_start3A_231 : memref<100x128xf32, #tpu.memory_space<vmem>>) offsets(%dma_start3A_234 : memref<100xi32, #tpu.memory_space<vmem>>) semaphore(%arg13 : memref<!tpu.dma_semaphore, #tpu.memory_space<semaphore_mem>>)
      } else {
      }
    }
    %scan3A_167 = arith.constant 25 : i32
    %barrier3A_168 = arith.constant 0 : index
    tpu.barrier barrier_id(%barrier3A_168)
    %mul3A_169 = arith.constant 640 : i32
    %mul3A_170 = arith.muli %arg1, %mul3A_169 : i32
    %mul3A_171 = arith.constant 640 : i32
    %mul3A_172 = arith.muli %arg1, %mul3A_171 : i32
    %run_scoped3A_173 = arith.constant 1 : i32
    "tpu.region"() ({
      %run_scoped3A_174 = tpu.sem_alloc : memref<!tpu.dma_semaphore, #tpu.memory_space<semaphore_mem>>
      %dma_start3A_175 = arith.constant 0 : i32
      %dma_start3A_176 = tpu.memref_slice %arg6[%run_scoped3A_173, %arg0, %mul3A_172, %dma_start3A_175] : memref<2x2x10240x128xf32, #tpu.memory_space<hbm>> -> memref<1x1x640x128xf32, #tpu.memory_space<hbm>>
      %dma_start3A_177 = tpu.memref_squeeze %dma_start3A_176 : memref<1x1x640x128xf32, #tpu.memory_space<hbm>> -> memref<640x128xf32, #tpu.memory_space<hbm>>
      %dma_start3A_178 = arith.constant 0 : i32
      %dma_start3A_179 = tpu.memref_slice %arg11[%mul3A_170, %dma_start3A_178] : memref<10240x128xf32, #tpu.memory_space<vmem_shared>> -> memref<640x128xf32, #tpu.memory_space<vmem_shared>>
      tpu.enqueue_dma source(%dma_start3A_179 : memref<640x128xf32, #tpu.memory_space<vmem_shared>>) target(%dma_start3A_177 : memref<640x128xf32, #tpu.memory_space<hbm>>) target_semaphore(%run_scoped3A_174 : memref<!tpu.dma_semaphore, #tpu.memory_space<semaphore_mem>>)
      %dma_wait3A = arith.constant 0 : i32
      %dma_wait3A_180 = tpu.memref_slice %arg6[%run_scoped3A_173, %arg0, %mul3A_172, %dma_wait3A] : memref<2x2x10240x128xf32, #tpu.memory_space<hbm>> -> memref<1x1x640x128xf32, #tpu.memory_space<hbm>>
      %dma_wait3A_181 = tpu.memref_squeeze %dma_wait3A_180 : memref<1x1x640x128xf32, #tpu.memory_space<hbm>> -> memref<640x128xf32, #tpu.memory_space<hbm>>
      %dma_wait3A_182 = arith.constant 0 : i32
      %dma_wait3A_183 = tpu.memref_slice %arg11[%mul3A_170, %dma_wait3A_182] : memref<10240x128xf32, #tpu.memory_space<vmem_shared>> -> memref<640x128xf32, #tpu.memory_space<vmem_shared>>
      tpu.wait_dma2 semaphore(%run_scoped3A_174 : memref<!tpu.dma_semaphore, #tpu.memory_space<semaphore_mem>>) src(%dma_wait3A_183 : memref<640x128xf32, #tpu.memory_space<vmem_shared>>) dst(%dma_wait3A_181 : memref<640x128xf32, #tpu.memory_space<hbm>>)
      tpu.yield
    }) : () -> ()
    return
  }
}

module attributes {stable_mosaic.version = 14 : i64} {
  func.func @_t1_body(%arg0: i32, %arg1: memref<1x2x1000x128xf32, #tpu.memory_space<vmem>>, %arg2: memref<1000x256xf32, #tpu.memory_space<vmem>>, %arg3: memref<1000x1xf32, #tpu.memory_space<vmem>>, %arg4: memref<2x1000x128xf32, #tpu.memory_space<vmem>>) attributes {dimension_semantics = [#tpu.dimension_semantics<arbitrary>], iteration_bounds = array<i64: 10>, scalar_prefetch = 0 : i64, scratch_operands = 0 : i64, tpu.core_type = #tpu.core_type<tc>, window_params = [{transform_indices = @transform_0, window_bounds = array<i64: 1, 2, 1000, 128>}, {transform_indices = @transform_1, window_bounds = array<i64: 1000, 256>}, {transform_indices = @transform_2, window_bounds = array<i64: 1000, 1>}, {transform_indices = @transform_3, window_bounds = array<i64: 2, 1000, 128>}]} {
    %get3A = arith.constant 0 : index
    %get3A_0 = arith.constant 0 : index
    %get3A_1 = arith.constant 0 : index
    %get3A_2 = arith.constant 0 : index
    %get3A_3 = vector.load %arg1[%get3A, %get3A_0, %get3A_1, %get3A_2] : memref<1x2x1000x128xf32, #tpu.memory_space<vmem>>, vector<1x2x1000x128xf32>
    %slice3A = vector.extract_strided_slice %get3A_3 {offsets = [0, 0, 0, 0], sizes = [1, 1, 1000, 1], strides = [1, 1, 1, 1]} : vector<1x2x1000x128xf32> to vector<1x1x1000x1xf32>
    %squeeze3A = vector.shape_cast %slice3A : vector<1x1x1000x1xf32> to vector<1000xf32>
    %add3A = arith.constant 1.000000e+00 : f32
    %add3A_4 = vector.broadcast %add3A : f32 to vector<1000xf32>
    %add3A_5 = arith.addf %add3A_4, %squeeze3A : vector<1000xf32>
    %slice3A_6 = vector.extract_strided_slice %get3A_3 {offsets = [0, 1, 0, 0], sizes = [1, 1, 1000, 1], strides = [1, 1, 1, 1]} : vector<1x2x1000x128xf32> to vector<1x1x1000x1xf32>
    %squeeze3A_7 = vector.shape_cast %slice3A_6 : vector<1x1x1000x1xf32> to vector<1000xf32>
    %add3A_8 = arith.addf %add3A_5, %squeeze3A_7 : vector<1000xf32>
    %rsqrt3A = math.rsqrt %add3A_8 : vector<1000xf32>
    %broadcast_in_dim3A = vector.shape_cast %rsqrt3A : vector<1000xf32> to vector<1000x1xf32>
    %swap3A = arith.constant 0 : index
    %swap3A_9 = arith.constant 0 : index
    %swap3A_10 = vector.load %arg3[%swap3A, %swap3A_9] : memref<1000x1xf32, #tpu.memory_space<vmem>>, vector<1000x1xf32>
    tpu.vector_store %arg3[%swap3A, %swap3A_9], %broadcast_in_dim3A {strides = array<i32>} : memref<1000x1xf32, #tpu.memory_space<vmem>>, vector<1000x1xf32>,
    %get3A_11 = arith.constant 0 : index
    %get3A_12 = arith.constant 0 : index
    %get3A_13 = vector.load %arg2[%get3A_11, %get3A_12] : memref<1000x256xf32, #tpu.memory_space<vmem>>, vector<1000x256xf32>
    %mul3A = vector.broadcast %broadcast_in_dim3A : vector<1000x1xf32> to vector<1000x256xf32>
    %mul3A_14 = arith.mulf %mul3A, %get3A_13 : vector<1000x256xf32>
    %slice3A_15 = vector.extract_strided_slice %mul3A_14 {offsets = [0, 0], sizes = [1000, 128], strides = [1, 1]} : vector<1000x256xf32> to vector<1000x128xf32>
    %swap3A_16 = arith.constant 0 : index
    %swap3A_17 = arith.constant 0 : index
    %swap3A_18 = arith.constant 0 : index
    %swap3A_19 = vector.load %arg4[%swap3A_16, %swap3A_17, %swap3A_18] : memref<2x1000x128xf32, #tpu.memory_space<vmem>>, vector<1x1000x128xf32>
    %swap3A_20 = vector.shape_cast %swap3A_19 : vector<1x1000x128xf32> to vector<1000x128xf32>
    %swap3A_21 = vector.shape_cast %slice3A_15 : vector<1000x128xf32> to vector<1x1000x128xf32>
    tpu.vector_store %arg4[%swap3A_16, %swap3A_17, %swap3A_18], %swap3A_21 {strides = array<i32>} : memref<2x1000x128xf32, #tpu.memory_space<vmem>>, vector<1x1000x128xf32>,
    %slice3A_22 = vector.extract_strided_slice %mul3A_14 {offsets = [0, 128], sizes = [1000, 128], strides = [1, 1]} : vector<1000x256xf32> to vector<1000x128xf32>
    %swap3A_23 = arith.constant 1 : index
    %swap3A_24 = arith.constant 0 : index
    %swap3A_25 = arith.constant 0 : index
    %swap3A_26 = vector.load %arg4[%swap3A_23, %swap3A_24, %swap3A_25] : memref<2x1000x128xf32, #tpu.memory_space<vmem>>, vector<1x1000x128xf32>
    %swap3A_27 = vector.shape_cast %swap3A_26 : vector<1x1000x128xf32> to vector<1000x128xf32>
    %swap3A_28 = vector.shape_cast %slice3A_22 : vector<1000x128xf32> to vector<1x1000x128xf32>
    tpu.vector_store %arg4[%swap3A_23, %swap3A_24, %swap3A_25], %swap3A_28 {strides = array<i32>} : memref<2x1000x128xf32, #tpu.memory_space<vmem>>, vector<1x1000x128xf32>,
    return
  }
  func.func @transform_0(%arg0: i32) -> (i32, i32, i32, i32) {
    %c0_i32 = arith.constant 0 : i32
    %c0_i32_0 = arith.constant 0 : i32
    %c0_i32_1 = arith.constant 0 : i32
    %c0_i32_2 = arith.constant 0 : i32
    return %c0_i32, %c0_i32_0, %arg0, %c0_i32_1 : i32, i32, i32, i32
  }
  func.func @transform_1(%arg0: i32) -> (i32, i32) {
    %c0_i32 = arith.constant 0 : i32
    %c0_i32_0 = arith.constant 0 : i32
    return %arg0, %c0_i32 : i32, i32
  }
  func.func @transform_2(%arg0: i32) -> (i32, i32) {
    %c0_i32 = arith.constant 0 : i32
    %c0_i32_0 = arith.constant 0 : i32
    return %arg0, %c0_i32 : i32, i32
  }
  func.func @transform_3(%arg0: i32) -> (i32, i32, i32) {
    %c0_i32 = arith.constant 0 : i32
    %c0_i32_0 = arith.constant 0 : i32
    %c0_i32_1 = arith.constant 0 : i32
    return %c0_i32, %arg0, %c0_i32_0 : i32, i32, i32
  }
}

module attributes {stable_mosaic.version = 14 : i64} {
  func.func @_t2_body(%arg0: i32, %arg1: memref<2x2x1000x128xf32, #tpu.memory_space<vmem>>, %arg2: memref<2x1000x128xf32, #tpu.memory_space<vmem>>, %arg3: memref<1000x1xf32, #tpu.memory_space<vmem>>, %arg4: memref<256x512xf32, #tpu.memory_space<vmem>>, %arg5: memref<1x512xf32, #tpu.memory_space<vmem>>, %arg6: memref<4x1000x128xf32, #tpu.memory_space<vmem>>) attributes {dimension_semantics = [#tpu.dimension_semantics<arbitrary>], iteration_bounds = array<i64: 10>, scalar_prefetch = 0 : i64, scratch_operands = 0 : i64, tpu.core_type = #tpu.core_type<tc>, window_params = [{transform_indices = @transform_0, window_bounds = array<i64: 2, 2, 1000, 128>}, {transform_indices = @transform_1, window_bounds = array<i64: 2, 1000, 128>}, {transform_indices = @transform_2, window_bounds = array<i64: 1000, 1>}, {pipeline_mode = #tpu.pipeline_mode<synchronous>, transform_indices = @transform_3, window_bounds = array<i64: 256, 512>}, {pipeline_mode = #tpu.pipeline_mode<synchronous>, transform_indices = @transform_4, window_bounds = array<i64: 1, 512>}, {transform_indices = @transform_5, window_bounds = array<i64: 4, 1000, 128>}]} {
    %get3A = arith.constant 0 : index
    %get3A_0 = arith.constant 0 : index
    %get3A_1 = vector.load %arg3[%get3A, %get3A_0] : memref<1000x1xf32, #tpu.memory_space<vmem>>, vector<1000x1xf32>
    %get3A_2 = arith.constant 0 : index
    %get3A_3 = arith.constant 0 : index
    %get3A_4 = arith.constant 0 : index
    %get3A_5 = arith.constant 0 : index
    %get3A_6 = vector.load %arg1[%get3A_2, %get3A_3, %get3A_4, %get3A_5] : memref<2x2x1000x128xf32, #tpu.memory_space<vmem>>, vector<1x1x1000x128xf32>
    %get3A_7 = vector.shape_cast %get3A_6 : vector<1x1x1000x128xf32> to vector<1000x128xf32>
    %get3A_8 = arith.constant 0 : index
    %get3A_9 = arith.constant 1 : index
    %get3A_10 = arith.constant 0 : index
    %get3A_11 = arith.constant 0 : index
    %get3A_12 = vector.load %arg1[%get3A_8, %get3A_9, %get3A_10, %get3A_11] : memref<2x2x1000x128xf32, #tpu.memory_space<vmem>>, vector<1x1x1000x128xf32>
    %get3A_13 = vector.shape_cast %get3A_12 : vector<1x1x1000x128xf32> to vector<1000x128xf32>
    %add3A = arith.addf %get3A_7, %get3A_13 : vector<1000x128xf32>
    %get3A_14 = arith.constant 0 : index
    %get3A_15 = arith.constant 0 : index
    %get3A_16 = arith.constant 0 : index
    %get3A_17 = vector.load %arg2[%get3A_14, %get3A_15, %get3A_16] : memref<2x1000x128xf32, #tpu.memory_space<vmem>>, vector<1x1000x128xf32>
    %get3A_18 = vector.shape_cast %get3A_17 : vector<1x1000x128xf32> to vector<1000x128xf32>
    %add3A_19 = arith.addf %add3A, %get3A_18 : vector<1000x128xf32>
    %mul3A = vector.broadcast %get3A_1 : vector<1000x1xf32> to vector<1000x128xf32>
    %mul3A_20 = arith.mulf %mul3A, %add3A_19 : vector<1000x128xf32>
    %get3A_21 = arith.constant 1 : index
    %get3A_22 = arith.constant 0 : index
    %get3A_23 = arith.constant 0 : index
    %get3A_24 = arith.constant 0 : index
    %get3A_25 = vector.load %arg1[%get3A_21, %get3A_22, %get3A_23, %get3A_24] : memref<2x2x1000x128xf32, #tpu.memory_space<vmem>>, vector<1x1x1000x128xf32>
    %get3A_26 = vector.shape_cast %get3A_25 : vector<1x1x1000x128xf32> to vector<1000x128xf32>
    %get3A_27 = arith.constant 1 : index
    %get3A_28 = arith.constant 1 : index
    %get3A_29 = arith.constant 0 : index
    %get3A_30 = arith.constant 0 : index
    %get3A_31 = vector.load %arg1[%get3A_27, %get3A_28, %get3A_29, %get3A_30] : memref<2x2x1000x128xf32, #tpu.memory_space<vmem>>, vector<1x1x1000x128xf32>
    %get3A_32 = vector.shape_cast %get3A_31 : vector<1x1x1000x128xf32> to vector<1000x128xf32>
    %add3A_33 = arith.addf %get3A_26, %get3A_32 : vector<1000x128xf32>
    %get3A_34 = arith.constant 1 : index
    %get3A_35 = arith.constant 0 : index
    %get3A_36 = arith.constant 0 : index
    %get3A_37 = vector.load %arg2[%get3A_34, %get3A_35, %get3A_36] : memref<2x1000x128xf32, #tpu.memory_space<vmem>>, vector<1x1000x128xf32>
    %get3A_38 = vector.shape_cast %get3A_37 : vector<1x1000x128xf32> to vector<1000x128xf32>
    %add3A_39 = arith.addf %add3A_33, %get3A_38 : vector<1000x128xf32>
    %mul3A_40 = vector.broadcast %get3A_1 : vector<1000x1xf32> to vector<1000x128xf32>
    %mul3A_41 = arith.mulf %mul3A_40, %add3A_39 : vector<1000x128xf32>
    %concatenate3A = tpu.concatenate %mul3A_20, %mul3A_41 in 1 : vector<1000x128xf32>, vector<1000x128xf32> -> vector<1000x256xf32>
    %get3A_42 = arith.constant 0 : index
    %get3A_43 = arith.constant 0 : index
    %get3A_44 = vector.load %arg4[%get3A_42, %get3A_43] : memref<256x512xf32, #tpu.memory_space<vmem>>, vector<256x512xf32>
    %dot_general3A = arith.constant dense<0.000000e+00> : vector<1000x512xf32>
    %dot_general3A_45 = tpu.matmul %concatenate3A, %get3A_44, %dot_general3A {dimension_numbers = #tpu.dot_dimension_numbers<[1], [0], [0], [1], [0, 0, 1, 1], [], []>, transpose_lhs_hint = false} : vector<1000x256xf32>, vector<256x512xf32>, vector<1000x512xf32> -> vector<1000x512xf32>
    %get3A_46 = arith.constant 0 : index
    %get3A_47 = arith.constant 0 : index
    %get3A_48 = vector.load %arg5[%get3A_46, %get3A_47] : memref<1x512xf32, #tpu.memory_space<vmem>>, vector<1x512xf32>
    %add3A_49 = vector.broadcast %get3A_48 : vector<1x512xf32> to vector<1000x512xf32>
    %add3A_50 = arith.addf %dot_general3A_45, %add3A_49 : vector<1000x512xf32>
    %max3A = arith.constant 0.000000e+00 : f32
    %max3A_51 = vector.broadcast %max3A : f32 to vector<1000x512xf32>
    %max3A_52 = arith.maximumf %add3A_50, %max3A_51 : vector<1000x512xf32>
    %mul3A_53 = vector.broadcast %get3A_1 : vector<1000x1xf32> to vector<1000x512xf32>
    %mul3A_54 = arith.mulf %mul3A_53, %max3A_52 : vector<1000x512xf32>
    %slice3A = vector.extract_strided_slice %mul3A_54 {offsets = [0, 0], sizes = [1000, 128], strides = [1, 1]} : vector<1000x512xf32> to vector<1000x128xf32>
    %swap3A = arith.constant 0 : index
    %swap3A_55 = arith.constant 0 : index
    %swap3A_56 = arith.constant 0 : index
    %swap3A_57 = vector.load %arg6[%swap3A, %swap3A_55, %swap3A_56] : memref<4x1000x128xf32, #tpu.memory_space<vmem>>, vector<1x1000x128xf32>
    %swap3A_58 = vector.shape_cast %swap3A_57 : vector<1x1000x128xf32> to vector<1000x128xf32>
    %swap3A_59 = vector.shape_cast %slice3A : vector<1000x128xf32> to vector<1x1000x128xf32>
    tpu.vector_store %arg6[%swap3A, %swap3A_55, %swap3A_56], %swap3A_59 {strides = array<i32>} : memref<4x1000x128xf32, #tpu.memory_space<vmem>>, vector<1x1000x128xf32>,
    %slice3A_60 = vector.extract_strided_slice %mul3A_54 {offsets = [0, 128], sizes = [1000, 128], strides = [1, 1]} : vector<1000x512xf32> to vector<1000x128xf32>
    %swap3A_61 = arith.constant 1 : index
    %swap3A_62 = arith.constant 0 : index
    %swap3A_63 = arith.constant 0 : index
    %swap3A_64 = vector.load %arg6[%swap3A_61, %swap3A_62, %swap3A_63] : memref<4x1000x128xf32, #tpu.memory_space<vmem>>, vector<1x1000x128xf32>
    %swap3A_65 = vector.shape_cast %swap3A_64 : vector<1x1000x128xf32> to vector<1000x128xf32>
    %swap3A_66 = vector.shape_cast %slice3A_60 : vector<1000x128xf32> to vector<1x1000x128xf32>
    tpu.vector_store %arg6[%swap3A_61, %swap3A_62, %swap3A_63], %swap3A_66 {strides = array<i32>} : memref<4x1000x128xf32, #tpu.memory_space<vmem>>, vector<1x1000x128xf32>,
    %slice3A_67 = vector.extract_strided_slice %mul3A_54 {offsets = [0, 256], sizes = [1000, 128], strides = [1, 1]} : vector<1000x512xf32> to vector<1000x128xf32>
    %swap3A_68 = arith.constant 2 : index
    %swap3A_69 = arith.constant 0 : index
    %swap3A_70 = arith.constant 0 : index
    %swap3A_71 = vector.load %arg6[%swap3A_68, %swap3A_69, %swap3A_70] : memref<4x1000x128xf32, #tpu.memory_space<vmem>>, vector<1x1000x128xf32>
    %swap3A_72 = vector.shape_cast %swap3A_71 : vector<1x1000x128xf32> to vector<1000x128xf32>
    %swap3A_73 = vector.shape_cast %slice3A_67 : vector<1000x128xf32> to vector<1x1000x128xf32>
    tpu.vector_store %arg6[%swap3A_68, %swap3A_69, %swap3A_70], %swap3A_73 {strides = array<i32>} : memref<4x1000x128xf32, #tpu.memory_space<vmem>>, vector<1x1000x128xf32>,
    %slice3A_74 = vector.extract_strided_slice %mul3A_54 {offsets = [0, 384], sizes = [1000, 128], strides = [1, 1]} : vector<1000x512xf32> to vector<1000x128xf32>
    %swap3A_75 = arith.constant 3 : index
    %swap3A_76 = arith.constant 0 : index
    %swap3A_77 = arith.constant 0 : index
    %swap3A_78 = vector.load %arg6[%swap3A_75, %swap3A_76, %swap3A_77] : memref<4x1000x128xf32, #tpu.memory_space<vmem>>, vector<1x1000x128xf32>
    %swap3A_79 = vector.shape_cast %swap3A_78 : vector<1x1000x128xf32> to vector<1000x128xf32>
    %swap3A_80 = vector.shape_cast %slice3A_74 : vector<1000x128xf32> to vector<1x1000x128xf32>
    tpu.vector_store %arg6[%swap3A_75, %swap3A_76, %swap3A_77], %swap3A_80 {strides = array<i32>} : memref<4x1000x128xf32, #tpu.memory_space<vmem>>, vector<1x1000x128xf32>,
    return
  }
  func.func @transform_0(%arg0: i32) -> (i32, i32, i32, i32) {
    %c0_i32 = arith.constant 0 : i32
    %c0_i32_0 = arith.constant 0 : i32
    %c0_i32_1 = arith.constant 0 : i32
    %c0_i32_2 = arith.constant 0 : i32
    return %c0_i32, %c0_i32_0, %arg0, %c0_i32_1 : i32, i32, i32, i32
  }
  func.func @transform_1(%arg0: i32) -> (i32, i32, i32) {
    %c0_i32 = arith.constant 0 : i32
    %c0_i32_0 = arith.constant 0 : i32
    %c0_i32_1 = arith.constant 0 : i32
    return %c0_i32, %arg0, %c0_i32_0 : i32, i32, i32
  }
  func.func @transform_2(%arg0: i32) -> (i32, i32) {
    %c0_i32 = arith.constant 0 : i32
    %c0_i32_0 = arith.constant 0 : i32
    return %arg0, %c0_i32 : i32, i32
  }
  func.func @transform_3(%arg0: i32) -> (i32, i32) {
    %c0_i32 = arith.constant 0 : i32
    %c0_i32_0 = arith.constant 0 : i32
    %c0_i32_1 = arith.constant 0 : i32
    return %c0_i32, %c0_i32_0 : i32, i32
  }
  func.func @transform_4(%arg0: i32) -> (i32, i32) {
    %c0_i32 = arith.constant 0 : i32
    %c0_i32_0 = arith.constant 0 : i32
    %c0_i32_1 = arith.constant 0 : i32
    return %c0_i32, %c0_i32_0 : i32, i32
  }
  func.func @transform_5(%arg0: i32) -> (i32, i32, i32) {
    %c0_i32 = arith.constant 0 : i32
    %c0_i32_0 = arith.constant 0 : i32
    %c0_i32_1 = arith.constant 0 : i32
    return %c0_i32, %arg0, %c0_i32_0 : i32, i32, i32
  }
}

module attributes {stable_mosaic.version = 14 : i64} {
  func.func @_t3_body(%arg0: i32, %arg1: memref<4x2x1000x128xf32, #tpu.memory_space<vmem>>, %arg2: memref<4x1000x128xf32, #tpu.memory_space<vmem>>, %arg3: memref<1000x1xf32, #tpu.memory_space<vmem>>, %arg4: memref<512x512xf32, #tpu.memory_space<vmem>>, %arg5: memref<1x512xf32, #tpu.memory_space<vmem>>, %arg6: memref<512x256xf32, #tpu.memory_space<vmem>>, %arg7: memref<2x1000x128xf32, #tpu.memory_space<vmem>>) attributes {dimension_semantics = [#tpu.dimension_semantics<arbitrary>], iteration_bounds = array<i64: 10>, scalar_prefetch = 0 : i64, scratch_operands = 0 : i64, tpu.core_type = #tpu.core_type<tc>, window_params = [{transform_indices = @transform_0, window_bounds = array<i64: 4, 2, 1000, 128>}, {transform_indices = @transform_1, window_bounds = array<i64: 4, 1000, 128>}, {transform_indices = @transform_2, window_bounds = array<i64: 1000, 1>}, {pipeline_mode = #tpu.pipeline_mode<synchronous>, transform_indices = @transform_3, window_bounds = array<i64: 512, 512>}, {pipeline_mode = #tpu.pipeline_mode<synchronous>, transform_indices = @transform_4, window_bounds = array<i64: 1, 512>}, {pipeline_mode = #tpu.pipeline_mode<synchronous>, transform_indices = @transform_5, window_bounds = array<i64: 512, 256>}, {transform_indices = @transform_6, window_bounds = array<i64: 2, 1000, 128>}]} {
    %get3A = arith.constant 0 : index
    %get3A_0 = arith.constant 0 : index
    %get3A_1 = vector.load %arg3[%get3A, %get3A_0] : memref<1000x1xf32, #tpu.memory_space<vmem>>, vector<1000x1xf32>
    %get3A_2 = arith.constant 0 : index
    %get3A_3 = arith.constant 0 : index
    %get3A_4 = arith.constant 0 : index
    %get3A_5 = arith.constant 0 : index
    %get3A_6 = vector.load %arg1[%get3A_2, %get3A_3, %get3A_4, %get3A_5] : memref<4x2x1000x128xf32, #tpu.memory_space<vmem>>, vector<1x1x1000x128xf32>
    %get3A_7 = vector.shape_cast %get3A_6 : vector<1x1x1000x128xf32> to vector<1000x128xf32>
    %get3A_8 = arith.constant 0 : index
    %get3A_9 = arith.constant 1 : index
    %get3A_10 = arith.constant 0 : index
    %get3A_11 = arith.constant 0 : index
    %get3A_12 = vector.load %arg1[%get3A_8, %get3A_9, %get3A_10, %get3A_11] : memref<4x2x1000x128xf32, #tpu.memory_space<vmem>>, vector<1x1x1000x128xf32>
    %get3A_13 = vector.shape_cast %get3A_12 : vector<1x1x1000x128xf32> to vector<1000x128xf32>
    %add3A = arith.addf %get3A_7, %get3A_13 : vector<1000x128xf32>
    %get3A_14 = arith.constant 0 : index
    %get3A_15 = arith.constant 0 : index
    %get3A_16 = arith.constant 0 : index
    %get3A_17 = vector.load %arg2[%get3A_14, %get3A_15, %get3A_16] : memref<4x1000x128xf32, #tpu.memory_space<vmem>>, vector<1x1000x128xf32>
    %get3A_18 = vector.shape_cast %get3A_17 : vector<1x1000x128xf32> to vector<1000x128xf32>
    %add3A_19 = arith.addf %add3A, %get3A_18 : vector<1000x128xf32>
    %mul3A = vector.broadcast %get3A_1 : vector<1000x1xf32> to vector<1000x128xf32>
    %mul3A_20 = arith.mulf %mul3A, %add3A_19 : vector<1000x128xf32>
    %get3A_21 = arith.constant 1 : index
    %get3A_22 = arith.constant 0 : index
    %get3A_23 = arith.constant 0 : index
    %get3A_24 = arith.constant 0 : index
    %get3A_25 = vector.load %arg1[%get3A_21, %get3A_22, %get3A_23, %get3A_24] : memref<4x2x1000x128xf32, #tpu.memory_space<vmem>>, vector<1x1x1000x128xf32>
    %get3A_26 = vector.shape_cast %get3A_25 : vector<1x1x1000x128xf32> to vector<1000x128xf32>
    %get3A_27 = arith.constant 1 : index
    %get3A_28 = arith.constant 1 : index
    %get3A_29 = arith.constant 0 : index
    %get3A_30 = arith.constant 0 : index
    %get3A_31 = vector.load %arg1[%get3A_27, %get3A_28, %get3A_29, %get3A_30] : memref<4x2x1000x128xf32, #tpu.memory_space<vmem>>, vector<1x1x1000x128xf32>
    %get3A_32 = vector.shape_cast %get3A_31 : vector<1x1x1000x128xf32> to vector<1000x128xf32>
    %add3A_33 = arith.addf %get3A_26, %get3A_32 : vector<1000x128xf32>
    %get3A_34 = arith.constant 1 : index
    %get3A_35 = arith.constant 0 : index
    %get3A_36 = arith.constant 0 : index
    %get3A_37 = vector.load %arg2[%get3A_34, %get3A_35, %get3A_36] : memref<4x1000x128xf32, #tpu.memory_space<vmem>>, vector<1x1000x128xf32>
    %get3A_38 = vector.shape_cast %get3A_37 : vector<1x1000x128xf32> to vector<1000x128xf32>
    %add3A_39 = arith.addf %add3A_33, %get3A_38 : vector<1000x128xf32>
    %mul3A_40 = vector.broadcast %get3A_1 : vector<1000x1xf32> to vector<1000x128xf32>
    %mul3A_41 = arith.mulf %mul3A_40, %add3A_39 : vector<1000x128xf32>
    %get3A_42 = arith.constant 2 : index
    %get3A_43 = arith.constant 0 : index
    %get3A_44 = arith.constant 0 : index
    %get3A_45 = arith.constant 0 : index
    %get3A_46 = vector.load %arg1[%get3A_42, %get3A_43, %get3A_44, %get3A_45] : memref<4x2x1000x128xf32, #tpu.memory_space<vmem>>, vector<1x1x1000x128xf32>
    %get3A_47 = vector.shape_cast %get3A_46 : vector<1x1x1000x128xf32> to vector<1000x128xf32>
    %get3A_48 = arith.constant 2 : index
    %get3A_49 = arith.constant 1 : index
    %get3A_50 = arith.constant 0 : index
    %get3A_51 = arith.constant 0 : index
    %get3A_52 = vector.load %arg1[%get3A_48, %get3A_49, %get3A_50, %get3A_51] : memref<4x2x1000x128xf32, #tpu.memory_space<vmem>>, vector<1x1x1000x128xf32>
    %get3A_53 = vector.shape_cast %get3A_52 : vector<1x1x1000x128xf32> to vector<1000x128xf32>
    %add3A_54 = arith.addf %get3A_47, %get3A_53 : vector<1000x128xf32>
    %get3A_55 = arith.constant 2 : index
    %get3A_56 = arith.constant 0 : index
    %get3A_57 = arith.constant 0 : index
    %get3A_58 = vector.load %arg2[%get3A_55, %get3A_56, %get3A_57] : memref<4x1000x128xf32, #tpu.memory_space<vmem>>, vector<1x1000x128xf32>
    %get3A_59 = vector.shape_cast %get3A_58 : vector<1x1000x128xf32> to vector<1000x128xf32>
    %add3A_60 = arith.addf %add3A_54, %get3A_59 : vector<1000x128xf32>
    %mul3A_61 = vector.broadcast %get3A_1 : vector<1000x1xf32> to vector<1000x128xf32>
    %mul3A_62 = arith.mulf %mul3A_61, %add3A_60 : vector<1000x128xf32>
    %get3A_63 = arith.constant 3 : index
    %get3A_64 = arith.constant 0 : index
    %get3A_65 = arith.constant 0 : index
    %get3A_66 = arith.constant 0 : index
    %get3A_67 = vector.load %arg1[%get3A_63, %get3A_64, %get3A_65, %get3A_66] : memref<4x2x1000x128xf32, #tpu.memory_space<vmem>>, vector<1x1x1000x128xf32>
    %get3A_68 = vector.shape_cast %get3A_67 : vector<1x1x1000x128xf32> to vector<1000x128xf32>
    %get3A_69 = arith.constant 3 : index
    %get3A_70 = arith.constant 1 : index
    %get3A_71 = arith.constant 0 : index
    %get3A_72 = arith.constant 0 : index
    %get3A_73 = vector.load %arg1[%get3A_69, %get3A_70, %get3A_71, %get3A_72] : memref<4x2x1000x128xf32, #tpu.memory_space<vmem>>, vector<1x1x1000x128xf32>
    %get3A_74 = vector.shape_cast %get3A_73 : vector<1x1x1000x128xf32> to vector<1000x128xf32>
    %add3A_75 = arith.addf %get3A_68, %get3A_74 : vector<1000x128xf32>
    %get3A_76 = arith.constant 3 : index
    %get3A_77 = arith.constant 0 : index
    %get3A_78 = arith.constant 0 : index
    %get3A_79 = vector.load %arg2[%get3A_76, %get3A_77, %get3A_78] : memref<4x1000x128xf32, #tpu.memory_space<vmem>>, vector<1x1000x128xf32>
    %get3A_80 = vector.shape_cast %get3A_79 : vector<1x1000x128xf32> to vector<1000x128xf32>
    %add3A_81 = arith.addf %add3A_75, %get3A_80 : vector<1000x128xf32>
    %mul3A_82 = vector.broadcast %get3A_1 : vector<1000x1xf32> to vector<1000x128xf32>
    %mul3A_83 = arith.mulf %mul3A_82, %add3A_81 : vector<1000x128xf32>
    %concatenate3A = tpu.concatenate %mul3A_20, %mul3A_41, %mul3A_62, %mul3A_83 in 1 : vector<1000x128xf32>, vector<1000x128xf32>, vector<1000x128xf32>, vector<1000x128xf32> -> vector<1000x512xf32>
    %get3A_84 = arith.constant 0 : index
    %get3A_85 = arith.constant 0 : index
    %get3A_86 = vector.load %arg4[%get3A_84, %get3A_85] : memref<512x512xf32, #tpu.memory_space<vmem>>, vector<512x512xf32>
    %dot_general3A = arith.constant dense<0.000000e+00> : vector<1000x512xf32>
    %dot_general3A_87 = tpu.matmul %concatenate3A, %get3A_86, %dot_general3A {dimension_numbers = #tpu.dot_dimension_numbers<[1], [0], [0], [1], [0, 0, 1, 1], [], []>, transpose_lhs_hint = false} : vector<1000x512xf32>, vector<512x512xf32>, vector<1000x512xf32> -> vector<1000x512xf32>
    %get3A_88 = arith.constant 0 : index
    %get3A_89 = arith.constant 0 : index
    %get3A_90 = vector.load %arg5[%get3A_88, %get3A_89] : memref<1x512xf32, #tpu.memory_space<vmem>>, vector<1x512xf32>
    %add3A_91 = vector.broadcast %get3A_90 : vector<1x512xf32> to vector<1000x512xf32>
    %add3A_92 = arith.addf %dot_general3A_87, %add3A_91 : vector<1000x512xf32>
    %max3A = arith.constant 0.000000e+00 : f32
    %max3A_93 = vector.broadcast %max3A : f32 to vector<1000x512xf32>
    %max3A_94 = arith.maximumf %add3A_92, %max3A_93 : vector<1000x512xf32>
    %get3A_95 = arith.constant 0 : index
    %get3A_96 = arith.constant 0 : index
    %get3A_97 = vector.load %arg6[%get3A_95, %get3A_96] : memref<512x256xf32, #tpu.memory_space<vmem>>, vector<512x256xf32>
    %dot_general3A_98 = arith.constant dense<0.000000e+00> : vector<1000x256xf32>
    %dot_general3A_99 = tpu.matmul %max3A_94, %get3A_97, %dot_general3A_98 {dimension_numbers = #tpu.dot_dimension_numbers<[1], [0], [0], [1], [0, 0, 1, 1], [], []>, transpose_lhs_hint = false} : vector<1000x512xf32>, vector<512x256xf32>, vector<1000x256xf32> -> vector<1000x256xf32>
    %mul3A_100 = vector.broadcast %get3A_1 : vector<1000x1xf32> to vector<1000x256xf32>
    %mul3A_101 = arith.mulf %mul3A_100, %dot_general3A_99 : vector<1000x256xf32>
    %slice3A = vector.extract_strided_slice %mul3A_101 {offsets = [0, 0], sizes = [1000, 128], strides = [1, 1]} : vector<1000x256xf32> to vector<1000x128xf32>
    %swap3A = arith.constant 0 : index
    %swap3A_102 = arith.constant 0 : index
    %swap3A_103 = arith.constant 0 : index
    %swap3A_104 = vector.load %arg7[%swap3A, %swap3A_102, %swap3A_103] : memref<2x1000x128xf32, #tpu.memory_space<vmem>>, vector<1x1000x128xf32>
    %swap3A_105 = vector.shape_cast %swap3A_104 : vector<1x1000x128xf32> to vector<1000x128xf32>
    %swap3A_106 = vector.shape_cast %slice3A : vector<1000x128xf32> to vector<1x1000x128xf32>
    tpu.vector_store %arg7[%swap3A, %swap3A_102, %swap3A_103], %swap3A_106 {strides = array<i32>} : memref<2x1000x128xf32, #tpu.memory_space<vmem>>, vector<1x1000x128xf32>,
    %slice3A_107 = vector.extract_strided_slice %mul3A_101 {offsets = [0, 128], sizes = [1000, 128], strides = [1, 1]} : vector<1000x256xf32> to vector<1000x128xf32>
    %swap3A_108 = arith.constant 1 : index
    %swap3A_109 = arith.constant 0 : index
    %swap3A_110 = arith.constant 0 : index
    %swap3A_111 = vector.load %arg7[%swap3A_108, %swap3A_109, %swap3A_110] : memref<2x1000x128xf32, #tpu.memory_space<vmem>>, vector<1x1000x128xf32>
    %swap3A_112 = vector.shape_cast %swap3A_111 : vector<1x1000x128xf32> to vector<1000x128xf32>
    %swap3A_113 = vector.shape_cast %slice3A_107 : vector<1000x128xf32> to vector<1x1000x128xf32>
    tpu.vector_store %arg7[%swap3A_108, %swap3A_109, %swap3A_110], %swap3A_113 {strides = array<i32>} : memref<2x1000x128xf32, #tpu.memory_space<vmem>>, vector<1x1000x128xf32>,
    return
  }
  func.func @transform_0(%arg0: i32) -> (i32, i32, i32, i32) {
    %c0_i32 = arith.constant 0 : i32
    %c0_i32_0 = arith.constant 0 : i32
    %c0_i32_1 = arith.constant 0 : i32
    %c0_i32_2 = arith.constant 0 : i32
    return %c0_i32, %c0_i32_0, %arg0, %c0_i32_1 : i32, i32, i32, i32
  }
  func.func @transform_1(%arg0: i32) -> (i32, i32, i32) {
    %c0_i32 = arith.constant 0 : i32
    %c0_i32_0 = arith.constant 0 : i32
    %c0_i32_1 = arith.constant 0 : i32
    return %c0_i32, %arg0, %c0_i32_0 : i32, i32, i32
  }
  func.func @transform_2(%arg0: i32) -> (i32, i32) {
    %c0_i32 = arith.constant 0 : i32
    %c0_i32_0 = arith.constant 0 : i32
    return %arg0, %c0_i32 : i32, i32
  }
  func.func @transform_3(%arg0: i32) -> (i32, i32) {
    %c0_i32 = arith.constant 0 : i32
    %c0_i32_0 = arith.constant 0 : i32
    %c0_i32_1 = arith.constant 0 : i32
    return %c0_i32, %c0_i32_0 : i32, i32
  }
  func.func @transform_4(%arg0: i32) -> (i32, i32) {
    %c0_i32 = arith.constant 0 : i32
    %c0_i32_0 = arith.constant 0 : i32
    %c0_i32_1 = arith.constant 0 : i32
    return %c0_i32, %c0_i32_0 : i32, i32
  }
  func.func @transform_5(%arg0: i32) -> (i32, i32) {
    %c0_i32 = arith.constant 0 : i32
    %c0_i32_0 = arith.constant 0 : i32
    %c0_i32_1 = arith.constant 0 : i32
    return %c0_i32, %c0_i32_0 : i32, i32
  }
  func.func @transform_6(%arg0: i32) -> (i32, i32, i32) {
    %c0_i32 = arith.constant 0 : i32
    %c0_i32_0 = arith.constant 0 : i32
    %c0_i32_1 = arith.constant 0 : i32
    return %c0_i32, %arg0, %c0_i32_0 : i32, i32, i32
  }
}

module attributes {stable_mosaic.version = 14 : i64} {
  func.func @_t4_body(%arg0: i32, %arg1: memref<2x2x1000x128xf32, #tpu.memory_space<vmem>>, %arg2: memref<2x1000x128xf32, #tpu.memory_space<vmem>>, %arg3: memref<1000x1xf32, #tpu.memory_space<vmem>>, %arg4: memref<1x256xf32, #tpu.memory_space<vmem>>, %arg5: memref<1000x256xf32, #tpu.memory_space<vmem>>) attributes {dimension_semantics = [#tpu.dimension_semantics<arbitrary>], iteration_bounds = array<i64: 10>, scalar_prefetch = 0 : i64, scratch_operands = 0 : i64, tpu.core_type = #tpu.core_type<tc>, window_params = [{transform_indices = @transform_0, window_bounds = array<i64: 2, 2, 1000, 128>}, {transform_indices = @transform_1, window_bounds = array<i64: 2, 1000, 128>}, {transform_indices = @transform_2, window_bounds = array<i64: 1000, 1>}, {pipeline_mode = #tpu.pipeline_mode<synchronous>, transform_indices = @transform_3, window_bounds = array<i64: 1, 256>}, {transform_indices = @transform_4, window_bounds = array<i64: 1000, 256>}]} {
    %get3A = arith.constant 0 : index
    %get3A_0 = arith.constant 0 : index
    %get3A_1 = vector.load %arg3[%get3A, %get3A_0] : memref<1000x1xf32, #tpu.memory_space<vmem>>, vector<1000x1xf32>
    %get3A_2 = arith.constant 0 : index
    %get3A_3 = arith.constant 0 : index
    %get3A_4 = arith.constant 0 : index
    %get3A_5 = arith.constant 0 : index
    %get3A_6 = vector.load %arg1[%get3A_2, %get3A_3, %get3A_4, %get3A_5] : memref<2x2x1000x128xf32, #tpu.memory_space<vmem>>, vector<1x1x1000x128xf32>
    %get3A_7 = vector.shape_cast %get3A_6 : vector<1x1x1000x128xf32> to vector<1000x128xf32>
    %get3A_8 = arith.constant 0 : index
    %get3A_9 = arith.constant 1 : index
    %get3A_10 = arith.constant 0 : index
    %get3A_11 = arith.constant 0 : index
    %get3A_12 = vector.load %arg1[%get3A_8, %get3A_9, %get3A_10, %get3A_11] : memref<2x2x1000x128xf32, #tpu.memory_space<vmem>>, vector<1x1x1000x128xf32>
    %get3A_13 = vector.shape_cast %get3A_12 : vector<1x1x1000x128xf32> to vector<1000x128xf32>
    %add3A = arith.addf %get3A_7, %get3A_13 : vector<1000x128xf32>
    %get3A_14 = arith.constant 0 : index
    %get3A_15 = arith.constant 0 : index
    %get3A_16 = arith.constant 0 : index
    %get3A_17 = vector.load %arg2[%get3A_14, %get3A_15, %get3A_16] : memref<2x1000x128xf32, #tpu.memory_space<vmem>>, vector<1x1000x128xf32>
    %get3A_18 = vector.shape_cast %get3A_17 : vector<1x1000x128xf32> to vector<1000x128xf32>
    %add3A_19 = arith.addf %add3A, %get3A_18 : vector<1000x128xf32>
    %mul3A = vector.broadcast %get3A_1 : vector<1000x1xf32> to vector<1000x128xf32>
    %mul3A_20 = arith.mulf %mul3A, %add3A_19 : vector<1000x128xf32>
    %get3A_21 = arith.constant 1 : index
    %get3A_22 = arith.constant 0 : index
    %get3A_23 = arith.constant 0 : index
    %get3A_24 = arith.constant 0 : index
    %get3A_25 = vector.load %arg1[%get3A_21, %get3A_22, %get3A_23, %get3A_24] : memref<2x2x1000x128xf32, #tpu.memory_space<vmem>>, vector<1x1x1000x128xf32>
    %get3A_26 = vector.shape_cast %get3A_25 : vector<1x1x1000x128xf32> to vector<1000x128xf32>
    %get3A_27 = arith.constant 1 : index
    %get3A_28 = arith.constant 1 : index
    %get3A_29 = arith.constant 0 : index
    %get3A_30 = arith.constant 0 : index
    %get3A_31 = vector.load %arg1[%get3A_27, %get3A_28, %get3A_29, %get3A_30] : memref<2x2x1000x128xf32, #tpu.memory_space<vmem>>, vector<1x1x1000x128xf32>
    %get3A_32 = vector.shape_cast %get3A_31 : vector<1x1x1000x128xf32> to vector<1000x128xf32>
    %add3A_33 = arith.addf %get3A_26, %get3A_32 : vector<1000x128xf32>
    %get3A_34 = arith.constant 1 : index
    %get3A_35 = arith.constant 0 : index
    %get3A_36 = arith.constant 0 : index
    %get3A_37 = vector.load %arg2[%get3A_34, %get3A_35, %get3A_36] : memref<2x1000x128xf32, #tpu.memory_space<vmem>>, vector<1x1000x128xf32>
    %get3A_38 = vector.shape_cast %get3A_37 : vector<1x1000x128xf32> to vector<1000x128xf32>
    %add3A_39 = arith.addf %add3A_33, %get3A_38 : vector<1000x128xf32>
    %mul3A_40 = vector.broadcast %get3A_1 : vector<1000x1xf32> to vector<1000x128xf32>
    %mul3A_41 = arith.mulf %mul3A_40, %add3A_39 : vector<1000x128xf32>
    %concatenate3A = tpu.concatenate %mul3A_20, %mul3A_41 in 1 : vector<1000x128xf32>, vector<1000x128xf32> -> vector<1000x256xf32>
    %get3A_42 = arith.constant 0 : index
    %get3A_43 = arith.constant 0 : index
    %get3A_44 = vector.load %arg4[%get3A_42, %get3A_43] : memref<1x256xf32, #tpu.memory_space<vmem>>, vector<1x256xf32>
    %add3A_45 = vector.broadcast %get3A_44 : vector<1x256xf32> to vector<1000x256xf32>
    %add3A_46 = arith.addf %concatenate3A, %add3A_45 : vector<1000x256xf32>
    %swap3A = arith.constant 0 : index
    %swap3A_47 = arith.constant 0 : index
    %swap3A_48 = vector.load %arg5[%swap3A, %swap3A_47] : memref<1000x256xf32, #tpu.memory_space<vmem>>, vector<1000x256xf32>
    tpu.vector_store %arg5[%swap3A, %swap3A_47], %add3A_46 {strides = array<i32>} : memref<1000x256xf32, #tpu.memory_space<vmem>>, vector<1000x256xf32>,
    return
  }
  func.func @transform_0(%arg0: i32) -> (i32, i32, i32, i32) {
    %c0_i32 = arith.constant 0 : i32
    %c0_i32_0 = arith.constant 0 : i32
    %c0_i32_1 = arith.constant 0 : i32
    %c0_i32_2 = arith.constant 0 : i32
    return %c0_i32, %c0_i32_0, %arg0, %c0_i32_1 : i32, i32, i32, i32
  }
  func.func @transform_1(%arg0: i32) -> (i32, i32, i32) {
    %c0_i32 = arith.constant 0 : i32
    %c0_i32_0 = arith.constant 0 : i32
    %c0_i32_1 = arith.constant 0 : i32
    return %c0_i32, %arg0, %c0_i32_0 : i32, i32, i32
  }
  func.func @transform_2(%arg0: i32) -> (i32, i32) {
    %c0_i32 = arith.constant 0 : i32
    %c0_i32_0 = arith.constant 0 : i32
    return %arg0, %c0_i32 : i32, i32
  }
  func.func @transform_3(%arg0: i32) -> (i32, i32) {
    %c0_i32 = arith.constant 0 : i32
    %c0_i32_0 = arith.constant 0 : i32
    %c0_i32_1 = arith.constant 0 : i32
    return %c0_i32, %c0_i32_0 : i32, i32
  }
  func.func @transform_4(%arg0: i32) -> (i32, i32) {
    %c0_i32 = arith.constant 0 : i32
    %c0_i32_0 = arith.constant 0 : i32
    return %arg0, %c0_i32 : i32, i32
  }
}

</mosaic_0001>

<sc_bundles>
// kernel: sc_degree.3.cloned.1.call-start
scs
__scs_entry_jumppad:
0x0: {  	(pc) =	sbr.rel $0x88, $3  }
0x1: {  	(tag) =	ssettag $0x0;
	lr =	simm.s32 $0x1  }
0x2: {  	[smem:$0x3F99] =	sst lr;
	_ =	strace $0xD0000000  }
0x3: {  	_ = 	snop  }
0x4: {  	_ = 	snop  }
0x5: {  	_ = 	snop  }
0x6: {  	_ = 	snop  }
0x7: {  	_ = 	snop  }
__scs_overlays_trampoline_lowered:
0x8: {  	[smem:$0x3FA8] =	sst s0  }
0x9: {  	[smem:$0x3FA9] =	sst s1  }
0xa: {  	[smem:$0x3FAA] =	sst s2  }
0xb: {  	[smem:$0x3FAB] =	sst s3  }
0xc: {  	[smem:$0x3FAC] =	sst s4  }
0xd: {  	[smem:$0x3FAD] =	sst s5  }
0xe: {  	[smem:$0x3FAE] =	sst s6  }
0xf: {  	[smem:$0x3FAF] =	sst s7  }
0x10: {  	[smem:$0x3FB0] =	sst s8  }
0x11: {  	[smem:$0x3FB1] =	sst s9;
	s0 =	simm.s32 @!p0 $0x0  }
0x12: {  	s1 =	sld [smem:$0x3F97];
	s0 =	simm.s32 @p0 $0x1  }
0x13: {  	[smem:$0x3FB2] =	sst s0;
	s0 =	simm.s32 @!p1 $0x0  }
0x14: {  	s2 =	sld [smem:$0x3F96];
	s0 =	simm.s32 @p1 $0x1  }
0x15: {  	[smem:$0x3FB3] =	sst s0;
	s0 =	simm.s32 @!p2 $0x0  }
0x16: {  	s3 =	sld [smem:$0x3FDB];
	s0 =	simm.s32 @p2 $0x1  }
0x17: {  	s4 =	simm.s32 $0x1BF5;
	[smem:$0x3FB5] =	sst s0  }
0x18: {  	s0 =	sld [smem:$0x3F98];
	_ =	swait.ge [sflag:s4], $0x0  }
0x19: {  	s7 =	sld [smem:$0x3F99]  }
0x1a: {  	s8 =	sadd.s32 $0xFFFFE003, lr  }
0x1b: {  	s9 =	sadd.s32 $0xFFFFFEF7, lr;
	s5 =	simm.s32 $0xFFFFFFFF;
	p2 =	slt.u32 s8, $0xFFFFF086  }
0x1c: {  	p1 =	slt.u32 s9, $0xF7A;
	s5 =	simm.s32 @!p2 $0x0  }
0x1d: {  	s5 =	simm.s32 @p1 $0x1;
	p0 =	seq.s32 s7, s2  }
0x1e: {  	s7 =	smul.u32 @!p0 $0xF7A, s2;
	p2 =	seq.s32 @!p0 s5, $0x0  }
0x1f: {  	s9 =	smul.u32 $0xF7A, s1;
	s8 =	simm.s32 @!p0 $0x1BF5;
	p2 =	por !p2, p0  }
0x20: {  	[sflag:s8] =	ssyncset.s32 @!p0 $0xFFFFF086;
	s6 =	sadd.s32 @!p0 s3, s7;
	s7 =	simm.s32 @!p0 $0x108  }
0x21: {  	s3 =	sadd.s32 s3, s9;
	s6 =	sadd.s32 @!p0 $0x88, s6;
	s7 =	simm.s32 @p2 $0x1082  }
0x22: {  	[simem:s7], [sflag:s8] =	dma.local @!p0 [hbm:s6], $0xF7A  }
0x23: {  	s9 =	sor.u32 $0xD0000000, s2;
	s6 =	simm.s32 $0x108;
	_ =	swait.ge @!p0 [sflag:s8], $0x0  }
0x24: {  	s3 =	sadd.s32 $0x88, s3;
	s6 =	simm.s32 @!p1 $0x1082;
	[sflag:s4] =	ssyncset.s32 $0xFFFFF086  }
0x25: {  	[simem:s6], [sflag:s4] =	dma.local [hbm:s3], $0xF7A  }
0x26: {  	[smem:$0x3F99] =	sst s1;
	(tag) =	ssettag s2;
	_ =	strace s9  }
0x27: {  	s1 =	sld [smem:$0x3FA9]  }
0x28: {  	s2 =	sld [smem:$0x3FAA]  }
0x29: {  	s4 =	sld [smem:$0x3FAC]  }
0x2a: {  	p0 =	seq.s32 s5, $0x0;
	s5 =	sld [smem:$0x3FAD]  }
0x2b: {  	s6 =	sld [smem:$0x3FAE]  }
0x2c: {  	s7 =	sld [smem:$0x3FAF]  }
0x2d: {  	s3 =	simm.s32 $0x108;
	s8 =	sld [smem:$0x3FB0]  }
0x2e: {  	s3 =	simm.s32 @!p0 $0x1082;
	s9 =	sld [smem:$0x3FB1]  }
0x2f: {  	lr =	sadd.s32 s0, s3;
	s0 =	sld [smem:$0x3FA8]  }
0x30: {  	s3 =	sld [smem:$0x3FAB]  }
0x31: {  	[smem:$0x3FB4] =	sst s10  }
0x32: {  	s10 =	sld [smem:$0x3FB2];
	_ =	sdelay $0x3  }
0x33: {  	p0 =	seq.s32 s10, $0x1;
	s10 =	sld [smem:$0x3FB4];
	_ =	sdelay $0x3  }
0x34: {  	[smem:$0x3FB4] =	sst s10  }
0x35: {  	s10 =	sld [smem:$0x3FB3];
	_ =	sdelay $0x3  }
0x36: {  	p1 =	seq.s32 s10, $0x1;
	s10 =	sld [smem:$0x3FB4];
	_ =	sdelay $0x3  }
0x37: {  	[smem:$0x3FB4] =	sst s10  }
0x38: {  	s10 =	sld [smem:$0x3FB5]  }
0x39: {  	_ = 	snop;
	(pc) =	sbr.ind lr, $3  }
0x3a: {  	_ = 	snop  }
0x3b: {  	_ = 	snop  }
0x3c: {  	p2 =	seq.s32 s10, $0x1;
	s10 =	sld [smem:$0x3FB4]  }
0x3d: {  	_ =	shalt  }
0x3e: {  	_ =	shalt  }
0x3f: {  	_ =	shalt  }
0x40: {  	_ =	shalt  }
0x41: {  	_ =	shalt  }
0x42: {  	_ =	shalt  }
0x43: {  	_ =	shalt  }
0x44: {  	_ =	shalt  }
0x45: {  	_ =	shalt  }
0x46: {  	_ =	shalt  }
0x47: {  	_ =	shalt  }
0x48: {  	_ =	shalt  }
0x49: {  	_ =	shalt  }
0x4a: {  	_ =	shalt  }
0x4b: {  	_ =	shalt  }
0x4c: {  	_ =	shalt  }
0x4d: {  	_ =	shalt  }
0x4e: {  	_ =	shalt  }
0x4f: {  	_ =	shalt  }
0x50: {  	_ =	shalt  }
0x51: {  	_ =	shalt  }
0x52: {  	_ =	shalt  }
0x53: {  	_ =	shalt  }
0x54: {  	_ =	shalt  }
0x55: {  	_ =	shalt  }
0x56: {  	_ =	shalt  }
0x57: {  	_ =	shalt  }
0x58: {  	_ =	shalt  }
0x59: {  	_ =	shalt  }
0x5a: {  	_ =	shalt  }
0x5b: {  	_ =	shalt  }
0x5c: {  	_ =	shalt  }
0x5d: {  	_ =	shalt  }
0x5e: {  	_ =	shalt  }
0x5f: {  	_ =	shalt  }
0x60: {  	_ =	shalt  }
0x61: {  	_ =	shalt  }
0x62: {  	_ =	shalt  }
0x63: {  	_ =	shalt  }
0x64: {  	_ =	shalt  }
0x65: {  	_ =	shalt  }
0x66: {  	_ =	shalt  }
0x67: {  	_ =	shalt  }
0x68: {  	_ =	shalt  }
0x69: {  	_ =	shalt  }
0x6a: {  	_ =	shalt  }
0x6b: {  	_ =	shalt  }
0x6c: {  	_ =	shalt  }
0x6d: {  	_ =	shalt  }
0x6e: {  	_ =	shalt  }
0x6f: {  	_ =	shalt  }
0x70: {  	_ =	shalt  }
0x71: {  	_ =	shalt  }
0x72: {  	_ =	shalt  }
0x73: {  	_ =	shalt  }
0x74: {  	_ =	shalt  }
0x75: {  	_ =	shalt  }
0x76: {  	_ =	shalt  }
0x77: {  	_ =	shalt  }
0x78: {  	_ =	shalt  }
0x79: {  	_ =	shalt  }
0x7a: {  	_ =	shalt  }
0x7b: {  	_ =	shalt  }
0x7c: {  	_ =	shalt  }
0x7d: {  	_ =	shalt  }
0x7e: {  	_ =	shalt  }
0x7f: {  	_ =	shalt  }
0x80: {  	_ =	shalt  }
0x81: {  	_ =	shalt  }
0x82: {  	_ =	shalt  }
0x83: {  	_ =	shalt  }
0x84: {  	_ =	shalt  }
0x85: {  	_ =	shalt  }
0x86: {  	_ =	shalt  }
0x87: {  	_ =	shalt  }
.Lfunc_end0:
.L_simem_size_0:
called_computation_lowered:
.L_overlay_start_0:
0x88: {  	s2 =	sld [smem:$0x3FD9]  }
0x89: {  	s3 =	sld [smem:$0x3FFE];
	_ =	sdelay $0x1  }
0x8a: {  	s1 =	srdreg.scid  }
0x8b: {  	s0 =	sand.u32 $0x1, s1  }
0x8c: {  	s17 =	sshll.u32 s0, $0xA;
	s2 =	sadd.s32 s3, s2  }
0x8d: {  	s2 =	sadd.s32 s2, s17  }
0x8e: {  	[smem:$0x3FC0] =	sst s2  }
0x8f: {  	_ = 	snop  }
0x90: {  	s2 =	sld [smem:$0x3FD0];
	(tm) =	ssettm $0x1  }
0x91: {  	s18 =	sld [smem:$0x3FFB];
	_ =	sdelay $0x3  }
0x92: {  	_ =	strace s18  }
0x93: {  	s3 =	sld [smem:$0x3FFC];
	_ =	sdelay $0x3  }
0x94: {  	_ =	strace s3  }
0x95: {  	s3 =	sld [smem:$0x3FFD];
	_ =	sdelay $0x3  }
0x96: {  	_ =	strace s3  }
0x97: {  	_ =	strace $0x8FFFFFFF  }
0x98: {  	s19 =	sld [smem:$0x3FDB];
	_ =	sdelay $0x1  }
0x99: {  	s4 =	simm.s32 $_scs_section_size  }
0x9a: {  	s5 =	simm.s32 $_size__tile_overlayer_lowered;
	s6 =	simm.s32 $_tile_overlayer_lowered  }
0x9b: {  	s22 =	simm.s32 $0x1BFF;
	s21 =	sshll.u32 s6, $0x1;
	s3 =	sadd.s32 s4, s19  }
0x9c: {  	s7 =	simm.s32 $0x0;
	s20 =	sshll.u32 s5, $0x1;
	s5 =	sadd.s32 s21, s3  }
0x9d: {  	[timem:s7], [sflag:s22] =	dma.local [hbm:s5], s20  }
0x9e: {  	_ =	swait.ge [sflag:s22], s20  }
0x9f: {  	s4 =	ssub.s32 $0x0, s20;
	[sflag:s22] =	ssyncset.done $0x0  }
0xa0: {  	[sflag:s22] =	ssyncadd.s32 s4;
	_ =	sdelay $0x1  }
0xa1: {  	s23 =	simm.s32 $0x1B8B  }
0xa2: {  	_ =	swait.ge [sflag:s23], $0x1  }
0xa3: {  	[sflag:s23] =	ssyncset.done $0x0  }
0xa4: {  	s25 =	simm.s32 $0x1B8E;
	s24 =	sld [smem:$0x3FFE];
	[sflag:s23] =	ssyncadd.s32 $0xFFFFFFFF  }
0xa5: {  	s26 =	simm.s32 $execute0_lowered;
	[smem:$0x3FD2] =	sst s25  }
0xa6: {  	s5 =	sshll.u32 s26, $0x1;
	_ =	strace $0x80000046;
	[dreg:$0x1] =	wrdreg $0xFFFFFFFF  }
0xa7: {  	s28 =	simm.s32 $_size_execute0_lowered;
	s3 =	sadd.s32 s3, s5;
	[dreg:$0x0] =	wrdreg $0x0  }
0xa8: {  	s5 =	sshll.u32 s28, $0x1;
	[dreg:$0x2] =	wrdreg s3  }
0xa9: {  	[dreg:$0x3] =	wrdreg s5  }
0xaa: {  	[dreg:$0x4] =	wrdreg $0xC0  }
0xab: {  	_ =	task [dreg:s7], $0x5FFFF  }
0xac: {  	[dreg:$0x1] =	wrdreg $0xFFFFFFFF  }
0xad: {  	[dreg:$0x0] =	wrdreg $0x60  }
0xae: {  	[dreg:$0x2] =	wrdreg s2  }
0xaf: {  	[dreg:$0x3] =	wrdreg s24  }
0xb0: {  	[dreg:$0x4] =	wrdreg $0xA4000  }
0xb1: {  	[dreg:$0x5] =	wrdreg $0x9  }
0xb2: {  	_ =	task.clear_ibuf [dreg:s7], $0x6FFFF;
	_ =	strace $0x90000046  }
0xb3: {  	s29 =	simm.s32 $0x9;
	_ =	strace $0x80000048  }
0xb4: {  	_ =	swait.ge [sflag:s29], $0x1  }
0xb5: {  	[sflag:s29] =	ssyncadd.s32 $0xFFFFFFFF  }
0xb6: {  	_ =	strace $0x90000048  }
0xb7: {  	_ =	sfence  }
0xb8: {  	s30 =	sld [smem:$0x0];
	_ =	sdelay $0x2  }
0xb9: {  	s31 =	sshll.u32 s1, $0xD;
	s1 =	sshrl.u32 s1, $0x2  }
0xba: {  	s3 =	sand.u32 $0x4000, s31;
	s1 =	sadd.s32 s1, s30  }
0xbb: {  	s0 =	sor.u32 s3, s0;
	s1 =	sshll.u32 s1, $0x11  }
0xbc: {  	s0 =	sor.u32 s1, s0  }
0xbd: {  	s0 =	sadd.s32 $0x8F2B, s0  }
0xbe: {  	[sflag:s0] =	ssyncadd.remote.s32 $0x1  }
0xbf: {  	_ =	sfence.sel $0xFFFF  }
0xc0: {  	[dreg:$0x0] =	wrdreg $0xFFFFFFFF;
	(pc) =	sbr.abs _section_cstart, $3  }
0xc1: {  	[dreg:$0x1] =	wrdreg $0xFFFFFFFF  }
0xc2: {  	_ =	task.clear_ibuf [dreg:s7], $0x2FFFF;
	_ =	strace $0x9FFFFFFF  }
0xc3: {  	(tm) =	ssettm $0x7FFFFFFF  }
tec
execute0_lowered:
.L_overlay_start_1:
0x0: {  	(tag) =	ssettag $0x1  }
0x1: {  	s1 =	rddreg [dreg:$0x0]  }
0x2: {  	s7 =	rddreg [dreg:$0x1]  }
0x3: {  	s0 =	srdreg.scid;
	s3 =	rddreg [dreg:$0x2]  }
0x4: {  	s4 =	simm.s32 $0x0;
	s19 =	simm.s32 $0x8400;
	s20 =	simm.s32 $0x1  }
0x5: {  	s21 =	simm.s32 $0x1C00;
	s22 =	simm.s32 $0x64;
	s6 =	sand.u32 $0x1, s0  }
0x6: {  	s25 =	simm.s32 $0x0;
	s0 =	stileid.u32;
	s8 =	smul.u32 $0x140000, s6  }
0x7: {  	[smem:$0x7FF] =	sst s4;
	s2 =	sshll.u32 s6, $0x4;
	s9 =	smul.u32 $0x14000, s0  }
0x8: {  	s10 =	smul.u32 $0x50000, s0;
	s29 =	ssub.s32 $0x2, s6;
	s23 =	sshll.u32 s0, $0x6  }
0x9: {  	s2 =	sor.u32 s0, s2;
	s31 =	sshrl.u32 s29, $0x1;
	s23 =	sor.u32 $0x1C01, s23  }
0xa: {  	s5 =	smul.u32 $0x380, s2;
	s2 =	rddreg [dreg:$0x3];
	_ =	strace $0x80000047  }
0xb: {  	s8 =	sadd.s32 s9, s8;
	s30 =	sshrl.u32 s10, $0x2;
	s18 =	ssub.s32 s29, s31  }
0xc: {  	s8 =	sshrl.u32 s8, $0x3;
	s6 =	sadd.s32 s30, s3;
	s18 =	smax.u32 s18, $0x1  }
0xd: {  	s11 =	sadd.s32 s5, s7;
	s5 =	sadd.s32 $0xFE00, s7;
	s17 =	sadd.s32 s8, s7  }
0xe: {  	s8 =	sadd.s32 $0x2000, s6;
	s9 =	sadd.s32 $0x4000, s6;
	s10 =	sadd.s32 $0x6000, s6  }
0xf: {  	s12 =	sadd.s32 $0xA000, s6;
	s13 =	sadd.s32 $0xC000, s6;
	s14 =	sadd.s32 $0xE000, s6  }
0x10: {  	s15 =	sadd.s32 $0x10000, s6;
	s16 =	sadd.s32 $0x12000, s6;
	s24 =	sshrl.u32 s6, $0x3  }
0x11: {  	s7 =	sadd.s32 $0x1E00, s11;
	s11 =	sadd.s32 $0x8000, s6;
	s17 =	sadd.s32 $0x10200, s17  }
.LBB2_1:
0x12: {  	[tilespmem:s19], [sflag:$0x1] =	stream.linear.gather [hbm4b:s5+s4], $0x2000, $0x38;
	[tilespmem:$0x1E400] =	vst v63  }
0x13: {  	_ =	swait.ge [sflag:s20], $0x2000  }
0x14: {  	[sflag:s20] =	ssyncset.done $0x0  }
0x15: {  	[sflag:s20] =	ssyncadd.s32 $0xFFFFE000  }
0x16: {  	[tilespmem:s21], [sflag:$0x1] =	stream.linear.gather [hbm4b:s1+s4], $0x3200, $0x38;
	[tilespmem:$0x1E400] =	vst v63  }
0x17: {  	_ =	swait.ge [sflag:s20], $0x3200  }
0x18: {  	[sflag:s20] =	ssyncset.done $0x0  }
0x19: {  	[sflag:s20] =	ssyncadd.s32 $0xFFFFCE00  }
0x1a: {  	[tilespmem:s4], [sflag:$0x1] =	stream.linear.gather [hbm4b:s7+s4], $0x1900, $0x38;
	[tilespmem:$0x1E400] =	vst v63  }
0x1b: {  	_ =	swait.ge [sflag:s20], $0x1900  }
0x1c: {  	[sflag:s20] =	ssyncset.done $0x0  }
0x1d: {  	[sflag:s20] =	ssyncadd.s32 $0xFFFFE700  }
0x1e: {  	[spmem:s6] =	stream.linear.scatter [tilespmem:s19], [sflag:$0x1], $0x2000, $0x38;
	[tilespmem:$0x1E400] =	vst v63  }
0x1f: {  	_ =	swait.ge [sflag:s20], $0x2000  }
0x20: {  	[sflag:s20] =	ssyncset.done $0x0  }
0x21: {  	[sflag:s20] =	ssyncadd.s32 $0xFFFFE000  }
0x22: {  	[spmem:s8] =	stream.linear.scatter [tilespmem:s19], [sflag:$0x1], $0x2000, $0x38;
	[tilespmem:$0x1E400] =	vst v63  }
0x23: {  	_ =	swait.ge [sflag:s20], $0x2000  }
0x24: {  	[sflag:s20] =	ssyncset.done $0x0  }
0x25: {  	[sflag:s20] =	ssyncadd.s32 $0xFFFFE000  }
0x26: {  	[spmem:s9] =	stream.linear.scatter [tilespmem:s19], [sflag:$0x1], $0x2000, $0x38;
	[tilespmem:$0x1E400] =	vst v63  }
0x27: {  	_ =	swait.ge [sflag:s20], $0x2000  }
0x28: {  	[sflag:s20] =	ssyncset.done $0x0  }
0x29: {  	[sflag:s20] =	ssyncadd.s32 $0xFFFFE000  }
0x2a: {  	[spmem:s10] =	stream.linear.scatter [tilespmem:s19], [sflag:$0x1], $0x2000, $0x38;
	[tilespmem:$0x1E400] =	vst v63  }
0x2b: {  	_ =	swait.ge [sflag:s20], $0x2000  }
0x2c: {  	[sflag:s20] =	ssyncset.done $0x0  }
0x2d: {  	[sflag:s20] =	ssyncadd.s32 $0xFFFFE000  }
0x2e: {  	[spmem:s11] =	stream.linear.scatter [tilespmem:s19], [sflag:$0x1], $0x2000, $0x38;
	[tilespmem:$0x1E400] =	vst v63  }
0x2f: {  	_ =	swait.ge [sflag:s20], $0x2000  }
0x30: {  	[sflag:s20] =	ssyncset.done $0x0  }
0x31: {  	[sflag:s20] =	ssyncadd.s32 $0xFFFFE000  }
0x32: {  	[spmem:s12] =	stream.linear.scatter [tilespmem:s19], [sflag:$0x1], $0x2000, $0x38;
	[tilespmem:$0x1E400] =	vst v63  }
0x33: {  	_ =	swait.ge [sflag:s20], $0x2000  }
0x34: {  	[sflag:s20] =	ssyncset.done $0x0  }
0x35: {  	[sflag:s20] =	ssyncadd.s32 $0xFFFFE000  }
0x36: {  	[spmem:s13] =	stream.linear.scatter [tilespmem:s19], [sflag:$0x1], $0x2000, $0x38;
	[tilespmem:$0x1E400] =	vst v63  }
0x37: {  	_ =	swait.ge [sflag:s20], $0x2000  }
0x38: {  	[sflag:s20] =	ssyncset.done $0x0  }
0x39: {  	[sflag:s20] =	ssyncadd.s32 $0xFFFFE000  }
0x3a: {  	[spmem:s14] =	stream.linear.scatter [tilespmem:s19], [sflag:$0x1], $0x2000, $0x38;
	[tilespmem:$0x1E400] =	vst v63  }
0x3b: {  	_ =	swait.ge [sflag:s20], $0x2000  }
0x3c: {  	[sflag:s20] =	ssyncset.done $0x0  }
0x3d: {  	[sflag:s20] =	ssyncadd.s32 $0xFFFFE000  }
0x3e: {  	[spmem:s15] =	stream.linear.scatter [tilespmem:s19], [sflag:$0x1], $0x2000, $0x38;
	[tilespmem:$0x1E400] =	vst v63  }
0x3f: {  	_ =	swait.ge [sflag:s20], $0x2000  }
0x40: {  	[sflag:s20] =	ssyncset.done $0x0  }
0x41: {  	[sflag:s20] =	ssyncadd.s32 $0xFFFFE000  }
0x42: {  	[spmem:s16] =	stream.linear.scatter [tilespmem:s19], [sflag:$0x1], $0x2000, $0x38;
	[tilespmem:$0x1E400] =	vst v63  }
0x43: {  	_ =	swait.ge [sflag:s20], $0x2000  }
0x44: {  	[sflag:s20] =	ssyncset.done $0x0  }
0x45: {  	[sflag:s20] =	ssyncadd.s32 $0xFFFFE000  }
0x46: {  	s26 =	simm.s32 $0x0;
	[bflag:$0x0] =	sbarrier.arrive $0xFFFF  }
0x47: {  	[spmem:s3] =	stream.indirect.scatter.add.f32 [tilespmem:s21], [sflag:$0x1], $0x80, s26, s22, $0xb8;
	[tilespmem:$0x1E400] =	vst v63  }
0x48: {  	_ =	swait.ge [sflag:s20], $0x3200  }
0x49: {  	s26 =	simm.s32 $0x200;
	[sflag:s20] =	ssyncset.done $0x0  }
.LBB2_2:
0x4a: {  	s28 =	sshra.s32 s26, $0x2;
	[sflag:s20] =	ssyncadd.s32 $0xFFFFCE00;
	p0 =	sne.s32 s26, $0x6200  }
0x4b: {  	[spmem:s3] =	stream.indirect.scatter.add.f32 [tilespmem:s21], [sflag:$0x1], $0x80, s28, s22, $0xb8;
	[tilespmem:$0x1E400] =	vst v63  }
.Ltmp0:
0x4c: {  	_ = 	snop;
	(pc) =	sbr.rel @p0 .LBB2_2-.Ltmp0, $4  }
0x4d: {  	_ = 	snop  }
0x4e: {  	s26 =	sadd.s32 $0x200, s26  }
0x4f: {  	_ =	swait.ge [sflag:s20], $0x3200  }
0x50: {  	[sflag:s20] =	ssyncset.done $0x0  }
0x51: {  	s25 =	sadd.s32 $0x1, s25  }
0x52: {  	[sflag:s20] =	ssyncadd.s32 $0xFFFFCE00;
	p0 =	sne.s32 s25, s18  }
.Ltmp1:
0x53: {  	[bflag:$0x0] =	sbarrier.arrive $0xFFFF;
	(pc) =	sbr.rel @p0 .LBB2_1-.Ltmp1, $4  }
0x54: {  	[hbm:s17], [sflag:s23] =	dma.local [spmem:s24], $0x2800  }
0x55: {  	_ =	swait.ge [sflag:s20], $0x2800  }
0x56: {  	[sflag:s20] =	ssyncset.done $0x0  }
0x57: {  	[sflag:s20] =	ssyncadd.s32 $0xFFFFD800  }
0x58: {  	_ =	sfence.sel $0x180000  }
0x59: {  	[bflag:$0x0] =	sbarrier.arrive $0xFFFF  }
0x5a: {  	p0 =	sne.s32 s0, $0x0;
	_ =	strace $0x90000047  }
0x5b: {  	s0 =	sadd.s32 @!p0 $0x100000, s2;
	[bflag:$0x2] =	sbarrier.arrive $0xFFFF  }
0x5c: {  	[sflag:s0] =	ssyncadd.tile.s32 @!p0 $0x1;
	_ =	shalt  }
.Lfunc_end2:
_tile_overlayer_lowered:
.L_overlay_start_2:
0x5d: {  	(tag) =	ssettag $0x2  }
0x5e: {  	s0 =	rddreg [dreg:$0x0];
	s2 =	stileid.u32  }
0x5f: {  	s1 =	rddreg [dreg:$0x1];
	p0 =	sne.s32 s2, $0x0  }
0x60: {  	s3 =	rddreg [dreg:$0x2];
	[bflag:$0x3] =	sbarrier.arrive $0xFFFF;
	s2 =	simm.s32 @!p0 $0x1C01  }
0x61: {  	[timem:s3], [sflag:s2] =	dma.local @!p0 [hbm:s0], s1  }
0x62: {  	s0 =	simm.s32 @!p0 $0x1  }
0x63: {  	_ =	swait.ge @!p0 [sflag:s0], s1  }
0x64: {  	s1 =	ssub.s32 @!p0 $0x0, s1;
	[sflag:s0] =	ssyncset.done @!p0 $0x0  }
0x65: {  	[sflag:s0] =	ssyncadd.s32 @!p0 s1  }
0x66: {  	[bflag:$0x3] =	sbarrier.arrive $0xFFFF  }
0x67: {  	_ =	shalt  }

// kernel: sc_propagate.11.cloned.1.call-start
scs
__scs_entry_jumppad:
0x0: {  	(pc) =	sbr.rel $0x88, $3  }
0x1: {  	(tag) =	ssettag $0x0;
	lr =	simm.s32 $0x1  }
0x2: {  	[smem:$0x3F99] =	sst lr;
	_ =	strace $0xD0000000  }
0x3: {  	_ = 	snop  }
0x4: {  	_ = 	snop  }
0x5: {  	_ = 	snop  }
0x6: {  	_ = 	snop  }
0x7: {  	_ = 	snop  }
__scs_overlays_trampoline_lowered:
0x8: {  	[smem:$0x3FA8] =	sst s0  }
0x9: {  	[smem:$0x3FA9] =	sst s1  }
0xa: {  	[smem:$0x3FAA] =	sst s2  }
0xb: {  	[smem:$0x3FAB] =	sst s3  }
0xc: {  	[smem:$0x3FAC] =	sst s4  }
0xd: {  	[smem:$0x3FAD] =	sst s5  }
0xe: {  	[smem:$0x3FAE] =	sst s6  }
0xf: {  	[smem:$0x3FAF] =	sst s7  }
0x10: {  	[smem:$0x3FB0] =	sst s8  }
0x11: {  	[smem:$0x3FB1] =	sst s9;
	s0 =	simm.s32 @!p0 $0x0  }
0x12: {  	s1 =	sld [smem:$0x3F97];
	s0 =	simm.s32 @p0 $0x1  }
0x13: {  	[smem:$0x3FB2] =	sst s0;
	s0 =	simm.s32 @!p1 $0x0  }
0x14: {  	s2 =	sld [smem:$0x3F96];
	s0 =	simm.s32 @p1 $0x1  }
0x15: {  	[smem:$0x3FB3] =	sst s0;
	s0 =	simm.s32 @!p2 $0x0  }
0x16: {  	s3 =	sld [smem:$0x3FDB];
	s0 =	simm.s32 @p2 $0x1  }
0x17: {  	s4 =	simm.s32 $0x1BF5;
	[smem:$0x3FB5] =	sst s0  }
0x18: {  	s0 =	sld [smem:$0x3F98];
	_ =	swait.ge [sflag:s4], $0x0  }
0x19: {  	s7 =	sld [smem:$0x3F99]  }
0x1a: {  	s8 =	sadd.s32 $0xFFFFE003, lr  }
0x1b: {  	s9 =	sadd.s32 $0xFFFFFEF7, lr;
	s5 =	simm.s32 $0xFFFFFFFF;
	p2 =	slt.u32 s8, $0xFFFFF086  }
0x1c: {  	p1 =	slt.u32 s9, $0xF7A;
	s5 =	simm.s32 @!p2 $0x0  }
0x1d: {  	s5 =	simm.s32 @p1 $0x1;
	p0 =	seq.s32 s7, s2  }
0x1e: {  	s7 =	smul.u32 @!p0 $0xF7A, s2;
	p2 =	seq.s32 @!p0 s5, $0x0  }
0x1f: {  	s9 =	smul.u32 $0xF7A, s1;
	s8 =	simm.s32 @!p0 $0x1BF5;
	p2 =	por !p2, p0  }
0x20: {  	[sflag:s8] =	ssyncset.s32 @!p0 $0xFFFFF086;
	s6 =	sadd.s32 @!p0 s3, s7;
	s7 =	simm.s32 @!p0 $0x108  }
0x21: {  	s3 =	sadd.s32 s3, s9;
	s6 =	sadd.s32 @!p0 $0x88, s6;
	s7 =	simm.s32 @p2 $0x1082  }
0x22: {  	[simem:s7], [sflag:s8] =	dma.local @!p0 [hbm:s6], $0xF7A  }
0x23: {  	s9 =	sor.u32 $0xD0000000, s2;
	s6 =	simm.s32 $0x108;
	_ =	swait.ge @!p0 [sflag:s8], $0x0  }
0x24: {  	s3 =	sadd.s32 $0x88, s3;
	s6 =	simm.s32 @!p1 $0x1082;
	[sflag:s4] =	ssyncset.s32 $0xFFFFF086  }
0x25: {  	[simem:s6], [sflag:s4] =	dma.local [hbm:s3], $0xF7A  }
0x26: {  	[smem:$0x3F99] =	sst s1;
	(tag) =	ssettag s2;
	_ =	strace s9  }
0x27: {  	s1 =	sld [smem:$0x3FA9]  }
0x28: {  	s2 =	sld [smem:$0x3FAA]  }
0x29: {  	s4 =	sld [smem:$0x3FAC]  }
0x2a: {  	p0 =	seq.s32 s5, $0x0;
	s5 =	sld [smem:$0x3FAD]  }
0x2b: {  	s6 =	sld [smem:$0x3FAE]  }
0x2c: {  	s7 =	sld [smem:$0x3FAF]  }
0x2d: {  	s3 =	simm.s32 $0x108;
	s8 =	sld [smem:$0x3FB0]  }
0x2e: {  	s3 =	simm.s32 @!p0 $0x1082;
	s9 =	sld [smem:$0x3FB1]  }
0x2f: {  	lr =	sadd.s32 s0, s3;
	s0 =	sld [smem:$0x3FA8]  }
0x30: {  	s3 =	sld [smem:$0x3FAB]  }
0x31: {  	[smem:$0x3FB4] =	sst s10  }
0x32: {  	s10 =	sld [smem:$0x3FB2];
	_ =	sdelay $0x3  }
0x33: {  	p0 =	seq.s32 s10, $0x1;
	s10 =	sld [smem:$0x3FB4];
	_ =	sdelay $0x3  }
0x34: {  	[smem:$0x3FB4] =	sst s10  }
0x35: {  	s10 =	sld [smem:$0x3FB3];
	_ =	sdelay $0x3  }
0x36: {  	p1 =	seq.s32 s10, $0x1;
	s10 =	sld [smem:$0x3FB4];
	_ =	sdelay $0x3  }
0x37: {  	[smem:$0x3FB4] =	sst s10  }
0x38: {  	s10 =	sld [smem:$0x3FB5]  }
0x39: {  	_ = 	snop;
	(pc) =	sbr.ind lr, $3  }
0x3a: {  	_ = 	snop  }
0x3b: {  	_ = 	snop  }
0x3c: {  	p2 =	seq.s32 s10, $0x1;
	s10 =	sld [smem:$0x3FB4]  }
0x3d: {  	_ =	shalt  }
0x3e: {  	_ =	shalt  }
0x3f: {  	_ =	shalt  }
0x40: {  	_ =	shalt  }
0x41: {  	_ =	shalt  }
0x42: {  	_ =	shalt  }
0x43: {  	_ =	shalt  }
0x44: {  	_ =	shalt  }
0x45: {  	_ =	shalt  }
0x46: {  	_ =	shalt  }
0x47: {  	_ =	shalt  }
0x48: {  	_ =	shalt  }
0x49: {  	_ =	shalt  }
0x4a: {  	_ =	shalt  }
0x4b: {  	_ =	shalt  }
0x4c: {  	_ =	shalt  }
0x4d: {  	_ =	shalt  }
0x4e: {  	_ =	shalt  }
0x4f: {  	_ =	shalt  }
0x50: {  	_ =	shalt  }
0x51: {  	_ =	shalt  }
0x52: {  	_ =	shalt  }
0x53: {  	_ =	shalt  }
0x54: {  	_ =	shalt  }
0x55: {  	_ =	shalt  }
0x56: {  	_ =	shalt  }
0x57: {  	_ =	shalt  }
0x58: {  	_ =	shalt  }
0x59: {  	_ =	shalt  }
0x5a: {  	_ =	shalt  }
0x5b: {  	_ =	shalt  }
0x5c: {  	_ =	shalt  }
0x5d: {  	_ =	shalt  }
0x5e: {  	_ =	shalt  }
0x5f: {  	_ =	shalt  }
0x60: {  	_ =	shalt  }
0x61: {  	_ =	shalt  }
0x62: {  	_ =	shalt  }
0x63: {  	_ =	shalt  }
0x64: {  	_ =	shalt  }
0x65: {  	_ =	shalt  }
0x66: {  	_ =	shalt  }
0x67: {  	_ =	shalt  }
0x68: {  	_ =	shalt  }
0x69: {  	_ =	shalt  }
0x6a: {  	_ =	shalt  }
0x6b: {  	_ =	shalt  }
0x6c: {  	_ =	shalt  }
0x6d: {  	_ =	shalt  }
0x6e: {  	_ =	shalt  }
0x6f: {  	_ =	shalt  }
0x70: {  	_ =	shalt  }
0x71: {  	_ =	shalt  }
0x72: {  	_ =	shalt  }
0x73: {  	_ =	shalt  }
0x74: {  	_ =	shalt  }
0x75: {  	_ =	shalt  }
0x76: {  	_ =	shalt  }
0x77: {  	_ =	shalt  }
0x78: {  	_ =	shalt  }
0x79: {  	_ =	shalt  }
0x7a: {  	_ =	shalt  }
0x7b: {  	_ =	shalt  }
0x7c: {  	_ =	shalt  }
0x7d: {  	_ =	shalt  }
0x7e: {  	_ =	shalt  }
0x7f: {  	_ =	shalt  }
0x80: {  	_ =	shalt  }
0x81: {  	_ =	shalt  }
0x82: {  	_ =	shalt  }
0x83: {  	_ =	shalt  }
0x84: {  	_ =	shalt  }
0x85: {  	_ =	shalt  }
0x86: {  	_ =	shalt  }
0x87: {  	_ =	shalt  }
.Lfunc_end0:
.L_simem_size_0:
called_computation.3_lowered:
.L_overlay_start_0:
0x88: {  	s2 =	sld [smem:$0x3FD9]  }
0x89: {  	s3 =	sld [smem:$0x3FFE];
	_ =	sdelay $0x1  }
0x8a: {  	s1 =	srdreg.scid  }
0x8b: {  	s0 =	sand.u32 $0x1, s1  }
0x8c: {  	s17 =	sshll.u32 s0, $0xA;
	s2 =	sadd.s32 s3, s2  }
0x8d: {  	s2 =	sadd.s32 s2, s17  }
0x8e: {  	[smem:$0x3FC0] =	sst s2  }
0x8f: {  	_ = 	snop  }
0x90: {  	s2 =	sld [smem:$0x3FD0];
	(tm) =	ssettm $0x1  }
0x91: {  	s18 =	sld [smem:$0x3FFB];
	_ =	sdelay $0x3  }
0x92: {  	_ =	strace s18  }
0x93: {  	s3 =	sld [smem:$0x3FFC];
	_ =	sdelay $0x3  }
0x94: {  	_ =	strace s3  }
0x95: {  	s3 =	sld [smem:$0x3FFD];
	_ =	sdelay $0x3  }
0x96: {  	_ =	strace s3  }
0x97: {  	_ =	strace $0x8FFFFFFF  }
0x98: {  	s19 =	sld [smem:$0x3FDB];
	_ =	sdelay $0x1  }
0x99: {  	s4 =	simm.s32 $_scs_section_size  }
0x9a: {  	s5 =	simm.s32 $_size__tile_overlayer_lowered;
	s6 =	simm.s32 $_tile_overlayer_lowered  }
0x9b: {  	s22 =	simm.s32 $0x1BFF;
	s21 =	sshll.u32 s6, $0x1;
	s3 =	sadd.s32 s4, s19  }
0x9c: {  	s7 =	simm.s32 $0x0;
	s20 =	sshll.u32 s5, $0x1;
	s5 =	sadd.s32 s21, s3  }
0x9d: {  	[timem:s7], [sflag:s22] =	dma.local [hbm:s5], s20  }
0x9e: {  	_ =	swait.ge [sflag:s22], s20  }
0x9f: {  	s4 =	ssub.s32 $0x0, s20;
	[sflag:s22] =	ssyncset.done $0x0  }
0xa0: {  	[sflag:s22] =	ssyncadd.s32 s4;
	_ =	sdelay $0x1  }
0xa1: {  	s23 =	simm.s32 $0x1B8B  }
0xa2: {  	_ =	swait.ge [sflag:s23], $0x1  }
0xa3: {  	[sflag:s23] =	ssyncset.done $0x0  }
0xa4: {  	s25 =	simm.s32 $0x1B8E;
	s24 =	sld [smem:$0x3FFE];
	[sflag:s23] =	ssyncadd.s32 $0xFFFFFFFF  }
0xa5: {  	s26 =	simm.s32 $execute0_lowered;
	[smem:$0x3FD2] =	sst s25  }
0xa6: {  	s5 =	sshll.u32 s26, $0x1;
	_ =	strace $0x8000004F;
	[dreg:$0x1] =	wrdreg $0xFFFFFFFF  }
0xa7: {  	s28 =	simm.s32 $_size_execute0_lowered;
	s3 =	sadd.s32 s3, s5;
	[dreg:$0x0] =	wrdreg $0x0  }
0xa8: {  	s5 =	sshll.u32 s28, $0x1;
	[dreg:$0x2] =	wrdreg s3  }
0xa9: {  	[dreg:$0x3] =	wrdreg s5  }
0xaa: {  	[dreg:$0x4] =	wrdreg $0xC0  }
0xab: {  	_ =	task [dreg:s7], $0x5FFFF  }
0xac: {  	[dreg:$0x1] =	wrdreg $0xFFFFFFFF  }
0xad: {  	[dreg:$0x0] =	wrdreg $0x60  }
0xae: {  	[dreg:$0x2] =	wrdreg s2  }
0xaf: {  	[dreg:$0x3] =	wrdreg s24  }
0xb0: {  	[dreg:$0x4] =	wrdreg $0xC0000  }
0xb1: {  	[dreg:$0x5] =	wrdreg $0x9  }
0xb2: {  	_ =	task.clear_ibuf [dreg:s7], $0x6FFFF;
	_ =	strace $0x9000004F  }
0xb3: {  	s29 =	simm.s32 $0x9;
	_ =	strace $0x80000051  }
0xb4: {  	_ =	swait.ge [sflag:s29], $0x1  }
0xb5: {  	[sflag:s29] =	ssyncadd.s32 $0xFFFFFFFF  }
0xb6: {  	_ =	strace $0x90000051  }
0xb7: {  	_ =	sfence  }
0xb8: {  	s30 =	sld [smem:$0x0];
	_ =	sdelay $0x2  }
0xb9: {  	s31 =	sshll.u32 s1, $0xD;
	s1 =	sshrl.u32 s1, $0x2  }
0xba: {  	s3 =	sand.u32 $0x4000, s31;
	s1 =	sadd.s32 s1, s30  }
0xbb: {  	s0 =	sor.u32 s3, s0;
	s1 =	sshll.u32 s1, $0x11  }
0xbc: {  	s0 =	sor.u32 s1, s0  }
0xbd: {  	s0 =	sadd.s32 $0x8F2B, s0  }
0xbe: {  	[sflag:s0] =	ssyncadd.remote.s32 $0x1  }
0xbf: {  	_ =	sfence.sel $0xFFFF  }
0xc0: {  	[dreg:$0x0] =	wrdreg $0xFFFFFFFF;
	(pc) =	sbr.abs _section_cstart, $3  }
0xc1: {  	[dreg:$0x1] =	wrdreg $0xFFFFFFFF  }
0xc2: {  	_ =	task.clear_ibuf [dreg:s7], $0x2FFFF;
	_ =	strace $0x9FFFFFFF  }
0xc3: {  	(tm) =	ssettm $0x7FFFFFFF  }
tec
execute0_lowered:
.L_overlay_start_1:
0x0: {  	(tag) =	ssettag $0x1  }
0x1: {  	s1 =	rddreg [dreg:$0x0]  }
0x2: {  	s0 =	srdreg.scid;
	s5 =	rddreg [dreg:$0x1]  }
0x3: {  	s8 =	stileid.u32;
	s3 =	rddreg [dreg:$0x2]  }
0x4: {  	s4 =	simm.s32 $0x0;
	s22 =	simm.s32 $0xA000;
	s28 =	simm.s32 $0x80  }
0x5: {  	s29 =	simm.s32 $0x6C00;
	s30 =	simm.s32 $0x1;
	s31 =	simm.s32 $0x2  }
0x6: {  	s0 =	sand.u32 $0x1, s0;
	[smem:$0x7FF] =	sst s4;
	s7 =	smul.u32 $0x14000, s8  }
0x7: {  	s9 =	sadd.s32 $0xFE00, s5;
	s19 =	sadd.s32 $0x27100, s1;
	s2 =	sshll.u32 s0, $0x4  }
0x8: {  	s6 =	smul.u32 $0x140000, s0;
	_ =	strace $0x80000050;
	[dreg:$0x4] =	wrdreg s9  }
0x9: {  	s0 =	ssub.s32 $0x2, s0;
	s2 =	sor.u32 s8, s2;
	s8 =	smul.u32 $0x50000, s8  }
0xa: {  	s23 =	sshrl.u32 s0, $0x1;
	s2 =	smul.u32 $0x380, s2;
	s6 =	sadd.s32 s7, s6  }
0xb: {  	s0 =	ssub.s32 s0, s23;
	s23 =	simm.s32 $0x3;
	s6 =	sshrl.u32 s6, $0x3  }
0xc: {  	s8 =	sshrl.u32 s8, $0x2;
	s21 =	smax.u32 s0, $0x1;
	s0 =	simm.s32 $0x3480  }
0xd: {  	s2 =	sadd.s32 s2, s5;
	s5 =	sadd.s32 s6, s5;
	s6 =	sadd.s32 s8, s3  }
0xe: {  	s24 =	sadd.s32 $0x8E00, s2;
	s2 =	sadd.s32 $0x1E00, s2;
	s9 =	sadd.s32 $0x2000, s6  }
0xf: {  	s10 =	sadd.s32 $0x4000, s6;
	s11 =	sadd.s32 $0x6000, s6;
	s12 =	sadd.s32 $0x8000, s6  }
0x10: {  	s13 =	sadd.s32 $0xA000, s6;
	s14 =	sadd.s32 $0xC000, s6;
	[dreg:$0x5] =	wrdreg s24  }
0x11: {  	s15 =	sadd.s32 $0xE000, s6;
	s25 =	sadd.s32 $0x10200, s5;
	[dreg:$0x6] =	wrdreg s2  }
0x12: {  	s16 =	sadd.s32 $0x10000, s6;
	s26 =	sadd.s32 $0x60200, s5;
	[dreg:$0x7] =	wrdreg s25  }
0x13: {  	s17 =	sadd.s32 $0x12000, s6;
	[dreg:$0x8] =	wrdreg s26;
	s25 =	simm.s32 $0x64  }
0x14: {  	s26 =	simm.s32 $0x3800;
	s2 =	simm.s32 $0x3400;
	s24 =	simm.s32 $0x0  }
.LBB2_1:
0x15: {  	s5 =	rddreg [dreg:$0x4]  }
0x16: {  	[tilespmem:s22], [sflag:$0x3] =	stream.linear.gather [hbm4b:s5+s4], $0x2000, $0x38;
	v63 =	vld [tilespmem:$0x0]  }
0x17: {  	_ =	swait.ge [sflag:s23], $0x2000  }
0x18: {  	[sflag:s23] =	ssyncset.done $0x0  }
0x19: {  	s18 =	rddreg [dreg:$0x5];
	[sflag:s23] =	ssyncadd.s32 $0xFFFFE000  }
0x1a: {  	[tilespmem:s4], [sflag:$0x3] =	stream.linear.gather [hbm4b:s18+s4], $0x1900, $0x38;
	v63 =	vld [tilespmem:$0x0]  }
0x1b: {  	_ =	swait.ge [sflag:s23], $0x1900  }
0x1c: {  	[sflag:s23] =	ssyncset.done $0x0  }
0x1d: {  	s7 =	simm.s32 $0x1C00;
	s20 =	rddreg [dreg:$0x6];
	[sflag:s23] =	ssyncadd.s32 $0xFFFFE700  }
0x1e: {  	[tilespmem:s7], [sflag:$0x3] =	stream.linear.gather [hbm4b:s20+s4], $0x1900, $0x38;
	v63 =	vld [tilespmem:$0x0]  }
0x1f: {  	_ =	swait.ge [sflag:s23], $0x1900  }
0x20: {  	[sflag:s23] =	ssyncset.done $0x0  }
0x21: {  	[sflag:s23] =	ssyncadd.s32 $0xFFFFE700  }
0x22: {  	[spmem:s6] =	stream.linear.scatter [tilespmem:s22], [sflag:$0x3], $0x2000, $0x38;
	v63 =	vld [tilespmem:$0x0]  }
0x23: {  	_ =	swait.ge [sflag:s23], $0x2000  }
0x24: {  	[sflag:s23] =	ssyncset.done $0x0  }
0x25: {  	[sflag:s23] =	ssyncadd.s32 $0xFFFFE000  }
0x26: {  	[spmem:s9] =	stream.linear.scatter [tilespmem:s22], [sflag:$0x3], $0x2000, $0x38;
	v63 =	vld [tilespmem:$0x0]  }
0x27: {  	_ =	swait.ge [sflag:s23], $0x2000  }
0x28: {  	[sflag:s23] =	ssyncset.done $0x0  }
0x29: {  	[sflag:s23] =	ssyncadd.s32 $0xFFFFE000  }
0x2a: {  	[spmem:s10] =	stream.linear.scatter [tilespmem:s22], [sflag:$0x3], $0x2000, $0x38;
	v63 =	vld [tilespmem:$0x0]  }
0x2b: {  	_ =	swait.ge [sflag:s23], $0x2000  }
0x2c: {  	[sflag:s23] =	ssyncset.done $0x0  }
0x2d: {  	[sflag:s23] =	ssyncadd.s32 $0xFFFFE000  }
0x2e: {  	[spmem:s11] =	stream.linear.scatter [tilespmem:s22], [sflag:$0x3], $0x2000, $0x38;
	v63 =	vld [tilespmem:$0x0]  }
0x2f: {  	_ =	swait.ge [sflag:s23], $0x2000  }
0x30: {  	[sflag:s23] =	ssyncset.done $0x0  }
0x31: {  	[sflag:s23] =	ssyncadd.s32 $0xFFFFE000  }
0x32: {  	[spmem:s12] =	stream.linear.scatter [tilespmem:s22], [sflag:$0x3], $0x2000, $0x38;
	v63 =	vld [tilespmem:$0x0]  }
0x33: {  	_ =	swait.ge [sflag:s23], $0x2000  }
0x34: {  	[sflag:s23] =	ssyncset.done $0x0  }
0x35: {  	[sflag:s23] =	ssyncadd.s32 $0xFFFFE000  }
0x36: {  	[spmem:s13] =	stream.linear.scatter [tilespmem:s22], [sflag:$0x3], $0x2000, $0x38;
	v63 =	vld [tilespmem:$0x0]  }
0x37: {  	_ =	swait.ge [sflag:s23], $0x2000  }
0x38: {  	[sflag:s23] =	ssyncset.done $0x0  }
0x39: {  	[sflag:s23] =	ssyncadd.s32 $0xFFFFE000  }
0x3a: {  	[spmem:s14] =	stream.linear.scatter [tilespmem:s22], [sflag:$0x3], $0x2000, $0x38;
	v63 =	vld [tilespmem:$0x0]  }
0x3b: {  	_ =	swait.ge [sflag:s23], $0x2000  }
0x3c: {  	[sflag:s23] =	ssyncset.done $0x0  }
0x3d: {  	[sflag:s23] =	ssyncadd.s32 $0xFFFFE000  }
0x3e: {  	[spmem:s15] =	stream.linear.scatter [tilespmem:s22], [sflag:$0x3], $0x2000, $0x38;
	v63 =	vld [tilespmem:$0x0]  }
0x3f: {  	_ =	swait.ge [sflag:s23], $0x2000  }
0x40: {  	[sflag:s23] =	ssyncset.done $0x0  }
0x41: {  	[sflag:s23] =	ssyncadd.s32 $0xFFFFE000  }
0x42: {  	[spmem:s16] =	stream.linear.scatter [tilespmem:s22], [sflag:$0x3], $0x2000, $0x38;
	v63 =	vld [tilespmem:$0x0]  }
0x43: {  	_ =	swait.ge [sflag:s23], $0x2000  }
0x44: {  	[sflag:s23] =	ssyncset.done $0x0  }
0x45: {  	[sflag:s23] =	ssyncadd.s32 $0xFFFFE000  }
0x46: {  	[spmem:s17] =	stream.linear.scatter [tilespmem:s22], [sflag:$0x3], $0x2000, $0x38;
	v63 =	vld [tilespmem:$0x0]  }
0x47: {  	_ =	swait.ge [sflag:s23], $0x2000  }
0x48: {  	[sflag:s23] =	ssyncset.done $0x0  }
0x49: {  	[sflag:s23] =	ssyncadd.s32 $0xFFFFE000  }
0x4a: {  	[bflag:$0x0] =	sbarrier.arrive $0xFFFF  }
0x4b: {  	[tilespmem:s26], [sflag:$0x1] =	stream.indirect.gather [hbm4b:s1+s25], $0x80, s4, s25, $0xb8;
	v63 =	vld [tilespmem:$0x0]  }
0x4c: {  	_ = 	snop  }
0x4d: {  	[tilespmem:s29], [sflag:$0x2] =	stream.indirect.gather [hbm4b:s1+s25], $0x80, s28, s25, $0xb8;
	v63 =	vld [tilespmem:$0x0]  }
0x4e: {  	_ =	swait.ge [sflag:s30], $0x3200  }
0x4f: {  	[sflag:s30] =	ssyncset.done $0x0  }
0x50: {  	s8 =	simm.s32 $0x1C00;
	[sflag:s30] =	ssyncadd.s32 $0xFFFFCE00  }
0x51: {  	[spmem:s3] =	stream.indirect.scatter.add.f32 [tilespmem:s26], [sflag:$0x3], $0x80, s8, s25, $0xb8;
	v63 =	vld [tilespmem:$0x0]  }
0x52: {  	_ =	swait.ge [sflag:s23], $0x3200  }
0x53: {  	[sflag:s23] =	ssyncset.done $0x0  }
0x54: {  	s18 =	simm.s32 $0x100;
	[sflag:s23] =	ssyncadd.s32 $0xFFFFCE00  }
0x55: {  	[tilespmem:s26], [sflag:$0x1] =	stream.indirect.gather [hbm4b:s1+s25], $0x80, s18, s25, $0xb8;
	v63 =	vld [tilespmem:$0x0]  }
0x56: {  	_ =	swait.ge [sflag:s31], $0x3200  }
0x57: {  	[sflag:s31] =	ssyncset.done $0x0  }
0x58: {  	s20 =	simm.s32 $0x1C80;
	[sflag:s31] =	ssyncadd.s32 $0xFFFFCE00  }
0x59: {  	[spmem:s3] =	stream.indirect.scatter.add.f32 [tilespmem:s29], [sflag:$0x3], $0x80, s20, s25, $0xb8;
	v63 =	vld [tilespmem:$0x0]  }
0x5a: {  	_ =	swait.ge [sflag:s23], $0x3200  }
0x5b: {  	[sflag:s23] =	ssyncset.done $0x0  }
0x5c: {  	s5 =	simm.s32 $0x400;
	s7 =	simm.s32 $0x180;
	[sflag:s23] =	ssyncadd.s32 $0xFFFFCE00  }
.LBB2_2:
0x5d: {  	[tilespmem:s29], [sflag:$0x2] =	stream.indirect.gather [hbm4b:s1+s25], $0x80, s7, s25, $0xb8;
	v63 =	vld [tilespmem:$0x0]  }
0x5e: {  	s7 =	smov.u32 s5  }
0x5f: {  	p0 =	sne.s32 s5, $0x5C00;
	s5 =	sadd.s32 $0x400, s5;
	_ =	swait.ge [sflag:s30], $0x3200  }
0x60: {  	s7 =	sshra.s32 s7, $0x2;
	[sflag:s30] =	ssyncset.done $0x0  }
0x61: {  	s8 =	sadd.s32 $0x1C00, s7;
	[sflag:s30] =	ssyncadd.s32 $0xFFFFCE00  }
0x62: {  	[spmem:s3] =	stream.indirect.scatter.add.f32 [tilespmem:s26], [sflag:$0x3], $0x80, s8, s25, $0xb8;
	v63 =	vld [tilespmem:$0x0]  }
0x63: {  	_ =	swait.ge [sflag:s23], $0x3200  }
0x64: {  	[sflag:s23] =	ssyncset.done $0x0  }
0x65: {  	s8 =	sadd.s32 $0x100, s7;
	[sflag:s23] =	ssyncadd.s32 $0xFFFFCE00  }
0x66: {  	[tilespmem:s26], [sflag:$0x1] =	stream.indirect.gather [hbm4b:s1+s25], $0x80, s8, s25, $0xb8;
	v63 =	vld [tilespmem:$0x0]  }
0x67: {  	_ =	swait.ge [sflag:s31], $0x3200  }
0x68: {  	[sflag:s31] =	ssyncset.done $0x0  }
.Ltmp0:
0x69: {  	s8 =	sadd.s32 $0x1C80, s7;
	[sflag:s31] =	ssyncadd.s32 $0xFFFFCE00;
	(pc) =	sbr.rel @p0 .LBB2_2-.Ltmp0, $4  }
0x6a: {  	[spmem:s3] =	stream.indirect.scatter.add.f32 [tilespmem:s29], [sflag:$0x3], $0x80, s8, s25, $0xb8;
	v63 =	vld [tilespmem:$0x0]  }
0x6b: {  	_ =	swait.ge [sflag:s23], $0x3200  }
0x6c: {  	[sflag:s23] =	ssyncset.done $0x0  }
0x6d: {  	s7 =	sadd.s32 $0x180, s7;
	[sflag:s23] =	ssyncadd.s32 $0xFFFFCE00  }
0x6e: {  	[tilespmem:s29], [sflag:$0x2] =	stream.indirect.gather [hbm4b:s1+s25], $0x80, s7, s25, $0xb8;
	v63 =	vld [tilespmem:$0x0]  }
0x6f: {  	_ =	swait.ge [sflag:s30], $0x3200  }
0x70: {  	[sflag:s30] =	ssyncset.done $0x0  }
0x71: {  	[sflag:s30] =	ssyncadd.s32 $0xFFFFCE00  }
0x72: {  	[spmem:s3] =	stream.indirect.scatter.add.f32 [tilespmem:s26], [sflag:$0x3], $0x80, s2, s25, $0xb8;
	v63 =	vld [tilespmem:$0x0]  }
0x73: {  	_ =	swait.ge [sflag:s23], $0x3200  }
0x74: {  	[sflag:s23] =	ssyncset.done $0x0  }
0x75: {  	[sflag:s23] =	ssyncadd.s32 $0xFFFFCE00  }
0x76: {  	_ =	swait.ge [sflag:s31], $0x3200  }
0x77: {  	[sflag:s31] =	ssyncset.done $0x0  }
0x78: {  	[sflag:s31] =	ssyncadd.s32 $0xFFFFCE00  }
0x79: {  	[spmem:s3] =	stream.indirect.scatter.add.f32 [tilespmem:s29], [sflag:$0x3], $0x80, s0, s25, $0xb8;
	v63 =	vld [tilespmem:$0x0]  }
0x7a: {  	_ =	swait.ge [sflag:s23], $0x3200  }
0x7b: {  	[sflag:s23] =	ssyncset.done $0x0  }
0x7c: {  	s5 =	stileid.u32;
	[sflag:s23] =	ssyncadd.s32 $0xFFFFCE00  }
0x7d: {  	s5 =	sshll.u32 s5, $0x6;
	[bflag:$0x0] =	sbarrier.arrive $0xFFFF  }
0x7e: {  	s7 =	sshrl.u32 s6, $0x3;
	s5 =	sor.u32 $0x1C03, s5;
	s8 =	rddreg [dreg:$0x7]  }
0x7f: {  	[hbm:s8], [sflag:s5] =	dma.local [spmem:s7], $0x2800  }
0x80: {  	_ =	swait.ge [sflag:s23], $0x2800  }
0x81: {  	[sflag:s23] =	ssyncset.done $0x0  }
0x82: {  	[sflag:s23] =	ssyncadd.s32 $0xFFFFD800  }
0x83: {  	[bflag:$0x0] =	sbarrier.arrive $0xFFFF  }
0x84: {  	[spmem:s6] =	stream.linear.scatter [tilespmem:s22], [sflag:$0x3], $0x2000, $0x38;
	v63 =	vld [tilespmem:$0x0]  }
0x85: {  	_ =	swait.ge [sflag:s23], $0x2000  }
0x86: {  	[sflag:s23] =	ssyncset.done $0x0  }
0x87: {  	[sflag:s23] =	ssyncadd.s32 $0xFFFFE000  }
0x88: {  	[spmem:s9] =	stream.linear.scatter [tilespmem:s22], [sflag:$0x3], $0x2000, $0x38;
	v63 =	vld [tilespmem:$0x0]  }
0x89: {  	_ =	swait.ge [sflag:s23], $0x2000  }
0x8a: {  	[sflag:s23] =	ssyncset.done $0x0  }
0x8b: {  	[sflag:s23] =	ssyncadd.s32 $0xFFFFE000  }
0x8c: {  	[spmem:s10] =	stream.linear.scatter [tilespmem:s22], [sflag:$0x3], $0x2000, $0x38;
	v63 =	vld [tilespmem:$0x0]  }
0x8d: {  	_ =	swait.ge [sflag:s23], $0x2000  }
0x8e: {  	[sflag:s23] =	ssyncset.done $0x0  }
0x8f: {  	[sflag:s23] =	ssyncadd.s32 $0xFFFFE000  }
0x90: {  	[spmem:s11] =	stream.linear.scatter [tilespmem:s22], [sflag:$0x3], $0x2000, $0x38;
	v63 =	vld [tilespmem:$0x0]  }
0x91: {  	_ =	swait.ge [sflag:s23], $0x2000  }
0x92: {  	[sflag:s23] =	ssyncset.done $0x0  }
0x93: {  	[sflag:s23] =	ssyncadd.s32 $0xFFFFE000  }
0x94: {  	[spmem:s12] =	stream.linear.scatter [tilespmem:s22], [sflag:$0x3], $0x2000, $0x38;
	v63 =	vld [tilespmem:$0x0]  }
0x95: {  	_ =	swait.ge [sflag:s23], $0x2000  }
0x96: {  	[sflag:s23] =	ssyncset.done $0x0  }
0x97: {  	[sflag:s23] =	ssyncadd.s32 $0xFFFFE000  }
0x98: {  	[spmem:s13] =	stream.linear.scatter [tilespmem:s22], [sflag:$0x3], $0x2000, $0x38;
	v63 =	vld [tilespmem:$0x0]  }
0x99: {  	_ =	swait.ge [sflag:s23], $0x2000  }
0x9a: {  	[sflag:s23] =	ssyncset.done $0x0  }
0x9b: {  	[sflag:s23] =	ssyncadd.s32 $0xFFFFE000  }
0x9c: {  	[spmem:s14] =	stream.linear.scatter [tilespmem:s22], [sflag:$0x3], $0x2000, $0x38;
	v63 =	vld [tilespmem:$0x0]  }
0x9d: {  	_ =	swait.ge [sflag:s23], $0x2000  }
0x9e: {  	[sflag:s23] =	ssyncset.done $0x0  }
0x9f: {  	[sflag:s23] =	ssyncadd.s32 $0xFFFFE000  }
0xa0: {  	[spmem:s15] =	stream.linear.scatter [tilespmem:s22], [sflag:$0x3], $0x2000, $0x38;
	v63 =	vld [tilespmem:$0x0]  }
0xa1: {  	_ =	swait.ge [sflag:s23], $0x2000  }
0xa2: {  	[sflag:s23] =	ssyncset.done $0x0  }
0xa3: {  	[sflag:s23] =	ssyncadd.s32 $0xFFFFE000  }
0xa4: {  	[spmem:s16] =	stream.linear.scatter [tilespmem:s22], [sflag:$0x3], $0x2000, $0x38;
	v63 =	vld [tilespmem:$0x0]  }
0xa5: {  	_ =	swait.ge [sflag:s23], $0x2000  }
0xa6: {  	[sflag:s23] =	ssyncset.done $0x0  }
0xa7: {  	[sflag:s23] =	ssyncadd.s32 $0xFFFFE000  }
0xa8: {  	[spmem:s17] =	stream.linear.scatter [tilespmem:s22], [sflag:$0x3], $0x2000, $0x38;
	v63 =	vld [tilespmem:$0x0]  }
0xa9: {  	_ =	swait.ge [sflag:s23], $0x2000  }
0xaa: {  	[sflag:s23] =	ssyncset.done $0x0  }
0xab: {  	[sflag:s23] =	ssyncadd.s32 $0xFFFFE000  }
0xac: {  	s18 =	simm.s32 $0x0;
	[bflag:$0x0] =	sbarrier.arrive $0xFFFF  }
0xad: {  	[tilespmem:s26], [sflag:$0x1] =	stream.indirect.gather [hbm4b:s19+s25], $0x80, s18, s25, $0xb8;
	v63 =	vld [tilespmem:$0x0]  }
0xae: {  	_ = 	snop  }
0xaf: {  	[tilespmem:s29], [sflag:$0x2] =	stream.indirect.gather [hbm4b:s19+s25], $0x80, s28, s25, $0xb8;
	v63 =	vld [tilespmem:$0x0]  }
0xb0: {  	_ =	swait.ge [sflag:s30], $0x3200  }
0xb1: {  	[sflag:s30] =	ssyncset.done $0x0  }
0xb2: {  	s20 =	simm.s32 $0x1C00;
	[sflag:s30] =	ssyncadd.s32 $0xFFFFCE00  }
0xb3: {  	[spmem:s3] =	stream.indirect.scatter.add.f32 [tilespmem:s26], [sflag:$0x3], $0x80, s20, s25, $0xb8;
	v63 =	vld [tilespmem:$0x0]  }
0xb4: {  	_ =	swait.ge [sflag:s23], $0x3200  }
0xb5: {  	[sflag:s23] =	ssyncset.done $0x0  }
0xb6: {  	s18 =	simm.s32 $0x100;
	[sflag:s23] =	ssyncadd.s32 $0xFFFFCE00  }
0xb7: {  	[tilespmem:s26], [sflag:$0x1] =	stream.indirect.gather [hbm4b:s19+s25], $0x80, s18, s25, $0xb8;
	v63 =	vld [tilespmem:$0x0]  }
0xb8: {  	_ =	swait.ge [sflag:s31], $0x3200  }
0xb9: {  	[sflag:s31] =	ssyncset.done $0x0  }
0xba: {  	s20 =	simm.s32 $0x1C80;
	[sflag:s31] =	ssyncadd.s32 $0xFFFFCE00  }
0xbb: {  	[spmem:s3] =	stream.indirect.scatter.add.f32 [tilespmem:s29], [sflag:$0x3], $0x80, s20, s25, $0xb8;
	v63 =	vld [tilespmem:$0x0]  }
0xbc: {  	_ =	swait.ge [sflag:s23], $0x3200  }
0xbd: {  	[sflag:s23] =	ssyncset.done $0x0  }
0xbe: {  	s8 =	simm.s32 $0x400;
	s18 =	simm.s32 $0x180;
	[sflag:s23] =	ssyncadd.s32 $0xFFFFCE00  }
.LBB2_4:
0xbf: {  	[tilespmem:s29], [sflag:$0x2] =	stream.indirect.gather [hbm4b:s19+s25], $0x80, s18, s25, $0xb8;
	v63 =	vld [tilespmem:$0x0]  }
0xc0: {  	s18 =	smov.u32 s8  }
0xc1: {  	p0 =	sne.s32 s8, $0x5C00;
	s8 =	sadd.s32 $0x400, s8;
	_ =	swait.ge [sflag:s30], $0x3200  }
0xc2: {  	s18 =	sshra.s32 s18, $0x2;
	[sflag:s30] =	ssyncset.done $0x0  }
0xc3: {  	s20 =	sadd.s32 $0x1C00, s18;
	[sflag:s30] =	ssyncadd.s32 $0xFFFFCE00  }
0xc4: {  	[spmem:s3] =	stream.indirect.scatter.add.f32 [tilespmem:s26], [sflag:$0x3], $0x80, s20, s25, $0xb8;
	v63 =	vld [tilespmem:$0x0]  }
0xc5: {  	_ =	swait.ge [sflag:s23], $0x3200  }
0xc6: {  	[sflag:s23] =	ssyncset.done $0x0  }
0xc7: {  	s20 =	sadd.s32 $0x100, s18;
	[sflag:s23] =	ssyncadd.s32 $0xFFFFCE00  }
0xc8: {  	[tilespmem:s26], [sflag:$0x1] =	stream.indirect.gather [hbm4b:s19+s25], $0x80, s20, s25, $0xb8;
	v63 =	vld [tilespmem:$0x0]  }
0xc9: {  	_ =	swait.ge [sflag:s31], $0x3200  }
0xca: {  	[sflag:s31] =	ssyncset.done $0x0  }
.Ltmp1:
0xcb: {  	s20 =	sadd.s32 $0x1C80, s18;
	[sflag:s31] =	ssyncadd.s32 $0xFFFFCE00;
	(pc) =	sbr.rel @p0 .LBB2_4-.Ltmp1, $4  }
0xcc: {  	[spmem:s3] =	stream.indirect.scatter.add.f32 [tilespmem:s29], [sflag:$0x3], $0x80, s20, s25, $0xb8;
	v63 =	vld [tilespmem:$0x0]  }
0xcd: {  	_ =	swait.ge [sflag:s23], $0x3200  }
0xce: {  	[sflag:s23] =	ssyncset.done $0x0  }
0xcf: {  	s18 =	sadd.s32 $0x180, s18;
	[sflag:s23] =	ssyncadd.s32 $0xFFFFCE00  }
0xd0: {  	[tilespmem:s29], [sflag:$0x2] =	stream.indirect.gather [hbm4b:s19+s25], $0x80, s18, s25, $0xb8;
	v63 =	vld [tilespmem:$0x0]  }
0xd1: {  	_ =	swait.ge [sflag:s30], $0x3200  }
0xd2: {  	[sflag:s30] =	ssyncset.done $0x0  }
0xd3: {  	[sflag:s30] =	ssyncadd.s32 $0xFFFFCE00  }
0xd4: {  	[spmem:s3] =	stream.indirect.scatter.add.f32 [tilespmem:s26], [sflag:$0x3], $0x80, s2, s25, $0xb8;
	v63 =	vld [tilespmem:$0x0]  }
0xd5: {  	_ =	swait.ge [sflag:s23], $0x3200  }
0xd6: {  	[sflag:s23] =	ssyncset.done $0x0  }
0xd7: {  	[sflag:s23] =	ssyncadd.s32 $0xFFFFCE00  }
0xd8: {  	_ =	swait.ge [sflag:s31], $0x3200  }
0xd9: {  	[sflag:s31] =	ssyncset.done $0x0  }
0xda: {  	[sflag:s31] =	ssyncadd.s32 $0xFFFFCE00  }
0xdb: {  	[spmem:s3] =	stream.indirect.scatter.add.f32 [tilespmem:s29], [sflag:$0x3], $0x80, s0, s25, $0xb8;
	v63 =	vld [tilespmem:$0x0]  }
0xdc: {  	_ =	swait.ge [sflag:s23], $0x3200  }
0xdd: {  	[sflag:s23] =	ssyncset.done $0x0  }
0xde: {  	s24 =	sadd.s32 $0x1, s24;
	[sflag:s23] =	ssyncadd.s32 $0xFFFFCE00  }
0xdf: {  	p0 =	sne.s32 s24, s21;
	[bflag:$0x0] =	sbarrier.arrive $0xFFFF  }
.Ltmp2:
0xe0: {  	s8 =	rddreg [dreg:$0x8];
	(pc) =	sbr.rel @p0 .LBB2_1-.Ltmp2, $4  }
0xe1: {  	[hbm:s8], [sflag:s5] =	dma.local [spmem:s7], $0x2800  }
0xe2: {  	_ =	swait.ge [sflag:s23], $0x2800  }
0xe3: {  	[sflag:s23] =	ssyncset.done $0x0  }
0xe4: {  	[sflag:s23] =	ssyncadd.s32 $0xFFFFD800  }
0xe5: {  	_ =	sfence.sel $0x180000  }
0xe6: {  	[bflag:$0x0] =	sbarrier.arrive $0xFFFF  }
0xe7: {  	_ =	strace $0x90000050  }
0xe8: {  	s0 =	stileid.u32;
	[bflag:$0x2] =	sbarrier.arrive $0xFFFF  }
0xe9: {  	p0 =	sne.s32 s0, $0x0;
	s0 =	rddreg [dreg:$0x3]  }
0xea: {  	s0 =	sadd.s32 @!p0 $0x100000, s0  }
0xeb: {  	[sflag:s0] =	ssyncadd.tile.s32 @!p0 $0x1;
	_ =	shalt  }
.Lfunc_end2:
_tile_overlayer_lowered:
.L_overlay_start_2:
0xec: {  	(tag) =	ssettag $0x2  }
0xed: {  	s0 =	rddreg [dreg:$0x0];
	s2 =	stileid.u32  }
0xee: {  	s1 =	rddreg [dreg:$0x1];
	p0 =	sne.s32 s2, $0x0  }
0xef: {  	s3 =	rddreg [dreg:$0x2];
	[bflag:$0x3] =	sbarrier.arrive $0xFFFF;
	s2 =	simm.s32 @!p0 $0x1C03  }
0xf0: {  	[timem:s3], [sflag:s2] =	dma.local @!p0 [hbm:s0], s1  }
0xf1: {  	s0 =	simm.s32 @!p0 $0x3  }
0xf2: {  	_ =	swait.ge @!p0 [sflag:s0], s1  }
0xf3: {  	s1 =	ssub.s32 @!p0 $0x0, s1;
	[sflag:s0] =	ssyncset.done @!p0 $0x0  }
0xf4: {  	[sflag:s0] =	ssyncadd.s32 @!p0 s1  }
0xf5: {  	[bflag:$0x3] =	sbarrier.arrive $0xFFFF  }
0xf6: {  	_ =	shalt  }

// kernel: sc_propagate.5.cloned.1.call-start
scs
__scs_entry_jumppad:
0x0: {  	(pc) =	sbr.rel $0x88, $3  }
0x1: {  	(tag) =	ssettag $0x0;
	lr =	simm.s32 $0x1  }
0x2: {  	[smem:$0x3F99] =	sst lr;
	_ =	strace $0xD0000000  }
0x3: {  	_ = 	snop  }
0x4: {  	_ = 	snop  }
0x5: {  	_ = 	snop  }
0x6: {  	_ = 	snop  }
0x7: {  	_ = 	snop  }
__scs_overlays_trampoline_lowered:
0x8: {  	[smem:$0x3FA8] =	sst s0  }
0x9: {  	[smem:$0x3FA9] =	sst s1  }
0xa: {  	[smem:$0x3FAA] =	sst s2  }
0xb: {  	[smem:$0x3FAB] =	sst s3  }
0xc: {  	[smem:$0x3FAC] =	sst s4  }
0xd: {  	[smem:$0x3FAD] =	sst s5  }
0xe: {  	[smem:$0x3FAE] =	sst s6  }
0xf: {  	[smem:$0x3FAF] =	sst s7  }
0x10: {  	[smem:$0x3FB0] =	sst s8  }
0x11: {  	[smem:$0x3FB1] =	sst s9;
	s0 =	simm.s32 @!p0 $0x0  }
0x12: {  	s1 =	sld [smem:$0x3F97];
	s0 =	simm.s32 @p0 $0x1  }
0x13: {  	[smem:$0x3FB2] =	sst s0;
	s0 =	simm.s32 @!p1 $0x0  }
0x14: {  	s2 =	sld [smem:$0x3F96];
	s0 =	simm.s32 @p1 $0x1  }
0x15: {  	[smem:$0x3FB3] =	sst s0;
	s0 =	simm.s32 @!p2 $0x0  }
0x16: {  	s3 =	sld [smem:$0x3FDB];
	s0 =	simm.s32 @p2 $0x1  }
0x17: {  	s4 =	simm.s32 $0x1BF5;
	[smem:$0x3FB5] =	sst s0  }
0x18: {  	s0 =	sld [smem:$0x3F98];
	_ =	swait.ge [sflag:s4], $0x0  }
0x19: {  	s7 =	sld [smem:$0x3F99]  }
0x1a: {  	s8 =	sadd.s32 $0xFFFFE003, lr  }
0x1b: {  	s9 =	sadd.s32 $0xFFFFFEF7, lr;
	s5 =	simm.s32 $0xFFFFFFFF;
	p2 =	slt.u32 s8, $0xFFFFF086  }
0x1c: {  	p1 =	slt.u32 s9, $0xF7A;
	s5 =	simm.s32 @!p2 $0x0  }
0x1d: {  	s5 =	simm.s32 @p1 $0x1;
	p0 =	seq.s32 s7, s2  }
0x1e: {  	s7 =	smul.u32 @!p0 $0xF7A, s2;
	p2 =	seq.s32 @!p0 s5, $0x0  }
0x1f: {  	s9 =	smul.u32 $0xF7A, s1;
	s8 =	simm.s32 @!p0 $0x1BF5;
	p2 =	por !p2, p0  }
0x20: {  	[sflag:s8] =	ssyncset.s32 @!p0 $0xFFFFF086;
	s6 =	sadd.s32 @!p0 s3, s7;
	s7 =	simm.s32 @!p0 $0x108  }
0x21: {  	s3 =	sadd.s32 s3, s9;
	s6 =	sadd.s32 @!p0 $0x88, s6;
	s7 =	simm.s32 @p2 $0x1082  }
0x22: {  	[simem:s7], [sflag:s8] =	dma.local @!p0 [hbm:s6], $0xF7A  }
0x23: {  	s9 =	sor.u32 $0xD0000000, s2;
	s6 =	simm.s32 $0x108;
	_ =	swait.ge @!p0 [sflag:s8], $0x0  }
0x24: {  	s3 =	sadd.s32 $0x88, s3;
	s6 =	simm.s32 @!p1 $0x1082;
	[sflag:s4] =	ssyncset.s32 $0xFFFFF086  }
0x25: {  	[simem:s6], [sflag:s4] =	dma.local [hbm:s3], $0xF7A  }
0x26: {  	[smem:$0x3F99] =	sst s1;
	(tag) =	ssettag s2;
	_ =	strace s9  }
0x27: {  	s1 =	sld [smem:$0x3FA9]  }
0x28: {  	s2 =	sld [smem:$0x3FAA]  }
0x29: {  	s4 =	sld [smem:$0x3FAC]  }
0x2a: {  	p0 =	seq.s32 s5, $0x0;
	s5 =	sld [smem:$0x3FAD]  }
0x2b: {  	s6 =	sld [smem:$0x3FAE]  }
0x2c: {  	s7 =	sld [smem:$0x3FAF]  }
0x2d: {  	s3 =	simm.s32 $0x108;
	s8 =	sld [smem:$0x3FB0]  }
0x2e: {  	s3 =	simm.s32 @!p0 $0x1082;
	s9 =	sld [smem:$0x3FB1]  }
0x2f: {  	lr =	sadd.s32 s0, s3;
	s0 =	sld [smem:$0x3FA8]  }
0x30: {  	s3 =	sld [smem:$0x3FAB]  }
0x31: {  	[smem:$0x3FB4] =	sst s10  }
0x32: {  	s10 =	sld [smem:$0x3FB2];
	_ =	sdelay $0x3  }
0x33: {  	p0 =	seq.s32 s10, $0x1;
	s10 =	sld [smem:$0x3FB4];
	_ =	sdelay $0x3  }
0x34: {  	[smem:$0x3FB4] =	sst s10  }
0x35: {  	s10 =	sld [smem:$0x3FB3];
	_ =	sdelay $0x3  }
0x36: {  	p1 =	seq.s32 s10, $0x1;
	s10 =	sld [smem:$0x3FB4];
	_ =	sdelay $0x3  }
0x37: {  	[smem:$0x3FB4] =	sst s10  }
0x38: {  	s10 =	sld [smem:$0x3FB5]  }
0x39: {  	_ = 	snop;
	(pc) =	sbr.ind lr, $3  }
0x3a: {  	_ = 	snop  }
0x3b: {  	_ = 	snop  }
0x3c: {  	p2 =	seq.s32 s10, $0x1;
	s10 =	sld [smem:$0x3FB4]  }
0x3d: {  	_ =	shalt  }
0x3e: {  	_ =	shalt  }
0x3f: {  	_ =	shalt  }
0x40: {  	_ =	shalt  }
0x41: {  	_ =	shalt  }
0x42: {  	_ =	shalt  }
0x43: {  	_ =	shalt  }
0x44: {  	_ =	shalt  }
0x45: {  	_ =	shalt  }
0x46: {  	_ =	shalt  }
0x47: {  	_ =	shalt  }
0x48: {  	_ =	shalt  }
0x49: {  	_ =	shalt  }
0x4a: {  	_ =	shalt  }
0x4b: {  	_ =	shalt  }
0x4c: {  	_ =	shalt  }
0x4d: {  	_ =	shalt  }
0x4e: {  	_ =	shalt  }
0x4f: {  	_ =	shalt  }
0x50: {  	_ =	shalt  }
0x51: {  	_ =	shalt  }
0x52: {  	_ =	shalt  }
0x53: {  	_ =	shalt  }
0x54: {  	_ =	shalt  }
0x55: {  	_ =	shalt  }
0x56: {  	_ =	shalt  }
0x57: {  	_ =	shalt  }
0x58: {  	_ =	shalt  }
0x59: {  	_ =	shalt  }
0x5a: {  	_ =	shalt  }
0x5b: {  	_ =	shalt  }
0x5c: {  	_ =	shalt  }
0x5d: {  	_ =	shalt  }
0x5e: {  	_ =	shalt  }
0x5f: {  	_ =	shalt  }
0x60: {  	_ =	shalt  }
0x61: {  	_ =	shalt  }
0x62: {  	_ =	shalt  }
0x63: {  	_ =	shalt  }
0x64: {  	_ =	shalt  }
0x65: {  	_ =	shalt  }
0x66: {  	_ =	shalt  }
0x67: {  	_ =	shalt  }
0x68: {  	_ =	shalt  }
0x69: {  	_ =	shalt  }
0x6a: {  	_ =	shalt  }
0x6b: {  	_ =	shalt  }
0x6c: {  	_ =	shalt  }
0x6d: {  	_ =	shalt  }
0x6e: {  	_ =	shalt  }
0x6f: {  	_ =	shalt  }
0x70: {  	_ =	shalt  }
0x71: {  	_ =	shalt  }
0x72: {  	_ =	shalt  }
0x73: {  	_ =	shalt  }
0x74: {  	_ =	shalt  }
0x75: {  	_ =	shalt  }
0x76: {  	_ =	shalt  }
0x77: {  	_ =	shalt  }
0x78: {  	_ =	shalt  }
0x79: {  	_ =	shalt  }
0x7a: {  	_ =	shalt  }
0x7b: {  	_ =	shalt  }
0x7c: {  	_ =	shalt  }
0x7d: {  	_ =	shalt  }
0x7e: {  	_ =	shalt  }
0x7f: {  	_ =	shalt  }
0x80: {  	_ =	shalt  }
0x81: {  	_ =	shalt  }
0x82: {  	_ =	shalt  }
0x83: {  	_ =	shalt  }
0x84: {  	_ =	shalt  }
0x85: {  	_ =	shalt  }
0x86: {  	_ =	shalt  }
0x87: {  	_ =	shalt  }
.Lfunc_end0:
.L_simem_size_0:
called_computation.1_lowered:
.L_overlay_start_0:
0x88: {  	s2 =	sld [smem:$0x3FD9]  }
0x89: {  	s3 =	sld [smem:$0x3FFE];
	_ =	sdelay $0x1  }
0x8a: {  	s1 =	srdreg.scid  }
0x8b: {  	s0 =	sand.u32 $0x1, s1  }
0x8c: {  	s17 =	sshll.u32 s0, $0xA;
	s2 =	sadd.s32 s3, s2  }
0x8d: {  	s2 =	sadd.s32 s2, s17  }
0x8e: {  	[smem:$0x3FC0] =	sst s2  }
0x8f: {  	_ = 	snop  }
0x90: {  	s2 =	sld [smem:$0x3FD0];
	(tm) =	ssettm $0x1  }
0x91: {  	s18 =	sld [smem:$0x3FFB];
	_ =	sdelay $0x3  }
0x92: {  	_ =	strace s18  }
0x93: {  	s3 =	sld [smem:$0x3FFC];
	_ =	sdelay $0x3  }
0x94: {  	_ =	strace s3  }
0x95: {  	s3 =	sld [smem:$0x3FFD];
	_ =	sdelay $0x3  }
0x96: {  	_ =	strace s3  }
0x97: {  	_ =	strace $0x8FFFFFFF  }
0x98: {  	s19 =	sld [smem:$0x3FDB];
	_ =	sdelay $0x1  }
0x99: {  	s4 =	simm.s32 $_scs_section_size  }
0x9a: {  	s5 =	simm.s32 $_size__tile_overlayer_lowered;
	s6 =	simm.s32 $_tile_overlayer_lowered  }
0x9b: {  	s22 =	simm.s32 $0x1BFF;
	s21 =	sshll.u32 s6, $0x1;
	s3 =	sadd.s32 s4, s19  }
0x9c: {  	s7 =	simm.s32 $0x0;
	s20 =	sshll.u32 s5, $0x1;
	s5 =	sadd.s32 s21, s3  }
0x9d: {  	[timem:s7], [sflag:s22] =	dma.local [hbm:s5], s20  }
0x9e: {  	_ =	swait.ge [sflag:s22], s20  }
0x9f: {  	s4 =	ssub.s32 $0x0, s20;
	[sflag:s22] =	ssyncset.done $0x0  }
0xa0: {  	[sflag:s22] =	ssyncadd.s32 s4;
	_ =	sdelay $0x1  }
0xa1: {  	s23 =	simm.s32 $0x1B8B  }
0xa2: {  	_ =	swait.ge [sflag:s23], $0x1  }
0xa3: {  	[sflag:s23] =	ssyncset.done $0x0  }
0xa4: {  	s25 =	simm.s32 $0x1B8E;
	s24 =	sld [smem:$0x3FFE];
	[sflag:s23] =	ssyncadd.s32 $0xFFFFFFFF  }
0xa5: {  	s26 =	simm.s32 $execute0_lowered;
	[smem:$0x3FD2] =	sst s25  }
0xa6: {  	s5 =	sshll.u32 s26, $0x1;
	_ =	strace $0x80000049;
	[dreg:$0x1] =	wrdreg $0xFFFFFFFF  }
0xa7: {  	s28 =	simm.s32 $_size_execute0_lowered;
	s3 =	sadd.s32 s3, s5;
	[dreg:$0x0] =	wrdreg $0x0  }
0xa8: {  	s5 =	sshll.u32 s28, $0x1;
	[dreg:$0x2] =	wrdreg s3  }
0xa9: {  	[dreg:$0x3] =	wrdreg s5  }
0xaa: {  	[dreg:$0x4] =	wrdreg $0xC0  }
0xab: {  	_ =	task [dreg:s7], $0x5FFFF  }
0xac: {  	[dreg:$0x1] =	wrdreg $0xFFFFFFFF  }
0xad: {  	[dreg:$0x0] =	wrdreg $0x60  }
0xae: {  	[dreg:$0x2] =	wrdreg s2  }
0xaf: {  	[dreg:$0x3] =	wrdreg s24  }
0xb0: {  	[dreg:$0x4] =	wrdreg $0xC0000  }
0xb1: {  	[dreg:$0x5] =	wrdreg $0x9  }
0xb2: {  	_ =	task.clear_ibuf [dreg:s7], $0x6FFFF;
	_ =	strace $0x90000049  }
0xb3: {  	s29 =	simm.s32 $0x9;
	_ =	strace $0x8000004B  }
0xb4: {  	_ =	swait.ge [sflag:s29], $0x1  }
0xb5: {  	[sflag:s29] =	ssyncadd.s32 $0xFFFFFFFF  }
0xb6: {  	_ =	strace $0x9000004B  }
0xb7: {  	_ =	sfence  }
0xb8: {  	s30 =	sld [smem:$0x0];
	_ =	sdelay $0x2  }
0xb9: {  	s31 =	sshll.u32 s1, $0xD;
	s1 =	sshrl.u32 s1, $0x2  }
0xba: {  	s3 =	sand.u32 $0x4000, s31;
	s1 =	sadd.s32 s1, s30  }
0xbb: {  	s0 =	sor.u32 s3, s0;
	s1 =	sshll.u32 s1, $0x11  }
0xbc: {  	s0 =	sor.u32 s1, s0  }
0xbd: {  	s0 =	sadd.s32 $0x8F2B, s0  }
0xbe: {  	[sflag:s0] =	ssyncadd.remote.s32 $0x1  }
0xbf: {  	_ =	sfence.sel $0xFFFF  }
0xc0: {  	[dreg:$0x0] =	wrdreg $0xFFFFFFFF;
	(pc) =	sbr.abs _section_cstart, $3  }
0xc1: {  	[dreg:$0x1] =	wrdreg $0xFFFFFFFF  }
0xc2: {  	_ =	task.clear_ibuf [dreg:s7], $0x2FFFF;
	_ =	strace $0x9FFFFFFF  }
0xc3: {  	(tm) =	ssettm $0x7FFFFFFF  }
tec
execute0_lowered:
.L_overlay_start_1:
0x0: {  	(tag) =	ssettag $0x1  }
0x1: {  	s1 =	rddreg [dreg:$0x0]  }
0x2: {  	s0 =	srdreg.scid;
	s5 =	rddreg [dreg:$0x1]  }
0x3: {  	s8 =	stileid.u32;
	s3 =	rddreg [dreg:$0x2]  }
0x4: {  	s4 =	simm.s32 $0x0;
	s22 =	simm.s32 $0xA000;
	s28 =	simm.s32 $0x80  }
0x5: {  	s29 =	simm.s32 $0x6C00;
	s30 =	simm.s32 $0x1;
	s31 =	simm.s32 $0x2  }
0x6: {  	s0 =	sand.u32 $0x1, s0;
	[smem:$0x7FF] =	sst s4;
	s7 =	smul.u32 $0x14000, s8  }
0x7: {  	s9 =	sadd.s32 $0xFE00, s5;
	s19 =	sadd.s32 $0x27100, s1;
	s2 =	sshll.u32 s0, $0x4  }
0x8: {  	s6 =	smul.u32 $0x140000, s0;
	_ =	strace $0x8000004A;
	[dreg:$0x4] =	wrdreg s9  }
0x9: {  	s0 =	ssub.s32 $0x2, s0;
	s2 =	sor.u32 s8, s2;
	s8 =	smul.u32 $0x50000, s8  }
0xa: {  	s23 =	sshrl.u32 s0, $0x1;
	s2 =	smul.u32 $0x380, s2;
	s6 =	sadd.s32 s7, s6  }
0xb: {  	s0 =	ssub.s32 s0, s23;
	s23 =	simm.s32 $0x3;
	s6 =	sshrl.u32 s6, $0x3  }
0xc: {  	s8 =	sshrl.u32 s8, $0x2;
	s21 =	smax.u32 s0, $0x1;
	s0 =	simm.s32 $0x3480  }
0xd: {  	s2 =	sadd.s32 s2, s5;
	s5 =	sadd.s32 s6, s5;
	s6 =	sadd.s32 s8, s3  }
0xe: {  	s24 =	sadd.s32 $0x8E00, s2;
	s2 =	sadd.s32 $0x1E00, s2;
	s9 =	sadd.s32 $0x2000, s6  }
0xf: {  	s10 =	sadd.s32 $0x4000, s6;
	s11 =	sadd.s32 $0x6000, s6;
	s12 =	sadd.s32 $0x8000, s6  }
0x10: {  	s13 =	sadd.s32 $0xA000, s6;
	s14 =	sadd.s32 $0xC000, s6;
	[dreg:$0x5] =	wrdreg s24  }
0x11: {  	s15 =	sadd.s32 $0xE000, s6;
	s25 =	sadd.s32 $0x10200, s5;
	[dreg:$0x6] =	wrdreg s2  }
0x12: {  	s16 =	sadd.s32 $0x10000, s6;
	s26 =	sadd.s32 $0x60200, s5;
	[dreg:$0x7] =	wrdreg s25  }
0x13: {  	s17 =	sadd.s32 $0x12000, s6;
	[dreg:$0x8] =	wrdreg s26;
	s25 =	simm.s32 $0x64  }
0x14: {  	s26 =	simm.s32 $0x3800;
	s2 =	simm.s32 $0x3400;
	s24 =	simm.s32 $0x0  }
.LBB2_1:
0x15: {  	s5 =	rddreg [dreg:$0x4]  }
0x16: {  	[tilespmem:s22], [sflag:$0x3] =	stream.linear.gather [hbm4b:s5+s4], $0x2000, $0x38;
	v63 =	vld [tilespmem:$0x0]  }
0x17: {  	_ =	swait.ge [sflag:s23], $0x2000  }
0x18: {  	[sflag:s23] =	ssyncset.done $0x0  }
0x19: {  	s18 =	rddreg [dreg:$0x5];
	[sflag:s23] =	ssyncadd.s32 $0xFFFFE000  }
0x1a: {  	[tilespmem:s4], [sflag:$0x3] =	stream.linear.gather [hbm4b:s18+s4], $0x1900, $0x38;
	v63 =	vld [tilespmem:$0x0]  }
0x1b: {  	_ =	swait.ge [sflag:s23], $0x1900  }
0x1c: {  	[sflag:s23] =	ssyncset.done $0x0  }
0x1d: {  	s7 =	simm.s32 $0x1C00;
	s20 =	rddreg [dreg:$0x6];
	[sflag:s23] =	ssyncadd.s32 $0xFFFFE700  }
0x1e: {  	[tilespmem:s7], [sflag:$0x3] =	stream.linear.gather [hbm4b:s20+s4], $0x1900, $0x38;
	v63 =	vld [tilespmem:$0x0]  }
0x1f: {  	_ =	swait.ge [sflag:s23], $0x1900  }
0x20: {  	[sflag:s23] =	ssyncset.done $0x0  }
0x21: {  	[sflag:s23] =	ssyncadd.s32 $0xFFFFE700  }
0x22: {  	[spmem:s6] =	stream.linear.scatter [tilespmem:s22], [sflag:$0x3], $0x2000, $0x38;
	v63 =	vld [tilespmem:$0x0]  }
0x23: {  	_ =	swait.ge [sflag:s23], $0x2000  }
0x24: {  	[sflag:s23] =	ssyncset.done $0x0  }
0x25: {  	[sflag:s23] =	ssyncadd.s32 $0xFFFFE000  }
0x26: {  	[spmem:s9] =	stream.linear.scatter [tilespmem:s22], [sflag:$0x3], $0x2000, $0x38;
	v63 =	vld [tilespmem:$0x0]  }
0x27: {  	_ =	swait.ge [sflag:s23], $0x2000  }
0x28: {  	[sflag:s23] =	ssyncset.done $0x0  }
0x29: {  	[sflag:s23] =	ssyncadd.s32 $0xFFFFE000  }
0x2a: {  	[spmem:s10] =	stream.linear.scatter [tilespmem:s22], [sflag:$0x3], $0x2000, $0x38;
	v63 =	vld [tilespmem:$0x0]  }
0x2b: {  	_ =	swait.ge [sflag:s23], $0x2000  }
0x2c: {  	[sflag:s23] =	ssyncset.done $0x0  }
0x2d: {  	[sflag:s23] =	ssyncadd.s32 $0xFFFFE000  }
0x2e: {  	[spmem:s11] =	stream.linear.scatter [tilespmem:s22], [sflag:$0x3], $0x2000, $0x38;
	v63 =	vld [tilespmem:$0x0]  }
0x2f: {  	_ =	swait.ge [sflag:s23], $0x2000  }
0x30: {  	[sflag:s23] =	ssyncset.done $0x0  }
0x31: {  	[sflag:s23] =	ssyncadd.s32 $0xFFFFE000  }
0x32: {  	[spmem:s12] =	stream.linear.scatter [tilespmem:s22], [sflag:$0x3], $0x2000, $0x38;
	v63 =	vld [tilespmem:$0x0]  }
0x33: {  	_ =	swait.ge [sflag:s23], $0x2000  }
0x34: {  	[sflag:s23] =	ssyncset.done $0x0  }
0x35: {  	[sflag:s23] =	ssyncadd.s32 $0xFFFFE000  }
0x36: {  	[spmem:s13] =	stream.linear.scatter [tilespmem:s22], [sflag:$0x3], $0x2000, $0x38;
	v63 =	vld [tilespmem:$0x0]  }
0x37: {  	_ =	swait.ge [sflag:s23], $0x2000  }
0x38: {  	[sflag:s23] =	ssyncset.done $0x0  }
0x39: {  	[sflag:s23] =	ssyncadd.s32 $0xFFFFE000  }
0x3a: {  	[spmem:s14] =	stream.linear.scatter [tilespmem:s22], [sflag:$0x3], $0x2000, $0x38;
	v63 =	vld [tilespmem:$0x0]  }
0x3b: {  	_ =	swait.ge [sflag:s23], $0x2000  }
0x3c: {  	[sflag:s23] =	ssyncset.done $0x0  }
0x3d: {  	[sflag:s23] =	ssyncadd.s32 $0xFFFFE000  }
0x3e: {  	[spmem:s15] =	stream.linear.scatter [tilespmem:s22], [sflag:$0x3], $0x2000, $0x38;
	v63 =	vld [tilespmem:$0x0]  }
0x3f: {  	_ =	swait.ge [sflag:s23], $0x2000  }
0x40: {  	[sflag:s23] =	ssyncset.done $0x0  }
0x41: {  	[sflag:s23] =	ssyncadd.s32 $0xFFFFE000  }
0x42: {  	[spmem:s16] =	stream.linear.scatter [tilespmem:s22], [sflag:$0x3], $0x2000, $0x38;
	v63 =	vld [tilespmem:$0x0]  }
0x43: {  	_ =	swait.ge [sflag:s23], $0x2000  }
0x44: {  	[sflag:s23] =	ssyncset.done $0x0  }
0x45: {  	[sflag:s23] =	ssyncadd.s32 $0xFFFFE000  }
0x46: {  	[spmem:s17] =	stream.linear.scatter [tilespmem:s22], [sflag:$0x3], $0x2000, $0x38;
	v63 =	vld [tilespmem:$0x0]  }
0x47: {  	_ =	swait.ge [sflag:s23], $0x2000  }
0x48: {  	[sflag:s23] =	ssyncset.done $0x0  }
0x49: {  	[sflag:s23] =	ssyncadd.s32 $0xFFFFE000  }
0x4a: {  	[bflag:$0x0] =	sbarrier.arrive $0xFFFF  }
0x4b: {  	[tilespmem:s26], [sflag:$0x1] =	stream.indirect.gather [hbm4b:s1+s25], $0x80, s4, s25, $0xb8;
	v63 =	vld [tilespmem:$0x0]  }
0x4c: {  	_ = 	snop  }
0x4d: {  	[tilespmem:s29], [sflag:$0x2] =	stream.indirect.gather [hbm4b:s1+s25], $0x80, s28, s25, $0xb8;
	v63 =	vld [tilespmem:$0x0]  }
0x4e: {  	_ =	swait.ge [sflag:s30], $0x3200  }
0x4f: {  	[sflag:s30] =	ssyncset.done $0x0  }
0x50: {  	s8 =	simm.s32 $0x1C00;
	[sflag:s30] =	ssyncadd.s32 $0xFFFFCE00  }
0x51: {  	[spmem:s3] =	stream.indirect.scatter.add.f32 [tilespmem:s26], [sflag:$0x3], $0x80, s8, s25, $0xb8;
	v63 =	vld [tilespmem:$0x0]  }
0x52: {  	_ =	swait.ge [sflag:s23], $0x3200  }
0x53: {  	[sflag:s23] =	ssyncset.done $0x0  }
0x54: {  	s18 =	simm.s32 $0x100;
	[sflag:s23] =	ssyncadd.s32 $0xFFFFCE00  }
0x55: {  	[tilespmem:s26], [sflag:$0x1] =	stream.indirect.gather [hbm4b:s1+s25], $0x80, s18, s25, $0xb8;
	v63 =	vld [tilespmem:$0x0]  }
0x56: {  	_ =	swait.ge [sflag:s31], $0x3200  }
0x57: {  	[sflag:s31] =	ssyncset.done $0x0  }
0x58: {  	s20 =	simm.s32 $0x1C80;
	[sflag:s31] =	ssyncadd.s32 $0xFFFFCE00  }
0x59: {  	[spmem:s3] =	stream.indirect.scatter.add.f32 [tilespmem:s29], [sflag:$0x3], $0x80, s20, s25, $0xb8;
	v63 =	vld [tilespmem:$0x0]  }
0x5a: {  	_ =	swait.ge [sflag:s23], $0x3200  }
0x5b: {  	[sflag:s23] =	ssyncset.done $0x0  }
0x5c: {  	s5 =	simm.s32 $0x400;
	s7 =	simm.s32 $0x180;
	[sflag:s23] =	ssyncadd.s32 $0xFFFFCE00  }
.LBB2_2:
0x5d: {  	[tilespmem:s29], [sflag:$0x2] =	stream.indirect.gather [hbm4b:s1+s25], $0x80, s7, s25, $0xb8;
	v63 =	vld [tilespmem:$0x0]  }
0x5e: {  	s7 =	smov.u32 s5  }
0x5f: {  	p0 =	sne.s32 s5, $0x5C00;
	s5 =	sadd.s32 $0x400, s5;
	_ =	swait.ge [sflag:s30], $0x3200  }
0x60: {  	s7 =	sshra.s32 s7, $0x2;
	[sflag:s30] =	ssyncset.done $0x0  }
0x61: {  	s8 =	sadd.s32 $0x1C00, s7;
	[sflag:s30] =	ssyncadd.s32 $0xFFFFCE00  }
0x62: {  	[spmem:s3] =	stream.indirect.scatter.add.f32 [tilespmem:s26], [sflag:$0x3], $0x80, s8, s25, $0xb8;
	v63 =	vld [tilespmem:$0x0]  }
0x63: {  	_ =	swait.ge [sflag:s23], $0x3200  }
0x64: {  	[sflag:s23] =	ssyncset.done $0x0  }
0x65: {  	s8 =	sadd.s32 $0x100, s7;
	[sflag:s23] =	ssyncadd.s32 $0xFFFFCE00  }
0x66: {  	[tilespmem:s26], [sflag:$0x1] =	stream.indirect.gather [hbm4b:s1+s25], $0x80, s8, s25, $0xb8;
	v63 =	vld [tilespmem:$0x0]  }
0x67: {  	_ =	swait.ge [sflag:s31], $0x3200  }
0x68: {  	[sflag:s31] =	ssyncset.done $0x0  }
.Ltmp0:
0x69: {  	s8 =	sadd.s32 $0x1C80, s7;
	[sflag:s31] =	ssyncadd.s32 $0xFFFFCE00;
	(pc) =	sbr.rel @p0 .LBB2_2-.Ltmp0, $4  }
0x6a: {  	[spmem:s3] =	stream.indirect.scatter.add.f32 [tilespmem:s29], [sflag:$0x3], $0x80, s8, s25, $0xb8;
	v63 =	vld [tilespmem:$0x0]  }
0x6b: {  	_ =	swait.ge [sflag:s23], $0x3200  }
0x6c: {  	[sflag:s23] =	ssyncset.done $0x0  }
0x6d: {  	s7 =	sadd.s32 $0x180, s7;
	[sflag:s23] =	ssyncadd.s32 $0xFFFFCE00  }
0x6e: {  	[tilespmem:s29], [sflag:$0x2] =	stream.indirect.gather [hbm4b:s1+s25], $0x80, s7, s25, $0xb8;
	v63 =	vld [tilespmem:$0x0]  }
0x6f: {  	_ =	swait.ge [sflag:s30], $0x3200  }
0x70: {  	[sflag:s30] =	ssyncset.done $0x0  }
0x71: {  	[sflag:s30] =	ssyncadd.s32 $0xFFFFCE00  }
0x72: {  	[spmem:s3] =	stream.indirect.scatter.add.f32 [tilespmem:s26], [sflag:$0x3], $0x80, s2, s25, $0xb8;
	v63 =	vld [tilespmem:$0x0]  }
0x73: {  	_ =	swait.ge [sflag:s23], $0x3200  }
0x74: {  	[sflag:s23] =	ssyncset.done $0x0  }
0x75: {  	[sflag:s23] =	ssyncadd.s32 $0xFFFFCE00  }
0x76: {  	_ =	swait.ge [sflag:s31], $0x3200  }
0x77: {  	[sflag:s31] =	ssyncset.done $0x0  }
0x78: {  	[sflag:s31] =	ssyncadd.s32 $0xFFFFCE00  }
0x79: {  	[spmem:s3] =	stream.indirect.scatter.add.f32 [tilespmem:s29], [sflag:$0x3], $0x80, s0, s25, $0xb8;
	v63 =	vld [tilespmem:$0x0]  }
0x7a: {  	_ =	swait.ge [sflag:s23], $0x3200  }
0x7b: {  	[sflag:s23] =	ssyncset.done $0x0  }
0x7c: {  	s5 =	stileid.u32;
	[sflag:s23] =	ssyncadd.s32 $0xFFFFCE00  }
0x7d: {  	s5 =	sshll.u32 s5, $0x6;
	[bflag:$0x0] =	sbarrier.arrive $0xFFFF  }
0x7e: {  	s7 =	sshrl.u32 s6, $0x3;
	s5 =	sor.u32 $0x1C03, s5;
	s8 =	rddreg [dreg:$0x7]  }
0x7f: {  	[hbm:s8], [sflag:s5] =	dma.local [spmem:s7], $0x2800  }
0x80: {  	_ =	swait.ge [sflag:s23], $0x2800  }
0x81: {  	[sflag:s23] =	ssyncset.done $0x0  }
0x82: {  	[sflag:s23] =	ssyncadd.s32 $0xFFFFD800  }
0x83: {  	[bflag:$0x0] =	sbarrier.arrive $0xFFFF  }
0x84: {  	[spmem:s6] =	stream.linear.scatter [tilespmem:s22], [sflag:$0x3], $0x2000, $0x38;
	v63 =	vld [tilespmem:$0x0]  }
0x85: {  	_ =	swait.ge [sflag:s23], $0x2000  }
0x86: {  	[sflag:s23] =	ssyncset.done $0x0  }
0x87: {  	[sflag:s23] =	ssyncadd.s32 $0xFFFFE000  }
0x88: {  	[spmem:s9] =	stream.linear.scatter [tilespmem:s22], [sflag:$0x3], $0x2000, $0x38;
	v63 =	vld [tilespmem:$0x0]  }
0x89: {  	_ =	swait.ge [sflag:s23], $0x2000  }
0x8a: {  	[sflag:s23] =	ssyncset.done $0x0  }
0x8b: {  	[sflag:s23] =	ssyncadd.s32 $0xFFFFE000  }
0x8c: {  	[spmem:s10] =	stream.linear.scatter [tilespmem:s22], [sflag:$0x3], $0x2000, $0x38;
	v63 =	vld [tilespmem:$0x0]  }
0x8d: {  	_ =	swait.ge [sflag:s23], $0x2000  }
0x8e: {  	[sflag:s23] =	ssyncset.done $0x0  }
0x8f: {  	[sflag:s23] =	ssyncadd.s32 $0xFFFFE000  }
0x90: {  	[spmem:s11] =	stream.linear.scatter [tilespmem:s22], [sflag:$0x3], $0x2000, $0x38;
	v63 =	vld [tilespmem:$0x0]  }
0x91: {  	_ =	swait.ge [sflag:s23], $0x2000  }
0x92: {  	[sflag:s23] =	ssyncset.done $0x0  }
0x93: {  	[sflag:s23] =	ssyncadd.s32 $0xFFFFE000  }
0x94: {  	[spmem:s12] =	stream.linear.scatter [tilespmem:s22], [sflag:$0x3], $0x2000, $0x38;
	v63 =	vld [tilespmem:$0x0]  }
0x95: {  	_ =	swait.ge [sflag:s23], $0x2000  }
0x96: {  	[sflag:s23] =	ssyncset.done $0x0  }
0x97: {  	[sflag:s23] =	ssyncadd.s32 $0xFFFFE000  }
0x98: {  	[spmem:s13] =	stream.linear.scatter [tilespmem:s22], [sflag:$0x3], $0x2000, $0x38;
	v63 =	vld [tilespmem:$0x0]  }
0x99: {  	_ =	swait.ge [sflag:s23], $0x2000  }
0x9a: {  	[sflag:s23] =	ssyncset.done $0x0  }
0x9b: {  	[sflag:s23] =	ssyncadd.s32 $0xFFFFE000  }
0x9c: {  	[spmem:s14] =	stream.linear.scatter [tilespmem:s22], [sflag:$0x3], $0x2000, $0x38;
	v63 =	vld [tilespmem:$0x0]  }
0x9d: {  	_ =	swait.ge [sflag:s23], $0x2000  }
0x9e: {  	[sflag:s23] =	ssyncset.done $0x0  }
0x9f: {  	[sflag:s23] =	ssyncadd.s32 $0xFFFFE000  }
0xa0: {  	[spmem:s15] =	stream.linear.scatter [tilespmem:s22], [sflag:$0x3], $0x2000, $0x38;
	v63 =	vld [tilespmem:$0x0]  }
0xa1: {  	_ =	swait.ge [sflag:s23], $0x2000  }
0xa2: {  	[sflag:s23] =	ssyncset.done $0x0  }
0xa3: {  	[sflag:s23] =	ssyncadd.s32 $0xFFFFE000  }
0xa4: {  	[spmem:s16] =	stream.linear.scatter [tilespmem:s22], [sflag:$0x3], $0x2000, $0x38;
	v63 =	vld [tilespmem:$0x0]  }
0xa5: {  	_ =	swait.ge [sflag:s23], $0x2000  }
0xa6: {  	[sflag:s23] =	ssyncset.done $0x0  }
0xa7: {  	[sflag:s23] =	ssyncadd.s32 $0xFFFFE000  }
0xa8: {  	[spmem:s17] =	stream.linear.scatter [tilespmem:s22], [sflag:$0x3], $0x2000, $0x38;
	v63 =	vld [tilespmem:$0x0]  }
0xa9: {  	_ =	swait.ge [sflag:s23], $0x2000  }
0xaa: {  	[sflag:s23] =	ssyncset.done $0x0  }
0xab: {  	[sflag:s23] =	ssyncadd.s32 $0xFFFFE000  }
0xac: {  	s18 =	simm.s32 $0x0;
	[bflag:$0x0] =	sbarrier.arrive $0xFFFF  }
0xad: {  	[tilespmem:s26], [sflag:$0x1] =	stream.indirect.gather [hbm4b:s19+s25], $0x80, s18, s25, $0xb8;
	v63 =	vld [tilespmem:$0x0]  }
0xae: {  	_ = 	snop  }
0xaf: {  	[tilespmem:s29], [sflag:$0x2] =	stream.indirect.gather [hbm4b:s19+s25], $0x80, s28, s25, $0xb8;
	v63 =	vld [tilespmem:$0x0]  }
0xb0: {  	_ =	swait.ge [sflag:s30], $0x3200  }
0xb1: {  	[sflag:s30] =	ssyncset.done $0x0  }
0xb2: {  	s20 =	simm.s32 $0x1C00;
	[sflag:s30] =	ssyncadd.s32 $0xFFFFCE00  }
0xb3: {  	[spmem:s3] =	stream.indirect.scatter.add.f32 [tilespmem:s26], [sflag:$0x3], $0x80, s20, s25, $0xb8;
	v63 =	vld [tilespmem:$0x0]  }
0xb4: {  	_ =	swait.ge [sflag:s23], $0x3200  }
0xb5: {  	[sflag:s23] =	ssyncset.done $0x0  }
0xb6: {  	s18 =	simm.s32 $0x100;
	[sflag:s23] =	ssyncadd.s32 $0xFFFFCE00  }
0xb7: {  	[tilespmem:s26], [sflag:$0x1] =	stream.indirect.gather [hbm4b:s19+s25], $0x80, s18, s25, $0xb8;
	v63 =	vld [tilespmem:$0x0]  }
0xb8: {  	_ =	swait.ge [sflag:s31], $0x3200  }
0xb9: {  	[sflag:s31] =	ssyncset.done $0x0  }
0xba: {  	s20 =	simm.s32 $0x1C80;
	[sflag:s31] =	ssyncadd.s32 $0xFFFFCE00  }
0xbb: {  	[spmem:s3] =	stream.indirect.scatter.add.f32 [tilespmem:s29], [sflag:$0x3], $0x80, s20, s25, $0xb8;
	v63 =	vld [tilespmem:$0x0]  }
0xbc: {  	_ =	swait.ge [sflag:s23], $0x3200  }
0xbd: {  	[sflag:s23] =	ssyncset.done $0x0  }
0xbe: {  	s8 =	simm.s32 $0x400;
	s18 =	simm.s32 $0x180;
	[sflag:s23] =	ssyncadd.s32 $0xFFFFCE00  }
.LBB2_4:
0xbf: {  	[tilespmem:s29], [sflag:$0x2] =	stream.indirect.gather [hbm4b:s19+s25], $0x80, s18, s25, $0xb8;
	v63 =	vld [tilespmem:$0x0]  }
0xc0: {  	s18 =	smov.u32 s8  }
0xc1: {  	p0 =	sne.s32 s8, $0x5C00;
	s8 =	sadd.s32 $0x400, s8;
	_ =	swait.ge [sflag:s30], $0x3200  }
0xc2: {  	s18 =	sshra.s32 s18, $0x2;
	[sflag:s30] =	ssyncset.done $0x0  }
0xc3: {  	s20 =	sadd.s32 $0x1C00, s18;
	[sflag:s30] =	ssyncadd.s32 $0xFFFFCE00  }
0xc4: {  	[spmem:s3] =	stream.indirect.scatter.add.f32 [tilespmem:s26], [sflag:$0x3], $0x80, s20, s25, $0xb8;
	v63 =	vld [tilespmem:$0x0]  }
0xc5: {  	_ =	swait.ge [sflag:s23], $0x3200  }
0xc6: {  	[sflag:s23] =	ssyncset.done $0x0  }
0xc7: {  	s20 =	sadd.s32 $0x100, s18;
	[sflag:s23] =	ssyncadd.s32 $0xFFFFCE00  }
0xc8: {  	[tilespmem:s26], [sflag:$0x1] =	stream.indirect.gather [hbm4b:s19+s25], $0x80, s20, s25, $0xb8;
	v63 =	vld [tilespmem:$0x0]  }
0xc9: {  	_ =	swait.ge [sflag:s31], $0x3200  }
0xca: {  	[sflag:s31] =	ssyncset.done $0x0  }
.Ltmp1:
0xcb: {  	s20 =	sadd.s32 $0x1C80, s18;
	[sflag:s31] =	ssyncadd.s32 $0xFFFFCE00;
	(pc) =	sbr.rel @p0 .LBB2_4-.Ltmp1, $4  }
0xcc: {  	[spmem:s3] =	stream.indirect.scatter.add.f32 [tilespmem:s29], [sflag:$0x3], $0x80, s20, s25, $0xb8;
	v63 =	vld [tilespmem:$0x0]  }
0xcd: {  	_ =	swait.ge [sflag:s23], $0x3200  }
0xce: {  	[sflag:s23] =	ssyncset.done $0x0  }
0xcf: {  	s18 =	sadd.s32 $0x180, s18;
	[sflag:s23] =	ssyncadd.s32 $0xFFFFCE00  }
0xd0: {  	[tilespmem:s29], [sflag:$0x2] =	stream.indirect.gather [hbm4b:s19+s25], $0x80, s18, s25, $0xb8;
	v63 =	vld [tilespmem:$0x0]  }
0xd1: {  	_ =	swait.ge [sflag:s30], $0x3200  }
0xd2: {  	[sflag:s30] =	ssyncset.done $0x0  }
0xd3: {  	[sflag:s30] =	ssyncadd.s32 $0xFFFFCE00  }
0xd4: {  	[spmem:s3] =	stream.indirect.scatter.add.f32 [tilespmem:s26], [sflag:$0x3], $0x80, s2, s25, $0xb8;
	v63 =	vld [tilespmem:$0x0]  }
0xd5: {  	_ =	swait.ge [sflag:s23], $0x3200  }
0xd6: {  	[sflag:s23] =	ssyncset.done $0x0  }
0xd7: {  	[sflag:s23] =	ssyncadd.s32 $0xFFFFCE00  }
0xd8: {  	_ =	swait.ge [sflag:s31], $0x3200  }
0xd9: {  	[sflag:s31] =	ssyncset.done $0x0  }
0xda: {  	[sflag:s31] =	ssyncadd.s32 $0xFFFFCE00  }
0xdb: {  	[spmem:s3] =	stream.indirect.scatter.add.f32 [tilespmem:s29], [sflag:$0x3], $0x80, s0, s25, $0xb8;
	v63 =	vld [tilespmem:$0x0]  }
0xdc: {  	_ =	swait.ge [sflag:s23], $0x3200  }
0xdd: {  	[sflag:s23] =	ssyncset.done $0x0  }
0xde: {  	s24 =	sadd.s32 $0x1, s24;
	[sflag:s23] =	ssyncadd.s32 $0xFFFFCE00  }
0xdf: {  	p0 =	sne.s32 s24, s21;
	[bflag:$0x0] =	sbarrier.arrive $0xFFFF  }
.Ltmp2:
0xe0: {  	s8 =	rddreg [dreg:$0x8];
	(pc) =	sbr.rel @p0 .LBB2_1-.Ltmp2, $4  }
0xe1: {  	[hbm:s8], [sflag:s5] =	dma.local [spmem:s7], $0x2800  }
0xe2: {  	_ =	swait.ge [sflag:s23], $0x2800  }
0xe3: {  	[sflag:s23] =	ssyncset.done $0x0  }
0xe4: {  	[sflag:s23] =	ssyncadd.s32 $0xFFFFD800  }
0xe5: {  	_ =	sfence.sel $0x180000  }
0xe6: {  	[bflag:$0x0] =	sbarrier.arrive $0xFFFF  }
0xe7: {  	_ =	strace $0x9000004A  }
0xe8: {  	s0 =	stileid.u32;
	[bflag:$0x2] =	sbarrier.arrive $0xFFFF  }
0xe9: {  	p0 =	sne.s32 s0, $0x0;
	s0 =	rddreg [dreg:$0x3]  }
0xea: {  	s0 =	sadd.s32 @!p0 $0x100000, s0  }
0xeb: {  	[sflag:s0] =	ssyncadd.tile.s32 @!p0 $0x1;
	_ =	shalt  }
.Lfunc_end2:
_tile_overlayer_lowered:
.L_overlay_start_2:
0xec: {  	(tag) =	ssettag $0x2  }
0xed: {  	s0 =	rddreg [dreg:$0x0];
	s2 =	stileid.u32  }
0xee: {  	s1 =	rddreg [dreg:$0x1];
	p0 =	sne.s32 s2, $0x0  }
0xef: {  	s3 =	rddreg [dreg:$0x2];
	[bflag:$0x3] =	sbarrier.arrive $0xFFFF;
	s2 =	simm.s32 @!p0 $0x1C03  }
0xf0: {  	[timem:s3], [sflag:s2] =	dma.local @!p0 [hbm:s0], s1  }
0xf1: {  	s0 =	simm.s32 @!p0 $0x3  }
0xf2: {  	_ =	swait.ge @!p0 [sflag:s0], s1  }
0xf3: {  	s1 =	ssub.s32 @!p0 $0x0, s1;
	[sflag:s0] =	ssyncset.done @!p0 $0x0  }
0xf4: {  	[sflag:s0] =	ssyncadd.s32 @!p0 s1  }
0xf5: {  	[bflag:$0x3] =	sbarrier.arrive $0xFFFF  }
0xf6: {  	_ =	shalt  }

// kernel: sc_propagate.8.cloned.1.call-start
scs
__scs_entry_jumppad:
0x0: {  	(pc) =	sbr.rel $0x88, $3  }
0x1: {  	(tag) =	ssettag $0x0;
	lr =	simm.s32 $0x1  }
0x2: {  	[smem:$0x3F99] =	sst lr;
	_ =	strace $0xD0000000  }
0x3: {  	_ = 	snop  }
0x4: {  	_ = 	snop  }
0x5: {  	_ = 	snop  }
0x6: {  	_ = 	snop  }
0x7: {  	_ = 	snop  }
__scs_overlays_trampoline_lowered:
0x8: {  	[smem:$0x3FA8] =	sst s0  }
0x9: {  	[smem:$0x3FA9] =	sst s1  }
0xa: {  	[smem:$0x3FAA] =	sst s2  }
0xb: {  	[smem:$0x3FAB] =	sst s3  }
0xc: {  	[smem:$0x3FAC] =	sst s4  }
0xd: {  	[smem:$0x3FAD] =	sst s5  }
0xe: {  	[smem:$0x3FAE] =	sst s6  }
0xf: {  	[smem:$0x3FAF] =	sst s7  }
0x10: {  	[smem:$0x3FB0] =	sst s8  }
0x11: {  	[smem:$0x3FB1] =	sst s9;
	s0 =	simm.s32 @!p0 $0x0  }
0x12: {  	s1 =	sld [smem:$0x3F97];
	s0 =	simm.s32 @p0 $0x1  }
0x13: {  	[smem:$0x3FB2] =	sst s0;
	s0 =	simm.s32 @!p1 $0x0  }
0x14: {  	s2 =	sld [smem:$0x3F96];
	s0 =	simm.s32 @p1 $0x1  }
0x15: {  	[smem:$0x3FB3] =	sst s0;
	s0 =	simm.s32 @!p2 $0x0  }
0x16: {  	s3 =	sld [smem:$0x3FDB];
	s0 =	simm.s32 @p2 $0x1  }
0x17: {  	s4 =	simm.s32 $0x1BF5;
	[smem:$0x3FB5] =	sst s0  }
0x18: {  	s0 =	sld [smem:$0x3F98];
	_ =	swait.ge [sflag:s4], $0x0  }
0x19: {  	s7 =	sld [smem:$0x3F99]  }
0x1a: {  	s8 =	sadd.s32 $0xFFFFE003, lr  }
0x1b: {  	s9 =	sadd.s32 $0xFFFFFEF7, lr;
	s5 =	simm.s32 $0xFFFFFFFF;
	p2 =	slt.u32 s8, $0xFFFFF086  }
0x1c: {  	p1 =	slt.u32 s9, $0xF7A;
	s5 =	simm.s32 @!p2 $0x0  }
0x1d: {  	s5 =	simm.s32 @p1 $0x1;
	p0 =	seq.s32 s7, s2  }
0x1e: {  	s7 =	smul.u32 @!p0 $0xF7A, s2;
	p2 =	seq.s32 @!p0 s5, $0x0  }
0x1f: {  	s9 =	smul.u32 $0xF7A, s1;
	s8 =	simm.s32 @!p0 $0x1BF5;
	p2 =	por !p2, p0  }
0x20: {  	[sflag:s8] =	ssyncset.s32 @!p0 $0xFFFFF086;
	s6 =	sadd.s32 @!p0 s3, s7;
	s7 =	simm.s32 @!p0 $0x108  }
0x21: {  	s3 =	sadd.s32 s3, s9;
	s6 =	sadd.s32 @!p0 $0x88, s6;
	s7 =	simm.s32 @p2 $0x1082  }
0x22: {  	[simem:s7], [sflag:s8] =	dma.local @!p0 [hbm:s6], $0xF7A  }
0x23: {  	s9 =	sor.u32 $0xD0000000, s2;
	s6 =	simm.s32 $0x108;
	_ =	swait.ge @!p0 [sflag:s8], $0x0  }
0x24: {  	s3 =	sadd.s32 $0x88, s3;
	s6 =	simm.s32 @!p1 $0x1082;
	[sflag:s4] =	ssyncset.s32 $0xFFFFF086  }
0x25: {  	[simem:s6], [sflag:s4] =	dma.local [hbm:s3], $0xF7A  }
0x26: {  	[smem:$0x3F99] =	sst s1;
	(tag) =	ssettag s2;
	_ =	strace s9  }
0x27: {  	s1 =	sld [smem:$0x3FA9]  }
0x28: {  	s2 =	sld [smem:$0x3FAA]  }
0x29: {  	s4 =	sld [smem:$0x3FAC]  }
0x2a: {  	p0 =	seq.s32 s5, $0x0;
	s5 =	sld [smem:$0x3FAD]  }
0x2b: {  	s6 =	sld [smem:$0x3FAE]  }
0x2c: {  	s7 =	sld [smem:$0x3FAF]  }
0x2d: {  	s3 =	simm.s32 $0x108;
	s8 =	sld [smem:$0x3FB0]  }
0x2e: {  	s3 =	simm.s32 @!p0 $0x1082;
	s9 =	sld [smem:$0x3FB1]  }
0x2f: {  	lr =	sadd.s32 s0, s3;
	s0 =	sld [smem:$0x3FA8]  }
0x30: {  	s3 =	sld [smem:$0x3FAB]  }
0x31: {  	[smem:$0x3FB4] =	sst s10  }
0x32: {  	s10 =	sld [smem:$0x3FB2];
	_ =	sdelay $0x3  }
0x33: {  	p0 =	seq.s32 s10, $0x1;
	s10 =	sld [smem:$0x3FB4];
	_ =	sdelay $0x3  }
0x34: {  	[smem:$0x3FB4] =	sst s10  }
0x35: {  	s10 =	sld [smem:$0x3FB3];
	_ =	sdelay $0x3  }
0x36: {  	p1 =	seq.s32 s10, $0x1;
	s10 =	sld [smem:$0x3FB4];
	_ =	sdelay $0x3  }
0x37: {  	[smem:$0x3FB4] =	sst s10  }
0x38: {  	s10 =	sld [smem:$0x3FB5]  }
0x39: {  	_ = 	snop;
	(pc) =	sbr.ind lr, $3  }
0x3a: {  	_ = 	snop  }
0x3b: {  	_ = 	snop  }
0x3c: {  	p2 =	seq.s32 s10, $0x1;
	s10 =	sld [smem:$0x3FB4]  }
0x3d: {  	_ =	shalt  }
0x3e: {  	_ =	shalt  }
0x3f: {  	_ =	shalt  }
0x40: {  	_ =	shalt  }
0x41: {  	_ =	shalt  }
0x42: {  	_ =	shalt  }
0x43: {  	_ =	shalt  }
0x44: {  	_ =	shalt  }
0x45: {  	_ =	shalt  }
0x46: {  	_ =	shalt  }
0x47: {  	_ =	shalt  }
0x48: {  	_ =	shalt  }
0x49: {  	_ =	shalt  }
0x4a: {  	_ =	shalt  }
0x4b: {  	_ =	shalt  }
0x4c: {  	_ =	shalt  }
0x4d: {  	_ =	shalt  }
0x4e: {  	_ =	shalt  }
0x4f: {  	_ =	shalt  }
0x50: {  	_ =	shalt  }
0x51: {  	_ =	shalt  }
0x52: {  	_ =	shalt  }
0x53: {  	_ =	shalt  }
0x54: {  	_ =	shalt  }
0x55: {  	_ =	shalt  }
0x56: {  	_ =	shalt  }
0x57: {  	_ =	shalt  }
0x58: {  	_ =	shalt  }
0x59: {  	_ =	shalt  }
0x5a: {  	_ =	shalt  }
0x5b: {  	_ =	shalt  }
0x5c: {  	_ =	shalt  }
0x5d: {  	_ =	shalt  }
0x5e: {  	_ =	shalt  }
0x5f: {  	_ =	shalt  }
0x60: {  	_ =	shalt  }
0x61: {  	_ =	shalt  }
0x62: {  	_ =	shalt  }
0x63: {  	_ =	shalt  }
0x64: {  	_ =	shalt  }
0x65: {  	_ =	shalt  }
0x66: {  	_ =	shalt  }
0x67: {  	_ =	shalt  }
0x68: {  	_ =	shalt  }
0x69: {  	_ =	shalt  }
0x6a: {  	_ =	shalt  }
0x6b: {  	_ =	shalt  }
0x6c: {  	_ =	shalt  }
0x6d: {  	_ =	shalt  }
0x6e: {  	_ =	shalt  }
0x6f: {  	_ =	shalt  }
0x70: {  	_ =	shalt  }
0x71: {  	_ =	shalt  }
0x72: {  	_ =	shalt  }
0x73: {  	_ =	shalt  }
0x74: {  	_ =	shalt  }
0x75: {  	_ =	shalt  }
0x76: {  	_ =	shalt  }
0x77: {  	_ =	shalt  }
0x78: {  	_ =	shalt  }
0x79: {  	_ =	shalt  }
0x7a: {  	_ =	shalt  }
0x7b: {  	_ =	shalt  }
0x7c: {  	_ =	shalt  }
0x7d: {  	_ =	shalt  }
0x7e: {  	_ =	shalt  }
0x7f: {  	_ =	shalt  }
0x80: {  	_ =	shalt  }
0x81: {  	_ =	shalt  }
0x82: {  	_ =	shalt  }
0x83: {  	_ =	shalt  }
0x84: {  	_ =	shalt  }
0x85: {  	_ =	shalt  }
0x86: {  	_ =	shalt  }
0x87: {  	_ =	shalt  }
.Lfunc_end0:
.L_simem_size_0:
called_computation.2_lowered:
.L_overlay_start_0:
0x88: {  	s2 =	sld [smem:$0x3FD9]  }
0x89: {  	s3 =	sld [smem:$0x3FFE];
	_ =	sdelay $0x1  }
0x8a: {  	s1 =	srdreg.scid  }
0x8b: {  	s0 =	sand.u32 $0x1, s1  }
0x8c: {  	s16 =	sshll.u32 s0, $0xA;
	s2 =	sadd.s32 s3, s2  }
0x8d: {  	s2 =	sadd.s32 s2, s16  }
0x8e: {  	[smem:$0x3FC0] =	sst s2  }
0x8f: {  	_ = 	snop  }
0x90: {  	(tm) =	ssettm $0x1  }
0x91: {  	s17 =	sld [smem:$0x3FFB];
	_ =	sdelay $0x3  }
0x92: {  	_ =	strace s17  }
0x93: {  	s2 =	sld [smem:$0x3FFC];
	_ =	sdelay $0x3  }
0x94: {  	_ =	strace s2  }
0x95: {  	s2 =	sld [smem:$0x3FFD];
	_ =	sdelay $0x3  }
0x96: {  	_ =	strace s2  }
0x97: {  	_ =	strace $0x8FFFFFFF  }
0x98: {  	s18 =	sld [smem:$0x3FDB];
	_ =	sdelay $0x1  }
0x99: {  	s19 =	simm.s32 $_scs_section_size  }
0x9a: {  	s4 =	simm.s32 $_size__tile_overlayer_lowered;
	s5 =	simm.s32 $_tile_overlayer_lowered  }
0x9b: {  	s22 =	simm.s32 $0x1BFF;
	s21 =	sshll.u32 s5, $0x1;
	s2 =	sadd.s32 s19, s18  }
0x9c: {  	s6 =	simm.s32 $0x0;
	s20 =	sshll.u32 s4, $0x1;
	s4 =	sadd.s32 s21, s2  }
0x9d: {  	[timem:s6], [sflag:s22] =	dma.local [hbm:s4], s20  }
0x9e: {  	_ =	swait.ge [sflag:s22], s20  }
0x9f: {  	s3 =	ssub.s32 $0x0, s20;
	[sflag:s22] =	ssyncset.done $0x0  }
0xa0: {  	[sflag:s22] =	ssyncadd.s32 s3;
	_ =	sdelay $0x1  }
0xa1: {  	s23 =	simm.s32 $0x1B8B  }
0xa2: {  	_ =	swait.ge [sflag:s23], $0x1  }
0xa3: {  	[sflag:s23] =	ssyncset.done $0x0  }
0xa4: {  	s25 =	simm.s32 $0x1B8E;
	s24 =	sld [smem:$0x3FFE];
	[sflag:s23] =	ssyncadd.s32 $0xFFFFFFFF  }
0xa5: {  	s26 =	simm.s32 $execute0_lowered;
	[smem:$0x3FD2] =	sst s25  }
0xa6: {  	s4 =	sshll.u32 s26, $0x1;
	_ =	strace $0x8000004C;
	[dreg:$0x1] =	wrdreg $0xFFFFFFFF  }
0xa7: {  	s28 =	simm.s32 $_size_execute0_lowered;
	s2 =	sadd.s32 s2, s4;
	[dreg:$0x0] =	wrdreg $0x0  }
0xa8: {  	s4 =	sshll.u32 s28, $0x1;
	[dreg:$0x2] =	wrdreg s2  }
0xa9: {  	[dreg:$0x3] =	wrdreg s4  }
0xaa: {  	[dreg:$0x4] =	wrdreg $0xC0  }
0xab: {  	_ =	task [dreg:s6], $0x5FFFF  }
0xac: {  	[dreg:$0x1] =	wrdreg $0xFFFFFFFF  }
0xad: {  	[dreg:$0x0] =	wrdreg $0x60  }
0xae: {  	[dreg:$0x2] =	wrdreg s24  }
0xaf: {  	[dreg:$0x3] =	wrdreg $0xC0000  }
0xb0: {  	[dreg:$0x4] =	wrdreg $0x9  }
0xb1: {  	_ =	task.clear_ibuf [dreg:s6], $0x5FFFF;
	_ =	strace $0x9000004C  }
0xb2: {  	s29 =	simm.s32 $0x9;
	_ =	strace $0x8000004E  }
0xb3: {  	_ =	swait.ge [sflag:s29], $0x1  }
0xb4: {  	[sflag:s29] =	ssyncadd.s32 $0xFFFFFFFF  }
0xb5: {  	_ =	strace $0x9000004E  }
0xb6: {  	_ =	sfence  }
0xb7: {  	s30 =	sld [smem:$0x0];
	_ =	sdelay $0x2  }
0xb8: {  	s31 =	sshll.u32 s1, $0xD;
	s1 =	sshrl.u32 s1, $0x2  }
0xb9: {  	s3 =	sand.u32 $0x4000, s31;
	s1 =	sadd.s32 s1, s30  }
0xba: {  	s0 =	sor.u32 s3, s0;
	s1 =	sshll.u32 s1, $0x11  }
0xbb: {  	s0 =	sor.u32 s1, s0  }
0xbc: {  	s0 =	sadd.s32 $0x8F2B, s0  }
0xbd: {  	[sflag:s0] =	ssyncadd.remote.s32 $0x1  }
0xbe: {  	_ =	sfence.sel $0xFFFF  }
0xbf: {  	[dreg:$0x0] =	wrdreg $0xFFFFFFFF;
	(pc) =	sbr.abs _section_cstart, $3  }
0xc0: {  	[dreg:$0x1] =	wrdreg $0xFFFFFFFF  }
0xc1: {  	_ =	task.clear_ibuf [dreg:s6], $0x2FFFF;
	_ =	strace $0x9FFFFFFF  }
0xc2: {  	(tm) =	ssettm $0x7FFFFFFF  }
0xc3: {  	_ =	shalt  }
tec
execute0_lowered:
.L_overlay_start_1:
0x0: {  	(tag) =	ssettag $0x1  }
0x1: {  	s0 =	srdreg.scid  }
0x2: {  	s3 =	stileid.u32;
	s5 =	rddreg [dreg:$0x0]  }
0x3: {  	s2 =	rddreg [dreg:$0x1];
	s4 =	simm.s32 $0x0;
	s28 =	simm.s32 $0x3  }
0x4: {  	s30 =	simm.s32 $0x64;
	s31 =	simm.s32 $0x3800;
	s29 =	simm.s32 $0x6C00  }
0x5: {  	s0 =	sand.u32 $0x1, s0;
	[smem:$0x7FF] =	sst s4;
	s7 =	smul.u32 $0x14000, s3  }
0x6: {  	s4 =	sadd.s32 $0xB0200, s5;
	s20 =	smul.u32 $0x50000, s3;
	s21 =	sadd.s32 $0xFE00, s5  }
0x7: {  	s1 =	sshll.u32 s0, $0x4;
	s6 =	smul.u32 $0x140000, s0;
	_ =	strace $0x8000004D  }
0x8: {  	[dreg:$0x3] =	wrdreg s21;
	s0 =	ssub.s32 $0x2, s0;
	s1 =	sor.u32 s3, s1  }
0x9: {  	s21 =	sadd.s32 $0xFE400, s5;
	s18 =	sshrl.u32 s0, $0x1;
	s1 =	smul.u32 $0x380, s1  }
0xa: {  	s6 =	sadd.s32 s7, s6;
	s7 =	sshrl.u32 s20, $0x2;
	s0 =	ssub.s32 s0, s18  }
0xb: {  	s20 =	sadd.s32 $0xD7300, s5;
	s18 =	simm.s32 $0x0;
	s6 =	sshrl.u32 s6, $0x3  }
0xc: {  	s8 =	sadd.s32 s7, s2;
	s0 =	smax.u32 s0, $0x1;
	s7 =	simm.s32 $0x3480  }
0xd: {  	s1 =	sadd.s32 s1, s5;
	s6 =	sadd.s32 s6, s5;
	s9 =	sadd.s32 $0x2000, s8  }
0xe: {  	s10 =	sadd.s32 $0x4000, s8;
	s11 =	sadd.s32 $0x6000, s8;
	s12 =	sadd.s32 $0x8000, s8  }
0xf: {  	s13 =	sadd.s32 $0xA000, s8;
	[dreg:$0xa] =	wrdreg s0;
	s22 =	sadd.s32 $0x8E00, s1  }
0x10: {  	s14 =	sadd.s32 $0xC000, s8;
	s1 =	sadd.s32 $0x1E00, s1;
	[dreg:$0x4] =	wrdreg s22  }
0x11: {  	s15 =	sadd.s32 $0xE000, s8;
	s23 =	sadd.s32 $0x14C600, s6;
	[dreg:$0x5] =	wrdreg s1  }
0x12: {  	s16 =	sadd.s32 $0x10000, s8;
	s24 =	sadd.s32 $0x19C600, s6;
	[dreg:$0x6] =	wrdreg s23  }
0x13: {  	s17 =	sadd.s32 $0x12000, s8;
	s25 =	sadd.s32 $0x1EC600, s6;
	[dreg:$0x7] =	wrdreg s24  }
0x14: {  	s0 =	simm.s32 $0x1;
	s26 =	sadd.s32 $0x23C600, s6;
	[dreg:$0x8] =	wrdreg s25  }
0x15: {  	s6 =	simm.s32 $0x3400;
	s23 =	sadd.s32 $0x125500, s5;
	[dreg:$0x9] =	wrdreg s26  }
0x16: {  	s26 =	simm.s32 $0xA000;
	s1 =	simm.s32 $0x80;
	s5 =	simm.s32 $0x2  }
.LBB2_1:
0x17: {  	s3 =	simm.s32 $0x0;
	s19 =	rddreg [dreg:$0x3]  }
0x18: {  	[tilespmem:s26], [sflag:$0x3] =	stream.linear.gather [hbm4b:s19+s3], $0x2000, $0x38;
	v63 =	vld [tilespmem:$0x0]  }
0x19: {  	_ =	swait.ge [sflag:s28], $0x2000  }
0x1a: {  	[sflag:s28] =	ssyncset.done $0x0  }
0x1b: {  	s24 =	rddreg [dreg:$0x4];
	[sflag:s28] =	ssyncadd.s32 $0xFFFFE000  }
0x1c: {  	[tilespmem:s3], [sflag:$0x3] =	stream.linear.gather [hbm4b:s24+s3], $0x1900, $0x38;
	v63 =	vld [tilespmem:$0x0]  }
0x1d: {  	_ =	swait.ge [sflag:s28], $0x1900  }
0x1e: {  	[sflag:s28] =	ssyncset.done $0x0  }
0x1f: {  	s22 =	simm.s32 $0x1C00;
	s25 =	rddreg [dreg:$0x5];
	[sflag:s28] =	ssyncadd.s32 $0xFFFFE700  }
0x20: {  	[tilespmem:s22], [sflag:$0x3] =	stream.linear.gather [hbm4b:s25+s3], $0x1900, $0x38;
	v63 =	vld [tilespmem:$0x0]  }
0x21: {  	_ =	swait.ge [sflag:s28], $0x1900  }
0x22: {  	[sflag:s28] =	ssyncset.done $0x0  }
0x23: {  	[sflag:s28] =	ssyncadd.s32 $0xFFFFE700  }
0x24: {  	[spmem:s8] =	stream.linear.scatter [tilespmem:s26], [sflag:$0x3], $0x2000, $0x38;
	v63 =	vld [tilespmem:$0x0]  }
0x25: {  	_ =	swait.ge [sflag:s28], $0x2000  }
0x26: {  	[sflag:s28] =	ssyncset.done $0x0  }
0x27: {  	[sflag:s28] =	ssyncadd.s32 $0xFFFFE000  }
0x28: {  	[spmem:s9] =	stream.linear.scatter [tilespmem:s26], [sflag:$0x3], $0x2000, $0x38;
	v63 =	vld [tilespmem:$0x0]  }
0x29: {  	_ =	swait.ge [sflag:s28], $0x2000  }
0x2a: {  	[sflag:s28] =	ssyncset.done $0x0  }
0x2b: {  	[sflag:s28] =	ssyncadd.s32 $0xFFFFE000  }
0x2c: {  	[spmem:s10] =	stream.linear.scatter [tilespmem:s26], [sflag:$0x3], $0x2000, $0x38;
	v63 =	vld [tilespmem:$0x0]  }
0x2d: {  	_ =	swait.ge [sflag:s28], $0x2000  }
0x2e: {  	[sflag:s28] =	ssyncset.done $0x0  }
0x2f: {  	[sflag:s28] =	ssyncadd.s32 $0xFFFFE000  }
0x30: {  	[spmem:s11] =	stream.linear.scatter [tilespmem:s26], [sflag:$0x3], $0x2000, $0x38;
	v63 =	vld [tilespmem:$0x0]  }
0x31: {  	_ =	swait.ge [sflag:s28], $0x2000  }
0x32: {  	[sflag:s28] =	ssyncset.done $0x0  }
0x33: {  	[sflag:s28] =	ssyncadd.s32 $0xFFFFE000  }
0x34: {  	[spmem:s12] =	stream.linear.scatter [tilespmem:s26], [sflag:$0x3], $0x2000, $0x38;
	v63 =	vld [tilespmem:$0x0]  }
0x35: {  	_ =	swait.ge [sflag:s28], $0x2000  }
0x36: {  	[sflag:s28] =	ssyncset.done $0x0  }
0x37: {  	[sflag:s28] =	ssyncadd.s32 $0xFFFFE000  }
0x38: {  	[spmem:s13] =	stream.linear.scatter [tilespmem:s26], [sflag:$0x3], $0x2000, $0x38;
	v63 =	vld [tilespmem:$0x0]  }
0x39: {  	_ =	swait.ge [sflag:s28], $0x2000  }
0x3a: {  	[sflag:s28] =	ssyncset.done $0x0  }
0x3b: {  	[sflag:s28] =	ssyncadd.s32 $0xFFFFE000  }
0x3c: {  	[spmem:s14] =	stream.linear.scatter [tilespmem:s26], [sflag:$0x3], $0x2000, $0x38;
	v63 =	vld [tilespmem:$0x0]  }
0x3d: {  	_ =	swait.ge [sflag:s28], $0x2000  }
0x3e: {  	[sflag:s28] =	ssyncset.done $0x0  }
0x3f: {  	[sflag:s28] =	ssyncadd.s32 $0xFFFFE000  }
0x40: {  	[spmem:s15] =	stream.linear.scatter [tilespmem:s26], [sflag:$0x3], $0x2000, $0x38;
	v63 =	vld [tilespmem:$0x0]  }
0x41: {  	_ =	swait.ge [sflag:s28], $0x2000  }
0x42: {  	[sflag:s28] =	ssyncset.done $0x0  }
0x43: {  	[sflag:s28] =	ssyncadd.s32 $0xFFFFE000  }
0x44: {  	[spmem:s16] =	stream.linear.scatter [tilespmem:s26], [sflag:$0x3], $0x2000, $0x38;
	v63 =	vld [tilespmem:$0x0]  }
0x45: {  	_ =	swait.ge [sflag:s28], $0x2000  }
0x46: {  	[sflag:s28] =	ssyncset.done $0x0  }
0x47: {  	[sflag:s28] =	ssyncadd.s32 $0xFFFFE000  }
0x48: {  	[spmem:s17] =	stream.linear.scatter [tilespmem:s26], [sflag:$0x3], $0x2000, $0x38;
	v63 =	vld [tilespmem:$0x0]  }
0x49: {  	_ =	swait.ge [sflag:s28], $0x2000  }
0x4a: {  	[sflag:s28] =	ssyncset.done $0x0  }
0x4b: {  	[sflag:s28] =	ssyncadd.s32 $0xFFFFE000  }
0x4c: {  	[bflag:$0x0] =	sbarrier.arrive $0xFFFF  }
0x4d: {  	[tilespmem:s31], [sflag:$0x1] =	stream.indirect.gather [hbm4b:s4+s30], $0x80, s3, s30, $0xb8;
	v63 =	vld [tilespmem:$0x0]  }
0x4e: {  	_ = 	snop  }
0x4f: {  	[tilespmem:s29], [sflag:$0x2] =	stream.indirect.gather [hbm4b:s4+s30], $0x80, s1, s30, $0xb8;
	v63 =	vld [tilespmem:$0x0]  }
0x50: {  	_ =	swait.ge [sflag:s0], $0x3200  }
0x51: {  	[sflag:s0] =	ssyncset.done $0x0  }
0x52: {  	s22 =	simm.s32 $0x1C00;
	[sflag:s0] =	ssyncadd.s32 $0xFFFFCE00  }
0x53: {  	[spmem:s2] =	stream.indirect.scatter.add.f32 [tilespmem:s31], [sflag:$0x3], $0x80, s22, s30, $0xb8;
	v63 =	vld [tilespmem:$0x0]  }
0x54: {  	_ =	swait.ge [sflag:s28], $0x3200  }
0x55: {  	[sflag:s28] =	ssyncset.done $0x0  }
0x56: {  	s24 =	simm.s32 $0x100;
	[sflag:s28] =	ssyncadd.s32 $0xFFFFCE00  }
0x57: {  	[tilespmem:s31], [sflag:$0x1] =	stream.indirect.gather [hbm4b:s4+s30], $0x80, s24, s30, $0xb8;
	v63 =	vld [tilespmem:$0x0]  }
0x58: {  	_ =	swait.ge [sflag:s5], $0x3200  }
0x59: {  	[sflag:s5] =	ssyncset.done $0x0  }
0x5a: {  	s25 =	simm.s32 $0x1C80;
	[sflag:s5] =	ssyncadd.s32 $0xFFFFCE00  }
0x5b: {  	[spmem:s2] =	stream.indirect.scatter.add.f32 [tilespmem:s29], [sflag:$0x3], $0x80, s25, s30, $0xb8;
	v63 =	vld [tilespmem:$0x0]  }
0x5c: {  	_ =	swait.ge [sflag:s28], $0x3200  }
0x5d: {  	[sflag:s28] =	ssyncset.done $0x0  }
0x5e: {  	s19 =	simm.s32 $0x400;
	s22 =	simm.s32 $0x180;
	[sflag:s28] =	ssyncadd.s32 $0xFFFFCE00  }
.LBB2_2:
0x5f: {  	[tilespmem:s29], [sflag:$0x2] =	stream.indirect.gather [hbm4b:s4+s30], $0x80, s22, s30, $0xb8;
	v63 =	vld [tilespmem:$0x0]  }
0x60: {  	s22 =	smov.u32 s19  }
0x61: {  	p0 =	sne.s32 s19, $0x5C00;
	s19 =	sadd.s32 $0x400, s19;
	_ =	swait.ge [sflag:s0], $0x3200  }
0x62: {  	s22 =	sshra.s32 s22, $0x2;
	[sflag:s0] =	ssyncset.done $0x0  }
0x63: {  	s24 =	sadd.s32 $0x1C00, s22;
	[sflag:s0] =	ssyncadd.s32 $0xFFFFCE00  }
0x64: {  	[spmem:s2] =	stream.indirect.scatter.add.f32 [tilespmem:s31], [sflag:$0x3], $0x80, s24, s30, $0xb8;
	v63 =	vld [tilespmem:$0x0]  }
0x65: {  	_ =	swait.ge [sflag:s28], $0x3200  }
0x66: {  	[sflag:s28] =	ssyncset.done $0x0  }
0x67: {  	s24 =	sadd.s32 $0x100, s22;
	[sflag:s28] =	ssyncadd.s32 $0xFFFFCE00  }
0x68: {  	[tilespmem:s31], [sflag:$0x1] =	stream.indirect.gather [hbm4b:s4+s30], $0x80, s24, s30, $0xb8;
	v63 =	vld [tilespmem:$0x0]  }
0x69: {  	_ =	swait.ge [sflag:s5], $0x3200  }
0x6a: {  	[sflag:s5] =	ssyncset.done $0x0  }
.Ltmp0:
0x6b: {  	s24 =	sadd.s32 $0x1C80, s22;
	[sflag:s5] =	ssyncadd.s32 $0xFFFFCE00;
	(pc) =	sbr.rel @p0 .LBB2_2-.Ltmp0, $4  }
0x6c: {  	[spmem:s2] =	stream.indirect.scatter.add.f32 [tilespmem:s29], [sflag:$0x3], $0x80, s24, s30, $0xb8;
	v63 =	vld [tilespmem:$0x0]  }
0x6d: {  	_ =	swait.ge [sflag:s28], $0x3200  }
0x6e: {  	[sflag:s28] =	ssyncset.done $0x0  }
0x6f: {  	s22 =	sadd.s32 $0x180, s22;
	[sflag:s28] =	ssyncadd.s32 $0xFFFFCE00  }
0x70: {  	[tilespmem:s29], [sflag:$0x2] =	stream.indirect.gather [hbm4b:s4+s30], $0x80, s22, s30, $0xb8;
	v63 =	vld [tilespmem:$0x0]  }
0x71: {  	_ =	swait.ge [sflag:s0], $0x3200  }
0x72: {  	[sflag:s0] =	ssyncset.done $0x0  }
0x73: {  	[sflag:s0] =	ssyncadd.s32 $0xFFFFCE00  }
0x74: {  	[spmem:s2] =	stream.indirect.scatter.add.f32 [tilespmem:s31], [sflag:$0x3], $0x80, s6, s30, $0xb8;
	v63 =	vld [tilespmem:$0x0]  }
0x75: {  	_ =	swait.ge [sflag:s28], $0x3200  }
0x76: {  	[sflag:s28] =	ssyncset.done $0x0  }
0x77: {  	[sflag:s28] =	ssyncadd.s32 $0xFFFFCE00  }
0x78: {  	_ =	swait.ge [sflag:s5], $0x3200  }
0x79: {  	[sflag:s5] =	ssyncset.done $0x0  }
0x7a: {  	[sflag:s5] =	ssyncadd.s32 $0xFFFFCE00  }
0x7b: {  	[spmem:s2] =	stream.indirect.scatter.add.f32 [tilespmem:s29], [sflag:$0x3], $0x80, s7, s30, $0xb8;
	v63 =	vld [tilespmem:$0x0]  }
0x7c: {  	_ =	swait.ge [sflag:s28], $0x3200  }
0x7d: {  	[sflag:s28] =	ssyncset.done $0x0  }
0x7e: {  	s3 =	stileid.u32;
	[sflag:s28] =	ssyncadd.s32 $0xFFFFCE00  }
0x7f: {  	s19 =	sshll.u32 s3, $0x6;
	[bflag:$0x0] =	sbarrier.arrive $0xFFFF  }
0x80: {  	s22 =	sshrl.u32 s8, $0x3;
	s19 =	sor.u32 $0x1C03, s19;
	s24 =	rddreg [dreg:$0x6]  }
0x81: {  	[hbm:s24], [sflag:s19] =	dma.local [spmem:s22], $0x2800  }
0x82: {  	_ =	swait.ge [sflag:s28], $0x2800  }
0x83: {  	[sflag:s28] =	ssyncset.done $0x0  }
0x84: {  	[sflag:s28] =	ssyncadd.s32 $0xFFFFD800  }
0x85: {  	[bflag:$0x0] =	sbarrier.arrive $0xFFFF  }
0x86: {  	[spmem:s8] =	stream.linear.scatter [tilespmem:s26], [sflag:$0x3], $0x2000, $0x38;
	v63 =	vld [tilespmem:$0x0]  }
0x87: {  	_ =	swait.ge [sflag:s28], $0x2000  }
0x88: {  	[sflag:s28] =	ssyncset.done $0x0  }
0x89: {  	[sflag:s28] =	ssyncadd.s32 $0xFFFFE000  }
0x8a: {  	[spmem:s9] =	stream.linear.scatter [tilespmem:s26], [sflag:$0x3], $0x2000, $0x38;
	v63 =	vld [tilespmem:$0x0]  }
0x8b: {  	_ =	swait.ge [sflag:s28], $0x2000  }
0x8c: {  	[sflag:s28] =	ssyncset.done $0x0  }
0x8d: {  	[sflag:s28] =	ssyncadd.s32 $0xFFFFE000  }
0x8e: {  	[spmem:s10] =	stream.linear.scatter [tilespmem:s26], [sflag:$0x3], $0x2000, $0x38;
	v63 =	vld [tilespmem:$0x0]  }
0x8f: {  	_ =	swait.ge [sflag:s28], $0x2000  }
0x90: {  	[sflag:s28] =	ssyncset.done $0x0  }
0x91: {  	[sflag:s28] =	ssyncadd.s32 $0xFFFFE000  }
0x92: {  	[spmem:s11] =	stream.linear.scatter [tilespmem:s26], [sflag:$0x3], $0x2000, $0x38;
	v63 =	vld [tilespmem:$0x0]  }
0x93: {  	_ =	swait.ge [sflag:s28], $0x2000  }
0x94: {  	[sflag:s28] =	ssyncset.done $0x0  }
0x95: {  	[sflag:s28] =	ssyncadd.s32 $0xFFFFE000  }
0x96: {  	[spmem:s12] =	stream.linear.scatter [tilespmem:s26], [sflag:$0x3], $0x2000, $0x38;
	v63 =	vld [tilespmem:$0x0]  }
0x97: {  	_ =	swait.ge [sflag:s28], $0x2000  }
0x98: {  	[sflag:s28] =	ssyncset.done $0x0  }
0x99: {  	[sflag:s28] =	ssyncadd.s32 $0xFFFFE000  }
0x9a: {  	[spmem:s13] =	stream.linear.scatter [tilespmem:s26], [sflag:$0x3], $0x2000, $0x38;
	v63 =	vld [tilespmem:$0x0]  }
0x9b: {  	_ =	swait.ge [sflag:s28], $0x2000  }
0x9c: {  	[sflag:s28] =	ssyncset.done $0x0  }
0x9d: {  	[sflag:s28] =	ssyncadd.s32 $0xFFFFE000  }
0x9e: {  	[spmem:s14] =	stream.linear.scatter [tilespmem:s26], [sflag:$0x3], $0x2000, $0x38;
	v63 =	vld [tilespmem:$0x0]  }
0x9f: {  	_ =	swait.ge [sflag:s28], $0x2000  }
0xa0: {  	[sflag:s28] =	ssyncset.done $0x0  }
0xa1: {  	[sflag:s28] =	ssyncadd.s32 $0xFFFFE000  }
0xa2: {  	[spmem:s15] =	stream.linear.scatter [tilespmem:s26], [sflag:$0x3], $0x2000, $0x38;
	v63 =	vld [tilespmem:$0x0]  }
0xa3: {  	_ =	swait.ge [sflag:s28], $0x2000  }
0xa4: {  	[sflag:s28] =	ssyncset.done $0x0  }
0xa5: {  	[sflag:s28] =	ssyncadd.s32 $0xFFFFE000  }
0xa6: {  	[spmem:s16] =	stream.linear.scatter [tilespmem:s26], [sflag:$0x3], $0x2000, $0x38;
	v63 =	vld [tilespmem:$0x0]  }
0xa7: {  	_ =	swait.ge [sflag:s28], $0x2000  }
0xa8: {  	[sflag:s28] =	ssyncset.done $0x0  }
0xa9: {  	[sflag:s28] =	ssyncadd.s32 $0xFFFFE000  }
0xaa: {  	[spmem:s17] =	stream.linear.scatter [tilespmem:s26], [sflag:$0x3], $0x2000, $0x38;
	v63 =	vld [tilespmem:$0x0]  }
0xab: {  	_ =	swait.ge [sflag:s28], $0x2000  }
0xac: {  	[sflag:s28] =	ssyncset.done $0x0  }
0xad: {  	[sflag:s28] =	ssyncadd.s32 $0xFFFFE000  }
0xae: {  	s24 =	simm.s32 $0x0;
	[bflag:$0x0] =	sbarrier.arrive $0xFFFF  }
0xaf: {  	[tilespmem:s31], [sflag:$0x1] =	stream.indirect.gather [hbm4b:s20+s30], $0x80, s24, s30, $0xb8;
	v63 =	vld [tilespmem:$0x0]  }
0xb0: {  	_ = 	snop  }
0xb1: {  	[tilespmem:s29], [sflag:$0x2] =	stream.indirect.gather [hbm4b:s20+s30], $0x80, s1, s30, $0xb8;
	v63 =	vld [tilespmem:$0x0]  }
0xb2: {  	_ =	swait.ge [sflag:s0], $0x3200  }
0xb3: {  	[sflag:s0] =	ssyncset.done $0x0  }
0xb4: {  	s25 =	simm.s32 $0x1C00;
	[sflag:s0] =	ssyncadd.s32 $0xFFFFCE00  }
0xb5: {  	[spmem:s2] =	stream.indirect.scatter.add.f32 [tilespmem:s31], [sflag:$0x3], $0x80, s25, s30, $0xb8;
	v63 =	vld [tilespmem:$0x0]  }
0xb6: {  	_ =	swait.ge [sflag:s28], $0x3200  }
0xb7: {  	[sflag:s28] =	ssyncset.done $0x0  }
0xb8: {  	s3 =	simm.s32 $0x100;
	[sflag:s28] =	ssyncadd.s32 $0xFFFFCE00  }
0xb9: {  	[tilespmem:s31], [sflag:$0x1] =	stream.indirect.gather [hbm4b:s20+s30], $0x80, s3, s30, $0xb8;
	v63 =	vld [tilespmem:$0x0]  }
0xba: {  	_ =	swait.ge [sflag:s5], $0x3200  }
0xbb: {  	[sflag:s5] =	ssyncset.done $0x0  }
0xbc: {  	s25 =	simm.s32 $0x1C80;
	[sflag:s5] =	ssyncadd.s32 $0xFFFFCE00  }
0xbd: {  	[spmem:s2] =	stream.indirect.scatter.add.f32 [tilespmem:s29], [sflag:$0x3], $0x80, s25, s30, $0xb8;
	v63 =	vld [tilespmem:$0x0]  }
0xbe: {  	_ =	swait.ge [sflag:s28], $0x3200  }
0xbf: {  	[sflag:s28] =	ssyncset.done $0x0  }
0xc0: {  	s24 =	simm.s32 $0x400;
	s25 =	simm.s32 $0x180;
	[sflag:s28] =	ssyncadd.s32 $0xFFFFCE00  }
.LBB2_4:
0xc1: {  	[tilespmem:s29], [sflag:$0x2] =	stream.indirect.gather [hbm4b:s20+s30], $0x80, s25, s30, $0xb8;
	v63 =	vld [tilespmem:$0x0]  }
0xc2: {  	s25 =	smov.u32 s24  }
0xc3: {  	p0 =	sne.s32 s24, $0x5C00;
	s24 =	sadd.s32 $0x400, s24;
	_ =	swait.ge [sflag:s0], $0x3200  }
0xc4: {  	s25 =	sshra.s32 s25, $0x2;
	[sflag:s0] =	ssyncset.done $0x0  }
0xc5: {  	s3 =	sadd.s32 $0x1C00, s25;
	[sflag:s0] =	ssyncadd.s32 $0xFFFFCE00  }
0xc6: {  	[spmem:s2] =	stream.indirect.scatter.add.f32 [tilespmem:s31], [sflag:$0x3], $0x80, s3, s30, $0xb8;
	v63 =	vld [tilespmem:$0x0]  }
0xc7: {  	_ =	swait.ge [sflag:s28], $0x3200  }
0xc8: {  	[sflag:s28] =	ssyncset.done $0x0  }
0xc9: {  	s3 =	sadd.s32 $0x100, s25;
	[sflag:s28] =	ssyncadd.s32 $0xFFFFCE00  }
0xca: {  	[tilespmem:s31], [sflag:$0x1] =	stream.indirect.gather [hbm4b:s20+s30], $0x80, s3, s30, $0xb8;
	v63 =	vld [tilespmem:$0x0]  }
0xcb: {  	_ =	swait.ge [sflag:s5], $0x3200  }
0xcc: {  	[sflag:s5] =	ssyncset.done $0x0  }
.Ltmp1:
0xcd: {  	s3 =	sadd.s32 $0x1C80, s25;
	[sflag:s5] =	ssyncadd.s32 $0xFFFFCE00;
	(pc) =	sbr.rel @p0 .LBB2_4-.Ltmp1, $4  }
0xce: {  	[spmem:s2] =	stream.indirect.scatter.add.f32 [tilespmem:s29], [sflag:$0x3], $0x80, s3, s30, $0xb8;
	v63 =	vld [tilespmem:$0x0]  }
0xcf: {  	_ =	swait.ge [sflag:s28], $0x3200  }
0xd0: {  	[sflag:s28] =	ssyncset.done $0x0  }
0xd1: {  	s25 =	sadd.s32 $0x180, s25;
	[sflag:s28] =	ssyncadd.s32 $0xFFFFCE00  }
0xd2: {  	[tilespmem:s29], [sflag:$0x2] =	stream.indirect.gather [hbm4b:s20+s30], $0x80, s25, s30, $0xb8;
	v63 =	vld [tilespmem:$0x0]  }
0xd3: {  	_ =	swait.ge [sflag:s0], $0x3200  }
0xd4: {  	[sflag:s0] =	ssyncset.done $0x0  }
0xd5: {  	[sflag:s0] =	ssyncadd.s32 $0xFFFFCE00  }
0xd6: {  	[spmem:s2] =	stream.indirect.scatter.add.f32 [tilespmem:s31], [sflag:$0x3], $0x80, s6, s30, $0xb8;
	v63 =	vld [tilespmem:$0x0]  }
0xd7: {  	_ =	swait.ge [sflag:s28], $0x3200  }
0xd8: {  	[sflag:s28] =	ssyncset.done $0x0  }
0xd9: {  	[sflag:s28] =	ssyncadd.s32 $0xFFFFCE00  }
0xda: {  	_ =	swait.ge [sflag:s5], $0x3200  }
0xdb: {  	[sflag:s5] =	ssyncset.done $0x0  }
0xdc: {  	[sflag:s5] =	ssyncadd.s32 $0xFFFFCE00  }
0xdd: {  	[spmem:s2] =	stream.indirect.scatter.add.f32 [tilespmem:s29], [sflag:$0x3], $0x80, s7, s30, $0xb8;
	v63 =	vld [tilespmem:$0x0]  }
0xde: {  	_ =	swait.ge [sflag:s28], $0x3200  }
0xdf: {  	[sflag:s28] =	ssyncset.done $0x0  }
0xe0: {  	[sflag:s28] =	ssyncadd.s32 $0xFFFFCE00  }
0xe1: {  	[bflag:$0x0] =	sbarrier.arrive $0xFFFF  }
0xe2: {  	s3 =	rddreg [dreg:$0x7]  }
0xe3: {  	[hbm:s3], [sflag:s19] =	dma.local [spmem:s22], $0x2800  }
0xe4: {  	_ =	swait.ge [sflag:s28], $0x2800  }
0xe5: {  	[sflag:s28] =	ssyncset.done $0x0  }
0xe6: {  	[sflag:s28] =	ssyncadd.s32 $0xFFFFD800  }
0xe7: {  	[bflag:$0x0] =	sbarrier.arrive $0xFFFF  }
0xe8: {  	[spmem:s8] =	stream.linear.scatter [tilespmem:s26], [sflag:$0x3], $0x2000, $0x38;
	v63 =	vld [tilespmem:$0x0]  }
0xe9: {  	_ =	swait.ge [sflag:s28], $0x2000  }
0xea: {  	[sflag:s28] =	ssyncset.done $0x0  }
0xeb: {  	[sflag:s28] =	ssyncadd.s32 $0xFFFFE000  }
0xec: {  	[spmem:s9] =	stream.linear.scatter [tilespmem:s26], [sflag:$0x3], $0x2000, $0x38;
	v63 =	vld [tilespmem:$0x0]  }
0xed: {  	_ =	swait.ge [sflag:s28], $0x2000  }
0xee: {  	[sflag:s28] =	ssyncset.done $0x0  }
0xef: {  	[sflag:s28] =	ssyncadd.s32 $0xFFFFE000  }
0xf0: {  	[spmem:s10] =	stream.linear.scatter [tilespmem:s26], [sflag:$0x3], $0x2000, $0x38;
	v63 =	vld [tilespmem:$0x0]  }
0xf1: {  	_ =	swait.ge [sflag:s28], $0x2000  }
0xf2: {  	[sflag:s28] =	ssyncset.done $0x0  }
0xf3: {  	[sflag:s28] =	ssyncadd.s32 $0xFFFFE000  }
0xf4: {  	[spmem:s11] =	stream.linear.scatter [tilespmem:s26], [sflag:$0x3], $0x2000, $0x38;
	v63 =	vld [tilespmem:$0x0]  }
0xf5: {  	_ =	swait.ge [sflag:s28], $0x2000  }
0xf6: {  	[sflag:s28] =	ssyncset.done $0x0  }
0xf7: {  	[sflag:s28] =	ssyncadd.s32 $0xFFFFE000  }
0xf8: {  	[spmem:s12] =	stream.linear.scatter [tilespmem:s26], [sflag:$0x3], $0x2000, $0x38;
	v63 =	vld [tilespmem:$0x0]  }
0xf9: {  	_ =	swait.ge [sflag:s28], $0x2000  }
0xfa: {  	[sflag:s28] =	ssyncset.done $0x0  }
0xfb: {  	[sflag:s28] =	ssyncadd.s32 $0xFFFFE000  }
0xfc: {  	[spmem:s13] =	stream.linear.scatter [tilespmem:s26], [sflag:$0x3], $0x2000, $0x38;
	v63 =	vld [tilespmem:$0x0]  }
0xfd: {  	_ =	swait.ge [sflag:s28], $0x2000  }
0xfe: {  	[sflag:s28] =	ssyncset.done $0x0  }
0xff: {  	[sflag:s28] =	ssyncadd.s32 $0xFFFFE000  }
0x100: {  	[spmem:s14] =	stream.linear.scatter [tilespmem:s26], [sflag:$0x3], $0x2000, $0x38;
	v63 =	vld [tilespmem:$0x0]  }
0x101: {  	_ =	swait.ge [sflag:s28], $0x2000  }
0x102: {  	[sflag:s28] =	ssyncset.done $0x0  }
0x103: {  	[sflag:s28] =	ssyncadd.s32 $0xFFFFE000  }
0x104: {  	[spmem:s15] =	stream.linear.scatter [tilespmem:s26], [sflag:$0x3], $0x2000, $0x38;
	v63 =	vld [tilespmem:$0x0]  }
0x105: {  	_ =	swait.ge [sflag:s28], $0x2000  }
0x106: {  	[sflag:s28] =	ssyncset.done $0x0  }
0x107: {  	[sflag:s28] =	ssyncadd.s32 $0xFFFFE000  }
0x108: {  	[spmem:s16] =	stream.linear.scatter [tilespmem:s26], [sflag:$0x3], $0x2000, $0x38;
	v63 =	vld [tilespmem:$0x0]  }
0x109: {  	_ =	swait.ge [sflag:s28], $0x2000  }
0x10a: {  	[sflag:s28] =	ssyncset.done $0x0  }
0x10b: {  	[sflag:s28] =	ssyncadd.s32 $0xFFFFE000  }
0x10c: {  	[spmem:s17] =	stream.linear.scatter [tilespmem:s26], [sflag:$0x3], $0x2000, $0x38;
	v63 =	vld [tilespmem:$0x0]  }
0x10d: {  	_ =	swait.ge [sflag:s28], $0x2000  }
0x10e: {  	[sflag:s28] =	ssyncset.done $0x0  }
0x10f: {  	[sflag:s28] =	ssyncadd.s32 $0xFFFFE000  }
0x110: {  	s24 =	simm.s32 $0x0;
	[bflag:$0x0] =	sbarrier.arrive $0xFFFF  }
0x111: {  	[tilespmem:s31], [sflag:$0x1] =	stream.indirect.gather [hbm4b:s21+s30], $0x80, s24, s30, $0xb8;
	v63 =	vld [tilespmem:$0x0]  }
0x112: {  	_ = 	snop  }
0x113: {  	[tilespmem:s29], [sflag:$0x2] =	stream.indirect.gather [hbm4b:s21+s30], $0x80, s1, s30, $0xb8;
	v63 =	vld [tilespmem:$0x0]  }
0x114: {  	_ =	swait.ge [sflag:s0], $0x3200  }
0x115: {  	[sflag:s0] =	ssyncset.done $0x0  }
0x116: {  	s25 =	simm.s32 $0x1C00;
	[sflag:s0] =	ssyncadd.s32 $0xFFFFCE00  }
0x117: {  	[spmem:s2] =	stream.indirect.scatter.add.f32 [tilespmem:s31], [sflag:$0x3], $0x80, s25, s30, $0xb8;
	v63 =	vld [tilespmem:$0x0]  }
0x118: {  	_ =	swait.ge [sflag:s28], $0x3200  }
0x119: {  	[sflag:s28] =	ssyncset.done $0x0  }
0x11a: {  	s24 =	simm.s32 $0x100;
	[sflag:s28] =	ssyncadd.s32 $0xFFFFCE00  }
0x11b: {  	[tilespmem:s31], [sflag:$0x1] =	stream.indirect.gather [hbm4b:s21+s30], $0x80, s24, s30, $0xb8;
	v63 =	vld [tilespmem:$0x0]  }
0x11c: {  	_ =	swait.ge [sflag:s5], $0x3200  }
0x11d: {  	[sflag:s5] =	ssyncset.done $0x0  }
0x11e: {  	s25 =	simm.s32 $0x1C80;
	[sflag:s5] =	ssyncadd.s32 $0xFFFFCE00  }
0x11f: {  	[spmem:s2] =	stream.indirect.scatter.add.f32 [tilespmem:s29], [sflag:$0x3], $0x80, s25, s30, $0xb8;
	v63 =	vld [tilespmem:$0x0]  }
0x120: {  	_ =	swait.ge [sflag:s28], $0x3200  }
0x121: {  	[sflag:s28] =	ssyncset.done $0x0  }
0x122: {  	s24 =	simm.s32 $0x400;
	s25 =	simm.s32 $0x180;
	[sflag:s28] =	ssyncadd.s32 $0xFFFFCE00  }
.LBB2_6:
0x123: {  	[tilespmem:s29], [sflag:$0x2] =	stream.indirect.gather [hbm4b:s21+s30], $0x80, s25, s30, $0xb8;
	v63 =	vld [tilespmem:$0x0]  }
0x124: {  	s3 =	smov.u32 s24  }
0x125: {  	p0 =	sne.s32 s24, $0x5C00;
	s24 =	sadd.s32 $0x400, s24;
	_ =	swait.ge [sflag:s0], $0x3200  }
0x126: {  	s3 =	sshra.s32 s3, $0x2;
	[sflag:s0] =	ssyncset.done $0x0  }
0x127: {  	s25 =	sadd.s32 $0x1C00, s3;
	[sflag:s0] =	ssyncadd.s32 $0xFFFFCE00  }
0x128: {  	[spmem:s2] =	stream.indirect.scatter.add.f32 [tilespmem:s31], [sflag:$0x3], $0x80, s25, s30, $0xb8;
	v63 =	vld [tilespmem:$0x0]  }
0x129: {  	_ =	swait.ge [sflag:s28], $0x3200  }
0x12a: {  	[sflag:s28] =	ssyncset.done $0x0  }
0x12b: {  	s25 =	sadd.s32 $0x100, s3;
	[sflag:s28] =	ssyncadd.s32 $0xFFFFCE00  }
0x12c: {  	[tilespmem:s31], [sflag:$0x1] =	stream.indirect.gather [hbm4b:s21+s30], $0x80, s25, s30, $0xb8;
	v63 =	vld [tilespmem:$0x0]  }
0x12d: {  	_ =	swait.ge [sflag:s5], $0x3200  }
0x12e: {  	[sflag:s5] =	ssyncset.done $0x0  }
.Ltmp2:
0x12f: {  	s25 =	sadd.s32 $0x1C80, s3;
	[sflag:s5] =	ssyncadd.s32 $0xFFFFCE00;
	(pc) =	sbr.rel @p0 .LBB2_6-.Ltmp2, $4  }
0x130: {  	[spmem:s2] =	stream.indirect.scatter.add.f32 [tilespmem:s29], [sflag:$0x3], $0x80, s25, s30, $0xb8;
	v63 =	vld [tilespmem:$0x0]  }
0x131: {  	_ =	swait.ge [sflag:s28], $0x3200  }
0x132: {  	[sflag:s28] =	ssyncset.done $0x0  }
0x133: {  	s25 =	sadd.s32 $0x180, s3;
	[sflag:s28] =	ssyncadd.s32 $0xFFFFCE00  }
0x134: {  	[tilespmem:s29], [sflag:$0x2] =	stream.indirect.gather [hbm4b:s21+s30], $0x80, s25, s30, $0xb8;
	v63 =	vld [tilespmem:$0x0]  }
0x135: {  	_ =	swait.ge [sflag:s0], $0x3200  }
0x136: {  	[sflag:s0] =	ssyncset.done $0x0  }
0x137: {  	[sflag:s0] =	ssyncadd.s32 $0xFFFFCE00  }
0x138: {  	[spmem:s2] =	stream.indirect.scatter.add.f32 [tilespmem:s31], [sflag:$0x3], $0x80, s6, s30, $0xb8;
	v63 =	vld [tilespmem:$0x0]  }
0x139: {  	_ =	swait.ge [sflag:s28], $0x3200  }
0x13a: {  	[sflag:s28] =	ssyncset.done $0x0  }
0x13b: {  	[sflag:s28] =	ssyncadd.s32 $0xFFFFCE00  }
0x13c: {  	_ =	swait.ge [sflag:s5], $0x3200  }
0x13d: {  	[sflag:s5] =	ssyncset.done $0x0  }
0x13e: {  	[sflag:s5] =	ssyncadd.s32 $0xFFFFCE00  }
0x13f: {  	[spmem:s2] =	stream.indirect.scatter.add.f32 [tilespmem:s29], [sflag:$0x3], $0x80, s7, s30, $0xb8;
	v63 =	vld [tilespmem:$0x0]  }
0x140: {  	_ =	swait.ge [sflag:s28], $0x3200  }
0x141: {  	[sflag:s28] =	ssyncset.done $0x0  }
0x142: {  	[sflag:s28] =	ssyncadd.s32 $0xFFFFCE00  }
0x143: {  	[bflag:$0x0] =	sbarrier.arrive $0xFFFF  }
0x144: {  	s3 =	rddreg [dreg:$0x8]  }
0x145: {  	[hbm:s3], [sflag:s19] =	dma.local [spmem:s22], $0x2800  }
0x146: {  	_ =	swait.ge [sflag:s28], $0x2800  }
0x147: {  	[sflag:s28] =	ssyncset.done $0x0  }
0x148: {  	[sflag:s28] =	ssyncadd.s32 $0xFFFFD800  }
0x149: {  	[bflag:$0x0] =	sbarrier.arrive $0xFFFF  }
0x14a: {  	[spmem:s8] =	stream.linear.scatter [tilespmem:s26], [sflag:$0x3], $0x2000, $0x38;
	v63 =	vld [tilespmem:$0x0]  }
0x14b: {  	_ =	swait.ge [sflag:s28], $0x2000  }
0x14c: {  	[sflag:s28] =	ssyncset.done $0x0  }
0x14d: {  	[sflag:s28] =	ssyncadd.s32 $0xFFFFE000  }
0x14e: {  	[spmem:s9] =	stream.linear.scatter [tilespmem:s26], [sflag:$0x3], $0x2000, $0x38;
	v63 =	vld [tilespmem:$0x0]  }
0x14f: {  	_ =	swait.ge [sflag:s28], $0x2000  }
0x150: {  	[sflag:s28] =	ssyncset.done $0x0  }
0x151: {  	[sflag:s28] =	ssyncadd.s32 $0xFFFFE000  }
0x152: {  	[spmem:s10] =	stream.linear.scatter [tilespmem:s26], [sflag:$0x3], $0x2000, $0x38;
	v63 =	vld [tilespmem:$0x0]  }
0x153: {  	_ =	swait.ge [sflag:s28], $0x2000  }
0x154: {  	[sflag:s28] =	ssyncset.done $0x0  }
0x155: {  	[sflag:s28] =	ssyncadd.s32 $0xFFFFE000  }
0x156: {  	[spmem:s11] =	stream.linear.scatter [tilespmem:s26], [sflag:$0x3], $0x2000, $0x38;
	v63 =	vld [tilespmem:$0x0]  }
0x157: {  	_ =	swait.ge [sflag:s28], $0x2000  }
0x158: {  	[sflag:s28] =	ssyncset.done $0x0  }
0x159: {  	[sflag:s28] =	ssyncadd.s32 $0xFFFFE000  }
0x15a: {  	[spmem:s12] =	stream.linear.scatter [tilespmem:s26], [sflag:$0x3], $0x2000, $0x38;
	v63 =	vld [tilespmem:$0x0]  }
0x15b: {  	_ =	swait.ge [sflag:s28], $0x2000  }
0x15c: {  	[sflag:s28] =	ssyncset.done $0x0  }
0x15d: {  	[sflag:s28] =	ssyncadd.s32 $0xFFFFE000  }
0x15e: {  	[spmem:s13] =	stream.linear.scatter [tilespmem:s26], [sflag:$0x3], $0x2000, $0x38;
	v63 =	vld [tilespmem:$0x0]  }
0x15f: {  	_ =	swait.ge [sflag:s28], $0x2000  }
0x160: {  	[sflag:s28] =	ssyncset.done $0x0  }
0x161: {  	[sflag:s28] =	ssyncadd.s32 $0xFFFFE000  }
0x162: {  	[spmem:s14] =	stream.linear.scatter [tilespmem:s26], [sflag:$0x3], $0x2000, $0x38;
	v63 =	vld [tilespmem:$0x0]  }
0x163: {  	_ =	swait.ge [sflag:s28], $0x2000  }
0x164: {  	[sflag:s28] =	ssyncset.done $0x0  }
0x165: {  	[sflag:s28] =	ssyncadd.s32 $0xFFFFE000  }
0x166: {  	[spmem:s15] =	stream.linear.scatter [tilespmem:s26], [sflag:$0x3], $0x2000, $0x38;
	v63 =	vld [tilespmem:$0x0]  }
0x167: {  	_ =	swait.ge [sflag:s28], $0x2000  }
0x168: {  	[sflag:s28] =	ssyncset.done $0x0  }
0x169: {  	[sflag:s28] =	ssyncadd.s32 $0xFFFFE000  }
0x16a: {  	[spmem:s16] =	stream.linear.scatter [tilespmem:s26], [sflag:$0x3], $0x2000, $0x38;
	v63 =	vld [tilespmem:$0x0]  }
0x16b: {  	_ =	swait.ge [sflag:s28], $0x2000  }
0x16c: {  	[sflag:s28] =	ssyncset.done $0x0  }
0x16d: {  	[sflag:s28] =	ssyncadd.s32 $0xFFFFE000  }
0x16e: {  	[spmem:s17] =	stream.linear.scatter [tilespmem:s26], [sflag:$0x3], $0x2000, $0x38;
	v63 =	vld [tilespmem:$0x0]  }
0x16f: {  	_ =	swait.ge [sflag:s28], $0x2000  }
0x170: {  	[sflag:s28] =	ssyncset.done $0x0  }
0x171: {  	[sflag:s28] =	ssyncadd.s32 $0xFFFFE000  }
0x172: {  	s24 =	simm.s32 $0x0;
	[bflag:$0x0] =	sbarrier.arrive $0xFFFF  }
0x173: {  	[tilespmem:s31], [sflag:$0x1] =	stream.indirect.gather [hbm4b:s23+s30], $0x80, s24, s30, $0xb8;
	v63 =	vld [tilespmem:$0x0]  }
0x174: {  	_ = 	snop  }
0x175: {  	[tilespmem:s29], [sflag:$0x2] =	stream.indirect.gather [hbm4b:s23+s30], $0x80, s1, s30, $0xb8;
	v63 =	vld [tilespmem:$0x0]  }
0x176: {  	_ =	swait.ge [sflag:s0], $0x3200  }
0x177: {  	[sflag:s0] =	ssyncset.done $0x0  }
0x178: {  	s25 =	simm.s32 $0x1C00;
	[sflag:s0] =	ssyncadd.s32 $0xFFFFCE00  }
0x179: {  	[spmem:s2] =	stream.indirect.scatter.add.f32 [tilespmem:s31], [sflag:$0x3], $0x80, s25, s30, $0xb8;
	v63 =	vld [tilespmem:$0x0]  }
0x17a: {  	_ =	swait.ge [sflag:s28], $0x3200  }
0x17b: {  	[sflag:s28] =	ssyncset.done $0x0  }
0x17c: {  	s24 =	simm.s32 $0x100;
	[sflag:s28] =	ssyncadd.s32 $0xFFFFCE00  }
0x17d: {  	[tilespmem:s31], [sflag:$0x1] =	stream.indirect.gather [hbm4b:s23+s30], $0x80, s24, s30, $0xb8;
	v63 =	vld [tilespmem:$0x0]  }
0x17e: {  	_ =	swait.ge [sflag:s5], $0x3200  }
0x17f: {  	[sflag:s5] =	ssyncset.done $0x0  }
0x180: {  	s25 =	simm.s32 $0x1C80;
	[sflag:s5] =	ssyncadd.s32 $0xFFFFCE00  }
0x181: {  	[spmem:s2] =	stream.indirect.scatter.add.f32 [tilespmem:s29], [sflag:$0x3], $0x80, s25, s30, $0xb8;
	v63 =	vld [tilespmem:$0x0]  }
0x182: {  	_ =	swait.ge [sflag:s28], $0x3200  }
0x183: {  	[sflag:s28] =	ssyncset.done $0x0  }
0x184: {  	s24 =	simm.s32 $0x400;
	s25 =	simm.s32 $0x180;
	[sflag:s28] =	ssyncadd.s32 $0xFFFFCE00  }
.LBB2_8:
0x185: {  	[tilespmem:s29], [sflag:$0x2] =	stream.indirect.gather [hbm4b:s23+s30], $0x80, s25, s30, $0xb8;
	v63 =	vld [tilespmem:$0x0]  }
0x186: {  	s3 =	smov.u32 s24  }
0x187: {  	p0 =	sne.s32 s24, $0x5C00;
	s24 =	sadd.s32 $0x400, s24;
	_ =	swait.ge [sflag:s0], $0x3200  }
0x188: {  	s3 =	sshra.s32 s3, $0x2;
	[sflag:s0] =	ssyncset.done $0x0  }
0x189: {  	s25 =	sadd.s32 $0x1C00, s3;
	[sflag:s0] =	ssyncadd.s32 $0xFFFFCE00  }
0x18a: {  	[spmem:s2] =	stream.indirect.scatter.add.f32 [tilespmem:s31], [sflag:$0x3], $0x80, s25, s30, $0xb8;
	v63 =	vld [tilespmem:$0x0]  }
0x18b: {  	_ =	swait.ge [sflag:s28], $0x3200  }
0x18c: {  	[sflag:s28] =	ssyncset.done $0x0  }
0x18d: {  	s25 =	sadd.s32 $0x100, s3;
	[sflag:s28] =	ssyncadd.s32 $0xFFFFCE00  }
0x18e: {  	[tilespmem:s31], [sflag:$0x1] =	stream.indirect.gather [hbm4b:s23+s30], $0x80, s25, s30, $0xb8;
	v63 =	vld [tilespmem:$0x0]  }
0x18f: {  	_ =	swait.ge [sflag:s5], $0x3200  }
0x190: {  	[sflag:s5] =	ssyncset.done $0x0  }
.Ltmp3:
0x191: {  	s25 =	sadd.s32 $0x1C80, s3;
	[sflag:s5] =	ssyncadd.s32 $0xFFFFCE00;
	(pc) =	sbr.rel @p0 .LBB2_8-.Ltmp3, $4  }
0x192: {  	[spmem:s2] =	stream.indirect.scatter.add.f32 [tilespmem:s29], [sflag:$0x3], $0x80, s25, s30, $0xb8;
	v63 =	vld [tilespmem:$0x0]  }
0x193: {  	_ =	swait.ge [sflag:s28], $0x3200  }
0x194: {  	[sflag:s28] =	ssyncset.done $0x0  }
0x195: {  	s25 =	sadd.s32 $0x180, s3;
	[sflag:s28] =	ssyncadd.s32 $0xFFFFCE00  }
0x196: {  	[tilespmem:s29], [sflag:$0x2] =	stream.indirect.gather [hbm4b:s23+s30], $0x80, s25, s30, $0xb8;
	v63 =	vld [tilespmem:$0x0]  }
0x197: {  	_ =	swait.ge [sflag:s0], $0x3200  }
0x198: {  	[sflag:s0] =	ssyncset.done $0x0  }
0x199: {  	[sflag:s0] =	ssyncadd.s32 $0xFFFFCE00  }
0x19a: {  	[spmem:s2] =	stream.indirect.scatter.add.f32 [tilespmem:s31], [sflag:$0x3], $0x80, s6, s30, $0xb8;
	v63 =	vld [tilespmem:$0x0]  }
0x19b: {  	_ =	swait.ge [sflag:s28], $0x3200  }
0x19c: {  	[sflag:s28] =	ssyncset.done $0x0  }
0x19d: {  	[sflag:s28] =	ssyncadd.s32 $0xFFFFCE00  }
0x19e: {  	_ =	swait.ge [sflag:s5], $0x3200  }
0x19f: {  	[sflag:s5] =	ssyncset.done $0x0  }
0x1a0: {  	[sflag:s5] =	ssyncadd.s32 $0xFFFFCE00  }
0x1a1: {  	[spmem:s2] =	stream.indirect.scatter.add.f32 [tilespmem:s29], [sflag:$0x3], $0x80, s7, s30, $0xb8;
	v63 =	vld [tilespmem:$0x0]  }
0x1a2: {  	_ =	swait.ge [sflag:s28], $0x3200  }
0x1a3: {  	[sflag:s28] =	ssyncset.done $0x0  }
0x1a4: {  	[sflag:s28] =	ssyncadd.s32 $0xFFFFCE00  }
0x1a5: {  	[bflag:$0x0] =	sbarrier.arrive $0xFFFF  }
0x1a6: {  	s3 =	rddreg [dreg:$0x9]  }
0x1a7: {  	[hbm:s3], [sflag:s19] =	dma.local [spmem:s22], $0x2800  }
0x1a8: {  	_ =	swait.ge [sflag:s28], $0x2800  }
0x1a9: {  	s18 =	sadd.s32 $0x1, s18;
	s25 =	rddreg [dreg:$0xa]  }
0x1aa: {  	p0 =	sne.s32 s18, s25  }
.Ltmp4:
0x1ab: {  	_ = 	snop;
	(pc) =	sbr.rel @p0 .LBB2_1-.Ltmp4, $3  }
0x1ac: {  	_ =	sdelay $0x1  }
0x1ad: {  	[sflag:s28] =	ssyncset.done $0x0  }
0x1ae: {  	[sflag:s28] =	ssyncadd.s32 $0xFFFFD800  }
0x1af: {  	_ =	sfence.sel $0x180000  }
0x1b0: {  	[bflag:$0x0] =	sbarrier.arrive $0xFFFF  }
0x1b1: {  	_ =	strace $0x9000004D  }
0x1b2: {  	s0 =	stileid.u32;
	[bflag:$0x2] =	sbarrier.arrive $0xFFFF  }
0x1b3: {  	p0 =	sne.s32 s0, $0x0;
	s0 =	rddreg [dreg:$0x2]  }
0x1b4: {  	s0 =	sadd.s32 @!p0 $0x100000, s0  }
0x1b5: {  	[sflag:s0] =	ssyncadd.tile.s32 @!p0 $0x1;
	_ =	shalt  }
.Lfunc_end2:
_tile_overlayer_lowered:
.L_overlay_start_2:
0x1b6: {  	(tag) =	ssettag $0x2  }
0x1b7: {  	s0 =	rddreg [dreg:$0x0];
	s2 =	stileid.u32  }
0x1b8: {  	s1 =	rddreg [dreg:$0x1];
	p0 =	sne.s32 s2, $0x0  }
0x1b9: {  	s3 =	rddreg [dreg:$0x2];
	[bflag:$0x3] =	sbarrier.arrive $0xFFFF;
	s2 =	simm.s32 @!p0 $0x1C03  }
0x1ba: {  	[timem:s3], [sflag:s2] =	dma.local @!p0 [hbm:s0], s1  }
0x1bb: {  	s0 =	simm.s32 @!p0 $0x3  }
0x1bc: {  	_ =	swait.ge @!p0 [sflag:s0], s1  }
0x1bd: {  	s1 =	ssub.s32 @!p0 $0x0, s1;
	[sflag:s0] =	ssyncset.done @!p0 $0x0  }
0x1be: {  	[sflag:s0] =	ssyncadd.s32 @!p0 s1  }
0x1bf: {  	[bflag:$0x3] =	sbarrier.arrive $0xFFFF  }
0x1c0: {  	_ =	shalt  }

</sc_bundles>
